<compile_context>
chip_gen: v7x
topology: tpu7x:2x2x1
jax: 0.10.2.dev20260603
libtpu: 0.0.44.dev20260713+nightly
codegen_flags: <defaults>
</compile_context>

<pallas_src>
import jax
import jax.numpy as jnp
from jax import lax
from jax.experimental import pallas as pl
from jax.experimental.pallas import tpu as pltpu
from jax.experimental.pallas import tpu_sc as plsc

GROUP = 8
EPS = 1e-05
NSUB = 16
S1C = 384


def _pass_a(x_ref, w1_ref, b1_ref, b2_ref, w2_ref, lt_ref, mom_ref, w12t_ref):
    i = pl.program_id(0)

    @pl.when(i == 0)
    def _():
        w12t_ref[...] = jax.lax.dot_general(
            w2_ref[...], w1_ref[...],
            (((0,), (1,)), ((), ())),
            preferred_element_type=jnp.float32)

    xb = x_ref[0]
    b12 = jnp.sum(w12t_ref[...] * b1_ref[...], axis=1,
                  keepdims=True) + b2_ref[...]
    lt_ref[...] = jnp.dot(w12t_ref[...], xb,
                          preferred_element_type=jnp.float32) + b12
    csum = jnp.sum(xb, axis=0, keepdims=True)
    cssq = jnp.sum(xb * xb, axis=0, keepdims=True)
    mom_ref[...] = jnp.concatenate([csum, cssq], axis=0)


def _argmax16(lt_v, base):
    sl = pl.ds(base, 16)
    m = lt_v[0, sl]
    idx = jnp.zeros((16,), jnp.int32)
    for g in range(1, GROUP):
        v = lt_v[g, sl]
        gt = v > m
        m = jnp.where(gt, v, m)
        idx = jnp.where(gt, jnp.full((16,), g, jnp.int32), idx)
    return idx


def _rsqrt16(a):
    y = plsc.bitcast(
        jnp.full((16,), 0x5F3759DF, jnp.int32)
        - lax.shift_right_logical(plsc.bitcast(a, jnp.int32),
                                  jnp.full((16,), 1, jnp.int32)),
        jnp.float32)
    for _ in range(4):
        y = y * (1.5 - 0.5 * a * y * y)
    return y


def _sc_route(lt_hbm, mom_hbm, w_hbm, b_hbm, scale_hbm, off_hbm,
              lt_v, mom_v, idx_v, bins_v, gacc_v, red_v, wb_v, out_v, shared):
    sid = lax.axis_index("s")
    c0 = sid * S1C
    n1 = sid // 2
    c1 = (sid % 2) * S1C

    pltpu.sync_copy(lt_hbm.at[:, pl.ds(c0, S1C)], lt_v)
    pltpu.sync_copy(mom_hbm.at[:, pl.ds(c0, S1C)], mom_v)
    z = jnp.zeros((16,), jnp.float32)
    bins_v[pl.ds(0, 16)] = z
    bins_v[pl.ds(16, 16)] = z
    ones = jnp.ones((16,), jnp.float32)
    for v in range(S1C // 16):
        sl = pl.ds(v * 16, 16)
        idx = _argmax16(lt_v, v * 16)
        idx_v[sl] = idx
        plsc.addupdate_scatter(bins_v, [idx], ones)
        plsc.addupdate_scatter(bins_v, [idx + 8], mom_v[0, sl])
        plsc.addupdate_scatter(bins_v, [idx + 16], mom_v[1, sl])

    pltpu.sync_copy(bins_v, shared.at[sid])
    plsc.subcore_barrier()
    pltpu.sync_copy(shared, gacc_v)
    acc0 = jnp.zeros((16,), jnp.float32)
    acc1 = jnp.zeros((16,), jnp.float32)
    for t in range(NSUB):
        acc0 = acc0 + gacc_v[t, pl.ds(0, 16)]
        acc1 = acc1 + gacc_v[t, pl.ds(16, 16)]
    red_v[pl.ds(0, 16)] = acc0
    red_v[pl.ds(16, 16)] = acc1
    lane = lax.iota(jnp.int32, 16)
    idx8 = lax.rem(lane, jnp.full((16,), 8, jnp.int32))
    cnt = plsc.load_gather(red_v, [idx8])
    ssum = plsc.load_gather(red_v, [idx8 + 8])
    sssq = plsc.load_gather(red_v, [idx8 + 16])
    total = cnt * 1024.0
    mean = ssum / jnp.maximum(total, 1.0)
    sq = sssq - ssum * mean
    var = sq / jnp.maximum(total - 1.0, 1.0)
    rstd = _rsqrt16(var + EPS)
    red_v[pl.ds(0, 16)] = mean
    red_v[pl.ds(16, 16)] = rstd

    pltpu.sync_copy(w_hbm.at[pl.ds(c1, S1C)], wb_v.at[pl.ds(0, S1C)])
    pltpu.sync_copy(b_hbm.at[pl.ds(c1, S1C)], wb_v.at[pl.ds(S1C, S1C)])
    for v in range(S1C // 16):
        sl = pl.ds(v * 16, 16)
        idx = idx_v[sl]
        mean_c = plsc.load_gather(red_v, [idx])
        rstd_c = plsc.load_gather(red_v, [idx + 16])
        sc = rstd_c * wb_v[sl]
        out_v[sl] = sc
        out_v[pl.ds(S1C + v * 16, 16)] = (
            wb_v[pl.ds(S1C + v * 16, 16)] - mean_c * sc)
    pltpu.sync_copy(out_v.at[pl.ds(0, S1C)],
                    scale_hbm.at[n1, pl.ds(c1, S1C)])
    pltpu.sync_copy(out_v.at[pl.ds(S1C, S1C)],
                    off_hbm.at[n1, pl.ds(c1, S1C)])


def _pass_c(x_ref, sc_ref, of_ref, out_ref):
    i = pl.program_id(0)
    sc = sc_ref[pl.ds(i, 1), :]
    of = of_ref[pl.ds(i, 1), :]
    out_ref[...] = x_ref[0] * sc + of


def kernel(x, W1, b1, W2, b2, weight, bias):
    n, c, h, w = x.shape
    hw = h * w
    xt = jnp.transpose(x, (0, 2, 3, 1)).reshape(n, hw, c)

    lt, mom = pl.pallas_call(
        _pass_a,
        grid=(n,),
        in_specs=[
            pl.BlockSpec((1, hw, c), lambda i: (i, 0, 0)),
            pl.BlockSpec((hw, hw), lambda i: (0, 0)),
            pl.BlockSpec((1, hw), lambda i: (0, 0)),
            pl.BlockSpec((GROUP, 1), lambda i: (0, 0)),
            pl.BlockSpec((hw, GROUP), lambda i: (0, 0)),
        ],
        out_specs=[
            pl.BlockSpec((GROUP, c), lambda i: (0, i)),
            pl.BlockSpec((2, c), lambda i: (0, i)),
        ],
        out_shape=[
            jax.ShapeDtypeStruct((GROUP, n * c), jnp.float32),
            jax.ShapeDtypeStruct((2, n * c), jnp.float32),
        ],
        scratch_shapes=[pltpu.VMEM((GROUP, hw), jnp.float32)],
    )(xt, W1, b1.reshape(1, hw), b2.reshape(GROUP, 1), W2)

    mesh = plsc.VectorSubcoreMesh(core_axis_name="c", subcore_axis_name="s")
    scale, off = pl.kernel(
        _sc_route,
        mesh=mesh,
        compiler_params=pltpu.CompilerParams(needs_layout_passes=False),
        out_type=[
            jax.ShapeDtypeStruct((n, c), jnp.float32),
            jax.ShapeDtypeStruct((n, c), jnp.float32),
        ],
        scratch_types=[
            pltpu.VMEM((GROUP, S1C), jnp.float32),
            pltpu.VMEM((2, S1C), jnp.float32),
            pltpu.VMEM((S1C,), jnp.int32),
            pltpu.VMEM((32,), jnp.float32),
            pltpu.VMEM((NSUB, 32), jnp.float32),
            pltpu.VMEM((32,), jnp.float32),
            pltpu.VMEM((2 * S1C,), jnp.float32),
            pltpu.VMEM((2 * S1C,), jnp.float32),
            pltpu.VMEM_SHARED((NSUB, 32), jnp.float32),
        ],
    )(lt, mom, weight.reshape(c), bias.reshape(c))

    out2 = pl.pallas_call(
        _pass_c,
        grid=(n,),
        in_specs=[
            pl.BlockSpec((1, hw, c), lambda i: (i, 0, 0)),
            pl.BlockSpec((n, c), lambda i: (0, 0)),
            pl.BlockSpec((n, c), lambda i: (0, 0)),
        ],
        out_specs=pl.BlockSpec((hw, c), lambda i: (i, 0)),
        out_shape=jax.ShapeDtypeStruct((n * hw, c), jnp.float32),
    )(xt, scale, off)

    return jnp.transpose(out2.reshape(n, h, w, c), (0, 3, 1, 2))

# --- scband reference (transcript-rebuilt; emitter-appended) ---
"""Pipeline reference for scband-proposed-ver2-70815420776607 (READ-ONLY COPY).

The authoritative reference and input builder live on the scoring server;
editing this copy changes nothing except your own understanding.
"""

import jax, jax.numpy as jnp
import numpy as np

N, C, H, W_ = 8, 768, 32, 32
GROUP = 8
EPS = 1e-05
HW = H * W_


def setup_inputs(seed: int = 0):
    key = jax.random.key(seed)
    k1, k2, k3 = jax.random.split(key, 3)
    x = jax.random.normal(k1, (N, C, H, W_), dtype=jnp.float32)
    W1 = jax.random.normal(k2, (HW, HW), dtype=jnp.float32) * (1.0 / np.sqrt(HW))
    b1 = jnp.zeros((HW,), dtype=jnp.float32)
    W2 = jax.random.normal(k3, (HW, GROUP), dtype=jnp.float32) * (1.0 / np.sqrt(HW))
    b2 = jnp.zeros((GROUP,), dtype=jnp.float32)
    weight = jnp.ones((1, C, 1, 1), dtype=jnp.float32)
    bias = jnp.zeros((1, C, 1, 1), dtype=jnp.float32)
    return {"x": x, "W1": W1, "b1": b1, "W2": W2, "b2": b2, "weight": weight, "bias": bias}


def reference(x, W1, b1, W2, b2, weight, bias):
    n, c, h, w = x.shape
    hw = h * w
    x_ = x.reshape(n * c, hw)
    # router: two stacked linears, softmax, hard argmax assignment
    logits = (x_ @ W1 + b1) @ W2 + b2
    s = jax.nn.softmax(logits, axis=1)
    idx = jnp.argmax(s, axis=1)  # [n*c] int, detached routing decision
    out = x_
    for g in range(GROUP):
        mask = (idx == g).astype(x_.dtype)  # [n*c]
        rows = jnp.sum(mask)
        cnt = rows * hw  # number of elements in this group
        sum_x = jnp.sum(x_ * mask[:, None])
        safe_cnt = jnp.maximum(cnt, 1.0)
        mean = sum_x / safe_cnt
        sq = jnp.sum(((x_ - mean) ** 2) * mask[:, None])
        var = sq / jnp.maximum(cnt - 1.0, 1.0)  # torch .var() is unbiased
        norm = (x_ - mean) / jnp.sqrt(var + EPS)
        out = jnp.where((mask[:, None] > 0) & (cnt > 0), norm, out)
    x_out = out.reshape(n, c, h, w)
    return x_out * weight + bias

if __name__ == "__main__":
    import jax
    _d = setup_inputs()
    print(jax.jit(kernel)(*tuple(_d.values())))

</pallas_src>

<mosaic_0001>
#map = affine_map<(d0, d1) -> (0, 0)>
#map1 = affine_map<(d0, d1) -> (0)>
module attributes {stable_mosaic.version = 14 : i64} {
  func.func @_sc_route(%arg0: i32, %arg1: i32, %arg2: memref<8x6144xf32, #tpu.memory_space<hbm>>, %arg3: memref<2x6144xf32, #tpu.memory_space<hbm>>, %arg4: memref<768xf32, #tpu.memory_space<hbm>>, %arg5: memref<768xf32, #tpu.memory_space<hbm>>, %arg6: memref<8x768xf32, #tpu.memory_space<hbm>>, %arg7: memref<8x768xf32, #tpu.memory_space<hbm>>, %arg8: memref<8x384xf32, #tpu.memory_space<vmem>>, %arg9: memref<2x384xf32, #tpu.memory_space<vmem>>, %arg10: memref<384xi32, #tpu.memory_space<vmem>>, %arg11: memref<32xf32, #tpu.memory_space<vmem>>, %arg12: memref<16x32xf32, #tpu.memory_space<vmem>>, %arg13: memref<32xf32, #tpu.memory_space<vmem>>, %arg14: memref<768xf32, #tpu.memory_space<vmem>>, %arg15: memref<768xf32, #tpu.memory_space<vmem>>, %arg16: memref<16x32xf32, #tpu.memory_space<vmem_shared>>) attributes {dimension_semantics = [#tpu.dimension_semantics<core_parallel>, #tpu.dimension_semantics<subcore_parallel>], iteration_bounds = array<i64: 2, 16>, scalar_prefetch = 0 : i64, scratch_operands = 9 : i64, tpu.core_type = #tpu.core_type<sc_vector_subcore>, window_params = [{transform_indices = #map}, {transform_indices = #map}, {transform_indices = #map1}, {transform_indices = #map1}, {transform_indices = #map}, {transform_indices = #map}]} {
    %mul3A = arith.constant 384 : i32
    %mul3A_0 = arith.muli %arg1, %mul3A : i32
    %jit3A = arith.constant 2 : i32
    %div3A = arith.divsi %arg1, %jit3A : i32
    %sign3A = arith.constant 0 : i32
    %sign3A_1 = arith.cmpi sgt, %arg1, %sign3A : i32
    %sign3A_2 = arith.extui %sign3A_1 : i1 to i32
    %sign3A_3 = arith.constant 0 : i32
    %sign3A_4 = arith.cmpi slt, %arg1, %sign3A_3 : i32
    %sign3A_5 = arith.extui %sign3A_4 : i1 to i32
    %sign3A_6 = arith.subi %sign3A_2, %sign3A_5 : i32
    %sign3A_7 = arith.constant 0 : i32
    %sign3A_8 = arith.cmpi sgt, %jit3A, %sign3A_7 : i32
    %sign3A_9 = arith.extui %sign3A_8 : i1 to i32
    %sign3A_10 = arith.constant 0 : i32
    %sign3A_11 = arith.cmpi slt, %jit3A, %sign3A_10 : i32
    %sign3A_12 = arith.extui %sign3A_11 : i1 to i32
    %sign3A_13 = arith.subi %sign3A_9, %sign3A_12 : i32
    %ne3A = arith.cmpi ne, %sign3A_6, %sign3A_13 : i32
    %rem3A = arith.remsi %arg1, %jit3A : i32
    %ne3A_14 = arith.constant 0 : i32
    %ne3A_15 = arith.cmpi ne, %rem3A, %ne3A_14 : i32
    %and3A = arith.andi %ne3A, %ne3A_15 : i1
    %sub3A = arith.constant 1 : i32
    %sub3A_16 = arith.subi %div3A, %sub3A : i32
    %select_n3A = arith.select %and3A, %sub3A_16, %div3A : i32
    %jit3A_17 = arith.constant 2 : i32
    %eq3A = arith.constant 0 : i32
    %eq3A_18 = arith.cmpi eq, %jit3A_17, %eq3A : i32
    %jit3A_19 = arith.constant 1 : i32
    %select_n3A_20 = arith.select %eq3A_18, %jit3A_19, %jit3A_17 : i32
    %rem3A_21 = arith.remsi %arg1, %select_n3A_20 : i32
    %ne3A_22 = arith.constant 0 : i32
    %ne3A_23 = arith.cmpi ne, %rem3A_21, %ne3A_22 : i32
    %lt3A = arith.constant 0 : i32
    %lt3A_24 = arith.cmpi slt, %rem3A_21, %lt3A : i32
    %lt3A_25 = arith.constant 0 : i32
    %lt3A_26 = arith.cmpi slt, %select_n3A_20, %lt3A_25 : i32
    %ne3A_27 = arith.xori %lt3A_24, %lt3A_26 : i1
    %and3A_28 = arith.andi %ne3A_27, %ne3A_23 : i1
    %add3A = arith.addi %rem3A_21, %select_n3A_20 : i32
    %select_n3A_29 = arith.select %and3A_28, %add3A, %rem3A_21 : i32
    %mul3A_30 = arith.constant 384 : i32
    %mul3A_31 = arith.muli %select_n3A_29, %mul3A_30 : i32
    "tpu.region"() ({
      %run_scoped3A = tpu.sem_alloc : memref<!tpu.dma_semaphore, #tpu.memory_space<semaphore_mem>>
      %dma_start3A = arith.constant 0 : i32
      %dma_start3A_2751 = tpu.memref_slice %arg2[%dma_start3A, %mul3A_0] : memref<8x6144xf32, #tpu.memory_space<hbm>> -> memref<8x384xf32, #tpu.memory_space<hbm>>
      %dma_start3A_2752 = arith.constant 0 : i32
      %dma_start3A_2753 = tpu.memref_slice %arg2[%dma_start3A_2752, %mul3A_0] : memref<8x6144xf32, #tpu.memory_space<hbm>> -> memref<8x384xf32, #tpu.memory_space<hbm>>
      tpu.enqueue_dma source(%dma_start3A_2753 : memref<8x384xf32, #tpu.memory_space<hbm>>) target(%arg8 : memref<8x384xf32, #tpu.memory_space<vmem>>) target_semaphore(%run_scoped3A : memref<!tpu.dma_semaphore, #tpu.memory_space<semaphore_mem>>)
      %dma_wait3A = arith.constant 0 : i32
      %dma_wait3A_2754 = tpu.memref_slice %arg2[%dma_wait3A, %mul3A_0] : memref<8x6144xf32, #tpu.memory_space<hbm>> -> memref<8x384xf32, #tpu.memory_space<hbm>>
      %dma_wait3A_2755 = arith.constant 0 : i32
      %dma_wait3A_2756 = tpu.memref_slice %arg2[%dma_wait3A_2755, %mul3A_0] : memref<8x6144xf32, #tpu.memory_space<hbm>> -> memref<8x384xf32, #tpu.memory_space<hbm>>
      tpu.wait_dma2 semaphore(%run_scoped3A : memref<!tpu.dma_semaphore, #tpu.memory_space<semaphore_mem>>) src(%dma_wait3A_2756 : memref<8x384xf32, #tpu.memory_space<hbm>>) dst(%arg8 : memref<8x384xf32, #tpu.memory_space<vmem>>)
      tpu.yield
    }) : () -> ()
    "tpu.region"() ({
      %run_scoped3A = tpu.sem_alloc : memref<!tpu.dma_semaphore, #tpu.memory_space<semaphore_mem>>
      %dma_start3A = arith.constant 0 : i32
      %dma_start3A_2751 = tpu.memref_slice %arg3[%dma_start3A, %mul3A_0] : memref<2x6144xf32, #tpu.memory_space<hbm>> -> memref<2x384xf32, #tpu.memory_space<hbm>>
      %dma_start3A_2752 = arith.constant 0 : i32
      %dma_start3A_2753 = tpu.memref_slice %arg3[%dma_start3A_2752, %mul3A_0] : memref<2x6144xf32, #tpu.memory_space<hbm>> -> memref<2x384xf32, #tpu.memory_space<hbm>>
      tpu.enqueue_dma source(%dma_start3A_2753 : memref<2x384xf32, #tpu.memory_space<hbm>>) target(%arg9 : memref<2x384xf32, #tpu.memory_space<vmem>>) target_semaphore(%run_scoped3A : memref<!tpu.dma_semaphore, #tpu.memory_space<semaphore_mem>>)
      %dma_wait3A = arith.constant 0 : i32
      %dma_wait3A_2754 = tpu.memref_slice %arg3[%dma_wait3A, %mul3A_0] : memref<2x6144xf32, #tpu.memory_space<hbm>> -> memref<2x384xf32, #tpu.memory_space<hbm>>
      %dma_wait3A_2755 = arith.constant 0 : i32
      %dma_wait3A_2756 = tpu.memref_slice %arg3[%dma_wait3A_2755, %mul3A_0] : memref<2x6144xf32, #tpu.memory_space<hbm>> -> memref<2x384xf32, #tpu.memory_space<hbm>>
      tpu.wait_dma2 semaphore(%run_scoped3A : memref<!tpu.dma_semaphore, #tpu.memory_space<semaphore_mem>>) src(%dma_wait3A_2756 : memref<2x384xf32, #tpu.memory_space<hbm>>) dst(%arg9 : memref<2x384xf32, #tpu.memory_space<vmem>>)
      tpu.yield
    }) : () -> ()
    %broadcast_in_dim3A = arith.constant 0.000000e+00 : f32
    %broadcast_in_dim3A_32 = vector.broadcast %broadcast_in_dim3A : f32 to vector<16xf32>
    %swap3A = arith.constant 0 : index
    %swap3A_33 = tpu.vector_load %arg11[%swap3A] {strides = array<i32>} : memref<32xf32, #tpu.memory_space<vmem>>, vector<16xf32>,
    tpu.vector_store %arg11[%swap3A], %broadcast_in_dim3A_32 {strides = array<i32>} : memref<32xf32, #tpu.memory_space<vmem>>, vector<16xf32>,
    %swap3A_34 = arith.constant 16 : index
    %swap3A_35 = tpu.vector_load %arg11[%swap3A_34] {strides = array<i32>} : memref<32xf32, #tpu.memory_space<vmem>>, vector<16xf32>,
    tpu.vector_store %arg11[%swap3A_34], %broadcast_in_dim3A_32 {strides = array<i32>} : memref<32xf32, #tpu.memory_space<vmem>>, vector<16xf32>,
    %broadcast_in_dim3A_36 = arith.constant 1.000000e+00 : f32
    %broadcast_in_dim3A_37 = vector.broadcast %broadcast_in_dim3A_36 : f32 to vector<16xf32>
    %get3A = arith.constant 0 : i32
    %get3A_38 = arith.index_cast %get3A : i32 to index
    %get3A_39 = arith.constant 0 : index
    %get3A_40 = tpu.vector_load %arg8[%get3A_38, %get3A_39] {strides = array<i32>} : memref<8x384xf32, #tpu.memory_space<vmem>>, vector<16xf32>,
    %broadcast_in_dim3A_41 = arith.constant 0 : i32
    %broadcast_in_dim3A_42 = vector.broadcast %broadcast_in_dim3A_41 : i32 to vector<16xi32>
    %get3A_43 = arith.constant 1 : i32
    %get3A_44 = arith.index_cast %get3A_43 : i32 to index
    %get3A_45 = arith.constant 0 : index
    %get3A_46 = tpu.vector_load %arg8[%get3A_44, %get3A_45] {strides = array<i32>} : memref<8x384xf32, #tpu.memory_space<vmem>>, vector<16xf32>,
    %gt3A = arith.cmpf ogt, %get3A_46, %get3A_40 : vector<16xf32>
    %select_n3A_47 = arith.select %gt3A, %get3A_46, %get3A_40 : vector<16xi1>, vector<16xf32>
    %broadcast_in_dim3A_48 = arith.constant 1 : i32
    %broadcast_in_dim3A_49 = vector.broadcast %broadcast_in_dim3A_48 : i32 to vector<16xi32>
    %select_n3A_50 = arith.select %gt3A, %broadcast_in_dim3A_49, %broadcast_in_dim3A_42 : vector<16xi1>, vector<16xi32>
    %get3A_51 = arith.constant 2 : i32
    %get3A_52 = arith.index_cast %get3A_51 : i32 to index
    %get3A_53 = arith.constant 0 : index
    %get3A_54 = tpu.vector_load %arg8[%get3A_52, %get3A_53] {strides = array<i32>} : memref<8x384xf32, #tpu.memory_space<vmem>>, vector<16xf32>,
    %gt3A_55 = arith.cmpf ogt, %get3A_54, %select_n3A_47 : vector<16xf32>
    %select_n3A_56 = arith.select %gt3A_55, %get3A_54, %select_n3A_47 : vector<16xi1>, vector<16xf32>
    %broadcast_in_dim3A_57 = arith.constant 2 : i32
    %broadcast_in_dim3A_58 = vector.broadcast %broadcast_in_dim3A_57 : i32 to vector<16xi32>
    %select_n3A_59 = arith.select %gt3A_55, %broadcast_in_dim3A_58, %select_n3A_50 : vector<16xi1>, vector<16xi32>
    %get3A_60 = arith.constant 3 : i32
    %get3A_61 = arith.index_cast %get3A_60 : i32 to index
    %get3A_62 = arith.constant 0 : index
    %get3A_63 = tpu.vector_load %arg8[%get3A_61, %get3A_62] {strides = array<i32>} : memref<8x384xf32, #tpu.memory_space<vmem>>, vector<16xf32>,
    %gt3A_64 = arith.cmpf ogt, %get3A_63, %select_n3A_56 : vector<16xf32>
    %select_n3A_65 = arith.select %gt3A_64, %get3A_63, %select_n3A_56 : vector<16xi1>, vector<16xf32>
    %broadcast_in_dim3A_66 = arith.constant 3 : i32
    %broadcast_in_dim3A_67 = vector.broadcast %broadcast_in_dim3A_66 : i32 to vector<16xi32>
    %select_n3A_68 = arith.select %gt3A_64, %broadcast_in_dim3A_67, %select_n3A_59 : vector<16xi1>, vector<16xi32>
    %get3A_69 = arith.constant 4 : i32
    %get3A_70 = arith.index_cast %get3A_69 : i32 to index
    %get3A_71 = arith.constant 0 : index
    %get3A_72 = tpu.vector_load %arg8[%get3A_70, %get3A_71] {strides = array<i32>} : memref<8x384xf32, #tpu.memory_space<vmem>>, vector<16xf32>,
    %gt3A_73 = arith.cmpf ogt, %get3A_72, %select_n3A_65 : vector<16xf32>
    %select_n3A_74 = arith.select %gt3A_73, %get3A_72, %select_n3A_65 : vector<16xi1>, vector<16xf32>
    %broadcast_in_dim3A_75 = arith.constant 4 : i32
    %broadcast_in_dim3A_76 = vector.broadcast %broadcast_in_dim3A_75 : i32 to vector<16xi32>
    %select_n3A_77 = arith.select %gt3A_73, %broadcast_in_dim3A_76, %select_n3A_68 : vector<16xi1>, vector<16xi32>
    %get3A_78 = arith.constant 5 : i32
    %get3A_79 = arith.index_cast %get3A_78 : i32 to index
    %get3A_80 = arith.constant 0 : index
    %get3A_81 = tpu.vector_load %arg8[%get3A_79, %get3A_80] {strides = array<i32>} : memref<8x384xf32, #tpu.memory_space<vmem>>, vector<16xf32>,
    %gt3A_82 = arith.cmpf ogt, %get3A_81, %select_n3A_74 : vector<16xf32>
    %select_n3A_83 = arith.select %gt3A_82, %get3A_81, %select_n3A_74 : vector<16xi1>, vector<16xf32>
    %broadcast_in_dim3A_84 = arith.constant 5 : i32
    %broadcast_in_dim3A_85 = vector.broadcast %broadcast_in_dim3A_84 : i32 to vector<16xi32>
    %select_n3A_86 = arith.select %gt3A_82, %broadcast_in_dim3A_85, %select_n3A_77 : vector<16xi1>, vector<16xi32>
    %get3A_87 = arith.constant 6 : i32
    %get3A_88 = arith.index_cast %get3A_87 : i32 to index
    %get3A_89 = arith.constant 0 : index
    %get3A_90 = tpu.vector_load %arg8[%get3A_88, %get3A_89] {strides = array<i32>} : memref<8x384xf32, #tpu.memory_space<vmem>>, vector<16xf32>,
    %gt3A_91 = arith.cmpf ogt, %get3A_90, %select_n3A_83 : vector<16xf32>
    %select_n3A_92 = arith.select %gt3A_91, %get3A_90, %select_n3A_83 : vector<16xi1>, vector<16xf32>
    %broadcast_in_dim3A_93 = arith.constant 6 : i32
    %broadcast_in_dim3A_94 = vector.broadcast %broadcast_in_dim3A_93 : i32 to vector<16xi32>
    %select_n3A_95 = arith.select %gt3A_91, %broadcast_in_dim3A_94, %select_n3A_86 : vector<16xi1>, vector<16xi32>
    %get3A_96 = arith.constant 7 : i32
    %get3A_97 = arith.index_cast %get3A_96 : i32 to index
    %get3A_98 = arith.constant 0 : index
    %get3A_99 = tpu.vector_load %arg8[%get3A_97, %get3A_98] {strides = array<i32>} : memref<8x384xf32, #tpu.memory_space<vmem>>, vector<16xf32>,
    %gt3A_100 = arith.cmpf ogt, %get3A_99, %select_n3A_92 : vector<16xf32>
    %select_n3A_101 = arith.select %gt3A_100, %get3A_99, %select_n3A_92 : vector<16xi1>, vector<16xf32>
    %broadcast_in_dim3A_102 = arith.constant 7 : i32
    %broadcast_in_dim3A_103 = vector.broadcast %broadcast_in_dim3A_102 : i32 to vector<16xi32>
    %select_n3A_104 = arith.select %gt3A_100, %broadcast_in_dim3A_103, %select_n3A_95 : vector<16xi1>, vector<16xi32>
    %swap3A_105 = arith.constant 0 : index
    %swap3A_106 = tpu.vector_load %arg10[%swap3A_105] {strides = array<i32>} : memref<384xi32, #tpu.memory_space<vmem>>, vector<16xi32>,
    tpu.vector_store %arg10[%swap3A_105], %select_n3A_104 {strides = array<i32>} : memref<384xi32, #tpu.memory_space<vmem>>, vector<16xi32>,
    tpu.vector_store_idx %arg11[%select_n3A_104], %broadcast_in_dim3A_37 {add = true} : memref<32xf32, #tpu.memory_space<vmem>>[vector<16xi32>], vector<16xf32>,
    %add3A_107 = arith.constant 8 : i32
    %add3A_108 = vector.broadcast %add3A_107 : i32 to vector<16xi32>
    %add3A_109 = arith.addi %select_n3A_104, %add3A_108 : vector<16xi32>
    %get3A_110 = arith.constant 0 : i32
    %get3A_111 = arith.index_cast %get3A_110 : i32 to index
    %get3A_112 = arith.constant 0 : index
    %get3A_113 = tpu.vector_load %arg9[%get3A_111, %get3A_112] {strides = array<i32>} : memref<2x384xf32, #tpu.memory_space<vmem>>, vector<16xf32>,
    tpu.vector_store_idx %arg11[%add3A_109], %get3A_113 {add = true} : memref<32xf32, #tpu.memory_space<vmem>>[vector<16xi32>], vector<16xf32>,
    %add3A_114 = arith.constant 16 : i32
    %add3A_115 = vector.broadcast %add3A_114 : i32 to vector<16xi32>
    %add3A_116 = arith.addi %select_n3A_104, %add3A_115 : vector<16xi32>
    %get3A_117 = arith.constant 1 : i32
    %get3A_118 = arith.index_cast %get3A_117 : i32 to index
    %get3A_119 = arith.constant 0 : index
    %get3A_120 = tpu.vector_load %arg9[%get3A_118, %get3A_119] {strides = array<i32>} : memref<2x384xf32, #tpu.memory_space<vmem>>, vector<16xf32>,
    tpu.vector_store_idx %arg11[%add3A_116], %get3A_120 {add = true} : memref<32xf32, #tpu.memory_space<vmem>>[vector<16xi32>], vector<16xf32>,
    %get3A_121 = arith.constant 0 : i32
    %get3A_122 = arith.index_cast %get3A_121 : i32 to index
    %get3A_123 = arith.constant 16 : index
    %get3A_124 = tpu.vector_load %arg8[%get3A_122, %get3A_123] {strides = array<i32>} : memref<8x384xf32, #tpu.memory_space<vmem>>, vector<16xf32>,
    %broadcast_in_dim3A_125 = arith.constant 0 : i32
    %broadcast_in_dim3A_126 = vector.broadcast %broadcast_in_dim3A_125 : i32 to vector<16xi32>
    %get3A_127 = arith.constant 1 : i32
    %get3A_128 = arith.index_cast %get3A_127 : i32 to index
    %get3A_129 = arith.constant 16 : index
    %get3A_130 = tpu.vector_load %arg8[%get3A_128, %get3A_129] {strides = array<i32>} : memref<8x384xf32, #tpu.memory_space<vmem>>, vector<16xf32>,
    %gt3A_131 = arith.cmpf ogt, %get3A_130, %get3A_124 : vector<16xf32>
    %select_n3A_132 = arith.select %gt3A_131, %get3A_130, %get3A_124 : vector<16xi1>, vector<16xf32>
    %broadcast_in_dim3A_133 = arith.constant 1 : i32
    %broadcast_in_dim3A_134 = vector.broadcast %broadcast_in_dim3A_133 : i32 to vector<16xi32>
    %select_n3A_135 = arith.select %gt3A_131, %broadcast_in_dim3A_134, %broadcast_in_dim3A_126 : vector<16xi1>, vector<16xi32>
    %get3A_136 = arith.constant 2 : i32
    %get3A_137 = arith.index_cast %get3A_136 : i32 to index
    %get3A_138 = arith.constant 16 : index
    %get3A_139 = tpu.vector_load %arg8[%get3A_137, %get3A_138] {strides = array<i32>} : memref<8x384xf32, #tpu.memory_space<vmem>>, vector<16xf32>,
    %gt3A_140 = arith.cmpf ogt, %get3A_139, %select_n3A_132 : vector<16xf32>
    %select_n3A_141 = arith.select %gt3A_140, %get3A_139, %select_n3A_132 : vector<16xi1>, vector<16xf32>
    %broadcast_in_dim3A_142 = arith.constant 2 : i32
    %broadcast_in_dim3A_143 = vector.broadcast %broadcast_in_dim3A_142 : i32 to vector<16xi32>
    %select_n3A_144 = arith.select %gt3A_140, %broadcast_in_dim3A_143, %select_n3A_135 : vector<16xi1>, vector<16xi32>
    %get3A_145 = arith.constant 3 : i32
    %get3A_146 = arith.index_cast %get3A_145 : i32 to index
    %get3A_147 = arith.constant 16 : index
    %get3A_148 = tpu.vector_load %arg8[%get3A_146, %get3A_147] {strides = array<i32>} : memref<8x384xf32, #tpu.memory_space<vmem>>, vector<16xf32>,
    %gt3A_149 = arith.cmpf ogt, %get3A_148, %select_n3A_141 : vector<16xf32>
    %select_n3A_150 = arith.select %gt3A_149, %get3A_148, %select_n3A_141 : vector<16xi1>, vector<16xf32>
    %broadcast_in_dim3A_151 = arith.constant 3 : i32
    %broadcast_in_dim3A_152 = vector.broadcast %broadcast_in_dim3A_151 : i32 to vector<16xi32>
    %select_n3A_153 = arith.select %gt3A_149, %broadcast_in_dim3A_152, %select_n3A_144 : vector<16xi1>, vector<16xi32>
    %get3A_154 = arith.constant 4 : i32
    %get3A_155 = arith.index_cast %get3A_154 : i32 to index
    %get3A_156 = arith.constant 16 : index
    %get3A_157 = tpu.vector_load %arg8[%get3A_155, %get3A_156] {strides = array<i32>} : memref<8x384xf32, #tpu.memory_space<vmem>>, vector<16xf32>,
    %gt3A_158 = arith.cmpf ogt, %get3A_157, %select_n3A_150 : vector<16xf32>
    %select_n3A_159 = arith.select %gt3A_158, %get3A_157, %select_n3A_150 : vector<16xi1>, vector<16xf32>
    %broadcast_in_dim3A_160 = arith.constant 4 : i32
    %broadcast_in_dim3A_161 = vector.broadcast %broadcast_in_dim3A_160 : i32 to vector<16xi32>
    %select_n3A_162 = arith.select %gt3A_158, %broadcast_in_dim3A_161, %select_n3A_153 : vector<16xi1>, vector<16xi32>
    %get3A_163 = arith.constant 5 : i32
    %get3A_164 = arith.index_cast %get3A_163 : i32 to index
    %get3A_165 = arith.constant 16 : index
    %get3A_166 = tpu.vector_load %arg8[%get3A_164, %get3A_165] {strides = array<i32>} : memref<8x384xf32, #tpu.memory_space<vmem>>, vector<16xf32>,
    %gt3A_167 = arith.cmpf ogt, %get3A_166, %select_n3A_159 : vector<16xf32>
    %select_n3A_168 = arith.select %gt3A_167, %get3A_166, %select_n3A_159 : vector<16xi1>, vector<16xf32>
    %broadcast_in_dim3A_169 = arith.constant 5 : i32
    %broadcast_in_dim3A_170 = vector.broadcast %broadcast_in_dim3A_169 : i32 to vector<16xi32>
    %select_n3A_171 = arith.select %gt3A_167, %broadcast_in_dim3A_170, %select_n3A_162 : vector<16xi1>, vector<16xi32>
    %get3A_172 = arith.constant 6 : i32
    %get3A_173 = arith.index_cast %get3A_172 : i32 to index
    %get3A_174 = arith.constant 16 : index
    %get3A_175 = tpu.vector_load %arg8[%get3A_173, %get3A_174] {strides = array<i32>} : memref<8x384xf32, #tpu.memory_space<vmem>>, vector<16xf32>,
    %gt3A_176 = arith.cmpf ogt, %get3A_175, %select_n3A_168 : vector<16xf32>
    %select_n3A_177 = arith.select %gt3A_176, %get3A_175, %select_n3A_168 : vector<16xi1>, vector<16xf32>
    %broadcast_in_dim3A_178 = arith.constant 6 : i32
    %broadcast_in_dim3A_179 = vector.broadcast %broadcast_in_dim3A_178 : i32 to vector<16xi32>
    %select_n3A_180 = arith.select %gt3A_176, %broadcast_in_dim3A_179, %select_n3A_171 : vector<16xi1>, vector<16xi32>
    %get3A_181 = arith.constant 7 : i32
    %get3A_182 = arith.index_cast %get3A_181 : i32 to index
    %get3A_183 = arith.constant 16 : index
    %get3A_184 = tpu.vector_load %arg8[%get3A_182, %get3A_183] {strides = array<i32>} : memref<8x384xf32, #tpu.memory_space<vmem>>, vector<16xf32>,
    %gt3A_185 = arith.cmpf ogt, %get3A_184, %select_n3A_177 : vector<16xf32>
    %select_n3A_186 = arith.select %gt3A_185, %get3A_184, %select_n3A_177 : vector<16xi1>, vector<16xf32>
    %broadcast_in_dim3A_187 = arith.constant 7 : i32
    %broadcast_in_dim3A_188 = vector.broadcast %broadcast_in_dim3A_187 : i32 to vector<16xi32>
    %select_n3A_189 = arith.select %gt3A_185, %broadcast_in_dim3A_188, %select_n3A_180 : vector<16xi1>, vector<16xi32>
    %swap3A_190 = arith.constant 16 : index
    %swap3A_191 = tpu.vector_load %arg10[%swap3A_190] {strides = array<i32>} : memref<384xi32, #tpu.memory_space<vmem>>, vector<16xi32>,
    tpu.vector_store %arg10[%swap3A_190], %select_n3A_189 {strides = array<i32>} : memref<384xi32, #tpu.memory_space<vmem>>, vector<16xi32>,
    tpu.vector_store_idx %arg11[%select_n3A_189], %broadcast_in_dim3A_37 {add = true} : memref<32xf32, #tpu.memory_space<vmem>>[vector<16xi32>], vector<16xf32>,
    %add3A_192 = arith.constant 8 : i32
    %add3A_193 = vector.broadcast %add3A_192 : i32 to vector<16xi32>
    %add3A_194 = arith.addi %select_n3A_189, %add3A_193 : vector<16xi32>
    %get3A_195 = arith.constant 0 : i32
    %get3A_196 = arith.index_cast %get3A_195 : i32 to index
    %get3A_197 = arith.constant 16 : index
    %get3A_198 = tpu.vector_load %arg9[%get3A_196, %get3A_197] {strides = array<i32>} : memref<2x384xf32, #tpu.memory_space<vmem>>, vector<16xf32>,
    tpu.vector_store_idx %arg11[%add3A_194], %get3A_198 {add = true} : memref<32xf32, #tpu.memory_space<vmem>>[vector<16xi32>], vector<16xf32>,
    %add3A_199 = arith.constant 16 : i32
    %add3A_200 = vector.broadcast %add3A_199 : i32 to vector<16xi32>
    %add3A_201 = arith.addi %select_n3A_189, %add3A_200 : vector<16xi32>
    %get3A_202 = arith.constant 1 : i32
    %get3A_203 = arith.index_cast %get3A_202 : i32 to index
    %get3A_204 = arith.constant 16 : index
    %get3A_205 = tpu.vector_load %arg9[%get3A_203, %get3A_204] {strides = array<i32>} : memref<2x384xf32, #tpu.memory_space<vmem>>, vector<16xf32>,
    tpu.vector_store_idx %arg11[%add3A_201], %get3A_205 {add = true} : memref<32xf32, #tpu.memory_space<vmem>>[vector<16xi32>], vector<16xf32>,
    %get3A_206 = arith.constant 0 : i32
    %get3A_207 = arith.index_cast %get3A_206 : i32 to index
    %get3A_208 = arith.constant 32 : index
    %get3A_209 = tpu.vector_load %arg8[%get3A_207, %get3A_208] {strides = array<i32>} : memref<8x384xf32, #tpu.memory_space<vmem>>, vector<16xf32>,
    %broadcast_in_dim3A_210 = arith.constant 0 : i32
    %broadcast_in_dim3A_211 = vector.broadcast %broadcast_in_dim3A_210 : i32 to vector<16xi32>
    %get3A_212 = arith.constant 1 : i32
    %get3A_213 = arith.index_cast %get3A_212 : i32 to index
    %get3A_214 = arith.constant 32 : index
    %get3A_215 = tpu.vector_load %arg8[%get3A_213, %get3A_214] {strides = array<i32>} : memref<8x384xf32, #tpu.memory_space<vmem>>, vector<16xf32>,
    %gt3A_216 = arith.cmpf ogt, %get3A_215, %get3A_209 : vector<16xf32>
    %select_n3A_217 = arith.select %gt3A_216, %get3A_215, %get3A_209 : vector<16xi1>, vector<16xf32>
    %broadcast_in_dim3A_218 = arith.constant 1 : i32
    %broadcast_in_dim3A_219 = vector.broadcast %broadcast_in_dim3A_218 : i32 to vector<16xi32>
    %select_n3A_220 = arith.select %gt3A_216, %broadcast_in_dim3A_219, %broadcast_in_dim3A_211 : vector<16xi1>, vector<16xi32>
    %get3A_221 = arith.constant 2 : i32
    %get3A_222 = arith.index_cast %get3A_221 : i32 to index
    %get3A_223 = arith.constant 32 : index
    %get3A_224 = tpu.vector_load %arg8[%get3A_222, %get3A_223] {strides = array<i32>} : memref<8x384xf32, #tpu.memory_space<vmem>>, vector<16xf32>,
    %gt3A_225 = arith.cmpf ogt, %get3A_224, %select_n3A_217 : vector<16xf32>
    %select_n3A_226 = arith.select %gt3A_225, %get3A_224, %select_n3A_217 : vector<16xi1>, vector<16xf32>
    %broadcast_in_dim3A_227 = arith.constant 2 : i32
    %broadcast_in_dim3A_228 = vector.broadcast %broadcast_in_dim3A_227 : i32 to vector<16xi32>
    %select_n3A_229 = arith.select %gt3A_225, %broadcast_in_dim3A_228, %select_n3A_220 : vector<16xi1>, vector<16xi32>
    %get3A_230 = arith.constant 3 : i32
    %get3A_231 = arith.index_cast %get3A_230 : i32 to index
    %get3A_232 = arith.constant 32 : index
    %get3A_233 = tpu.vector_load %arg8[%get3A_231, %get3A_232] {strides = array<i32>} : memref<8x384xf32, #tpu.memory_space<vmem>>, vector<16xf32>,
    %gt3A_234 = arith.cmpf ogt, %get3A_233, %select_n3A_226 : vector<16xf32>
    %select_n3A_235 = arith.select %gt3A_234, %get3A_233, %select_n3A_226 : vector<16xi1>, vector<16xf32>
    %broadcast_in_dim3A_236 = arith.constant 3 : i32
    %broadcast_in_dim3A_237 = vector.broadcast %broadcast_in_dim3A_236 : i32 to vector<16xi32>
    %select_n3A_238 = arith.select %gt3A_234, %broadcast_in_dim3A_237, %select_n3A_229 : vector<16xi1>, vector<16xi32>
    %get3A_239 = arith.constant 4 : i32
    %get3A_240 = arith.index_cast %get3A_239 : i32 to index
    %get3A_241 = arith.constant 32 : index
    %get3A_242 = tpu.vector_load %arg8[%get3A_240, %get3A_241] {strides = array<i32>} : memref<8x384xf32, #tpu.memory_space<vmem>>, vector<16xf32>,
    %gt3A_243 = arith.cmpf ogt, %get3A_242, %select_n3A_235 : vector<16xf32>
    %select_n3A_244 = arith.select %gt3A_243, %get3A_242, %select_n3A_235 : vector<16xi1>, vector<16xf32>
    %broadcast_in_dim3A_245 = arith.constant 4 : i32
    %broadcast_in_dim3A_246 = vector.broadcast %broadcast_in_dim3A_245 : i32 to vector<16xi32>
    %select_n3A_247 = arith.select %gt3A_243, %broadcast_in_dim3A_246, %select_n3A_238 : vector<16xi1>, vector<16xi32>
    %get3A_248 = arith.constant 5 : i32
    %get3A_249 = arith.index_cast %get3A_248 : i32 to index
    %get3A_250 = arith.constant 32 : index
    %get3A_251 = tpu.vector_load %arg8[%get3A_249, %get3A_250] {strides = array<i32>} : memref<8x384xf32, #tpu.memory_space<vmem>>, vector<16xf32>,
    %gt3A_252 = arith.cmpf ogt, %get3A_251, %select_n3A_244 : vector<16xf32>
    %select_n3A_253 = arith.select %gt3A_252, %get3A_251, %select_n3A_244 : vector<16xi1>, vector<16xf32>
    %broadcast_in_dim3A_254 = arith.constant 5 : i32
    %broadcast_in_dim3A_255 = vector.broadcast %broadcast_in_dim3A_254 : i32 to vector<16xi32>
    %select_n3A_256 = arith.select %gt3A_252, %broadcast_in_dim3A_255, %select_n3A_247 : vector<16xi1>, vector<16xi32>
    %get3A_257 = arith.constant 6 : i32
    %get3A_258 = arith.index_cast %get3A_257 : i32 to index
    %get3A_259 = arith.constant 32 : index
    %get3A_260 = tpu.vector_load %arg8[%get3A_258, %get3A_259] {strides = array<i32>} : memref<8x384xf32, #tpu.memory_space<vmem>>, vector<16xf32>,
    %gt3A_261 = arith.cmpf ogt, %get3A_260, %select_n3A_253 : vector<16xf32>
    %select_n3A_262 = arith.select %gt3A_261, %get3A_260, %select_n3A_253 : vector<16xi1>, vector<16xf32>
    %broadcast_in_dim3A_263 = arith.constant 6 : i32
    %broadcast_in_dim3A_264 = vector.broadcast %broadcast_in_dim3A_263 : i32 to vector<16xi32>
    %select_n3A_265 = arith.select %gt3A_261, %broadcast_in_dim3A_264, %select_n3A_256 : vector<16xi1>, vector<16xi32>
    %get3A_266 = arith.constant 7 : i32
    %get3A_267 = arith.index_cast %get3A_266 : i32 to index
    %get3A_268 = arith.constant 32 : index
    %get3A_269 = tpu.vector_load %arg8[%get3A_267, %get3A_268] {strides = array<i32>} : memref<8x384xf32, #tpu.memory_space<vmem>>, vector<16xf32>,
    %gt3A_270 = arith.cmpf ogt, %get3A_269, %select_n3A_262 : vector<16xf32>
    %select_n3A_271 = arith.select %gt3A_270, %get3A_269, %select_n3A_262 : vector<16xi1>, vector<16xf32>
    %broadcast_in_dim3A_272 = arith.constant 7 : i32
    %broadcast_in_dim3A_273 = vector.broadcast %broadcast_in_dim3A_272 : i32 to vector<16xi32>
    %select_n3A_274 = arith.select %gt3A_270, %broadcast_in_dim3A_273, %select_n3A_265 : vector<16xi1>, vector<16xi32>
    %swap3A_275 = arith.constant 32 : index
    %swap3A_276 = tpu.vector_load %arg10[%swap3A_275] {strides = array<i32>} : memref<384xi32, #tpu.memory_space<vmem>>, vector<16xi32>,
    tpu.vector_store %arg10[%swap3A_275], %select_n3A_274 {strides = array<i32>} : memref<384xi32, #tpu.memory_space<vmem>>, vector<16xi32>,
    tpu.vector_store_idx %arg11[%select_n3A_274], %broadcast_in_dim3A_37 {add = true} : memref<32xf32, #tpu.memory_space<vmem>>[vector<16xi32>], vector<16xf32>,
    %add3A_277 = arith.constant 8 : i32
    %add3A_278 = vector.broadcast %add3A_277 : i32 to vector<16xi32>
    %add3A_279 = arith.addi %select_n3A_274, %add3A_278 : vector<16xi32>
    %get3A_280 = arith.constant 0 : i32
    %get3A_281 = arith.index_cast %get3A_280 : i32 to index
    %get3A_282 = arith.constant 32 : index
    %get3A_283 = tpu.vector_load %arg9[%get3A_281, %get3A_282] {strides = array<i32>} : memref<2x384xf32, #tpu.memory_space<vmem>>, vector<16xf32>,
    tpu.vector_store_idx %arg11[%add3A_279], %get3A_283 {add = true} : memref<32xf32, #tpu.memory_space<vmem>>[vector<16xi32>], vector<16xf32>,
    %add3A_284 = arith.constant 16 : i32
    %add3A_285 = vector.broadcast %add3A_284 : i32 to vector<16xi32>
    %add3A_286 = arith.addi %select_n3A_274, %add3A_285 : vector<16xi32>
    %get3A_287 = arith.constant 1 : i32
    %get3A_288 = arith.index_cast %get3A_287 : i32 to index
    %get3A_289 = arith.constant 32 : index
    %get3A_290 = tpu.vector_load %arg9[%get3A_288, %get3A_289] {strides = array<i32>} : memref<2x384xf32, #tpu.memory_space<vmem>>, vector<16xf32>,
    tpu.vector_store_idx %arg11[%add3A_286], %get3A_290 {add = true} : memref<32xf32, #tpu.memory_space<vmem>>[vector<16xi32>], vector<16xf32>,
    %get3A_291 = arith.constant 0 : i32
    %get3A_292 = arith.index_cast %get3A_291 : i32 to index
    %get3A_293 = arith.constant 48 : index
    %get3A_294 = tpu.vector_load %arg8[%get3A_292, %get3A_293] {strides = array<i32>} : memref<8x384xf32, #tpu.memory_space<vmem>>, vector<16xf32>,
    %broadcast_in_dim3A_295 = arith.constant 0 : i32
    %broadcast_in_dim3A_296 = vector.broadcast %broadcast_in_dim3A_295 : i32 to vector<16xi32>
    %get3A_297 = arith.constant 1 : i32
    %get3A_298 = arith.index_cast %get3A_297 : i32 to index
    %get3A_299 = arith.constant 48 : index
    %get3A_300 = tpu.vector_load %arg8[%get3A_298, %get3A_299] {strides = array<i32>} : memref<8x384xf32, #tpu.memory_space<vmem>>, vector<16xf32>,
    %gt3A_301 = arith.cmpf ogt, %get3A_300, %get3A_294 : vector<16xf32>
    %select_n3A_302 = arith.select %gt3A_301, %get3A_300, %get3A_294 : vector<16xi1>, vector<16xf32>
    %broadcast_in_dim3A_303 = arith.constant 1 : i32
    %broadcast_in_dim3A_304 = vector.broadcast %broadcast_in_dim3A_303 : i32 to vector<16xi32>
    %select_n3A_305 = arith.select %gt3A_301, %broadcast_in_dim3A_304, %broadcast_in_dim3A_296 : vector<16xi1>, vector<16xi32>
    %get3A_306 = arith.constant 2 : i32
    %get3A_307 = arith.index_cast %get3A_306 : i32 to index
    %get3A_308 = arith.constant 48 : index
    %get3A_309 = tpu.vector_load %arg8[%get3A_307, %get3A_308] {strides = array<i32>} : memref<8x384xf32, #tpu.memory_space<vmem>>, vector<16xf32>,
    %gt3A_310 = arith.cmpf ogt, %get3A_309, %select_n3A_302 : vector<16xf32>
    %select_n3A_311 = arith.select %gt3A_310, %get3A_309, %select_n3A_302 : vector<16xi1>, vector<16xf32>
    %broadcast_in_dim3A_312 = arith.constant 2 : i32
    %broadcast_in_dim3A_313 = vector.broadcast %broadcast_in_dim3A_312 : i32 to vector<16xi32>
    %select_n3A_314 = arith.select %gt3A_310, %broadcast_in_dim3A_313, %select_n3A_305 : vector<16xi1>, vector<16xi32>
    %get3A_315 = arith.constant 3 : i32
    %get3A_316 = arith.index_cast %get3A_315 : i32 to index
    %get3A_317 = arith.constant 48 : index
    %get3A_318 = tpu.vector_load %arg8[%get3A_316, %get3A_317] {strides = array<i32>} : memref<8x384xf32, #tpu.memory_space<vmem>>, vector<16xf32>,
    %gt3A_319 = arith.cmpf ogt, %get3A_318, %select_n3A_311 : vector<16xf32>
    %select_n3A_320 = arith.select %gt3A_319, %get3A_318, %select_n3A_311 : vector<16xi1>, vector<16xf32>
    %broadcast_in_dim3A_321 = arith.constant 3 : i32
    %broadcast_in_dim3A_322 = vector.broadcast %broadcast_in_dim3A_321 : i32 to vector<16xi32>
    %select_n3A_323 = arith.select %gt3A_319, %broadcast_in_dim3A_322, %select_n3A_314 : vector<16xi1>, vector<16xi32>
    %get3A_324 = arith.constant 4 : i32
    %get3A_325 = arith.index_cast %get3A_324 : i32 to index
    %get3A_326 = arith.constant 48 : index
    %get3A_327 = tpu.vector_load %arg8[%get3A_325, %get3A_326] {strides = array<i32>} : memref<8x384xf32, #tpu.memory_space<vmem>>, vector<16xf32>,
    %gt3A_328 = arith.cmpf ogt, %get3A_327, %select_n3A_320 : vector<16xf32>
    %select_n3A_329 = arith.select %gt3A_328, %get3A_327, %select_n3A_320 : vector<16xi1>, vector<16xf32>
    %broadcast_in_dim3A_330 = arith.constant 4 : i32
    %broadcast_in_dim3A_331 = vector.broadcast %broadcast_in_dim3A_330 : i32 to vector<16xi32>
    %select_n3A_332 = arith.select %gt3A_328, %broadcast_in_dim3A_331, %select_n3A_323 : vector<16xi1>, vector<16xi32>
    %get3A_333 = arith.constant 5 : i32
    %get3A_334 = arith.index_cast %get3A_333 : i32 to index
    %get3A_335 = arith.constant 48 : index
    %get3A_336 = tpu.vector_load %arg8[%get3A_334, %get3A_335] {strides = array<i32>} : memref<8x384xf32, #tpu.memory_space<vmem>>, vector<16xf32>,
    %gt3A_337 = arith.cmpf ogt, %get3A_336, %select_n3A_329 : vector<16xf32>
    %select_n3A_338 = arith.select %gt3A_337, %get3A_336, %select_n3A_329 : vector<16xi1>, vector<16xf32>
    %broadcast_in_dim3A_339 = arith.constant 5 : i32
    %broadcast_in_dim3A_340 = vector.broadcast %broadcast_in_dim3A_339 : i32 to vector<16xi32>
    %select_n3A_341 = arith.select %gt3A_337, %broadcast_in_dim3A_340, %select_n3A_332 : vector<16xi1>, vector<16xi32>
    %get3A_342 = arith.constant 6 : i32
    %get3A_343 = arith.index_cast %get3A_342 : i32 to index
    %get3A_344 = arith.constant 48 : index
    %get3A_345 = tpu.vector_load %arg8[%get3A_343, %get3A_344] {strides = array<i32>} : memref<8x384xf32, #tpu.memory_space<vmem>>, vector<16xf32>,
    %gt3A_346 = arith.cmpf ogt, %get3A_345, %select_n3A_338 : vector<16xf32>
    %select_n3A_347 = arith.select %gt3A_346, %get3A_345, %select_n3A_338 : vector<16xi1>, vector<16xf32>
    %broadcast_in_dim3A_348 = arith.constant 6 : i32
    %broadcast_in_dim3A_349 = vector.broadcast %broadcast_in_dim3A_348 : i32 to vector<16xi32>
    %select_n3A_350 = arith.select %gt3A_346, %broadcast_in_dim3A_349, %select_n3A_341 : vector<16xi1>, vector<16xi32>
    %get3A_351 = arith.constant 7 : i32
    %get3A_352 = arith.index_cast %get3A_351 : i32 to index
    %get3A_353 = arith.constant 48 : index
    %get3A_354 = tpu.vector_load %arg8[%get3A_352, %get3A_353] {strides = array<i32>} : memref<8x384xf32, #tpu.memory_space<vmem>>, vector<16xf32>,
    %gt3A_355 = arith.cmpf ogt, %get3A_354, %select_n3A_347 : vector<16xf32>
    %select_n3A_356 = arith.select %gt3A_355, %get3A_354, %select_n3A_347 : vector<16xi1>, vector<16xf32>
    %broadcast_in_dim3A_357 = arith.constant 7 : i32
    %broadcast_in_dim3A_358 = vector.broadcast %broadcast_in_dim3A_357 : i32 to vector<16xi32>
    %select_n3A_359 = arith.select %gt3A_355, %broadcast_in_dim3A_358, %select_n3A_350 : vector<16xi1>, vector<16xi32>
    %swap3A_360 = arith.constant 48 : index
    %swap3A_361 = tpu.vector_load %arg10[%swap3A_360] {strides = array<i32>} : memref<384xi32, #tpu.memory_space<vmem>>, vector<16xi32>,
    tpu.vector_store %arg10[%swap3A_360], %select_n3A_359 {strides = array<i32>} : memref<384xi32, #tpu.memory_space<vmem>>, vector<16xi32>,
    tpu.vector_store_idx %arg11[%select_n3A_359], %broadcast_in_dim3A_37 {add = true} : memref<32xf32, #tpu.memory_space<vmem>>[vector<16xi32>], vector<16xf32>,
    %add3A_362 = arith.constant 8 : i32
    %add3A_363 = vector.broadcast %add3A_362 : i32 to vector<16xi32>
    %add3A_364 = arith.addi %select_n3A_359, %add3A_363 : vector<16xi32>
    %get3A_365 = arith.constant 0 : i32
    %get3A_366 = arith.index_cast %get3A_365 : i32 to index
    %get3A_367 = arith.constant 48 : index
    %get3A_368 = tpu.vector_load %arg9[%get3A_366, %get3A_367] {strides = array<i32>} : memref<2x384xf32, #tpu.memory_space<vmem>>, vector<16xf32>,
    tpu.vector_store_idx %arg11[%add3A_364], %get3A_368 {add = true} : memref<32xf32, #tpu.memory_space<vmem>>[vector<16xi32>], vector<16xf32>,
    %add3A_369 = arith.constant 16 : i32
    %add3A_370 = vector.broadcast %add3A_369 : i32 to vector<16xi32>
    %add3A_371 = arith.addi %select_n3A_359, %add3A_370 : vector<16xi32>
    %get3A_372 = arith.constant 1 : i32
    %get3A_373 = arith.index_cast %get3A_372 : i32 to index
    %get3A_374 = arith.constant 48 : index
    %get3A_375 = tpu.vector_load %arg9[%get3A_373, %get3A_374] {strides = array<i32>} : memref<2x384xf32, #tpu.memory_space<vmem>>, vector<16xf32>,
    tpu.vector_store_idx %arg11[%add3A_371], %get3A_375 {add = true} : memref<32xf32, #tpu.memory_space<vmem>>[vector<16xi32>], vector<16xf32>,
    %get3A_376 = arith.constant 0 : i32
    %get3A_377 = arith.index_cast %get3A_376 : i32 to index
    %get3A_378 = arith.constant 64 : index
    %get3A_379 = tpu.vector_load %arg8[%get3A_377, %get3A_378] {strides = array<i32>} : memref<8x384xf32, #tpu.memory_space<vmem>>, vector<16xf32>,
    %broadcast_in_dim3A_380 = arith.constant 0 : i32
    %broadcast_in_dim3A_381 = vector.broadcast %broadcast_in_dim3A_380 : i32 to vector<16xi32>
    %get3A_382 = arith.constant 1 : i32
    %get3A_383 = arith.index_cast %get3A_382 : i32 to index
    %get3A_384 = arith.constant 64 : index
    %get3A_385 = tpu.vector_load %arg8[%get3A_383, %get3A_384] {strides = array<i32>} : memref<8x384xf32, #tpu.memory_space<vmem>>, vector<16xf32>,
    %gt3A_386 = arith.cmpf ogt, %get3A_385, %get3A_379 : vector<16xf32>
    %select_n3A_387 = arith.select %gt3A_386, %get3A_385, %get3A_379 : vector<16xi1>, vector<16xf32>
    %broadcast_in_dim3A_388 = arith.constant 1 : i32
    %broadcast_in_dim3A_389 = vector.broadcast %broadcast_in_dim3A_388 : i32 to vector<16xi32>
    %select_n3A_390 = arith.select %gt3A_386, %broadcast_in_dim3A_389, %broadcast_in_dim3A_381 : vector<16xi1>, vector<16xi32>
    %get3A_391 = arith.constant 2 : i32
    %get3A_392 = arith.index_cast %get3A_391 : i32 to index
    %get3A_393 = arith.constant 64 : index
    %get3A_394 = tpu.vector_load %arg8[%get3A_392, %get3A_393] {strides = array<i32>} : memref<8x384xf32, #tpu.memory_space<vmem>>, vector<16xf32>,
    %gt3A_395 = arith.cmpf ogt, %get3A_394, %select_n3A_387 : vector<16xf32>
    %select_n3A_396 = arith.select %gt3A_395, %get3A_394, %select_n3A_387 : vector<16xi1>, vector<16xf32>
    %broadcast_in_dim3A_397 = arith.constant 2 : i32
    %broadcast_in_dim3A_398 = vector.broadcast %broadcast_in_dim3A_397 : i32 to vector<16xi32>
    %select_n3A_399 = arith.select %gt3A_395, %broadcast_in_dim3A_398, %select_n3A_390 : vector<16xi1>, vector<16xi32>
    %get3A_400 = arith.constant 3 : i32
    %get3A_401 = arith.index_cast %get3A_400 : i32 to index
    %get3A_402 = arith.constant 64 : index
    %get3A_403 = tpu.vector_load %arg8[%get3A_401, %get3A_402] {strides = array<i32>} : memref<8x384xf32, #tpu.memory_space<vmem>>, vector<16xf32>,
    %gt3A_404 = arith.cmpf ogt, %get3A_403, %select_n3A_396 : vector<16xf32>
    %select_n3A_405 = arith.select %gt3A_404, %get3A_403, %select_n3A_396 : vector<16xi1>, vector<16xf32>
    %broadcast_in_dim3A_406 = arith.constant 3 : i32
    %broadcast_in_dim3A_407 = vector.broadcast %broadcast_in_dim3A_406 : i32 to vector<16xi32>
    %select_n3A_408 = arith.select %gt3A_404, %broadcast_in_dim3A_407, %select_n3A_399 : vector<16xi1>, vector<16xi32>
    %get3A_409 = arith.constant 4 : i32
    %get3A_410 = arith.index_cast %get3A_409 : i32 to index
    %get3A_411 = arith.constant 64 : index
    %get3A_412 = tpu.vector_load %arg8[%get3A_410, %get3A_411] {strides = array<i32>} : memref<8x384xf32, #tpu.memory_space<vmem>>, vector<16xf32>,
    %gt3A_413 = arith.cmpf ogt, %get3A_412, %select_n3A_405 : vector<16xf32>
    %select_n3A_414 = arith.select %gt3A_413, %get3A_412, %select_n3A_405 : vector<16xi1>, vector<16xf32>
    %broadcast_in_dim3A_415 = arith.constant 4 : i32
    %broadcast_in_dim3A_416 = vector.broadcast %broadcast_in_dim3A_415 : i32 to vector<16xi32>
    %select_n3A_417 = arith.select %gt3A_413, %broadcast_in_dim3A_416, %select_n3A_408 : vector<16xi1>, vector<16xi32>
    %get3A_418 = arith.constant 5 : i32
    %get3A_419 = arith.index_cast %get3A_418 : i32 to index
    %get3A_420 = arith.constant 64 : index
    %get3A_421 = tpu.vector_load %arg8[%get3A_419, %get3A_420] {strides = array<i32>} : memref<8x384xf32, #tpu.memory_space<vmem>>, vector<16xf32>,
    %gt3A_422 = arith.cmpf ogt, %get3A_421, %select_n3A_414 : vector<16xf32>
    %select_n3A_423 = arith.select %gt3A_422, %get3A_421, %select_n3A_414 : vector<16xi1>, vector<16xf32>
    %broadcast_in_dim3A_424 = arith.constant 5 : i32
    %broadcast_in_dim3A_425 = vector.broadcast %broadcast_in_dim3A_424 : i32 to vector<16xi32>
    %select_n3A_426 = arith.select %gt3A_422, %broadcast_in_dim3A_425, %select_n3A_417 : vector<16xi1>, vector<16xi32>
    %get3A_427 = arith.constant 6 : i32
    %get3A_428 = arith.index_cast %get3A_427 : i32 to index
    %get3A_429 = arith.constant 64 : index
    %get3A_430 = tpu.vector_load %arg8[%get3A_428, %get3A_429] {strides = array<i32>} : memref<8x384xf32, #tpu.memory_space<vmem>>, vector<16xf32>,
    %gt3A_431 = arith.cmpf ogt, %get3A_430, %select_n3A_423 : vector<16xf32>
    %select_n3A_432 = arith.select %gt3A_431, %get3A_430, %select_n3A_423 : vector<16xi1>, vector<16xf32>
    %broadcast_in_dim3A_433 = arith.constant 6 : i32
    %broadcast_in_dim3A_434 = vector.broadcast %broadcast_in_dim3A_433 : i32 to vector<16xi32>
    %select_n3A_435 = arith.select %gt3A_431, %broadcast_in_dim3A_434, %select_n3A_426 : vector<16xi1>, vector<16xi32>
    %get3A_436 = arith.constant 7 : i32
    %get3A_437 = arith.index_cast %get3A_436 : i32 to index
    %get3A_438 = arith.constant 64 : index
    %get3A_439 = tpu.vector_load %arg8[%get3A_437, %get3A_438] {strides = array<i32>} : memref<8x384xf32, #tpu.memory_space<vmem>>, vector<16xf32>,
    %gt3A_440 = arith.cmpf ogt, %get3A_439, %select_n3A_432 : vector<16xf32>
    %select_n3A_441 = arith.select %gt3A_440, %get3A_439, %select_n3A_432 : vector<16xi1>, vector<16xf32>
    %broadcast_in_dim3A_442 = arith.constant 7 : i32
    %broadcast_in_dim3A_443 = vector.broadcast %broadcast_in_dim3A_442 : i32 to vector<16xi32>
    %select_n3A_444 = arith.select %gt3A_440, %broadcast_in_dim3A_443, %select_n3A_435 : vector<16xi1>, vector<16xi32>
    %swap3A_445 = arith.constant 64 : index
    %swap3A_446 = tpu.vector_load %arg10[%swap3A_445] {strides = array<i32>} : memref<384xi32, #tpu.memory_space<vmem>>, vector<16xi32>,
    tpu.vector_store %arg10[%swap3A_445], %select_n3A_444 {strides = array<i32>} : memref<384xi32, #tpu.memory_space<vmem>>, vector<16xi32>,
    tpu.vector_store_idx %arg11[%select_n3A_444], %broadcast_in_dim3A_37 {add = true} : memref<32xf32, #tpu.memory_space<vmem>>[vector<16xi32>], vector<16xf32>,
    %add3A_447 = arith.constant 8 : i32
    %add3A_448 = vector.broadcast %add3A_447 : i32 to vector<16xi32>
    %add3A_449 = arith.addi %select_n3A_444, %add3A_448 : vector<16xi32>
    %get3A_450 = arith.constant 0 : i32
    %get3A_451 = arith.index_cast %get3A_450 : i32 to index
    %get3A_452 = arith.constant 64 : index
    %get3A_453 = tpu.vector_load %arg9[%get3A_451, %get3A_452] {strides = array<i32>} : memref<2x384xf32, #tpu.memory_space<vmem>>, vector<16xf32>,
    tpu.vector_store_idx %arg11[%add3A_449], %get3A_453 {add = true} : memref<32xf32, #tpu.memory_space<vmem>>[vector<16xi32>], vector<16xf32>,
    %add3A_454 = arith.constant 16 : i32
    %add3A_455 = vector.broadcast %add3A_454 : i32 to vector<16xi32>
    %add3A_456 = arith.addi %select_n3A_444, %add3A_455 : vector<16xi32>
    %get3A_457 = arith.constant 1 : i32
    %get3A_458 = arith.index_cast %get3A_457 : i32 to index
    %get3A_459 = arith.constant 64 : index
    %get3A_460 = tpu.vector_load %arg9[%get3A_458, %get3A_459] {strides = array<i32>} : memref<2x384xf32, #tpu.memory_space<vmem>>, vector<16xf32>,
    tpu.vector_store_idx %arg11[%add3A_456], %get3A_460 {add = true} : memref<32xf32, #tpu.memory_space<vmem>>[vector<16xi32>], vector<16xf32>,
    %get3A_461 = arith.constant 0 : i32
    %get3A_462 = arith.index_cast %get3A_461 : i32 to index
    %get3A_463 = arith.constant 80 : index
    %get3A_464 = tpu.vector_load %arg8[%get3A_462, %get3A_463] {strides = array<i32>} : memref<8x384xf32, #tpu.memory_space<vmem>>, vector<16xf32>,
    %broadcast_in_dim3A_465 = arith.constant 0 : i32
    %broadcast_in_dim3A_466 = vector.broadcast %broadcast_in_dim3A_465 : i32 to vector<16xi32>
    %get3A_467 = arith.constant 1 : i32
    %get3A_468 = arith.index_cast %get3A_467 : i32 to index
    %get3A_469 = arith.constant 80 : index
    %get3A_470 = tpu.vector_load %arg8[%get3A_468, %get3A_469] {strides = array<i32>} : memref<8x384xf32, #tpu.memory_space<vmem>>, vector<16xf32>,
    %gt3A_471 = arith.cmpf ogt, %get3A_470, %get3A_464 : vector<16xf32>
    %select_n3A_472 = arith.select %gt3A_471, %get3A_470, %get3A_464 : vector<16xi1>, vector<16xf32>
    %broadcast_in_dim3A_473 = arith.constant 1 : i32
    %broadcast_in_dim3A_474 = vector.broadcast %broadcast_in_dim3A_473 : i32 to vector<16xi32>
    %select_n3A_475 = arith.select %gt3A_471, %broadcast_in_dim3A_474, %broadcast_in_dim3A_466 : vector<16xi1>, vector<16xi32>
    %get3A_476 = arith.constant 2 : i32
    %get3A_477 = arith.index_cast %get3A_476 : i32 to index
    %get3A_478 = arith.constant 80 : index
    %get3A_479 = tpu.vector_load %arg8[%get3A_477, %get3A_478] {strides = array<i32>} : memref<8x384xf32, #tpu.memory_space<vmem>>, vector<16xf32>,
    %gt3A_480 = arith.cmpf ogt, %get3A_479, %select_n3A_472 : vector<16xf32>
    %select_n3A_481 = arith.select %gt3A_480, %get3A_479, %select_n3A_472 : vector<16xi1>, vector<16xf32>
    %broadcast_in_dim3A_482 = arith.constant 2 : i32
    %broadcast_in_dim3A_483 = vector.broadcast %broadcast_in_dim3A_482 : i32 to vector<16xi32>
    %select_n3A_484 = arith.select %gt3A_480, %broadcast_in_dim3A_483, %select_n3A_475 : vector<16xi1>, vector<16xi32>
    %get3A_485 = arith.constant 3 : i32
    %get3A_486 = arith.index_cast %get3A_485 : i32 to index
    %get3A_487 = arith.constant 80 : index
    %get3A_488 = tpu.vector_load %arg8[%get3A_486, %get3A_487] {strides = array<i32>} : memref<8x384xf32, #tpu.memory_space<vmem>>, vector<16xf32>,
    %gt3A_489 = arith.cmpf ogt, %get3A_488, %select_n3A_481 : vector<16xf32>
    %select_n3A_490 = arith.select %gt3A_489, %get3A_488, %select_n3A_481 : vector<16xi1>, vector<16xf32>
    %broadcast_in_dim3A_491 = arith.constant 3 : i32
    %broadcast_in_dim3A_492 = vector.broadcast %broadcast_in_dim3A_491 : i32 to vector<16xi32>
    %select_n3A_493 = arith.select %gt3A_489, %broadcast_in_dim3A_492, %select_n3A_484 : vector<16xi1>, vector<16xi32>
    %get3A_494 = arith.constant 4 : i32
    %get3A_495 = arith.index_cast %get3A_494 : i32 to index
    %get3A_496 = arith.constant 80 : index
    %get3A_497 = tpu.vector_load %arg8[%get3A_495, %get3A_496] {strides = array<i32>} : memref<8x384xf32, #tpu.memory_space<vmem>>, vector<16xf32>,
    %gt3A_498 = arith.cmpf ogt, %get3A_497, %select_n3A_490 : vector<16xf32>
    %select_n3A_499 = arith.select %gt3A_498, %get3A_497, %select_n3A_490 : vector<16xi1>, vector<16xf32>
    %broadcast_in_dim3A_500 = arith.constant 4 : i32
    %broadcast_in_dim3A_501 = vector.broadcast %broadcast_in_dim3A_500 : i32 to vector<16xi32>
    %select_n3A_502 = arith.select %gt3A_498, %broadcast_in_dim3A_501, %select_n3A_493 : vector<16xi1>, vector<16xi32>
    %get3A_503 = arith.constant 5 : i32
    %get3A_504 = arith.index_cast %get3A_503 : i32 to index
    %get3A_505 = arith.constant 80 : index
    %get3A_506 = tpu.vector_load %arg8[%get3A_504, %get3A_505] {strides = array<i32>} : memref<8x384xf32, #tpu.memory_space<vmem>>, vector<16xf32>,
    %gt3A_507 = arith.cmpf ogt, %get3A_506, %select_n3A_499 : vector<16xf32>
    %select_n3A_508 = arith.select %gt3A_507, %get3A_506, %select_n3A_499 : vector<16xi1>, vector<16xf32>
    %broadcast_in_dim3A_509 = arith.constant 5 : i32
    %broadcast_in_dim3A_510 = vector.broadcast %broadcast_in_dim3A_509 : i32 to vector<16xi32>
    %select_n3A_511 = arith.select %gt3A_507, %broadcast_in_dim3A_510, %select_n3A_502 : vector<16xi1>, vector<16xi32>
    %get3A_512 = arith.constant 6 : i32
    %get3A_513 = arith.index_cast %get3A_512 : i32 to index
    %get3A_514 = arith.constant 80 : index
    %get3A_515 = tpu.vector_load %arg8[%get3A_513, %get3A_514] {strides = array<i32>} : memref<8x384xf32, #tpu.memory_space<vmem>>, vector<16xf32>,
    %gt3A_516 = arith.cmpf ogt, %get3A_515, %select_n3A_508 : vector<16xf32>
    %select_n3A_517 = arith.select %gt3A_516, %get3A_515, %select_n3A_508 : vector<16xi1>, vector<16xf32>
    %broadcast_in_dim3A_518 = arith.constant 6 : i32
    %broadcast_in_dim3A_519 = vector.broadcast %broadcast_in_dim3A_518 : i32 to vector<16xi32>
    %select_n3A_520 = arith.select %gt3A_516, %broadcast_in_dim3A_519, %select_n3A_511 : vector<16xi1>, vector<16xi32>
    %get3A_521 = arith.constant 7 : i32
    %get3A_522 = arith.index_cast %get3A_521 : i32 to index
    %get3A_523 = arith.constant 80 : index
    %get3A_524 = tpu.vector_load %arg8[%get3A_522, %get3A_523] {strides = array<i32>} : memref<8x384xf32, #tpu.memory_space<vmem>>, vector<16xf32>,
    %gt3A_525 = arith.cmpf ogt, %get3A_524, %select_n3A_517 : vector<16xf32>
    %select_n3A_526 = arith.select %gt3A_525, %get3A_524, %select_n3A_517 : vector<16xi1>, vector<16xf32>
    %broadcast_in_dim3A_527 = arith.constant 7 : i32
    %broadcast_in_dim3A_528 = vector.broadcast %broadcast_in_dim3A_527 : i32 to vector<16xi32>
    %select_n3A_529 = arith.select %gt3A_525, %broadcast_in_dim3A_528, %select_n3A_520 : vector<16xi1>, vector<16xi32>
    %swap3A_530 = arith.constant 80 : index
    %swap3A_531 = tpu.vector_load %arg10[%swap3A_530] {strides = array<i32>} : memref<384xi32, #tpu.memory_space<vmem>>, vector<16xi32>,
    tpu.vector_store %arg10[%swap3A_530], %select_n3A_529 {strides = array<i32>} : memref<384xi32, #tpu.memory_space<vmem>>, vector<16xi32>,
    tpu.vector_store_idx %arg11[%select_n3A_529], %broadcast_in_dim3A_37 {add = true} : memref<32xf32, #tpu.memory_space<vmem>>[vector<16xi32>], vector<16xf32>,
    %add3A_532 = arith.constant 8 : i32
    %add3A_533 = vector.broadcast %add3A_532 : i32 to vector<16xi32>
    %add3A_534 = arith.addi %select_n3A_529, %add3A_533 : vector<16xi32>
    %get3A_535 = arith.constant 0 : i32
    %get3A_536 = arith.index_cast %get3A_535 : i32 to index
    %get3A_537 = arith.constant 80 : index
    %get3A_538 = tpu.vector_load %arg9[%get3A_536, %get3A_537] {strides = array<i32>} : memref<2x384xf32, #tpu.memory_space<vmem>>, vector<16xf32>,
    tpu.vector_store_idx %arg11[%add3A_534], %get3A_538 {add = true} : memref<32xf32, #tpu.memory_space<vmem>>[vector<16xi32>], vector<16xf32>,
    %add3A_539 = arith.constant 16 : i32
    %add3A_540 = vector.broadcast %add3A_539 : i32 to vector<16xi32>
    %add3A_541 = arith.addi %select_n3A_529, %add3A_540 : vector<16xi32>
    %get3A_542 = arith.constant 1 : i32
    %get3A_543 = arith.index_cast %get3A_542 : i32 to index
    %get3A_544 = arith.constant 80 : index
    %get3A_545 = tpu.vector_load %arg9[%get3A_543, %get3A_544] {strides = array<i32>} : memref<2x384xf32, #tpu.memory_space<vmem>>, vector<16xf32>,
    tpu.vector_store_idx %arg11[%add3A_541], %get3A_545 {add = true} : memref<32xf32, #tpu.memory_space<vmem>>[vector<16xi32>], vector<16xf32>,
    %get3A_546 = arith.constant 0 : i32
    %get3A_547 = arith.index_cast %get3A_546 : i32 to index
    %get3A_548 = arith.constant 96 : index
    %get3A_549 = tpu.vector_load %arg8[%get3A_547, %get3A_548] {strides = array<i32>} : memref<8x384xf32, #tpu.memory_space<vmem>>, vector<16xf32>,
    %broadcast_in_dim3A_550 = arith.constant 0 : i32
    %broadcast_in_dim3A_551 = vector.broadcast %broadcast_in_dim3A_550 : i32 to vector<16xi32>
    %get3A_552 = arith.constant 1 : i32
    %get3A_553 = arith.index_cast %get3A_552 : i32 to index
    %get3A_554 = arith.constant 96 : index
    %get3A_555 = tpu.vector_load %arg8[%get3A_553, %get3A_554] {strides = array<i32>} : memref<8x384xf32, #tpu.memory_space<vmem>>, vector<16xf32>,
    %gt3A_556 = arith.cmpf ogt, %get3A_555, %get3A_549 : vector<16xf32>
    %select_n3A_557 = arith.select %gt3A_556, %get3A_555, %get3A_549 : vector<16xi1>, vector<16xf32>
    %broadcast_in_dim3A_558 = arith.constant 1 : i32
    %broadcast_in_dim3A_559 = vector.broadcast %broadcast_in_dim3A_558 : i32 to vector<16xi32>
    %select_n3A_560 = arith.select %gt3A_556, %broadcast_in_dim3A_559, %broadcast_in_dim3A_551 : vector<16xi1>, vector<16xi32>
    %get3A_561 = arith.constant 2 : i32
    %get3A_562 = arith.index_cast %get3A_561 : i32 to index
    %get3A_563 = arith.constant 96 : index
    %get3A_564 = tpu.vector_load %arg8[%get3A_562, %get3A_563] {strides = array<i32>} : memref<8x384xf32, #tpu.memory_space<vmem>>, vector<16xf32>,
    %gt3A_565 = arith.cmpf ogt, %get3A_564, %select_n3A_557 : vector<16xf32>
    %select_n3A_566 = arith.select %gt3A_565, %get3A_564, %select_n3A_557 : vector<16xi1>, vector<16xf32>
    %broadcast_in_dim3A_567 = arith.constant 2 : i32
    %broadcast_in_dim3A_568 = vector.broadcast %broadcast_in_dim3A_567 : i32 to vector<16xi32>
    %select_n3A_569 = arith.select %gt3A_565, %broadcast_in_dim3A_568, %select_n3A_560 : vector<16xi1>, vector<16xi32>
    %get3A_570 = arith.constant 3 : i32
    %get3A_571 = arith.index_cast %get3A_570 : i32 to index
    %get3A_572 = arith.constant 96 : index
    %get3A_573 = tpu.vector_load %arg8[%get3A_571, %get3A_572] {strides = array<i32>} : memref<8x384xf32, #tpu.memory_space<vmem>>, vector<16xf32>,
    %gt3A_574 = arith.cmpf ogt, %get3A_573, %select_n3A_566 : vector<16xf32>
    %select_n3A_575 = arith.select %gt3A_574, %get3A_573, %select_n3A_566 : vector<16xi1>, vector<16xf32>
    %broadcast_in_dim3A_576 = arith.constant 3 : i32
    %broadcast_in_dim3A_577 = vector.broadcast %broadcast_in_dim3A_576 : i32 to vector<16xi32>
    %select_n3A_578 = arith.select %gt3A_574, %broadcast_in_dim3A_577, %select_n3A_569 : vector<16xi1>, vector<16xi32>
    %get3A_579 = arith.constant 4 : i32
    %get3A_580 = arith.index_cast %get3A_579 : i32 to index
    %get3A_581 = arith.constant 96 : index
    %get3A_582 = tpu.vector_load %arg8[%get3A_580, %get3A_581] {strides = array<i32>} : memref<8x384xf32, #tpu.memory_space<vmem>>, vector<16xf32>,
    %gt3A_583 = arith.cmpf ogt, %get3A_582, %select_n3A_575 : vector<16xf32>
    %select_n3A_584 = arith.select %gt3A_583, %get3A_582, %select_n3A_575 : vector<16xi1>, vector<16xf32>
    %broadcast_in_dim3A_585 = arith.constant 4 : i32
    %broadcast_in_dim3A_586 = vector.broadcast %broadcast_in_dim3A_585 : i32 to vector<16xi32>
    %select_n3A_587 = arith.select %gt3A_583, %broadcast_in_dim3A_586, %select_n3A_578 : vector<16xi1>, vector<16xi32>
    %get3A_588 = arith.constant 5 : i32
    %get3A_589 = arith.index_cast %get3A_588 : i32 to index
    %get3A_590 = arith.constant 96 : index
    %get3A_591 = tpu.vector_load %arg8[%get3A_589, %get3A_590] {strides = array<i32>} : memref<8x384xf32, #tpu.memory_space<vmem>>, vector<16xf32>,
    %gt3A_592 = arith.cmpf ogt, %get3A_591, %select_n3A_584 : vector<16xf32>
    %select_n3A_593 = arith.select %gt3A_592, %get3A_591, %select_n3A_584 : vector<16xi1>, vector<16xf32>
    %broadcast_in_dim3A_594 = arith.constant 5 : i32
    %broadcast_in_dim3A_595 = vector.broadcast %broadcast_in_dim3A_594 : i32 to vector<16xi32>
    %select_n3A_596 = arith.select %gt3A_592, %broadcast_in_dim3A_595, %select_n3A_587 : vector<16xi1>, vector<16xi32>
    %get3A_597 = arith.constant 6 : i32
    %get3A_598 = arith.index_cast %get3A_597 : i32 to index
    %get3A_599 = arith.constant 96 : index
    %get3A_600 = tpu.vector_load %arg8[%get3A_598, %get3A_599] {strides = array<i32>} : memref<8x384xf32, #tpu.memory_space<vmem>>, vector<16xf32>,
    %gt3A_601 = arith.cmpf ogt, %get3A_600, %select_n3A_593 : vector<16xf32>
    %select_n3A_602 = arith.select %gt3A_601, %get3A_600, %select_n3A_593 : vector<16xi1>, vector<16xf32>
    %broadcast_in_dim3A_603 = arith.constant 6 : i32
    %broadcast_in_dim3A_604 = vector.broadcast %broadcast_in_dim3A_603 : i32 to vector<16xi32>
    %select_n3A_605 = arith.select %gt3A_601, %broadcast_in_dim3A_604, %select_n3A_596 : vector<16xi1>, vector<16xi32>
    %get3A_606 = arith.constant 7 : i32
    %get3A_607 = arith.index_cast %get3A_606 : i32 to index
    %get3A_608 = arith.constant 96 : index
    %get3A_609 = tpu.vector_load %arg8[%get3A_607, %get3A_608] {strides = array<i32>} : memref<8x384xf32, #tpu.memory_space<vmem>>, vector<16xf32>,
    %gt3A_610 = arith.cmpf ogt, %get3A_609, %select_n3A_602 : vector<16xf32>
    %select_n3A_611 = arith.select %gt3A_610, %get3A_609, %select_n3A_602 : vector<16xi1>, vector<16xf32>
    %broadcast_in_dim3A_612 = arith.constant 7 : i32
    %broadcast_in_dim3A_613 = vector.broadcast %broadcast_in_dim3A_612 : i32 to vector<16xi32>
    %select_n3A_614 = arith.select %gt3A_610, %broadcast_in_dim3A_613, %select_n3A_605 : vector<16xi1>, vector<16xi32>
    %swap3A_615 = arith.constant 96 : index
    %swap3A_616 = tpu.vector_load %arg10[%swap3A_615] {strides = array<i32>} : memref<384xi32, #tpu.memory_space<vmem>>, vector<16xi32>,
    tpu.vector_store %arg10[%swap3A_615], %select_n3A_614 {strides = array<i32>} : memref<384xi32, #tpu.memory_space<vmem>>, vector<16xi32>,
    tpu.vector_store_idx %arg11[%select_n3A_614], %broadcast_in_dim3A_37 {add = true} : memref<32xf32, #tpu.memory_space<vmem>>[vector<16xi32>], vector<16xf32>,
    %add3A_617 = arith.constant 8 : i32
    %add3A_618 = vector.broadcast %add3A_617 : i32 to vector<16xi32>
    %add3A_619 = arith.addi %select_n3A_614, %add3A_618 : vector<16xi32>
    %get3A_620 = arith.constant 0 : i32
    %get3A_621 = arith.index_cast %get3A_620 : i32 to index
    %get3A_622 = arith.constant 96 : index
    %get3A_623 = tpu.vector_load %arg9[%get3A_621, %get3A_622] {strides = array<i32>} : memref<2x384xf32, #tpu.memory_space<vmem>>, vector<16xf32>,
    tpu.vector_store_idx %arg11[%add3A_619], %get3A_623 {add = true} : memref<32xf32, #tpu.memory_space<vmem>>[vector<16xi32>], vector<16xf32>,
    %add3A_624 = arith.constant 16 : i32
    %add3A_625 = vector.broadcast %add3A_624 : i32 to vector<16xi32>
    %add3A_626 = arith.addi %select_n3A_614, %add3A_625 : vector<16xi32>
    %get3A_627 = arith.constant 1 : i32
    %get3A_628 = arith.index_cast %get3A_627 : i32 to index
    %get3A_629 = arith.constant 96 : index
    %get3A_630 = tpu.vector_load %arg9[%get3A_628, %get3A_629] {strides = array<i32>} : memref<2x384xf32, #tpu.memory_space<vmem>>, vector<16xf32>,
    tpu.vector_store_idx %arg11[%add3A_626], %get3A_630 {add = true} : memref<32xf32, #tpu.memory_space<vmem>>[vector<16xi32>], vector<16xf32>,
    %get3A_631 = arith.constant 0 : i32
    %get3A_632 = arith.index_cast %get3A_631 : i32 to index
    %get3A_633 = arith.constant 112 : index
    %get3A_634 = tpu.vector_load %arg8[%get3A_632, %get3A_633] {strides = array<i32>} : memref<8x384xf32, #tpu.memory_space<vmem>>, vector<16xf32>,
    %broadcast_in_dim3A_635 = arith.constant 0 : i32
    %broadcast_in_dim3A_636 = vector.broadcast %broadcast_in_dim3A_635 : i32 to vector<16xi32>
    %get3A_637 = arith.constant 1 : i32
    %get3A_638 = arith.index_cast %get3A_637 : i32 to index
    %get3A_639 = arith.constant 112 : index
    %get3A_640 = tpu.vector_load %arg8[%get3A_638, %get3A_639] {strides = array<i32>} : memref<8x384xf32, #tpu.memory_space<vmem>>, vector<16xf32>,
    %gt3A_641 = arith.cmpf ogt, %get3A_640, %get3A_634 : vector<16xf32>
    %select_n3A_642 = arith.select %gt3A_641, %get3A_640, %get3A_634 : vector<16xi1>, vector<16xf32>
    %broadcast_in_dim3A_643 = arith.constant 1 : i32
    %broadcast_in_dim3A_644 = vector.broadcast %broadcast_in_dim3A_643 : i32 to vector<16xi32>
    %select_n3A_645 = arith.select %gt3A_641, %broadcast_in_dim3A_644, %broadcast_in_dim3A_636 : vector<16xi1>, vector<16xi32>
    %get3A_646 = arith.constant 2 : i32
    %get3A_647 = arith.index_cast %get3A_646 : i32 to index
    %get3A_648 = arith.constant 112 : index
    %get3A_649 = tpu.vector_load %arg8[%get3A_647, %get3A_648] {strides = array<i32>} : memref<8x384xf32, #tpu.memory_space<vmem>>, vector<16xf32>,
    %gt3A_650 = arith.cmpf ogt, %get3A_649, %select_n3A_642 : vector<16xf32>
    %select_n3A_651 = arith.select %gt3A_650, %get3A_649, %select_n3A_642 : vector<16xi1>, vector<16xf32>
    %broadcast_in_dim3A_652 = arith.constant 2 : i32
    %broadcast_in_dim3A_653 = vector.broadcast %broadcast_in_dim3A_652 : i32 to vector<16xi32>
    %select_n3A_654 = arith.select %gt3A_650, %broadcast_in_dim3A_653, %select_n3A_645 : vector<16xi1>, vector<16xi32>
    %get3A_655 = arith.constant 3 : i32
    %get3A_656 = arith.index_cast %get3A_655 : i32 to index
    %get3A_657 = arith.constant 112 : index
    %get3A_658 = tpu.vector_load %arg8[%get3A_656, %get3A_657] {strides = array<i32>} : memref<8x384xf32, #tpu.memory_space<vmem>>, vector<16xf32>,
    %gt3A_659 = arith.cmpf ogt, %get3A_658, %select_n3A_651 : vector<16xf32>
    %select_n3A_660 = arith.select %gt3A_659, %get3A_658, %select_n3A_651 : vector<16xi1>, vector<16xf32>
    %broadcast_in_dim3A_661 = arith.constant 3 : i32
    %broadcast_in_dim3A_662 = vector.broadcast %broadcast_in_dim3A_661 : i32 to vector<16xi32>
    %select_n3A_663 = arith.select %gt3A_659, %broadcast_in_dim3A_662, %select_n3A_654 : vector<16xi1>, vector<16xi32>
    %get3A_664 = arith.constant 4 : i32
    %get3A_665 = arith.index_cast %get3A_664 : i32 to index
    %get3A_666 = arith.constant 112 : index
    %get3A_667 = tpu.vector_load %arg8[%get3A_665, %get3A_666] {strides = array<i32>} : memref<8x384xf32, #tpu.memory_space<vmem>>, vector<16xf32>,
    %gt3A_668 = arith.cmpf ogt, %get3A_667, %select_n3A_660 : vector<16xf32>
    %select_n3A_669 = arith.select %gt3A_668, %get3A_667, %select_n3A_660 : vector<16xi1>, vector<16xf32>
    %broadcast_in_dim3A_670 = arith.constant 4 : i32
    %broadcast_in_dim3A_671 = vector.broadcast %broadcast_in_dim3A_670 : i32 to vector<16xi32>
    %select_n3A_672 = arith.select %gt3A_668, %broadcast_in_dim3A_671, %select_n3A_663 : vector<16xi1>, vector<16xi32>
    %get3A_673 = arith.constant 5 : i32
    %get3A_674 = arith.index_cast %get3A_673 : i32 to index
    %get3A_675 = arith.constant 112 : index
    %get3A_676 = tpu.vector_load %arg8[%get3A_674, %get3A_675] {strides = array<i32>} : memref<8x384xf32, #tpu.memory_space<vmem>>, vector<16xf32>,
    %gt3A_677 = arith.cmpf ogt, %get3A_676, %select_n3A_669 : vector<16xf32>
    %select_n3A_678 = arith.select %gt3A_677, %get3A_676, %select_n3A_669 : vector<16xi1>, vector<16xf32>
    %broadcast_in_dim3A_679 = arith.constant 5 : i32
    %broadcast_in_dim3A_680 = vector.broadcast %broadcast_in_dim3A_679 : i32 to vector<16xi32>
    %select_n3A_681 = arith.select %gt3A_677, %broadcast_in_dim3A_680, %select_n3A_672 : vector<16xi1>, vector<16xi32>
    %get3A_682 = arith.constant 6 : i32
    %get3A_683 = arith.index_cast %get3A_682 : i32 to index
    %get3A_684 = arith.constant 112 : index
    %get3A_685 = tpu.vector_load %arg8[%get3A_683, %get3A_684] {strides = array<i32>} : memref<8x384xf32, #tpu.memory_space<vmem>>, vector<16xf32>,
    %gt3A_686 = arith.cmpf ogt, %get3A_685, %select_n3A_678 : vector<16xf32>
    %select_n3A_687 = arith.select %gt3A_686, %get3A_685, %select_n3A_678 : vector<16xi1>, vector<16xf32>
    %broadcast_in_dim3A_688 = arith.constant 6 : i32
    %broadcast_in_dim3A_689 = vector.broadcast %broadcast_in_dim3A_688 : i32 to vector<16xi32>
    %select_n3A_690 = arith.select %gt3A_686, %broadcast_in_dim3A_689, %select_n3A_681 : vector<16xi1>, vector<16xi32>
    %get3A_691 = arith.constant 7 : i32
    %get3A_692 = arith.index_cast %get3A_691 : i32 to index
    %get3A_693 = arith.constant 112 : index
    %get3A_694 = tpu.vector_load %arg8[%get3A_692, %get3A_693] {strides = array<i32>} : memref<8x384xf32, #tpu.memory_space<vmem>>, vector<16xf32>,
    %gt3A_695 = arith.cmpf ogt, %get3A_694, %select_n3A_687 : vector<16xf32>
    %select_n3A_696 = arith.select %gt3A_695, %get3A_694, %select_n3A_687 : vector<16xi1>, vector<16xf32>
    %broadcast_in_dim3A_697 = arith.constant 7 : i32
    %broadcast_in_dim3A_698 = vector.broadcast %broadcast_in_dim3A_697 : i32 to vector<16xi32>
    %select_n3A_699 = arith.select %gt3A_695, %broadcast_in_dim3A_698, %select_n3A_690 : vector<16xi1>, vector<16xi32>
    %swap3A_700 = arith.constant 112 : index
    %swap3A_701 = tpu.vector_load %arg10[%swap3A_700] {strides = array<i32>} : memref<384xi32, #tpu.memory_space<vmem>>, vector<16xi32>,
    tpu.vector_store %arg10[%swap3A_700], %select_n3A_699 {strides = array<i32>} : memref<384xi32, #tpu.memory_space<vmem>>, vector<16xi32>,
    tpu.vector_store_idx %arg11[%select_n3A_699], %broadcast_in_dim3A_37 {add = true} : memref<32xf32, #tpu.memory_space<vmem>>[vector<16xi32>], vector<16xf32>,
    %add3A_702 = arith.constant 8 : i32
    %add3A_703 = vector.broadcast %add3A_702 : i32 to vector<16xi32>
    %add3A_704 = arith.addi %select_n3A_699, %add3A_703 : vector<16xi32>
    %get3A_705 = arith.constant 0 : i32
    %get3A_706 = arith.index_cast %get3A_705 : i32 to index
    %get3A_707 = arith.constant 112 : index
    %get3A_708 = tpu.vector_load %arg9[%get3A_706, %get3A_707] {strides = array<i32>} : memref<2x384xf32, #tpu.memory_space<vmem>>, vector<16xf32>,
    tpu.vector_store_idx %arg11[%add3A_704], %get3A_708 {add = true} : memref<32xf32, #tpu.memory_space<vmem>>[vector<16xi32>], vector<16xf32>,
    %add3A_709 = arith.constant 16 : i32
    %add3A_710 = vector.broadcast %add3A_709 : i32 to vector<16xi32>
    %add3A_711 = arith.addi %select_n3A_699, %add3A_710 : vector<16xi32>
    %get3A_712 = arith.constant 1 : i32
    %get3A_713 = arith.index_cast %get3A_712 : i32 to index
    %get3A_714 = arith.constant 112 : index
    %get3A_715 = tpu.vector_load %arg9[%get3A_713, %get3A_714] {strides = array<i32>} : memref<2x384xf32, #tpu.memory_space<vmem>>, vector<16xf32>,
    tpu.vector_store_idx %arg11[%add3A_711], %get3A_715 {add = true} : memref<32xf32, #tpu.memory_space<vmem>>[vector<16xi32>], vector<16xf32>,
    %get3A_716 = arith.constant 0 : i32
    %get3A_717 = arith.index_cast %get3A_716 : i32 to index
    %get3A_718 = arith.constant 128 : index
    %get3A_719 = tpu.vector_load %arg8[%get3A_717, %get3A_718] {strides = array<i32>} : memref<8x384xf32, #tpu.memory_space<vmem>>, vector<16xf32>,
    %broadcast_in_dim3A_720 = arith.constant 0 : i32
    %broadcast_in_dim3A_721 = vector.broadcast %broadcast_in_dim3A_720 : i32 to vector<16xi32>
    %get3A_722 = arith.constant 1 : i32
    %get3A_723 = arith.index_cast %get3A_722 : i32 to index
    %get3A_724 = arith.constant 128 : index
    %get3A_725 = tpu.vector_load %arg8[%get3A_723, %get3A_724] {strides = array<i32>} : memref<8x384xf32, #tpu.memory_space<vmem>>, vector<16xf32>,
    %gt3A_726 = arith.cmpf ogt, %get3A_725, %get3A_719 : vector<16xf32>
    %select_n3A_727 = arith.select %gt3A_726, %get3A_725, %get3A_719 : vector<16xi1>, vector<16xf32>
    %broadcast_in_dim3A_728 = arith.constant 1 : i32
    %broadcast_in_dim3A_729 = vector.broadcast %broadcast_in_dim3A_728 : i32 to vector<16xi32>
    %select_n3A_730 = arith.select %gt3A_726, %broadcast_in_dim3A_729, %broadcast_in_dim3A_721 : vector<16xi1>, vector<16xi32>
    %get3A_731 = arith.constant 2 : i32
    %get3A_732 = arith.index_cast %get3A_731 : i32 to index
    %get3A_733 = arith.constant 128 : index
    %get3A_734 = tpu.vector_load %arg8[%get3A_732, %get3A_733] {strides = array<i32>} : memref<8x384xf32, #tpu.memory_space<vmem>>, vector<16xf32>,
    %gt3A_735 = arith.cmpf ogt, %get3A_734, %select_n3A_727 : vector<16xf32>
    %select_n3A_736 = arith.select %gt3A_735, %get3A_734, %select_n3A_727 : vector<16xi1>, vector<16xf32>
    %broadcast_in_dim3A_737 = arith.constant 2 : i32
    %broadcast_in_dim3A_738 = vector.broadcast %broadcast_in_dim3A_737 : i32 to vector<16xi32>
    %select_n3A_739 = arith.select %gt3A_735, %broadcast_in_dim3A_738, %select_n3A_730 : vector<16xi1>, vector<16xi32>
    %get3A_740 = arith.constant 3 : i32
    %get3A_741 = arith.index_cast %get3A_740 : i32 to index
    %get3A_742 = arith.constant 128 : index
    %get3A_743 = tpu.vector_load %arg8[%get3A_741, %get3A_742] {strides = array<i32>} : memref<8x384xf32, #tpu.memory_space<vmem>>, vector<16xf32>,
    %gt3A_744 = arith.cmpf ogt, %get3A_743, %select_n3A_736 : vector<16xf32>
    %select_n3A_745 = arith.select %gt3A_744, %get3A_743, %select_n3A_736 : vector<16xi1>, vector<16xf32>
    %broadcast_in_dim3A_746 = arith.constant 3 : i32
    %broadcast_in_dim3A_747 = vector.broadcast %broadcast_in_dim3A_746 : i32 to vector<16xi32>
    %select_n3A_748 = arith.select %gt3A_744, %broadcast_in_dim3A_747, %select_n3A_739 : vector<16xi1>, vector<16xi32>
    %get3A_749 = arith.constant 4 : i32
    %get3A_750 = arith.index_cast %get3A_749 : i32 to index
    %get3A_751 = arith.constant 128 : index
    %get3A_752 = tpu.vector_load %arg8[%get3A_750, %get3A_751] {strides = array<i32>} : memref<8x384xf32, #tpu.memory_space<vmem>>, vector<16xf32>,
    %gt3A_753 = arith.cmpf ogt, %get3A_752, %select_n3A_745 : vector<16xf32>
    %select_n3A_754 = arith.select %gt3A_753, %get3A_752, %select_n3A_745 : vector<16xi1>, vector<16xf32>
    %broadcast_in_dim3A_755 = arith.constant 4 : i32
    %broadcast_in_dim3A_756 = vector.broadcast %broadcast_in_dim3A_755 : i32 to vector<16xi32>
    %select_n3A_757 = arith.select %gt3A_753, %broadcast_in_dim3A_756, %select_n3A_748 : vector<16xi1>, vector<16xi32>
    %get3A_758 = arith.constant 5 : i32
    %get3A_759 = arith.index_cast %get3A_758 : i32 to index
    %get3A_760 = arith.constant 128 : index
    %get3A_761 = tpu.vector_load %arg8[%get3A_759, %get3A_760] {strides = array<i32>} : memref<8x384xf32, #tpu.memory_space<vmem>>, vector<16xf32>,
    %gt3A_762 = arith.cmpf ogt, %get3A_761, %select_n3A_754 : vector<16xf32>
    %select_n3A_763 = arith.select %gt3A_762, %get3A_761, %select_n3A_754 : vector<16xi1>, vector<16xf32>
    %broadcast_in_dim3A_764 = arith.constant 5 : i32
    %broadcast_in_dim3A_765 = vector.broadcast %broadcast_in_dim3A_764 : i32 to vector<16xi32>
    %select_n3A_766 = arith.select %gt3A_762, %broadcast_in_dim3A_765, %select_n3A_757 : vector<16xi1>, vector<16xi32>
    %get3A_767 = arith.constant 6 : i32
    %get3A_768 = arith.index_cast %get3A_767 : i32 to index
    %get3A_769 = arith.constant 128 : index
    %get3A_770 = tpu.vector_load %arg8[%get3A_768, %get3A_769] {strides = array<i32>} : memref<8x384xf32, #tpu.memory_space<vmem>>, vector<16xf32>,
    %gt3A_771 = arith.cmpf ogt, %get3A_770, %select_n3A_763 : vector<16xf32>
    %select_n3A_772 = arith.select %gt3A_771, %get3A_770, %select_n3A_763 : vector<16xi1>, vector<16xf32>
    %broadcast_in_dim3A_773 = arith.constant 6 : i32
    %broadcast_in_dim3A_774 = vector.broadcast %broadcast_in_dim3A_773 : i32 to vector<16xi32>
    %select_n3A_775 = arith.select %gt3A_771, %broadcast_in_dim3A_774, %select_n3A_766 : vector<16xi1>, vector<16xi32>
    %get3A_776 = arith.constant 7 : i32
    %get3A_777 = arith.index_cast %get3A_776 : i32 to index
    %get3A_778 = arith.constant 128 : index
    %get3A_779 = tpu.vector_load %arg8[%get3A_777, %get3A_778] {strides = array<i32>} : memref<8x384xf32, #tpu.memory_space<vmem>>, vector<16xf32>,
    %gt3A_780 = arith.cmpf ogt, %get3A_779, %select_n3A_772 : vector<16xf32>
    %select_n3A_781 = arith.select %gt3A_780, %get3A_779, %select_n3A_772 : vector<16xi1>, vector<16xf32>
    %broadcast_in_dim3A_782 = arith.constant 7 : i32
    %broadcast_in_dim3A_783 = vector.broadcast %broadcast_in_dim3A_782 : i32 to vector<16xi32>
    %select_n3A_784 = arith.select %gt3A_780, %broadcast_in_dim3A_783, %select_n3A_775 : vector<16xi1>, vector<16xi32>
    %swap3A_785 = arith.constant 128 : index
    %swap3A_786 = tpu.vector_load %arg10[%swap3A_785] {strides = array<i32>} : memref<384xi32, #tpu.memory_space<vmem>>, vector<16xi32>,
    tpu.vector_store %arg10[%swap3A_785], %select_n3A_784 {strides = array<i32>} : memref<384xi32, #tpu.memory_space<vmem>>, vector<16xi32>,
    tpu.vector_store_idx %arg11[%select_n3A_784], %broadcast_in_dim3A_37 {add = true} : memref<32xf32, #tpu.memory_space<vmem>>[vector<16xi32>], vector<16xf32>,
    %add3A_787 = arith.constant 8 : i32
    %add3A_788 = vector.broadcast %add3A_787 : i32 to vector<16xi32>
    %add3A_789 = arith.addi %select_n3A_784, %add3A_788 : vector<16xi32>
    %get3A_790 = arith.constant 0 : i32
    %get3A_791 = arith.index_cast %get3A_790 : i32 to index
    %get3A_792 = arith.constant 128 : index
    %get3A_793 = tpu.vector_load %arg9[%get3A_791, %get3A_792] {strides = array<i32>} : memref<2x384xf32, #tpu.memory_space<vmem>>, vector<16xf32>,
    tpu.vector_store_idx %arg11[%add3A_789], %get3A_793 {add = true} : memref<32xf32, #tpu.memory_space<vmem>>[vector<16xi32>], vector<16xf32>,
    %add3A_794 = arith.constant 16 : i32
    %add3A_795 = vector.broadcast %add3A_794 : i32 to vector<16xi32>
    %add3A_796 = arith.addi %select_n3A_784, %add3A_795 : vector<16xi32>
    %get3A_797 = arith.constant 1 : i32
    %get3A_798 = arith.index_cast %get3A_797 : i32 to index
    %get3A_799 = arith.constant 128 : index
    %get3A_800 = tpu.vector_load %arg9[%get3A_798, %get3A_799] {strides = array<i32>} : memref<2x384xf32, #tpu.memory_space<vmem>>, vector<16xf32>,
    tpu.vector_store_idx %arg11[%add3A_796], %get3A_800 {add = true} : memref<32xf32, #tpu.memory_space<vmem>>[vector<16xi32>], vector<16xf32>,
    %get3A_801 = arith.constant 0 : i32
    %get3A_802 = arith.index_cast %get3A_801 : i32 to index
    %get3A_803 = arith.constant 144 : index
    %get3A_804 = tpu.vector_load %arg8[%get3A_802, %get3A_803] {strides = array<i32>} : memref<8x384xf32, #tpu.memory_space<vmem>>, vector<16xf32>,
    %broadcast_in_dim3A_805 = arith.constant 0 : i32
    %broadcast_in_dim3A_806 = vector.broadcast %broadcast_in_dim3A_805 : i32 to vector<16xi32>
    %get3A_807 = arith.constant 1 : i32
    %get3A_808 = arith.index_cast %get3A_807 : i32 to index
    %get3A_809 = arith.constant 144 : index
    %get3A_810 = tpu.vector_load %arg8[%get3A_808, %get3A_809] {strides = array<i32>} : memref<8x384xf32, #tpu.memory_space<vmem>>, vector<16xf32>,
    %gt3A_811 = arith.cmpf ogt, %get3A_810, %get3A_804 : vector<16xf32>
    %select_n3A_812 = arith.select %gt3A_811, %get3A_810, %get3A_804 : vector<16xi1>, vector<16xf32>
    %broadcast_in_dim3A_813 = arith.constant 1 : i32
    %broadcast_in_dim3A_814 = vector.broadcast %broadcast_in_dim3A_813 : i32 to vector<16xi32>
    %select_n3A_815 = arith.select %gt3A_811, %broadcast_in_dim3A_814, %broadcast_in_dim3A_806 : vector<16xi1>, vector<16xi32>
    %get3A_816 = arith.constant 2 : i32
    %get3A_817 = arith.index_cast %get3A_816 : i32 to index
    %get3A_818 = arith.constant 144 : index
    %get3A_819 = tpu.vector_load %arg8[%get3A_817, %get3A_818] {strides = array<i32>} : memref<8x384xf32, #tpu.memory_space<vmem>>, vector<16xf32>,
    %gt3A_820 = arith.cmpf ogt, %get3A_819, %select_n3A_812 : vector<16xf32>
    %select_n3A_821 = arith.select %gt3A_820, %get3A_819, %select_n3A_812 : vector<16xi1>, vector<16xf32>
    %broadcast_in_dim3A_822 = arith.constant 2 : i32
    %broadcast_in_dim3A_823 = vector.broadcast %broadcast_in_dim3A_822 : i32 to vector<16xi32>
    %select_n3A_824 = arith.select %gt3A_820, %broadcast_in_dim3A_823, %select_n3A_815 : vector<16xi1>, vector<16xi32>
    %get3A_825 = arith.constant 3 : i32
    %get3A_826 = arith.index_cast %get3A_825 : i32 to index
    %get3A_827 = arith.constant 144 : index
    %get3A_828 = tpu.vector_load %arg8[%get3A_826, %get3A_827] {strides = array<i32>} : memref<8x384xf32, #tpu.memory_space<vmem>>, vector<16xf32>,
    %gt3A_829 = arith.cmpf ogt, %get3A_828, %select_n3A_821 : vector<16xf32>
    %select_n3A_830 = arith.select %gt3A_829, %get3A_828, %select_n3A_821 : vector<16xi1>, vector<16xf32>
    %broadcast_in_dim3A_831 = arith.constant 3 : i32
    %broadcast_in_dim3A_832 = vector.broadcast %broadcast_in_dim3A_831 : i32 to vector<16xi32>
    %select_n3A_833 = arith.select %gt3A_829, %broadcast_in_dim3A_832, %select_n3A_824 : vector<16xi1>, vector<16xi32>
    %get3A_834 = arith.constant 4 : i32
    %get3A_835 = arith.index_cast %get3A_834 : i32 to index
    %get3A_836 = arith.constant 144 : index
    %get3A_837 = tpu.vector_load %arg8[%get3A_835, %get3A_836] {strides = array<i32>} : memref<8x384xf32, #tpu.memory_space<vmem>>, vector<16xf32>,
    %gt3A_838 = arith.cmpf ogt, %get3A_837, %select_n3A_830 : vector<16xf32>
    %select_n3A_839 = arith.select %gt3A_838, %get3A_837, %select_n3A_830 : vector<16xi1>, vector<16xf32>
    %broadcast_in_dim3A_840 = arith.constant 4 : i32
    %broadcast_in_dim3A_841 = vector.broadcast %broadcast_in_dim3A_840 : i32 to vector<16xi32>
    %select_n3A_842 = arith.select %gt3A_838, %broadcast_in_dim3A_841, %select_n3A_833 : vector<16xi1>, vector<16xi32>
    %get3A_843 = arith.constant 5 : i32
    %get3A_844 = arith.index_cast %get3A_843 : i32 to index
    %get3A_845 = arith.constant 144 : index
    %get3A_846 = tpu.vector_load %arg8[%get3A_844, %get3A_845] {strides = array<i32>} : memref<8x384xf32, #tpu.memory_space<vmem>>, vector<16xf32>,
    %gt3A_847 = arith.cmpf ogt, %get3A_846, %select_n3A_839 : vector<16xf32>
    %select_n3A_848 = arith.select %gt3A_847, %get3A_846, %select_n3A_839 : vector<16xi1>, vector<16xf32>
    %broadcast_in_dim3A_849 = arith.constant 5 : i32
    %broadcast_in_dim3A_850 = vector.broadcast %broadcast_in_dim3A_849 : i32 to vector<16xi32>
    %select_n3A_851 = arith.select %gt3A_847, %broadcast_in_dim3A_850, %select_n3A_842 : vector<16xi1>, vector<16xi32>
    %get3A_852 = arith.constant 6 : i32
    %get3A_853 = arith.index_cast %get3A_852 : i32 to index
    %get3A_854 = arith.constant 144 : index
    %get3A_855 = tpu.vector_load %arg8[%get3A_853, %get3A_854] {strides = array<i32>} : memref<8x384xf32, #tpu.memory_space<vmem>>, vector<16xf32>,
    %gt3A_856 = arith.cmpf ogt, %get3A_855, %select_n3A_848 : vector<16xf32>
    %select_n3A_857 = arith.select %gt3A_856, %get3A_855, %select_n3A_848 : vector<16xi1>, vector<16xf32>
    %broadcast_in_dim3A_858 = arith.constant 6 : i32
    %broadcast_in_dim3A_859 = vector.broadcast %broadcast_in_dim3A_858 : i32 to vector<16xi32>
    %select_n3A_860 = arith.select %gt3A_856, %broadcast_in_dim3A_859, %select_n3A_851 : vector<16xi1>, vector<16xi32>
    %get3A_861 = arith.constant 7 : i32
    %get3A_862 = arith.index_cast %get3A_861 : i32 to index
    %get3A_863 = arith.constant 144 : index
    %get3A_864 = tpu.vector_load %arg8[%get3A_862, %get3A_863] {strides = array<i32>} : memref<8x384xf32, #tpu.memory_space<vmem>>, vector<16xf32>,
    %gt3A_865 = arith.cmpf ogt, %get3A_864, %select_n3A_857 : vector<16xf32>
    %select_n3A_866 = arith.select %gt3A_865, %get3A_864, %select_n3A_857 : vector<16xi1>, vector<16xf32>
    %broadcast_in_dim3A_867 = arith.constant 7 : i32
    %broadcast_in_dim3A_868 = vector.broadcast %broadcast_in_dim3A_867 : i32 to vector<16xi32>
    %select_n3A_869 = arith.select %gt3A_865, %broadcast_in_dim3A_868, %select_n3A_860 : vector<16xi1>, vector<16xi32>
    %swap3A_870 = arith.constant 144 : index
    %swap3A_871 = tpu.vector_load %arg10[%swap3A_870] {strides = array<i32>} : memref<384xi32, #tpu.memory_space<vmem>>, vector<16xi32>,
    tpu.vector_store %arg10[%swap3A_870], %select_n3A_869 {strides = array<i32>} : memref<384xi32, #tpu.memory_space<vmem>>, vector<16xi32>,
    tpu.vector_store_idx %arg11[%select_n3A_869], %broadcast_in_dim3A_37 {add = true} : memref<32xf32, #tpu.memory_space<vmem>>[vector<16xi32>], vector<16xf32>,
    %add3A_872 = arith.constant 8 : i32
    %add3A_873 = vector.broadcast %add3A_872 : i32 to vector<16xi32>
    %add3A_874 = arith.addi %select_n3A_869, %add3A_873 : vector<16xi32>
    %get3A_875 = arith.constant 0 : i32
    %get3A_876 = arith.index_cast %get3A_875 : i32 to index
    %get3A_877 = arith.constant 144 : index
    %get3A_878 = tpu.vector_load %arg9[%get3A_876, %get3A_877] {strides = array<i32>} : memref<2x384xf32, #tpu.memory_space<vmem>>, vector<16xf32>,
    tpu.vector_store_idx %arg11[%add3A_874], %get3A_878 {add = true} : memref<32xf32, #tpu.memory_space<vmem>>[vector<16xi32>], vector<16xf32>,
    %add3A_879 = arith.constant 16 : i32
    %add3A_880 = vector.broadcast %add3A_879 : i32 to vector<16xi32>
    %add3A_881 = arith.addi %select_n3A_869, %add3A_880 : vector<16xi32>
    %get3A_882 = arith.constant 1 : i32
    %get3A_883 = arith.index_cast %get3A_882 : i32 to index
    %get3A_884 = arith.constant 144 : index
    %get3A_885 = tpu.vector_load %arg9[%get3A_883, %get3A_884] {strides = array<i32>} : memref<2x384xf32, #tpu.memory_space<vmem>>, vector<16xf32>,
    tpu.vector_store_idx %arg11[%add3A_881], %get3A_885 {add = true} : memref<32xf32, #tpu.memory_space<vmem>>[vector<16xi32>], vector<16xf32>,
    %get3A_886 = arith.constant 0 : i32
    %get3A_887 = arith.index_cast %get3A_886 : i32 to index
    %get3A_888 = arith.constant 160 : index
    %get3A_889 = tpu.vector_load %arg8[%get3A_887, %get3A_888] {strides = array<i32>} : memref<8x384xf32, #tpu.memory_space<vmem>>, vector<16xf32>,
    %broadcast_in_dim3A_890 = arith.constant 0 : i32
    %broadcast_in_dim3A_891 = vector.broadcast %broadcast_in_dim3A_890 : i32 to vector<16xi32>
    %get3A_892 = arith.constant 1 : i32
    %get3A_893 = arith.index_cast %get3A_892 : i32 to index
    %get3A_894 = arith.constant 160 : index
    %get3A_895 = tpu.vector_load %arg8[%get3A_893, %get3A_894] {strides = array<i32>} : memref<8x384xf32, #tpu.memory_space<vmem>>, vector<16xf32>,
    %gt3A_896 = arith.cmpf ogt, %get3A_895, %get3A_889 : vector<16xf32>
    %select_n3A_897 = arith.select %gt3A_896, %get3A_895, %get3A_889 : vector<16xi1>, vector<16xf32>
    %broadcast_in_dim3A_898 = arith.constant 1 : i32
    %broadcast_in_dim3A_899 = vector.broadcast %broadcast_in_dim3A_898 : i32 to vector<16xi32>
    %select_n3A_900 = arith.select %gt3A_896, %broadcast_in_dim3A_899, %broadcast_in_dim3A_891 : vector<16xi1>, vector<16xi32>
    %get3A_901 = arith.constant 2 : i32
    %get3A_902 = arith.index_cast %get3A_901 : i32 to index
    %get3A_903 = arith.constant 160 : index
    %get3A_904 = tpu.vector_load %arg8[%get3A_902, %get3A_903] {strides = array<i32>} : memref<8x384xf32, #tpu.memory_space<vmem>>, vector<16xf32>,
    %gt3A_905 = arith.cmpf ogt, %get3A_904, %select_n3A_897 : vector<16xf32>
    %select_n3A_906 = arith.select %gt3A_905, %get3A_904, %select_n3A_897 : vector<16xi1>, vector<16xf32>
    %broadcast_in_dim3A_907 = arith.constant 2 : i32
    %broadcast_in_dim3A_908 = vector.broadcast %broadcast_in_dim3A_907 : i32 to vector<16xi32>
    %select_n3A_909 = arith.select %gt3A_905, %broadcast_in_dim3A_908, %select_n3A_900 : vector<16xi1>, vector<16xi32>
    %get3A_910 = arith.constant 3 : i32
    %get3A_911 = arith.index_cast %get3A_910 : i32 to index
    %get3A_912 = arith.constant 160 : index
    %get3A_913 = tpu.vector_load %arg8[%get3A_911, %get3A_912] {strides = array<i32>} : memref<8x384xf32, #tpu.memory_space<vmem>>, vector<16xf32>,
    %gt3A_914 = arith.cmpf ogt, %get3A_913, %select_n3A_906 : vector<16xf32>
    %select_n3A_915 = arith.select %gt3A_914, %get3A_913, %select_n3A_906 : vector<16xi1>, vector<16xf32>
    %broadcast_in_dim3A_916 = arith.constant 3 : i32
    %broadcast_in_dim3A_917 = vector.broadcast %broadcast_in_dim3A_916 : i32 to vector<16xi32>
    %select_n3A_918 = arith.select %gt3A_914, %broadcast_in_dim3A_917, %select_n3A_909 : vector<16xi1>, vector<16xi32>
    %get3A_919 = arith.constant 4 : i32
    %get3A_920 = arith.index_cast %get3A_919 : i32 to index
    %get3A_921 = arith.constant 160 : index
    %get3A_922 = tpu.vector_load %arg8[%get3A_920, %get3A_921] {strides = array<i32>} : memref<8x384xf32, #tpu.memory_space<vmem>>, vector<16xf32>,
    %gt3A_923 = arith.cmpf ogt, %get3A_922, %select_n3A_915 : vector<16xf32>
    %select_n3A_924 = arith.select %gt3A_923, %get3A_922, %select_n3A_915 : vector<16xi1>, vector<16xf32>
    %broadcast_in_dim3A_925 = arith.constant 4 : i32
    %broadcast_in_dim3A_926 = vector.broadcast %broadcast_in_dim3A_925 : i32 to vector<16xi32>
    %select_n3A_927 = arith.select %gt3A_923, %broadcast_in_dim3A_926, %select_n3A_918 : vector<16xi1>, vector<16xi32>
    %get3A_928 = arith.constant 5 : i32
    %get3A_929 = arith.index_cast %get3A_928 : i32 to index
    %get3A_930 = arith.constant 160 : index
    %get3A_931 = tpu.vector_load %arg8[%get3A_929, %get3A_930] {strides = array<i32>} : memref<8x384xf32, #tpu.memory_space<vmem>>, vector<16xf32>,
    %gt3A_932 = arith.cmpf ogt, %get3A_931, %select_n3A_924 : vector<16xf32>
    %select_n3A_933 = arith.select %gt3A_932, %get3A_931, %select_n3A_924 : vector<16xi1>, vector<16xf32>
    %broadcast_in_dim3A_934 = arith.constant 5 : i32
    %broadcast_in_dim3A_935 = vector.broadcast %broadcast_in_dim3A_934 : i32 to vector<16xi32>
    %select_n3A_936 = arith.select %gt3A_932, %broadcast_in_dim3A_935, %select_n3A_927 : vector<16xi1>, vector<16xi32>
    %get3A_937 = arith.constant 6 : i32
    %get3A_938 = arith.index_cast %get3A_937 : i32 to index
    %get3A_939 = arith.constant 160 : index
    %get3A_940 = tpu.vector_load %arg8[%get3A_938, %get3A_939] {strides = array<i32>} : memref<8x384xf32, #tpu.memory_space<vmem>>, vector<16xf32>,
    %gt3A_941 = arith.cmpf ogt, %get3A_940, %select_n3A_933 : vector<16xf32>
    %select_n3A_942 = arith.select %gt3A_941, %get3A_940, %select_n3A_933 : vector<16xi1>, vector<16xf32>
    %broadcast_in_dim3A_943 = arith.constant 6 : i32
    %broadcast_in_dim3A_944 = vector.broadcast %broadcast_in_dim3A_943 : i32 to vector<16xi32>
    %select_n3A_945 = arith.select %gt3A_941, %broadcast_in_dim3A_944, %select_n3A_936 : vector<16xi1>, vector<16xi32>
    %get3A_946 = arith.constant 7 : i32
    %get3A_947 = arith.index_cast %get3A_946 : i32 to index
    %get3A_948 = arith.constant 160 : index
    %get3A_949 = tpu.vector_load %arg8[%get3A_947, %get3A_948] {strides = array<i32>} : memref<8x384xf32, #tpu.memory_space<vmem>>, vector<16xf32>,
    %gt3A_950 = arith.cmpf ogt, %get3A_949, %select_n3A_942 : vector<16xf32>
    %select_n3A_951 = arith.select %gt3A_950, %get3A_949, %select_n3A_942 : vector<16xi1>, vector<16xf32>
    %broadcast_in_dim3A_952 = arith.constant 7 : i32
    %broadcast_in_dim3A_953 = vector.broadcast %broadcast_in_dim3A_952 : i32 to vector<16xi32>
    %select_n3A_954 = arith.select %gt3A_950, %broadcast_in_dim3A_953, %select_n3A_945 : vector<16xi1>, vector<16xi32>
    %swap3A_955 = arith.constant 160 : index
    %swap3A_956 = tpu.vector_load %arg10[%swap3A_955] {strides = array<i32>} : memref<384xi32, #tpu.memory_space<vmem>>, vector<16xi32>,
    tpu.vector_store %arg10[%swap3A_955], %select_n3A_954 {strides = array<i32>} : memref<384xi32, #tpu.memory_space<vmem>>, vector<16xi32>,
    tpu.vector_store_idx %arg11[%select_n3A_954], %broadcast_in_dim3A_37 {add = true} : memref<32xf32, #tpu.memory_space<vmem>>[vector<16xi32>], vector<16xf32>,
    %add3A_957 = arith.constant 8 : i32
    %add3A_958 = vector.broadcast %add3A_957 : i32 to vector<16xi32>
    %add3A_959 = arith.addi %select_n3A_954, %add3A_958 : vector<16xi32>
    %get3A_960 = arith.constant 0 : i32
    %get3A_961 = arith.index_cast %get3A_960 : i32 to index
    %get3A_962 = arith.constant 160 : index
    %get3A_963 = tpu.vector_load %arg9[%get3A_961, %get3A_962] {strides = array<i32>} : memref<2x384xf32, #tpu.memory_space<vmem>>, vector<16xf32>,
    tpu.vector_store_idx %arg11[%add3A_959], %get3A_963 {add = true} : memref<32xf32, #tpu.memory_space<vmem>>[vector<16xi32>], vector<16xf32>,
    %add3A_964 = arith.constant 16 : i32
    %add3A_965 = vector.broadcast %add3A_964 : i32 to vector<16xi32>
    %add3A_966 = arith.addi %select_n3A_954, %add3A_965 : vector<16xi32>
    %get3A_967 = arith.constant 1 : i32
    %get3A_968 = arith.index_cast %get3A_967 : i32 to index
    %get3A_969 = arith.constant 160 : index
    %get3A_970 = tpu.vector_load %arg9[%get3A_968, %get3A_969] {strides = array<i32>} : memref<2x384xf32, #tpu.memory_space<vmem>>, vector<16xf32>,
    tpu.vector_store_idx %arg11[%add3A_966], %get3A_970 {add = true} : memref<32xf32, #tpu.memory_space<vmem>>[vector<16xi32>], vector<16xf32>,
    %get3A_971 = arith.constant 0 : i32
    %get3A_972 = arith.index_cast %get3A_971 : i32 to index
    %get3A_973 = arith.constant 176 : index
    %get3A_974 = tpu.vector_load %arg8[%get3A_972, %get3A_973] {strides = array<i32>} : memref<8x384xf32, #tpu.memory_space<vmem>>, vector<16xf32>,
    %broadcast_in_dim3A_975 = arith.constant 0 : i32
    %broadcast_in_dim3A_976 = vector.broadcast %broadcast_in_dim3A_975 : i32 to vector<16xi32>
    %get3A_977 = arith.constant 1 : i32
    %get3A_978 = arith.index_cast %get3A_977 : i32 to index
    %get3A_979 = arith.constant 176 : index
    %get3A_980 = tpu.vector_load %arg8[%get3A_978, %get3A_979] {strides = array<i32>} : memref<8x384xf32, #tpu.memory_space<vmem>>, vector<16xf32>,
    %gt3A_981 = arith.cmpf ogt, %get3A_980, %get3A_974 : vector<16xf32>
    %select_n3A_982 = arith.select %gt3A_981, %get3A_980, %get3A_974 : vector<16xi1>, vector<16xf32>
    %broadcast_in_dim3A_983 = arith.constant 1 : i32
    %broadcast_in_dim3A_984 = vector.broadcast %broadcast_in_dim3A_983 : i32 to vector<16xi32>
    %select_n3A_985 = arith.select %gt3A_981, %broadcast_in_dim3A_984, %broadcast_in_dim3A_976 : vector<16xi1>, vector<16xi32>
    %get3A_986 = arith.constant 2 : i32
    %get3A_987 = arith.index_cast %get3A_986 : i32 to index
    %get3A_988 = arith.constant 176 : index
    %get3A_989 = tpu.vector_load %arg8[%get3A_987, %get3A_988] {strides = array<i32>} : memref<8x384xf32, #tpu.memory_space<vmem>>, vector<16xf32>,
    %gt3A_990 = arith.cmpf ogt, %get3A_989, %select_n3A_982 : vector<16xf32>
    %select_n3A_991 = arith.select %gt3A_990, %get3A_989, %select_n3A_982 : vector<16xi1>, vector<16xf32>
    %broadcast_in_dim3A_992 = arith.constant 2 : i32
    %broadcast_in_dim3A_993 = vector.broadcast %broadcast_in_dim3A_992 : i32 to vector<16xi32>
    %select_n3A_994 = arith.select %gt3A_990, %broadcast_in_dim3A_993, %select_n3A_985 : vector<16xi1>, vector<16xi32>
    %get3A_995 = arith.constant 3 : i32
    %get3A_996 = arith.index_cast %get3A_995 : i32 to index
    %get3A_997 = arith.constant 176 : index
    %get3A_998 = tpu.vector_load %arg8[%get3A_996, %get3A_997] {strides = array<i32>} : memref<8x384xf32, #tpu.memory_space<vmem>>, vector<16xf32>,
    %gt3A_999 = arith.cmpf ogt, %get3A_998, %select_n3A_991 : vector<16xf32>
    %select_n3A_1000 = arith.select %gt3A_999, %get3A_998, %select_n3A_991 : vector<16xi1>, vector<16xf32>
    %broadcast_in_dim3A_1001 = arith.constant 3 : i32
    %broadcast_in_dim3A_1002 = vector.broadcast %broadcast_in_dim3A_1001 : i32 to vector<16xi32>
    %select_n3A_1003 = arith.select %gt3A_999, %broadcast_in_dim3A_1002, %select_n3A_994 : vector<16xi1>, vector<16xi32>
    %get3A_1004 = arith.constant 4 : i32
    %get3A_1005 = arith.index_cast %get3A_1004 : i32 to index
    %get3A_1006 = arith.constant 176 : index
    %get3A_1007 = tpu.vector_load %arg8[%get3A_1005, %get3A_1006] {strides = array<i32>} : memref<8x384xf32, #tpu.memory_space<vmem>>, vector<16xf32>,
    %gt3A_1008 = arith.cmpf ogt, %get3A_1007, %select_n3A_1000 : vector<16xf32>
    %select_n3A_1009 = arith.select %gt3A_1008, %get3A_1007, %select_n3A_1000 : vector<16xi1>, vector<16xf32>
    %broadcast_in_dim3A_1010 = arith.constant 4 : i32
    %broadcast_in_dim3A_1011 = vector.broadcast %broadcast_in_dim3A_1010 : i32 to vector<16xi32>
    %select_n3A_1012 = arith.select %gt3A_1008, %broadcast_in_dim3A_1011, %select_n3A_1003 : vector<16xi1>, vector<16xi32>
    %get3A_1013 = arith.constant 5 : i32
    %get3A_1014 = arith.index_cast %get3A_1013 : i32 to index
    %get3A_1015 = arith.constant 176 : index
    %get3A_1016 = tpu.vector_load %arg8[%get3A_1014, %get3A_1015] {strides = array<i32>} : memref<8x384xf32, #tpu.memory_space<vmem>>, vector<16xf32>,
    %gt3A_1017 = arith.cmpf ogt, %get3A_1016, %select_n3A_1009 : vector<16xf32>
    %select_n3A_1018 = arith.select %gt3A_1017, %get3A_1016, %select_n3A_1009 : vector<16xi1>, vector<16xf32>
    %broadcast_in_dim3A_1019 = arith.constant 5 : i32
    %broadcast_in_dim3A_1020 = vector.broadcast %broadcast_in_dim3A_1019 : i32 to vector<16xi32>
    %select_n3A_1021 = arith.select %gt3A_1017, %broadcast_in_dim3A_1020, %select_n3A_1012 : vector<16xi1>, vector<16xi32>
    %get3A_1022 = arith.constant 6 : i32
    %get3A_1023 = arith.index_cast %get3A_1022 : i32 to index
    %get3A_1024 = arith.constant 176 : index
    %get3A_1025 = tpu.vector_load %arg8[%get3A_1023, %get3A_1024] {strides = array<i32>} : memref<8x384xf32, #tpu.memory_space<vmem>>, vector<16xf32>,
    %gt3A_1026 = arith.cmpf ogt, %get3A_1025, %select_n3A_1018 : vector<16xf32>
    %select_n3A_1027 = arith.select %gt3A_1026, %get3A_1025, %select_n3A_1018 : vector<16xi1>, vector<16xf32>
    %broadcast_in_dim3A_1028 = arith.constant 6 : i32
    %broadcast_in_dim3A_1029 = vector.broadcast %broadcast_in_dim3A_1028 : i32 to vector<16xi32>
    %select_n3A_1030 = arith.select %gt3A_1026, %broadcast_in_dim3A_1029, %select_n3A_1021 : vector<16xi1>, vector<16xi32>
    %get3A_1031 = arith.constant 7 : i32
    %get3A_1032 = arith.index_cast %get3A_1031 : i32 to index
    %get3A_1033 = arith.constant 176 : index
    %get3A_1034 = tpu.vector_load %arg8[%get3A_1032, %get3A_1033] {strides = array<i32>} : memref<8x384xf32, #tpu.memory_space<vmem>>, vector<16xf32>,
    %gt3A_1035 = arith.cmpf ogt, %get3A_1034, %select_n3A_1027 : vector<16xf32>
    %select_n3A_1036 = arith.select %gt3A_1035, %get3A_1034, %select_n3A_1027 : vector<16xi1>, vector<16xf32>
    %broadcast_in_dim3A_1037 = arith.constant 7 : i32
    %broadcast_in_dim3A_1038 = vector.broadcast %broadcast_in_dim3A_1037 : i32 to vector<16xi32>
    %select_n3A_1039 = arith.select %gt3A_1035, %broadcast_in_dim3A_1038, %select_n3A_1030 : vector<16xi1>, vector<16xi32>
    %swap3A_1040 = arith.constant 176 : index
    %swap3A_1041 = tpu.vector_load %arg10[%swap3A_1040] {strides = array<i32>} : memref<384xi32, #tpu.memory_space<vmem>>, vector<16xi32>,
    tpu.vector_store %arg10[%swap3A_1040], %select_n3A_1039 {strides = array<i32>} : memref<384xi32, #tpu.memory_space<vmem>>, vector<16xi32>,
    tpu.vector_store_idx %arg11[%select_n3A_1039], %broadcast_in_dim3A_37 {add = true} : memref<32xf32, #tpu.memory_space<vmem>>[vector<16xi32>], vector<16xf32>,
    %add3A_1042 = arith.constant 8 : i32
    %add3A_1043 = vector.broadcast %add3A_1042 : i32 to vector<16xi32>
    %add3A_1044 = arith.addi %select_n3A_1039, %add3A_1043 : vector<16xi32>
    %get3A_1045 = arith.constant 0 : i32
    %get3A_1046 = arith.index_cast %get3A_1045 : i32 to index
    %get3A_1047 = arith.constant 176 : index
    %get3A_1048 = tpu.vector_load %arg9[%get3A_1046, %get3A_1047] {strides = array<i32>} : memref<2x384xf32, #tpu.memory_space<vmem>>, vector<16xf32>,
    tpu.vector_store_idx %arg11[%add3A_1044], %get3A_1048 {add = true} : memref<32xf32, #tpu.memory_space<vmem>>[vector<16xi32>], vector<16xf32>,
    %add3A_1049 = arith.constant 16 : i32
    %add3A_1050 = vector.broadcast %add3A_1049 : i32 to vector<16xi32>
    %add3A_1051 = arith.addi %select_n3A_1039, %add3A_1050 : vector<16xi32>
    %get3A_1052 = arith.constant 1 : i32
    %get3A_1053 = arith.index_cast %get3A_1052 : i32 to index
    %get3A_1054 = arith.constant 176 : index
    %get3A_1055 = tpu.vector_load %arg9[%get3A_1053, %get3A_1054] {strides = array<i32>} : memref<2x384xf32, #tpu.memory_space<vmem>>, vector<16xf32>,
    tpu.vector_store_idx %arg11[%add3A_1051], %get3A_1055 {add = true} : memref<32xf32, #tpu.memory_space<vmem>>[vector<16xi32>], vector<16xf32>,
    %get3A_1056 = arith.constant 0 : i32
    %get3A_1057 = arith.index_cast %get3A_1056 : i32 to index
    %get3A_1058 = arith.constant 192 : index
    %get3A_1059 = tpu.vector_load %arg8[%get3A_1057, %get3A_1058] {strides = array<i32>} : memref<8x384xf32, #tpu.memory_space<vmem>>, vector<16xf32>,
    %broadcast_in_dim3A_1060 = arith.constant 0 : i32
    %broadcast_in_dim3A_1061 = vector.broadcast %broadcast_in_dim3A_1060 : i32 to vector<16xi32>
    %get3A_1062 = arith.constant 1 : i32
    %get3A_1063 = arith.index_cast %get3A_1062 : i32 to index
    %get3A_1064 = arith.constant 192 : index
    %get3A_1065 = tpu.vector_load %arg8[%get3A_1063, %get3A_1064] {strides = array<i32>} : memref<8x384xf32, #tpu.memory_space<vmem>>, vector<16xf32>,
    %gt3A_1066 = arith.cmpf ogt, %get3A_1065, %get3A_1059 : vector<16xf32>
    %select_n3A_1067 = arith.select %gt3A_1066, %get3A_1065, %get3A_1059 : vector<16xi1>, vector<16xf32>
    %broadcast_in_dim3A_1068 = arith.constant 1 : i32
    %broadcast_in_dim3A_1069 = vector.broadcast %broadcast_in_dim3A_1068 : i32 to vector<16xi32>
    %select_n3A_1070 = arith.select %gt3A_1066, %broadcast_in_dim3A_1069, %broadcast_in_dim3A_1061 : vector<16xi1>, vector<16xi32>
    %get3A_1071 = arith.constant 2 : i32
    %get3A_1072 = arith.index_cast %get3A_1071 : i32 to index
    %get3A_1073 = arith.constant 192 : index
    %get3A_1074 = tpu.vector_load %arg8[%get3A_1072, %get3A_1073] {strides = array<i32>} : memref<8x384xf32, #tpu.memory_space<vmem>>, vector<16xf32>,
    %gt3A_1075 = arith.cmpf ogt, %get3A_1074, %select_n3A_1067 : vector<16xf32>
    %select_n3A_1076 = arith.select %gt3A_1075, %get3A_1074, %select_n3A_1067 : vector<16xi1>, vector<16xf32>
    %broadcast_in_dim3A_1077 = arith.constant 2 : i32
    %broadcast_in_dim3A_1078 = vector.broadcast %broadcast_in_dim3A_1077 : i32 to vector<16xi32>
    %select_n3A_1079 = arith.select %gt3A_1075, %broadcast_in_dim3A_1078, %select_n3A_1070 : vector<16xi1>, vector<16xi32>
    %get3A_1080 = arith.constant 3 : i32
    %get3A_1081 = arith.index_cast %get3A_1080 : i32 to index
    %get3A_1082 = arith.constant 192 : index
    %get3A_1083 = tpu.vector_load %arg8[%get3A_1081, %get3A_1082] {strides = array<i32>} : memref<8x384xf32, #tpu.memory_space<vmem>>, vector<16xf32>,
    %gt3A_1084 = arith.cmpf ogt, %get3A_1083, %select_n3A_1076 : vector<16xf32>
    %select_n3A_1085 = arith.select %gt3A_1084, %get3A_1083, %select_n3A_1076 : vector<16xi1>, vector<16xf32>
    %broadcast_in_dim3A_1086 = arith.constant 3 : i32
    %broadcast_in_dim3A_1087 = vector.broadcast %broadcast_in_dim3A_1086 : i32 to vector<16xi32>
    %select_n3A_1088 = arith.select %gt3A_1084, %broadcast_in_dim3A_1087, %select_n3A_1079 : vector<16xi1>, vector<16xi32>
    %get3A_1089 = arith.constant 4 : i32
    %get3A_1090 = arith.index_cast %get3A_1089 : i32 to index
    %get3A_1091 = arith.constant 192 : index
    %get3A_1092 = tpu.vector_load %arg8[%get3A_1090, %get3A_1091] {strides = array<i32>} : memref<8x384xf32, #tpu.memory_space<vmem>>, vector<16xf32>,
    %gt3A_1093 = arith.cmpf ogt, %get3A_1092, %select_n3A_1085 : vector<16xf32>
    %select_n3A_1094 = arith.select %gt3A_1093, %get3A_1092, %select_n3A_1085 : vector<16xi1>, vector<16xf32>
    %broadcast_in_dim3A_1095 = arith.constant 4 : i32
    %broadcast_in_dim3A_1096 = vector.broadcast %broadcast_in_dim3A_1095 : i32 to vector<16xi32>
    %select_n3A_1097 = arith.select %gt3A_1093, %broadcast_in_dim3A_1096, %select_n3A_1088 : vector<16xi1>, vector<16xi32>
    %get3A_1098 = arith.constant 5 : i32
    %get3A_1099 = arith.index_cast %get3A_1098 : i32 to index
    %get3A_1100 = arith.constant 192 : index
    %get3A_1101 = tpu.vector_load %arg8[%get3A_1099, %get3A_1100] {strides = array<i32>} : memref<8x384xf32, #tpu.memory_space<vmem>>, vector<16xf32>,
    %gt3A_1102 = arith.cmpf ogt, %get3A_1101, %select_n3A_1094 : vector<16xf32>
    %select_n3A_1103 = arith.select %gt3A_1102, %get3A_1101, %select_n3A_1094 : vector<16xi1>, vector<16xf32>
    %broadcast_in_dim3A_1104 = arith.constant 5 : i32
    %broadcast_in_dim3A_1105 = vector.broadcast %broadcast_in_dim3A_1104 : i32 to vector<16xi32>
    %select_n3A_1106 = arith.select %gt3A_1102, %broadcast_in_dim3A_1105, %select_n3A_1097 : vector<16xi1>, vector<16xi32>
    %get3A_1107 = arith.constant 6 : i32
    %get3A_1108 = arith.index_cast %get3A_1107 : i32 to index
    %get3A_1109 = arith.constant 192 : index
    %get3A_1110 = tpu.vector_load %arg8[%get3A_1108, %get3A_1109] {strides = array<i32>} : memref<8x384xf32, #tpu.memory_space<vmem>>, vector<16xf32>,
    %gt3A_1111 = arith.cmpf ogt, %get3A_1110, %select_n3A_1103 : vector<16xf32>
    %select_n3A_1112 = arith.select %gt3A_1111, %get3A_1110, %select_n3A_1103 : vector<16xi1>, vector<16xf32>
    %broadcast_in_dim3A_1113 = arith.constant 6 : i32
    %broadcast_in_dim3A_1114 = vector.broadcast %broadcast_in_dim3A_1113 : i32 to vector<16xi32>
    %select_n3A_1115 = arith.select %gt3A_1111, %broadcast_in_dim3A_1114, %select_n3A_1106 : vector<16xi1>, vector<16xi32>
    %get3A_1116 = arith.constant 7 : i32
    %get3A_1117 = arith.index_cast %get3A_1116 : i32 to index
    %get3A_1118 = arith.constant 192 : index
    %get3A_1119 = tpu.vector_load %arg8[%get3A_1117, %get3A_1118] {strides = array<i32>} : memref<8x384xf32, #tpu.memory_space<vmem>>, vector<16xf32>,
    %gt3A_1120 = arith.cmpf ogt, %get3A_1119, %select_n3A_1112 : vector<16xf32>
    %select_n3A_1121 = arith.select %gt3A_1120, %get3A_1119, %select_n3A_1112 : vector<16xi1>, vector<16xf32>
    %broadcast_in_dim3A_1122 = arith.constant 7 : i32
    %broadcast_in_dim3A_1123 = vector.broadcast %broadcast_in_dim3A_1122 : i32 to vector<16xi32>
    %select_n3A_1124 = arith.select %gt3A_1120, %broadcast_in_dim3A_1123, %select_n3A_1115 : vector<16xi1>, vector<16xi32>
    %swap3A_1125 = arith.constant 192 : index
    %swap3A_1126 = tpu.vector_load %arg10[%swap3A_1125] {strides = array<i32>} : memref<384xi32, #tpu.memory_space<vmem>>, vector<16xi32>,
    tpu.vector_store %arg10[%swap3A_1125], %select_n3A_1124 {strides = array<i32>} : memref<384xi32, #tpu.memory_space<vmem>>, vector<16xi32>,
    tpu.vector_store_idx %arg11[%select_n3A_1124], %broadcast_in_dim3A_37 {add = true} : memref<32xf32, #tpu.memory_space<vmem>>[vector<16xi32>], vector<16xf32>,
    %add3A_1127 = arith.constant 8 : i32
    %add3A_1128 = vector.broadcast %add3A_1127 : i32 to vector<16xi32>
    %add3A_1129 = arith.addi %select_n3A_1124, %add3A_1128 : vector<16xi32>
    %get3A_1130 = arith.constant 0 : i32
    %get3A_1131 = arith.index_cast %get3A_1130 : i32 to index
    %get3A_1132 = arith.constant 192 : index
    %get3A_1133 = tpu.vector_load %arg9[%get3A_1131, %get3A_1132] {strides = array<i32>} : memref<2x384xf32, #tpu.memory_space<vmem>>, vector<16xf32>,
    tpu.vector_store_idx %arg11[%add3A_1129], %get3A_1133 {add = true} : memref<32xf32, #tpu.memory_space<vmem>>[vector<16xi32>], vector<16xf32>,
    %add3A_1134 = arith.constant 16 : i32
    %add3A_1135 = vector.broadcast %add3A_1134 : i32 to vector<16xi32>
    %add3A_1136 = arith.addi %select_n3A_1124, %add3A_1135 : vector<16xi32>
    %get3A_1137 = arith.constant 1 : i32
    %get3A_1138 = arith.index_cast %get3A_1137 : i32 to index
    %get3A_1139 = arith.constant 192 : index
    %get3A_1140 = tpu.vector_load %arg9[%get3A_1138, %get3A_1139] {strides = array<i32>} : memref<2x384xf32, #tpu.memory_space<vmem>>, vector<16xf32>,
    tpu.vector_store_idx %arg11[%add3A_1136], %get3A_1140 {add = true} : memref<32xf32, #tpu.memory_space<vmem>>[vector<16xi32>], vector<16xf32>,
    %get3A_1141 = arith.constant 0 : i32
    %get3A_1142 = arith.index_cast %get3A_1141 : i32 to index
    %get3A_1143 = arith.constant 208 : index
    %get3A_1144 = tpu.vector_load %arg8[%get3A_1142, %get3A_1143] {strides = array<i32>} : memref<8x384xf32, #tpu.memory_space<vmem>>, vector<16xf32>,
    %broadcast_in_dim3A_1145 = arith.constant 0 : i32
    %broadcast_in_dim3A_1146 = vector.broadcast %broadcast_in_dim3A_1145 : i32 to vector<16xi32>
    %get3A_1147 = arith.constant 1 : i32
    %get3A_1148 = arith.index_cast %get3A_1147 : i32 to index
    %get3A_1149 = arith.constant 208 : index
    %get3A_1150 = tpu.vector_load %arg8[%get3A_1148, %get3A_1149] {strides = array<i32>} : memref<8x384xf32, #tpu.memory_space<vmem>>, vector<16xf32>,
    %gt3A_1151 = arith.cmpf ogt, %get3A_1150, %get3A_1144 : vector<16xf32>
    %select_n3A_1152 = arith.select %gt3A_1151, %get3A_1150, %get3A_1144 : vector<16xi1>, vector<16xf32>
    %broadcast_in_dim3A_1153 = arith.constant 1 : i32
    %broadcast_in_dim3A_1154 = vector.broadcast %broadcast_in_dim3A_1153 : i32 to vector<16xi32>
    %select_n3A_1155 = arith.select %gt3A_1151, %broadcast_in_dim3A_1154, %broadcast_in_dim3A_1146 : vector<16xi1>, vector<16xi32>
    %get3A_1156 = arith.constant 2 : i32
    %get3A_1157 = arith.index_cast %get3A_1156 : i32 to index
    %get3A_1158 = arith.constant 208 : index
    %get3A_1159 = tpu.vector_load %arg8[%get3A_1157, %get3A_1158] {strides = array<i32>} : memref<8x384xf32, #tpu.memory_space<vmem>>, vector<16xf32>,
    %gt3A_1160 = arith.cmpf ogt, %get3A_1159, %select_n3A_1152 : vector<16xf32>
    %select_n3A_1161 = arith.select %gt3A_1160, %get3A_1159, %select_n3A_1152 : vector<16xi1>, vector<16xf32>
    %broadcast_in_dim3A_1162 = arith.constant 2 : i32
    %broadcast_in_dim3A_1163 = vector.broadcast %broadcast_in_dim3A_1162 : i32 to vector<16xi32>
    %select_n3A_1164 = arith.select %gt3A_1160, %broadcast_in_dim3A_1163, %select_n3A_1155 : vector<16xi1>, vector<16xi32>
    %get3A_1165 = arith.constant 3 : i32
    %get3A_1166 = arith.index_cast %get3A_1165 : i32 to index
    %get3A_1167 = arith.constant 208 : index
    %get3A_1168 = tpu.vector_load %arg8[%get3A_1166, %get3A_1167] {strides = array<i32>} : memref<8x384xf32, #tpu.memory_space<vmem>>, vector<16xf32>,
    %gt3A_1169 = arith.cmpf ogt, %get3A_1168, %select_n3A_1161 : vector<16xf32>
    %select_n3A_1170 = arith.select %gt3A_1169, %get3A_1168, %select_n3A_1161 : vector<16xi1>, vector<16xf32>
    %broadcast_in_dim3A_1171 = arith.constant 3 : i32
    %broadcast_in_dim3A_1172 = vector.broadcast %broadcast_in_dim3A_1171 : i32 to vector<16xi32>
    %select_n3A_1173 = arith.select %gt3A_1169, %broadcast_in_dim3A_1172, %select_n3A_1164 : vector<16xi1>, vector<16xi32>
    %get3A_1174 = arith.constant 4 : i32
    %get3A_1175 = arith.index_cast %get3A_1174 : i32 to index
    %get3A_1176 = arith.constant 208 : index
    %get3A_1177 = tpu.vector_load %arg8[%get3A_1175, %get3A_1176] {strides = array<i32>} : memref<8x384xf32, #tpu.memory_space<vmem>>, vector<16xf32>,
    %gt3A_1178 = arith.cmpf ogt, %get3A_1177, %select_n3A_1170 : vector<16xf32>
    %select_n3A_1179 = arith.select %gt3A_1178, %get3A_1177, %select_n3A_1170 : vector<16xi1>, vector<16xf32>
    %broadcast_in_dim3A_1180 = arith.constant 4 : i32
    %broadcast_in_dim3A_1181 = vector.broadcast %broadcast_in_dim3A_1180 : i32 to vector<16xi32>
    %select_n3A_1182 = arith.select %gt3A_1178, %broadcast_in_dim3A_1181, %select_n3A_1173 : vector<16xi1>, vector<16xi32>
    %get3A_1183 = arith.constant 5 : i32
    %get3A_1184 = arith.index_cast %get3A_1183 : i32 to index
    %get3A_1185 = arith.constant 208 : index
    %get3A_1186 = tpu.vector_load %arg8[%get3A_1184, %get3A_1185] {strides = array<i32>} : memref<8x384xf32, #tpu.memory_space<vmem>>, vector<16xf32>,
    %gt3A_1187 = arith.cmpf ogt, %get3A_1186, %select_n3A_1179 : vector<16xf32>
    %select_n3A_1188 = arith.select %gt3A_1187, %get3A_1186, %select_n3A_1179 : vector<16xi1>, vector<16xf32>
    %broadcast_in_dim3A_1189 = arith.constant 5 : i32
    %broadcast_in_dim3A_1190 = vector.broadcast %broadcast_in_dim3A_1189 : i32 to vector<16xi32>
    %select_n3A_1191 = arith.select %gt3A_1187, %broadcast_in_dim3A_1190, %select_n3A_1182 : vector<16xi1>, vector<16xi32>
    %get3A_1192 = arith.constant 6 : i32
    %get3A_1193 = arith.index_cast %get3A_1192 : i32 to index
    %get3A_1194 = arith.constant 208 : index
    %get3A_1195 = tpu.vector_load %arg8[%get3A_1193, %get3A_1194] {strides = array<i32>} : memref<8x384xf32, #tpu.memory_space<vmem>>, vector<16xf32>,
    %gt3A_1196 = arith.cmpf ogt, %get3A_1195, %select_n3A_1188 : vector<16xf32>
    %select_n3A_1197 = arith.select %gt3A_1196, %get3A_1195, %select_n3A_1188 : vector<16xi1>, vector<16xf32>
    %broadcast_in_dim3A_1198 = arith.constant 6 : i32
    %broadcast_in_dim3A_1199 = vector.broadcast %broadcast_in_dim3A_1198 : i32 to vector<16xi32>
    %select_n3A_1200 = arith.select %gt3A_1196, %broadcast_in_dim3A_1199, %select_n3A_1191 : vector<16xi1>, vector<16xi32>
    %get3A_1201 = arith.constant 7 : i32
    %get3A_1202 = arith.index_cast %get3A_1201 : i32 to index
    %get3A_1203 = arith.constant 208 : index
    %get3A_1204 = tpu.vector_load %arg8[%get3A_1202, %get3A_1203] {strides = array<i32>} : memref<8x384xf32, #tpu.memory_space<vmem>>, vector<16xf32>,
    %gt3A_1205 = arith.cmpf ogt, %get3A_1204, %select_n3A_1197 : vector<16xf32>
    %select_n3A_1206 = arith.select %gt3A_1205, %get3A_1204, %select_n3A_1197 : vector<16xi1>, vector<16xf32>
    %broadcast_in_dim3A_1207 = arith.constant 7 : i32
    %broadcast_in_dim3A_1208 = vector.broadcast %broadcast_in_dim3A_1207 : i32 to vector<16xi32>
    %select_n3A_1209 = arith.select %gt3A_1205, %broadcast_in_dim3A_1208, %select_n3A_1200 : vector<16xi1>, vector<16xi32>
    %swap3A_1210 = arith.constant 208 : index
    %swap3A_1211 = tpu.vector_load %arg10[%swap3A_1210] {strides = array<i32>} : memref<384xi32, #tpu.memory_space<vmem>>, vector<16xi32>,
    tpu.vector_store %arg10[%swap3A_1210], %select_n3A_1209 {strides = array<i32>} : memref<384xi32, #tpu.memory_space<vmem>>, vector<16xi32>,
    tpu.vector_store_idx %arg11[%select_n3A_1209], %broadcast_in_dim3A_37 {add = true} : memref<32xf32, #tpu.memory_space<vmem>>[vector<16xi32>], vector<16xf32>,
    %add3A_1212 = arith.constant 8 : i32
    %add3A_1213 = vector.broadcast %add3A_1212 : i32 to vector<16xi32>
    %add3A_1214 = arith.addi %select_n3A_1209, %add3A_1213 : vector<16xi32>
    %get3A_1215 = arith.constant 0 : i32
    %get3A_1216 = arith.index_cast %get3A_1215 : i32 to index
    %get3A_1217 = arith.constant 208 : index
    %get3A_1218 = tpu.vector_load %arg9[%get3A_1216, %get3A_1217] {strides = array<i32>} : memref<2x384xf32, #tpu.memory_space<vmem>>, vector<16xf32>,
    tpu.vector_store_idx %arg11[%add3A_1214], %get3A_1218 {add = true} : memref<32xf32, #tpu.memory_space<vmem>>[vector<16xi32>], vector<16xf32>,
    %add3A_1219 = arith.constant 16 : i32
    %add3A_1220 = vector.broadcast %add3A_1219 : i32 to vector<16xi32>
    %add3A_1221 = arith.addi %select_n3A_1209, %add3A_1220 : vector<16xi32>
    %get3A_1222 = arith.constant 1 : i32
    %get3A_1223 = arith.index_cast %get3A_1222 : i32 to index
    %get3A_1224 = arith.constant 208 : index
    %get3A_1225 = tpu.vector_load %arg9[%get3A_1223, %get3A_1224] {strides = array<i32>} : memref<2x384xf32, #tpu.memory_space<vmem>>, vector<16xf32>,
    tpu.vector_store_idx %arg11[%add3A_1221], %get3A_1225 {add = true} : memref<32xf32, #tpu.memory_space<vmem>>[vector<16xi32>], vector<16xf32>,
    %get3A_1226 = arith.constant 0 : i32
    %get3A_1227 = arith.index_cast %get3A_1226 : i32 to index
    %get3A_1228 = arith.constant 224 : index
    %get3A_1229 = tpu.vector_load %arg8[%get3A_1227, %get3A_1228] {strides = array<i32>} : memref<8x384xf32, #tpu.memory_space<vmem>>, vector<16xf32>,
    %broadcast_in_dim3A_1230 = arith.constant 0 : i32
    %broadcast_in_dim3A_1231 = vector.broadcast %broadcast_in_dim3A_1230 : i32 to vector<16xi32>
    %get3A_1232 = arith.constant 1 : i32
    %get3A_1233 = arith.index_cast %get3A_1232 : i32 to index
    %get3A_1234 = arith.constant 224 : index
    %get3A_1235 = tpu.vector_load %arg8[%get3A_1233, %get3A_1234] {strides = array<i32>} : memref<8x384xf32, #tpu.memory_space<vmem>>, vector<16xf32>,
    %gt3A_1236 = arith.cmpf ogt, %get3A_1235, %get3A_1229 : vector<16xf32>
    %select_n3A_1237 = arith.select %gt3A_1236, %get3A_1235, %get3A_1229 : vector<16xi1>, vector<16xf32>
    %broadcast_in_dim3A_1238 = arith.constant 1 : i32
    %broadcast_in_dim3A_1239 = vector.broadcast %broadcast_in_dim3A_1238 : i32 to vector<16xi32>
    %select_n3A_1240 = arith.select %gt3A_1236, %broadcast_in_dim3A_1239, %broadcast_in_dim3A_1231 : vector<16xi1>, vector<16xi32>
    %get3A_1241 = arith.constant 2 : i32
    %get3A_1242 = arith.index_cast %get3A_1241 : i32 to index
    %get3A_1243 = arith.constant 224 : index
    %get3A_1244 = tpu.vector_load %arg8[%get3A_1242, %get3A_1243] {strides = array<i32>} : memref<8x384xf32, #tpu.memory_space<vmem>>, vector<16xf32>,
    %gt3A_1245 = arith.cmpf ogt, %get3A_1244, %select_n3A_1237 : vector<16xf32>
    %select_n3A_1246 = arith.select %gt3A_1245, %get3A_1244, %select_n3A_1237 : vector<16xi1>, vector<16xf32>
    %broadcast_in_dim3A_1247 = arith.constant 2 : i32
    %broadcast_in_dim3A_1248 = vector.broadcast %broadcast_in_dim3A_1247 : i32 to vector<16xi32>
    %select_n3A_1249 = arith.select %gt3A_1245, %broadcast_in_dim3A_1248, %select_n3A_1240 : vector<16xi1>, vector<16xi32>
    %get3A_1250 = arith.constant 3 : i32
    %get3A_1251 = arith.index_cast %get3A_1250 : i32 to index
    %get3A_1252 = arith.constant 224 : index
    %get3A_1253 = tpu.vector_load %arg8[%get3A_1251, %get3A_1252] {strides = array<i32>} : memref<8x384xf32, #tpu.memory_space<vmem>>, vector<16xf32>,
    %gt3A_1254 = arith.cmpf ogt, %get3A_1253, %select_n3A_1246 : vector<16xf32>
    %select_n3A_1255 = arith.select %gt3A_1254, %get3A_1253, %select_n3A_1246 : vector<16xi1>, vector<16xf32>
    %broadcast_in_dim3A_1256 = arith.constant 3 : i32
    %broadcast_in_dim3A_1257 = vector.broadcast %broadcast_in_dim3A_1256 : i32 to vector<16xi32>
    %select_n3A_1258 = arith.select %gt3A_1254, %broadcast_in_dim3A_1257, %select_n3A_1249 : vector<16xi1>, vector<16xi32>
    %get3A_1259 = arith.constant 4 : i32
    %get3A_1260 = arith.index_cast %get3A_1259 : i32 to index
    %get3A_1261 = arith.constant 224 : index
    %get3A_1262 = tpu.vector_load %arg8[%get3A_1260, %get3A_1261] {strides = array<i32>} : memref<8x384xf32, #tpu.memory_space<vmem>>, vector<16xf32>,
    %gt3A_1263 = arith.cmpf ogt, %get3A_1262, %select_n3A_1255 : vector<16xf32>
    %select_n3A_1264 = arith.select %gt3A_1263, %get3A_1262, %select_n3A_1255 : vector<16xi1>, vector<16xf32>
    %broadcast_in_dim3A_1265 = arith.constant 4 : i32
    %broadcast_in_dim3A_1266 = vector.broadcast %broadcast_in_dim3A_1265 : i32 to vector<16xi32>
    %select_n3A_1267 = arith.select %gt3A_1263, %broadcast_in_dim3A_1266, %select_n3A_1258 : vector<16xi1>, vector<16xi32>
    %get3A_1268 = arith.constant 5 : i32
    %get3A_1269 = arith.index_cast %get3A_1268 : i32 to index
    %get3A_1270 = arith.constant 224 : index
    %get3A_1271 = tpu.vector_load %arg8[%get3A_1269, %get3A_1270] {strides = array<i32>} : memref<8x384xf32, #tpu.memory_space<vmem>>, vector<16xf32>,
    %gt3A_1272 = arith.cmpf ogt, %get3A_1271, %select_n3A_1264 : vector<16xf32>
    %select_n3A_1273 = arith.select %gt3A_1272, %get3A_1271, %select_n3A_1264 : vector<16xi1>, vector<16xf32>
    %broadcast_in_dim3A_1274 = arith.constant 5 : i32
    %broadcast_in_dim3A_1275 = vector.broadcast %broadcast_in_dim3A_1274 : i32 to vector<16xi32>
    %select_n3A_1276 = arith.select %gt3A_1272, %broadcast_in_dim3A_1275, %select_n3A_1267 : vector<16xi1>, vector<16xi32>
    %get3A_1277 = arith.constant 6 : i32
    %get3A_1278 = arith.index_cast %get3A_1277 : i32 to index
    %get3A_1279 = arith.constant 224 : index
    %get3A_1280 = tpu.vector_load %arg8[%get3A_1278, %get3A_1279] {strides = array<i32>} : memref<8x384xf32, #tpu.memory_space<vmem>>, vector<16xf32>,
    %gt3A_1281 = arith.cmpf ogt, %get3A_1280, %select_n3A_1273 : vector<16xf32>
    %select_n3A_1282 = arith.select %gt3A_1281, %get3A_1280, %select_n3A_1273 : vector<16xi1>, vector<16xf32>
    %broadcast_in_dim3A_1283 = arith.constant 6 : i32
    %broadcast_in_dim3A_1284 = vector.broadcast %broadcast_in_dim3A_1283 : i32 to vector<16xi32>
    %select_n3A_1285 = arith.select %gt3A_1281, %broadcast_in_dim3A_1284, %select_n3A_1276 : vector<16xi1>, vector<16xi32>
    %get3A_1286 = arith.constant 7 : i32
    %get3A_1287 = arith.index_cast %get3A_1286 : i32 to index
    %get3A_1288 = arith.constant 224 : index
    %get3A_1289 = tpu.vector_load %arg8[%get3A_1287, %get3A_1288] {strides = array<i32>} : memref<8x384xf32, #tpu.memory_space<vmem>>, vector<16xf32>,
    %gt3A_1290 = arith.cmpf ogt, %get3A_1289, %select_n3A_1282 : vector<16xf32>
    %select_n3A_1291 = arith.select %gt3A_1290, %get3A_1289, %select_n3A_1282 : vector<16xi1>, vector<16xf32>
    %broadcast_in_dim3A_1292 = arith.constant 7 : i32
    %broadcast_in_dim3A_1293 = vector.broadcast %broadcast_in_dim3A_1292 : i32 to vector<16xi32>
    %select_n3A_1294 = arith.select %gt3A_1290, %broadcast_in_dim3A_1293, %select_n3A_1285 : vector<16xi1>, vector<16xi32>
    %swap3A_1295 = arith.constant 224 : index
    %swap3A_1296 = tpu.vector_load %arg10[%swap3A_1295] {strides = array<i32>} : memref<384xi32, #tpu.memory_space<vmem>>, vector<16xi32>,
    tpu.vector_store %arg10[%swap3A_1295], %select_n3A_1294 {strides = array<i32>} : memref<384xi32, #tpu.memory_space<vmem>>, vector<16xi32>,
    tpu.vector_store_idx %arg11[%select_n3A_1294], %broadcast_in_dim3A_37 {add = true} : memref<32xf32, #tpu.memory_space<vmem>>[vector<16xi32>], vector<16xf32>,
    %add3A_1297 = arith.constant 8 : i32
    %add3A_1298 = vector.broadcast %add3A_1297 : i32 to vector<16xi32>
    %add3A_1299 = arith.addi %select_n3A_1294, %add3A_1298 : vector<16xi32>
    %get3A_1300 = arith.constant 0 : i32
    %get3A_1301 = arith.index_cast %get3A_1300 : i32 to index
    %get3A_1302 = arith.constant 224 : index
    %get3A_1303 = tpu.vector_load %arg9[%get3A_1301, %get3A_1302] {strides = array<i32>} : memref<2x384xf32, #tpu.memory_space<vmem>>, vector<16xf32>,
    tpu.vector_store_idx %arg11[%add3A_1299], %get3A_1303 {add = true} : memref<32xf32, #tpu.memory_space<vmem>>[vector<16xi32>], vector<16xf32>,
    %add3A_1304 = arith.constant 16 : i32
    %add3A_1305 = vector.broadcast %add3A_1304 : i32 to vector<16xi32>
    %add3A_1306 = arith.addi %select_n3A_1294, %add3A_1305 : vector<16xi32>
    %get3A_1307 = arith.constant 1 : i32
    %get3A_1308 = arith.index_cast %get3A_1307 : i32 to index
    %get3A_1309 = arith.constant 224 : index
    %get3A_1310 = tpu.vector_load %arg9[%get3A_1308, %get3A_1309] {strides = array<i32>} : memref<2x384xf32, #tpu.memory_space<vmem>>, vector<16xf32>,
    tpu.vector_store_idx %arg11[%add3A_1306], %get3A_1310 {add = true} : memref<32xf32, #tpu.memory_space<vmem>>[vector<16xi32>], vector<16xf32>,
    %get3A_1311 = arith.constant 0 : i32
    %get3A_1312 = arith.index_cast %get3A_1311 : i32 to index
    %get3A_1313 = arith.constant 240 : index
    %get3A_1314 = tpu.vector_load %arg8[%get3A_1312, %get3A_1313] {strides = array<i32>} : memref<8x384xf32, #tpu.memory_space<vmem>>, vector<16xf32>,
    %broadcast_in_dim3A_1315 = arith.constant 0 : i32
    %broadcast_in_dim3A_1316 = vector.broadcast %broadcast_in_dim3A_1315 : i32 to vector<16xi32>
    %get3A_1317 = arith.constant 1 : i32
    %get3A_1318 = arith.index_cast %get3A_1317 : i32 to index
    %get3A_1319 = arith.constant 240 : index
    %get3A_1320 = tpu.vector_load %arg8[%get3A_1318, %get3A_1319] {strides = array<i32>} : memref<8x384xf32, #tpu.memory_space<vmem>>, vector<16xf32>,
    %gt3A_1321 = arith.cmpf ogt, %get3A_1320, %get3A_1314 : vector<16xf32>
    %select_n3A_1322 = arith.select %gt3A_1321, %get3A_1320, %get3A_1314 : vector<16xi1>, vector<16xf32>
    %broadcast_in_dim3A_1323 = arith.constant 1 : i32
    %broadcast_in_dim3A_1324 = vector.broadcast %broadcast_in_dim3A_1323 : i32 to vector<16xi32>
    %select_n3A_1325 = arith.select %gt3A_1321, %broadcast_in_dim3A_1324, %broadcast_in_dim3A_1316 : vector<16xi1>, vector<16xi32>
    %get3A_1326 = arith.constant 2 : i32
    %get3A_1327 = arith.index_cast %get3A_1326 : i32 to index
    %get3A_1328 = arith.constant 240 : index
    %get3A_1329 = tpu.vector_load %arg8[%get3A_1327, %get3A_1328] {strides = array<i32>} : memref<8x384xf32, #tpu.memory_space<vmem>>, vector<16xf32>,
    %gt3A_1330 = arith.cmpf ogt, %get3A_1329, %select_n3A_1322 : vector<16xf32>
    %select_n3A_1331 = arith.select %gt3A_1330, %get3A_1329, %select_n3A_1322 : vector<16xi1>, vector<16xf32>
    %broadcast_in_dim3A_1332 = arith.constant 2 : i32
    %broadcast_in_dim3A_1333 = vector.broadcast %broadcast_in_dim3A_1332 : i32 to vector<16xi32>
    %select_n3A_1334 = arith.select %gt3A_1330, %broadcast_in_dim3A_1333, %select_n3A_1325 : vector<16xi1>, vector<16xi32>
    %get3A_1335 = arith.constant 3 : i32
    %get3A_1336 = arith.index_cast %get3A_1335 : i32 to index
    %get3A_1337 = arith.constant 240 : index
    %get3A_1338 = tpu.vector_load %arg8[%get3A_1336, %get3A_1337] {strides = array<i32>} : memref<8x384xf32, #tpu.memory_space<vmem>>, vector<16xf32>,
    %gt3A_1339 = arith.cmpf ogt, %get3A_1338, %select_n3A_1331 : vector<16xf32>
    %select_n3A_1340 = arith.select %gt3A_1339, %get3A_1338, %select_n3A_1331 : vector<16xi1>, vector<16xf32>
    %broadcast_in_dim3A_1341 = arith.constant 3 : i32
    %broadcast_in_dim3A_1342 = vector.broadcast %broadcast_in_dim3A_1341 : i32 to vector<16xi32>
    %select_n3A_1343 = arith.select %gt3A_1339, %broadcast_in_dim3A_1342, %select_n3A_1334 : vector<16xi1>, vector<16xi32>
    %get3A_1344 = arith.constant 4 : i32
    %get3A_1345 = arith.index_cast %get3A_1344 : i32 to index
    %get3A_1346 = arith.constant 240 : index
    %get3A_1347 = tpu.vector_load %arg8[%get3A_1345, %get3A_1346] {strides = array<i32>} : memref<8x384xf32, #tpu.memory_space<vmem>>, vector<16xf32>,
    %gt3A_1348 = arith.cmpf ogt, %get3A_1347, %select_n3A_1340 : vector<16xf32>
    %select_n3A_1349 = arith.select %gt3A_1348, %get3A_1347, %select_n3A_1340 : vector<16xi1>, vector<16xf32>
    %broadcast_in_dim3A_1350 = arith.constant 4 : i32
    %broadcast_in_dim3A_1351 = vector.broadcast %broadcast_in_dim3A_1350 : i32 to vector<16xi32>
    %select_n3A_1352 = arith.select %gt3A_1348, %broadcast_in_dim3A_1351, %select_n3A_1343 : vector<16xi1>, vector<16xi32>
    %get3A_1353 = arith.constant 5 : i32
    %get3A_1354 = arith.index_cast %get3A_1353 : i32 to index
    %get3A_1355 = arith.constant 240 : index
    %get3A_1356 = tpu.vector_load %arg8[%get3A_1354, %get3A_1355] {strides = array<i32>} : memref<8x384xf32, #tpu.memory_space<vmem>>, vector<16xf32>,
    %gt3A_1357 = arith.cmpf ogt, %get3A_1356, %select_n3A_1349 : vector<16xf32>
    %select_n3A_1358 = arith.select %gt3A_1357, %get3A_1356, %select_n3A_1349 : vector<16xi1>, vector<16xf32>
    %broadcast_in_dim3A_1359 = arith.constant 5 : i32
    %broadcast_in_dim3A_1360 = vector.broadcast %broadcast_in_dim3A_1359 : i32 to vector<16xi32>
    %select_n3A_1361 = arith.select %gt3A_1357, %broadcast_in_dim3A_1360, %select_n3A_1352 : vector<16xi1>, vector<16xi32>
    %get3A_1362 = arith.constant 6 : i32
    %get3A_1363 = arith.index_cast %get3A_1362 : i32 to index
    %get3A_1364 = arith.constant 240 : index
    %get3A_1365 = tpu.vector_load %arg8[%get3A_1363, %get3A_1364] {strides = array<i32>} : memref<8x384xf32, #tpu.memory_space<vmem>>, vector<16xf32>,
    %gt3A_1366 = arith.cmpf ogt, %get3A_1365, %select_n3A_1358 : vector<16xf32>
    %select_n3A_1367 = arith.select %gt3A_1366, %get3A_1365, %select_n3A_1358 : vector<16xi1>, vector<16xf32>
    %broadcast_in_dim3A_1368 = arith.constant 6 : i32
    %broadcast_in_dim3A_1369 = vector.broadcast %broadcast_in_dim3A_1368 : i32 to vector<16xi32>
    %select_n3A_1370 = arith.select %gt3A_1366, %broadcast_in_dim3A_1369, %select_n3A_1361 : vector<16xi1>, vector<16xi32>
    %get3A_1371 = arith.constant 7 : i32
    %get3A_1372 = arith.index_cast %get3A_1371 : i32 to index
    %get3A_1373 = arith.constant 240 : index
    %get3A_1374 = tpu.vector_load %arg8[%get3A_1372, %get3A_1373] {strides = array<i32>} : memref<8x384xf32, #tpu.memory_space<vmem>>, vector<16xf32>,
    %gt3A_1375 = arith.cmpf ogt, %get3A_1374, %select_n3A_1367 : vector<16xf32>
    %select_n3A_1376 = arith.select %gt3A_1375, %get3A_1374, %select_n3A_1367 : vector<16xi1>, vector<16xf32>
    %broadcast_in_dim3A_1377 = arith.constant 7 : i32
    %broadcast_in_dim3A_1378 = vector.broadcast %broadcast_in_dim3A_1377 : i32 to vector<16xi32>
    %select_n3A_1379 = arith.select %gt3A_1375, %broadcast_in_dim3A_1378, %select_n3A_1370 : vector<16xi1>, vector<16xi32>
    %swap3A_1380 = arith.constant 240 : index
    %swap3A_1381 = tpu.vector_load %arg10[%swap3A_1380] {strides = array<i32>} : memref<384xi32, #tpu.memory_space<vmem>>, vector<16xi32>,
    tpu.vector_store %arg10[%swap3A_1380], %select_n3A_1379 {strides = array<i32>} : memref<384xi32, #tpu.memory_space<vmem>>, vector<16xi32>,
    tpu.vector_store_idx %arg11[%select_n3A_1379], %broadcast_in_dim3A_37 {add = true} : memref<32xf32, #tpu.memory_space<vmem>>[vector<16xi32>], vector<16xf32>,
    %add3A_1382 = arith.constant 8 : i32
    %add3A_1383 = vector.broadcast %add3A_1382 : i32 to vector<16xi32>
    %add3A_1384 = arith.addi %select_n3A_1379, %add3A_1383 : vector<16xi32>
    %get3A_1385 = arith.constant 0 : i32
    %get3A_1386 = arith.index_cast %get3A_1385 : i32 to index
    %get3A_1387 = arith.constant 240 : index
    %get3A_1388 = tpu.vector_load %arg9[%get3A_1386, %get3A_1387] {strides = array<i32>} : memref<2x384xf32, #tpu.memory_space<vmem>>, vector<16xf32>,
    tpu.vector_store_idx %arg11[%add3A_1384], %get3A_1388 {add = true} : memref<32xf32, #tpu.memory_space<vmem>>[vector<16xi32>], vector<16xf32>,
    %add3A_1389 = arith.constant 16 : i32
    %add3A_1390 = vector.broadcast %add3A_1389 : i32 to vector<16xi32>
    %add3A_1391 = arith.addi %select_n3A_1379, %add3A_1390 : vector<16xi32>
    %get3A_1392 = arith.constant 1 : i32
    %get3A_1393 = arith.index_cast %get3A_1392 : i32 to index
    %get3A_1394 = arith.constant 240 : index
    %get3A_1395 = tpu.vector_load %arg9[%get3A_1393, %get3A_1394] {strides = array<i32>} : memref<2x384xf32, #tpu.memory_space<vmem>>, vector<16xf32>,
    tpu.vector_store_idx %arg11[%add3A_1391], %get3A_1395 {add = true} : memref<32xf32, #tpu.memory_space<vmem>>[vector<16xi32>], vector<16xf32>,
    %get3A_1396 = arith.constant 0 : i32
    %get3A_1397 = arith.index_cast %get3A_1396 : i32 to index
    %get3A_1398 = arith.constant 256 : index
    %get3A_1399 = tpu.vector_load %arg8[%get3A_1397, %get3A_1398] {strides = array<i32>} : memref<8x384xf32, #tpu.memory_space<vmem>>, vector<16xf32>,
    %broadcast_in_dim3A_1400 = arith.constant 0 : i32
    %broadcast_in_dim3A_1401 = vector.broadcast %broadcast_in_dim3A_1400 : i32 to vector<16xi32>
    %get3A_1402 = arith.constant 1 : i32
    %get3A_1403 = arith.index_cast %get3A_1402 : i32 to index
    %get3A_1404 = arith.constant 256 : index
    %get3A_1405 = tpu.vector_load %arg8[%get3A_1403, %get3A_1404] {strides = array<i32>} : memref<8x384xf32, #tpu.memory_space<vmem>>, vector<16xf32>,
    %gt3A_1406 = arith.cmpf ogt, %get3A_1405, %get3A_1399 : vector<16xf32>
    %select_n3A_1407 = arith.select %gt3A_1406, %get3A_1405, %get3A_1399 : vector<16xi1>, vector<16xf32>
    %broadcast_in_dim3A_1408 = arith.constant 1 : i32
    %broadcast_in_dim3A_1409 = vector.broadcast %broadcast_in_dim3A_1408 : i32 to vector<16xi32>
    %select_n3A_1410 = arith.select %gt3A_1406, %broadcast_in_dim3A_1409, %broadcast_in_dim3A_1401 : vector<16xi1>, vector<16xi32>
    %get3A_1411 = arith.constant 2 : i32
    %get3A_1412 = arith.index_cast %get3A_1411 : i32 to index
    %get3A_1413 = arith.constant 256 : index
    %get3A_1414 = tpu.vector_load %arg8[%get3A_1412, %get3A_1413] {strides = array<i32>} : memref<8x384xf32, #tpu.memory_space<vmem>>, vector<16xf32>,
    %gt3A_1415 = arith.cmpf ogt, %get3A_1414, %select_n3A_1407 : vector<16xf32>
    %select_n3A_1416 = arith.select %gt3A_1415, %get3A_1414, %select_n3A_1407 : vector<16xi1>, vector<16xf32>
    %broadcast_in_dim3A_1417 = arith.constant 2 : i32
    %broadcast_in_dim3A_1418 = vector.broadcast %broadcast_in_dim3A_1417 : i32 to vector<16xi32>
    %select_n3A_1419 = arith.select %gt3A_1415, %broadcast_in_dim3A_1418, %select_n3A_1410 : vector<16xi1>, vector<16xi32>
    %get3A_1420 = arith.constant 3 : i32
    %get3A_1421 = arith.index_cast %get3A_1420 : i32 to index
    %get3A_1422 = arith.constant 256 : index
    %get3A_1423 = tpu.vector_load %arg8[%get3A_1421, %get3A_1422] {strides = array<i32>} : memref<8x384xf32, #tpu.memory_space<vmem>>, vector<16xf32>,
    %gt3A_1424 = arith.cmpf ogt, %get3A_1423, %select_n3A_1416 : vector<16xf32>
    %select_n3A_1425 = arith.select %gt3A_1424, %get3A_1423, %select_n3A_1416 : vector<16xi1>, vector<16xf32>
    %broadcast_in_dim3A_1426 = arith.constant 3 : i32
    %broadcast_in_dim3A_1427 = vector.broadcast %broadcast_in_dim3A_1426 : i32 to vector<16xi32>
    %select_n3A_1428 = arith.select %gt3A_1424, %broadcast_in_dim3A_1427, %select_n3A_1419 : vector<16xi1>, vector<16xi32>
    %get3A_1429 = arith.constant 4 : i32
    %get3A_1430 = arith.index_cast %get3A_1429 : i32 to index
    %get3A_1431 = arith.constant 256 : index
    %get3A_1432 = tpu.vector_load %arg8[%get3A_1430, %get3A_1431] {strides = array<i32>} : memref<8x384xf32, #tpu.memory_space<vmem>>, vector<16xf32>,
    %gt3A_1433 = arith.cmpf ogt, %get3A_1432, %select_n3A_1425 : vector<16xf32>
    %select_n3A_1434 = arith.select %gt3A_1433, %get3A_1432, %select_n3A_1425 : vector<16xi1>, vector<16xf32>
    %broadcast_in_dim3A_1435 = arith.constant 4 : i32
    %broadcast_in_dim3A_1436 = vector.broadcast %broadcast_in_dim3A_1435 : i32 to vector<16xi32>
    %select_n3A_1437 = arith.select %gt3A_1433, %broadcast_in_dim3A_1436, %select_n3A_1428 : vector<16xi1>, vector<16xi32>
    %get3A_1438 = arith.constant 5 : i32
    %get3A_1439 = arith.index_cast %get3A_1438 : i32 to index
    %get3A_1440 = arith.constant 256 : index
    %get3A_1441 = tpu.vector_load %arg8[%get3A_1439, %get3A_1440] {strides = array<i32>} : memref<8x384xf32, #tpu.memory_space<vmem>>, vector<16xf32>,
    %gt3A_1442 = arith.cmpf ogt, %get3A_1441, %select_n3A_1434 : vector<16xf32>
    %select_n3A_1443 = arith.select %gt3A_1442, %get3A_1441, %select_n3A_1434 : vector<16xi1>, vector<16xf32>
    %broadcast_in_dim3A_1444 = arith.constant 5 : i32
    %broadcast_in_dim3A_1445 = vector.broadcast %broadcast_in_dim3A_1444 : i32 to vector<16xi32>
    %select_n3A_1446 = arith.select %gt3A_1442, %broadcast_in_dim3A_1445, %select_n3A_1437 : vector<16xi1>, vector<16xi32>
    %get3A_1447 = arith.constant 6 : i32
    %get3A_1448 = arith.index_cast %get3A_1447 : i32 to index
    %get3A_1449 = arith.constant 256 : index
    %get3A_1450 = tpu.vector_load %arg8[%get3A_1448, %get3A_1449] {strides = array<i32>} : memref<8x384xf32, #tpu.memory_space<vmem>>, vector<16xf32>,
    %gt3A_1451 = arith.cmpf ogt, %get3A_1450, %select_n3A_1443 : vector<16xf32>
    %select_n3A_1452 = arith.select %gt3A_1451, %get3A_1450, %select_n3A_1443 : vector<16xi1>, vector<16xf32>
    %broadcast_in_dim3A_1453 = arith.constant 6 : i32
    %broadcast_in_dim3A_1454 = vector.broadcast %broadcast_in_dim3A_1453 : i32 to vector<16xi32>
    %select_n3A_1455 = arith.select %gt3A_1451, %broadcast_in_dim3A_1454, %select_n3A_1446 : vector<16xi1>, vector<16xi32>
    %get3A_1456 = arith.constant 7 : i32
    %get3A_1457 = arith.index_cast %get3A_1456 : i32 to index
    %get3A_1458 = arith.constant 256 : index
    %get3A_1459 = tpu.vector_load %arg8[%get3A_1457, %get3A_1458] {strides = array<i32>} : memref<8x384xf32, #tpu.memory_space<vmem>>, vector<16xf32>,
    %gt3A_1460 = arith.cmpf ogt, %get3A_1459, %select_n3A_1452 : vector<16xf32>
    %select_n3A_1461 = arith.select %gt3A_1460, %get3A_1459, %select_n3A_1452 : vector<16xi1>, vector<16xf32>
    %broadcast_in_dim3A_1462 = arith.constant 7 : i32
    %broadcast_in_dim3A_1463 = vector.broadcast %broadcast_in_dim3A_1462 : i32 to vector<16xi32>
    %select_n3A_1464 = arith.select %gt3A_1460, %broadcast_in_dim3A_1463, %select_n3A_1455 : vector<16xi1>, vector<16xi32>
    %swap3A_1465 = arith.constant 256 : index
    %swap3A_1466 = tpu.vector_load %arg10[%swap3A_1465] {strides = array<i32>} : memref<384xi32, #tpu.memory_space<vmem>>, vector<16xi32>,
    tpu.vector_store %arg10[%swap3A_1465], %select_n3A_1464 {strides = array<i32>} : memref<384xi32, #tpu.memory_space<vmem>>, vector<16xi32>,
    tpu.vector_store_idx %arg11[%select_n3A_1464], %broadcast_in_dim3A_37 {add = true} : memref<32xf32, #tpu.memory_space<vmem>>[vector<16xi32>], vector<16xf32>,
    %add3A_1467 = arith.constant 8 : i32
    %add3A_1468 = vector.broadcast %add3A_1467 : i32 to vector<16xi32>
    %add3A_1469 = arith.addi %select_n3A_1464, %add3A_1468 : vector<16xi32>
    %get3A_1470 = arith.constant 0 : i32
    %get3A_1471 = arith.index_cast %get3A_1470 : i32 to index
    %get3A_1472 = arith.constant 256 : index
    %get3A_1473 = tpu.vector_load %arg9[%get3A_1471, %get3A_1472] {strides = array<i32>} : memref<2x384xf32, #tpu.memory_space<vmem>>, vector<16xf32>,
    tpu.vector_store_idx %arg11[%add3A_1469], %get3A_1473 {add = true} : memref<32xf32, #tpu.memory_space<vmem>>[vector<16xi32>], vector<16xf32>,
    %add3A_1474 = arith.constant 16 : i32
    %add3A_1475 = vector.broadcast %add3A_1474 : i32 to vector<16xi32>
    %add3A_1476 = arith.addi %select_n3A_1464, %add3A_1475 : vector<16xi32>
    %get3A_1477 = arith.constant 1 : i32
    %get3A_1478 = arith.index_cast %get3A_1477 : i32 to index
    %get3A_1479 = arith.constant 256 : index
    %get3A_1480 = tpu.vector_load %arg9[%get3A_1478, %get3A_1479] {strides = array<i32>} : memref<2x384xf32, #tpu.memory_space<vmem>>, vector<16xf32>,
    tpu.vector_store_idx %arg11[%add3A_1476], %get3A_1480 {add = true} : memref<32xf32, #tpu.memory_space<vmem>>[vector<16xi32>], vector<16xf32>,
    %get3A_1481 = arith.constant 0 : i32
    %get3A_1482 = arith.index_cast %get3A_1481 : i32 to index
    %get3A_1483 = arith.constant 272 : index
    %get3A_1484 = tpu.vector_load %arg8[%get3A_1482, %get3A_1483] {strides = array<i32>} : memref<8x384xf32, #tpu.memory_space<vmem>>, vector<16xf32>,
    %broadcast_in_dim3A_1485 = arith.constant 0 : i32
    %broadcast_in_dim3A_1486 = vector.broadcast %broadcast_in_dim3A_1485 : i32 to vector<16xi32>
    %get3A_1487 = arith.constant 1 : i32
    %get3A_1488 = arith.index_cast %get3A_1487 : i32 to index
    %get3A_1489 = arith.constant 272 : index
    %get3A_1490 = tpu.vector_load %arg8[%get3A_1488, %get3A_1489] {strides = array<i32>} : memref<8x384xf32, #tpu.memory_space<vmem>>, vector<16xf32>,
    %gt3A_1491 = arith.cmpf ogt, %get3A_1490, %get3A_1484 : vector<16xf32>
    %select_n3A_1492 = arith.select %gt3A_1491, %get3A_1490, %get3A_1484 : vector<16xi1>, vector<16xf32>
    %broadcast_in_dim3A_1493 = arith.constant 1 : i32
    %broadcast_in_dim3A_1494 = vector.broadcast %broadcast_in_dim3A_1493 : i32 to vector<16xi32>
    %select_n3A_1495 = arith.select %gt3A_1491, %broadcast_in_dim3A_1494, %broadcast_in_dim3A_1486 : vector<16xi1>, vector<16xi32>
    %get3A_1496 = arith.constant 2 : i32
    %get3A_1497 = arith.index_cast %get3A_1496 : i32 to index
    %get3A_1498 = arith.constant 272 : index
    %get3A_1499 = tpu.vector_load %arg8[%get3A_1497, %get3A_1498] {strides = array<i32>} : memref<8x384xf32, #tpu.memory_space<vmem>>, vector<16xf32>,
    %gt3A_1500 = arith.cmpf ogt, %get3A_1499, %select_n3A_1492 : vector<16xf32>
    %select_n3A_1501 = arith.select %gt3A_1500, %get3A_1499, %select_n3A_1492 : vector<16xi1>, vector<16xf32>
    %broadcast_in_dim3A_1502 = arith.constant 2 : i32
    %broadcast_in_dim3A_1503 = vector.broadcast %broadcast_in_dim3A_1502 : i32 to vector<16xi32>
    %select_n3A_1504 = arith.select %gt3A_1500, %broadcast_in_dim3A_1503, %select_n3A_1495 : vector<16xi1>, vector<16xi32>
    %get3A_1505 = arith.constant 3 : i32
    %get3A_1506 = arith.index_cast %get3A_1505 : i32 to index
    %get3A_1507 = arith.constant 272 : index
    %get3A_1508 = tpu.vector_load %arg8[%get3A_1506, %get3A_1507] {strides = array<i32>} : memref<8x384xf32, #tpu.memory_space<vmem>>, vector<16xf32>,
    %gt3A_1509 = arith.cmpf ogt, %get3A_1508, %select_n3A_1501 : vector<16xf32>
    %select_n3A_1510 = arith.select %gt3A_1509, %get3A_1508, %select_n3A_1501 : vector<16xi1>, vector<16xf32>
    %broadcast_in_dim3A_1511 = arith.constant 3 : i32
    %broadcast_in_dim3A_1512 = vector.broadcast %broadcast_in_dim3A_1511 : i32 to vector<16xi32>
    %select_n3A_1513 = arith.select %gt3A_1509, %broadcast_in_dim3A_1512, %select_n3A_1504 : vector<16xi1>, vector<16xi32>
    %get3A_1514 = arith.constant 4 : i32
    %get3A_1515 = arith.index_cast %get3A_1514 : i32 to index
    %get3A_1516 = arith.constant 272 : index
    %get3A_1517 = tpu.vector_load %arg8[%get3A_1515, %get3A_1516] {strides = array<i32>} : memref<8x384xf32, #tpu.memory_space<vmem>>, vector<16xf32>,
    %gt3A_1518 = arith.cmpf ogt, %get3A_1517, %select_n3A_1510 : vector<16xf32>
    %select_n3A_1519 = arith.select %gt3A_1518, %get3A_1517, %select_n3A_1510 : vector<16xi1>, vector<16xf32>
    %broadcast_in_dim3A_1520 = arith.constant 4 : i32
    %broadcast_in_dim3A_1521 = vector.broadcast %broadcast_in_dim3A_1520 : i32 to vector<16xi32>
    %select_n3A_1522 = arith.select %gt3A_1518, %broadcast_in_dim3A_1521, %select_n3A_1513 : vector<16xi1>, vector<16xi32>
    %get3A_1523 = arith.constant 5 : i32
    %get3A_1524 = arith.index_cast %get3A_1523 : i32 to index
    %get3A_1525 = arith.constant 272 : index
    %get3A_1526 = tpu.vector_load %arg8[%get3A_1524, %get3A_1525] {strides = array<i32>} : memref<8x384xf32, #tpu.memory_space<vmem>>, vector<16xf32>,
    %gt3A_1527 = arith.cmpf ogt, %get3A_1526, %select_n3A_1519 : vector<16xf32>
    %select_n3A_1528 = arith.select %gt3A_1527, %get3A_1526, %select_n3A_1519 : vector<16xi1>, vector<16xf32>
    %broadcast_in_dim3A_1529 = arith.constant 5 : i32
    %broadcast_in_dim3A_1530 = vector.broadcast %broadcast_in_dim3A_1529 : i32 to vector<16xi32>
    %select_n3A_1531 = arith.select %gt3A_1527, %broadcast_in_dim3A_1530, %select_n3A_1522 : vector<16xi1>, vector<16xi32>
    %get3A_1532 = arith.constant 6 : i32
    %get3A_1533 = arith.index_cast %get3A_1532 : i32 to index
    %get3A_1534 = arith.constant 272 : index
    %get3A_1535 = tpu.vector_load %arg8[%get3A_1533, %get3A_1534] {strides = array<i32>} : memref<8x384xf32, #tpu.memory_space<vmem>>, vector<16xf32>,
    %gt3A_1536 = arith.cmpf ogt, %get3A_1535, %select_n3A_1528 : vector<16xf32>
    %select_n3A_1537 = arith.select %gt3A_1536, %get3A_1535, %select_n3A_1528 : vector<16xi1>, vector<16xf32>
    %broadcast_in_dim3A_1538 = arith.constant 6 : i32
    %broadcast_in_dim3A_1539 = vector.broadcast %broadcast_in_dim3A_1538 : i32 to vector<16xi32>
    %select_n3A_1540 = arith.select %gt3A_1536, %broadcast_in_dim3A_1539, %select_n3A_1531 : vector<16xi1>, vector<16xi32>
    %get3A_1541 = arith.constant 7 : i32
    %get3A_1542 = arith.index_cast %get3A_1541 : i32 to index
    %get3A_1543 = arith.constant 272 : index
    %get3A_1544 = tpu.vector_load %arg8[%get3A_1542, %get3A_1543] {strides = array<i32>} : memref<8x384xf32, #tpu.memory_space<vmem>>, vector<16xf32>,
    %gt3A_1545 = arith.cmpf ogt, %get3A_1544, %select_n3A_1537 : vector<16xf32>
    %select_n3A_1546 = arith.select %gt3A_1545, %get3A_1544, %select_n3A_1537 : vector<16xi1>, vector<16xf32>
    %broadcast_in_dim3A_1547 = arith.constant 7 : i32
    %broadcast_in_dim3A_1548 = vector.broadcast %broadcast_in_dim3A_1547 : i32 to vector<16xi32>
    %select_n3A_1549 = arith.select %gt3A_1545, %broadcast_in_dim3A_1548, %select_n3A_1540 : vector<16xi1>, vector<16xi32>
    %swap3A_1550 = arith.constant 272 : index
    %swap3A_1551 = tpu.vector_load %arg10[%swap3A_1550] {strides = array<i32>} : memref<384xi32, #tpu.memory_space<vmem>>, vector<16xi32>,
    tpu.vector_store %arg10[%swap3A_1550], %select_n3A_1549 {strides = array<i32>} : memref<384xi32, #tpu.memory_space<vmem>>, vector<16xi32>,
    tpu.vector_store_idx %arg11[%select_n3A_1549], %broadcast_in_dim3A_37 {add = true} : memref<32xf32, #tpu.memory_space<vmem>>[vector<16xi32>], vector<16xf32>,
    %add3A_1552 = arith.constant 8 : i32
    %add3A_1553 = vector.broadcast %add3A_1552 : i32 to vector<16xi32>
    %add3A_1554 = arith.addi %select_n3A_1549, %add3A_1553 : vector<16xi32>
    %get3A_1555 = arith.constant 0 : i32
    %get3A_1556 = arith.index_cast %get3A_1555 : i32 to index
    %get3A_1557 = arith.constant 272 : index
    %get3A_1558 = tpu.vector_load %arg9[%get3A_1556, %get3A_1557] {strides = array<i32>} : memref<2x384xf32, #tpu.memory_space<vmem>>, vector<16xf32>,
    tpu.vector_store_idx %arg11[%add3A_1554], %get3A_1558 {add = true} : memref<32xf32, #tpu.memory_space<vmem>>[vector<16xi32>], vector<16xf32>,
    %add3A_1559 = arith.constant 16 : i32
    %add3A_1560 = vector.broadcast %add3A_1559 : i32 to vector<16xi32>
    %add3A_1561 = arith.addi %select_n3A_1549, %add3A_1560 : vector<16xi32>
    %get3A_1562 = arith.constant 1 : i32
    %get3A_1563 = arith.index_cast %get3A_1562 : i32 to index
    %get3A_1564 = arith.constant 272 : index
    %get3A_1565 = tpu.vector_load %arg9[%get3A_1563, %get3A_1564] {strides = array<i32>} : memref<2x384xf32, #tpu.memory_space<vmem>>, vector<16xf32>,
    tpu.vector_store_idx %arg11[%add3A_1561], %get3A_1565 {add = true} : memref<32xf32, #tpu.memory_space<vmem>>[vector<16xi32>], vector<16xf32>,
    %get3A_1566 = arith.constant 0 : i32
    %get3A_1567 = arith.index_cast %get3A_1566 : i32 to index
    %get3A_1568 = arith.constant 288 : index
    %get3A_1569 = tpu.vector_load %arg8[%get3A_1567, %get3A_1568] {strides = array<i32>} : memref<8x384xf32, #tpu.memory_space<vmem>>, vector<16xf32>,
    %broadcast_in_dim3A_1570 = arith.constant 0 : i32
    %broadcast_in_dim3A_1571 = vector.broadcast %broadcast_in_dim3A_1570 : i32 to vector<16xi32>
    %get3A_1572 = arith.constant 1 : i32
    %get3A_1573 = arith.index_cast %get3A_1572 : i32 to index
    %get3A_1574 = arith.constant 288 : index
    %get3A_1575 = tpu.vector_load %arg8[%get3A_1573, %get3A_1574] {strides = array<i32>} : memref<8x384xf32, #tpu.memory_space<vmem>>, vector<16xf32>,
    %gt3A_1576 = arith.cmpf ogt, %get3A_1575, %get3A_1569 : vector<16xf32>
    %select_n3A_1577 = arith.select %gt3A_1576, %get3A_1575, %get3A_1569 : vector<16xi1>, vector<16xf32>
    %broadcast_in_dim3A_1578 = arith.constant 1 : i32
    %broadcast_in_dim3A_1579 = vector.broadcast %broadcast_in_dim3A_1578 : i32 to vector<16xi32>
    %select_n3A_1580 = arith.select %gt3A_1576, %broadcast_in_dim3A_1579, %broadcast_in_dim3A_1571 : vector<16xi1>, vector<16xi32>
    %get3A_1581 = arith.constant 2 : i32
    %get3A_1582 = arith.index_cast %get3A_1581 : i32 to index
    %get3A_1583 = arith.constant 288 : index
    %get3A_1584 = tpu.vector_load %arg8[%get3A_1582, %get3A_1583] {strides = array<i32>} : memref<8x384xf32, #tpu.memory_space<vmem>>, vector<16xf32>,
    %gt3A_1585 = arith.cmpf ogt, %get3A_1584, %select_n3A_1577 : vector<16xf32>
    %select_n3A_1586 = arith.select %gt3A_1585, %get3A_1584, %select_n3A_1577 : vector<16xi1>, vector<16xf32>
    %broadcast_in_dim3A_1587 = arith.constant 2 : i32
    %broadcast_in_dim3A_1588 = vector.broadcast %broadcast_in_dim3A_1587 : i32 to vector<16xi32>
    %select_n3A_1589 = arith.select %gt3A_1585, %broadcast_in_dim3A_1588, %select_n3A_1580 : vector<16xi1>, vector<16xi32>
    %get3A_1590 = arith.constant 3 : i32
    %get3A_1591 = arith.index_cast %get3A_1590 : i32 to index
    %get3A_1592 = arith.constant 288 : index
    %get3A_1593 = tpu.vector_load %arg8[%get3A_1591, %get3A_1592] {strides = array<i32>} : memref<8x384xf32, #tpu.memory_space<vmem>>, vector<16xf32>,
    %gt3A_1594 = arith.cmpf ogt, %get3A_1593, %select_n3A_1586 : vector<16xf32>
    %select_n3A_1595 = arith.select %gt3A_1594, %get3A_1593, %select_n3A_1586 : vector<16xi1>, vector<16xf32>
    %broadcast_in_dim3A_1596 = arith.constant 3 : i32
    %broadcast_in_dim3A_1597 = vector.broadcast %broadcast_in_dim3A_1596 : i32 to vector<16xi32>
    %select_n3A_1598 = arith.select %gt3A_1594, %broadcast_in_dim3A_1597, %select_n3A_1589 : vector<16xi1>, vector<16xi32>
    %get3A_1599 = arith.constant 4 : i32
    %get3A_1600 = arith.index_cast %get3A_1599 : i32 to index
    %get3A_1601 = arith.constant 288 : index
    %get3A_1602 = tpu.vector_load %arg8[%get3A_1600, %get3A_1601] {strides = array<i32>} : memref<8x384xf32, #tpu.memory_space<vmem>>, vector<16xf32>,
    %gt3A_1603 = arith.cmpf ogt, %get3A_1602, %select_n3A_1595 : vector<16xf32>
    %select_n3A_1604 = arith.select %gt3A_1603, %get3A_1602, %select_n3A_1595 : vector<16xi1>, vector<16xf32>
    %broadcast_in_dim3A_1605 = arith.constant 4 : i32
    %broadcast_in_dim3A_1606 = vector.broadcast %broadcast_in_dim3A_1605 : i32 to vector<16xi32>
    %select_n3A_1607 = arith.select %gt3A_1603, %broadcast_in_dim3A_1606, %select_n3A_1598 : vector<16xi1>, vector<16xi32>
    %get3A_1608 = arith.constant 5 : i32
    %get3A_1609 = arith.index_cast %get3A_1608 : i32 to index
    %get3A_1610 = arith.constant 288 : index
    %get3A_1611 = tpu.vector_load %arg8[%get3A_1609, %get3A_1610] {strides = array<i32>} : memref<8x384xf32, #tpu.memory_space<vmem>>, vector<16xf32>,
    %gt3A_1612 = arith.cmpf ogt, %get3A_1611, %select_n3A_1604 : vector<16xf32>
    %select_n3A_1613 = arith.select %gt3A_1612, %get3A_1611, %select_n3A_1604 : vector<16xi1>, vector<16xf32>
    %broadcast_in_dim3A_1614 = arith.constant 5 : i32
    %broadcast_in_dim3A_1615 = vector.broadcast %broadcast_in_dim3A_1614 : i32 to vector<16xi32>
    %select_n3A_1616 = arith.select %gt3A_1612, %broadcast_in_dim3A_1615, %select_n3A_1607 : vector<16xi1>, vector<16xi32>
    %get3A_1617 = arith.constant 6 : i32
    %get3A_1618 = arith.index_cast %get3A_1617 : i32 to index
    %get3A_1619 = arith.constant 288 : index
    %get3A_1620 = tpu.vector_load %arg8[%get3A_1618, %get3A_1619] {strides = array<i32>} : memref<8x384xf32, #tpu.memory_space<vmem>>, vector<16xf32>,
    %gt3A_1621 = arith.cmpf ogt, %get3A_1620, %select_n3A_1613 : vector<16xf32>
    %select_n3A_1622 = arith.select %gt3A_1621, %get3A_1620, %select_n3A_1613 : vector<16xi1>, vector<16xf32>
    %broadcast_in_dim3A_1623 = arith.constant 6 : i32
    %broadcast_in_dim3A_1624 = vector.broadcast %broadcast_in_dim3A_1623 : i32 to vector<16xi32>
    %select_n3A_1625 = arith.select %gt3A_1621, %broadcast_in_dim3A_1624, %select_n3A_1616 : vector<16xi1>, vector<16xi32>
    %get3A_1626 = arith.constant 7 : i32
    %get3A_1627 = arith.index_cast %get3A_1626 : i32 to index
    %get3A_1628 = arith.constant 288 : index
    %get3A_1629 = tpu.vector_load %arg8[%get3A_1627, %get3A_1628] {strides = array<i32>} : memref<8x384xf32, #tpu.memory_space<vmem>>, vector<16xf32>,
    %gt3A_1630 = arith.cmpf ogt, %get3A_1629, %select_n3A_1622 : vector<16xf32>
    %select_n3A_1631 = arith.select %gt3A_1630, %get3A_1629, %select_n3A_1622 : vector<16xi1>, vector<16xf32>
    %broadcast_in_dim3A_1632 = arith.constant 7 : i32
    %broadcast_in_dim3A_1633 = vector.broadcast %broadcast_in_dim3A_1632 : i32 to vector<16xi32>
    %select_n3A_1634 = arith.select %gt3A_1630, %broadcast_in_dim3A_1633, %select_n3A_1625 : vector<16xi1>, vector<16xi32>
    %swap3A_1635 = arith.constant 288 : index
    %swap3A_1636 = tpu.vector_load %arg10[%swap3A_1635] {strides = array<i32>} : memref<384xi32, #tpu.memory_space<vmem>>, vector<16xi32>,
    tpu.vector_store %arg10[%swap3A_1635], %select_n3A_1634 {strides = array<i32>} : memref<384xi32, #tpu.memory_space<vmem>>, vector<16xi32>,
    tpu.vector_store_idx %arg11[%select_n3A_1634], %broadcast_in_dim3A_37 {add = true} : memref<32xf32, #tpu.memory_space<vmem>>[vector<16xi32>], vector<16xf32>,
    %add3A_1637 = arith.constant 8 : i32
    %add3A_1638 = vector.broadcast %add3A_1637 : i32 to vector<16xi32>
    %add3A_1639 = arith.addi %select_n3A_1634, %add3A_1638 : vector<16xi32>
    %get3A_1640 = arith.constant 0 : i32
    %get3A_1641 = arith.index_cast %get3A_1640 : i32 to index
    %get3A_1642 = arith.constant 288 : index
    %get3A_1643 = tpu.vector_load %arg9[%get3A_1641, %get3A_1642] {strides = array<i32>} : memref<2x384xf32, #tpu.memory_space<vmem>>, vector<16xf32>,
    tpu.vector_store_idx %arg11[%add3A_1639], %get3A_1643 {add = true} : memref<32xf32, #tpu.memory_space<vmem>>[vector<16xi32>], vector<16xf32>,
    %add3A_1644 = arith.constant 16 : i32
    %add3A_1645 = vector.broadcast %add3A_1644 : i32 to vector<16xi32>
    %add3A_1646 = arith.addi %select_n3A_1634, %add3A_1645 : vector<16xi32>
    %get3A_1647 = arith.constant 1 : i32
    %get3A_1648 = arith.index_cast %get3A_1647 : i32 to index
    %get3A_1649 = arith.constant 288 : index
    %get3A_1650 = tpu.vector_load %arg9[%get3A_1648, %get3A_1649] {strides = array<i32>} : memref<2x384xf32, #tpu.memory_space<vmem>>, vector<16xf32>,
    tpu.vector_store_idx %arg11[%add3A_1646], %get3A_1650 {add = true} : memref<32xf32, #tpu.memory_space<vmem>>[vector<16xi32>], vector<16xf32>,
    %get3A_1651 = arith.constant 0 : i32
    %get3A_1652 = arith.index_cast %get3A_1651 : i32 to index
    %get3A_1653 = arith.constant 304 : index
    %get3A_1654 = tpu.vector_load %arg8[%get3A_1652, %get3A_1653] {strides = array<i32>} : memref<8x384xf32, #tpu.memory_space<vmem>>, vector<16xf32>,
    %broadcast_in_dim3A_1655 = arith.constant 0 : i32
    %broadcast_in_dim3A_1656 = vector.broadcast %broadcast_in_dim3A_1655 : i32 to vector<16xi32>
    %get3A_1657 = arith.constant 1 : i32
    %get3A_1658 = arith.index_cast %get3A_1657 : i32 to index
    %get3A_1659 = arith.constant 304 : index
    %get3A_1660 = tpu.vector_load %arg8[%get3A_1658, %get3A_1659] {strides = array<i32>} : memref<8x384xf32, #tpu.memory_space<vmem>>, vector<16xf32>,
    %gt3A_1661 = arith.cmpf ogt, %get3A_1660, %get3A_1654 : vector<16xf32>
    %select_n3A_1662 = arith.select %gt3A_1661, %get3A_1660, %get3A_1654 : vector<16xi1>, vector<16xf32>
    %broadcast_in_dim3A_1663 = arith.constant 1 : i32
    %broadcast_in_dim3A_1664 = vector.broadcast %broadcast_in_dim3A_1663 : i32 to vector<16xi32>
    %select_n3A_1665 = arith.select %gt3A_1661, %broadcast_in_dim3A_1664, %broadcast_in_dim3A_1656 : vector<16xi1>, vector<16xi32>
    %get3A_1666 = arith.constant 2 : i32
    %get3A_1667 = arith.index_cast %get3A_1666 : i32 to index
    %get3A_1668 = arith.constant 304 : index
    %get3A_1669 = tpu.vector_load %arg8[%get3A_1667, %get3A_1668] {strides = array<i32>} : memref<8x384xf32, #tpu.memory_space<vmem>>, vector<16xf32>,
    %gt3A_1670 = arith.cmpf ogt, %get3A_1669, %select_n3A_1662 : vector<16xf32>
    %select_n3A_1671 = arith.select %gt3A_1670, %get3A_1669, %select_n3A_1662 : vector<16xi1>, vector<16xf32>
    %broadcast_in_dim3A_1672 = arith.constant 2 : i32
    %broadcast_in_dim3A_1673 = vector.broadcast %broadcast_in_dim3A_1672 : i32 to vector<16xi32>
    %select_n3A_1674 = arith.select %gt3A_1670, %broadcast_in_dim3A_1673, %select_n3A_1665 : vector<16xi1>, vector<16xi32>
    %get3A_1675 = arith.constant 3 : i32
    %get3A_1676 = arith.index_cast %get3A_1675 : i32 to index
    %get3A_1677 = arith.constant 304 : index
    %get3A_1678 = tpu.vector_load %arg8[%get3A_1676, %get3A_1677] {strides = array<i32>} : memref<8x384xf32, #tpu.memory_space<vmem>>, vector<16xf32>,
    %gt3A_1679 = arith.cmpf ogt, %get3A_1678, %select_n3A_1671 : vector<16xf32>
    %select_n3A_1680 = arith.select %gt3A_1679, %get3A_1678, %select_n3A_1671 : vector<16xi1>, vector<16xf32>
    %broadcast_in_dim3A_1681 = arith.constant 3 : i32
    %broadcast_in_dim3A_1682 = vector.broadcast %broadcast_in_dim3A_1681 : i32 to vector<16xi32>
    %select_n3A_1683 = arith.select %gt3A_1679, %broadcast_in_dim3A_1682, %select_n3A_1674 : vector<16xi1>, vector<16xi32>
    %get3A_1684 = arith.constant 4 : i32
    %get3A_1685 = arith.index_cast %get3A_1684 : i32 to index
    %get3A_1686 = arith.constant 304 : index
    %get3A_1687 = tpu.vector_load %arg8[%get3A_1685, %get3A_1686] {strides = array<i32>} : memref<8x384xf32, #tpu.memory_space<vmem>>, vector<16xf32>,
    %gt3A_1688 = arith.cmpf ogt, %get3A_1687, %select_n3A_1680 : vector<16xf32>
    %select_n3A_1689 = arith.select %gt3A_1688, %get3A_1687, %select_n3A_1680 : vector<16xi1>, vector<16xf32>
    %broadcast_in_dim3A_1690 = arith.constant 4 : i32
    %broadcast_in_dim3A_1691 = vector.broadcast %broadcast_in_dim3A_1690 : i32 to vector<16xi32>
    %select_n3A_1692 = arith.select %gt3A_1688, %broadcast_in_dim3A_1691, %select_n3A_1683 : vector<16xi1>, vector<16xi32>
    %get3A_1693 = arith.constant 5 : i32
    %get3A_1694 = arith.index_cast %get3A_1693 : i32 to index
    %get3A_1695 = arith.constant 304 : index
    %get3A_1696 = tpu.vector_load %arg8[%get3A_1694, %get3A_1695] {strides = array<i32>} : memref<8x384xf32, #tpu.memory_space<vmem>>, vector<16xf32>,
    %gt3A_1697 = arith.cmpf ogt, %get3A_1696, %select_n3A_1689 : vector<16xf32>
    %select_n3A_1698 = arith.select %gt3A_1697, %get3A_1696, %select_n3A_1689 : vector<16xi1>, vector<16xf32>
    %broadcast_in_dim3A_1699 = arith.constant 5 : i32
    %broadcast_in_dim3A_1700 = vector.broadcast %broadcast_in_dim3A_1699 : i32 to vector<16xi32>
    %select_n3A_1701 = arith.select %gt3A_1697, %broadcast_in_dim3A_1700, %select_n3A_1692 : vector<16xi1>, vector<16xi32>
    %get3A_1702 = arith.constant 6 : i32
    %get3A_1703 = arith.index_cast %get3A_1702 : i32 to index
    %get3A_1704 = arith.constant 304 : index
    %get3A_1705 = tpu.vector_load %arg8[%get3A_1703, %get3A_1704] {strides = array<i32>} : memref<8x384xf32, #tpu.memory_space<vmem>>, vector<16xf32>,
    %gt3A_1706 = arith.cmpf ogt, %get3A_1705, %select_n3A_1698 : vector<16xf32>
    %select_n3A_1707 = arith.select %gt3A_1706, %get3A_1705, %select_n3A_1698 : vector<16xi1>, vector<16xf32>
    %broadcast_in_dim3A_1708 = arith.constant 6 : i32
    %broadcast_in_dim3A_1709 = vector.broadcast %broadcast_in_dim3A_1708 : i32 to vector<16xi32>
    %select_n3A_1710 = arith.select %gt3A_1706, %broadcast_in_dim3A_1709, %select_n3A_1701 : vector<16xi1>, vector<16xi32>
    %get3A_1711 = arith.constant 7 : i32
    %get3A_1712 = arith.index_cast %get3A_1711 : i32 to index
    %get3A_1713 = arith.constant 304 : index
    %get3A_1714 = tpu.vector_load %arg8[%get3A_1712, %get3A_1713] {strides = array<i32>} : memref<8x384xf32, #tpu.memory_space<vmem>>, vector<16xf32>,
    %gt3A_1715 = arith.cmpf ogt, %get3A_1714, %select_n3A_1707 : vector<16xf32>
    %select_n3A_1716 = arith.select %gt3A_1715, %get3A_1714, %select_n3A_1707 : vector<16xi1>, vector<16xf32>
    %broadcast_in_dim3A_1717 = arith.constant 7 : i32
    %broadcast_in_dim3A_1718 = vector.broadcast %broadcast_in_dim3A_1717 : i32 to vector<16xi32>
    %select_n3A_1719 = arith.select %gt3A_1715, %broadcast_in_dim3A_1718, %select_n3A_1710 : vector<16xi1>, vector<16xi32>
    %swap3A_1720 = arith.constant 304 : index
    %swap3A_1721 = tpu.vector_load %arg10[%swap3A_1720] {strides = array<i32>} : memref<384xi32, #tpu.memory_space<vmem>>, vector<16xi32>,
    tpu.vector_store %arg10[%swap3A_1720], %select_n3A_1719 {strides = array<i32>} : memref<384xi32, #tpu.memory_space<vmem>>, vector<16xi32>,
    tpu.vector_store_idx %arg11[%select_n3A_1719], %broadcast_in_dim3A_37 {add = true} : memref<32xf32, #tpu.memory_space<vmem>>[vector<16xi32>], vector<16xf32>,
    %add3A_1722 = arith.constant 8 : i32
    %add3A_1723 = vector.broadcast %add3A_1722 : i32 to vector<16xi32>
    %add3A_1724 = arith.addi %select_n3A_1719, %add3A_1723 : vector<16xi32>
    %get3A_1725 = arith.constant 0 : i32
    %get3A_1726 = arith.index_cast %get3A_1725 : i32 to index
    %get3A_1727 = arith.constant 304 : index
    %get3A_1728 = tpu.vector_load %arg9[%get3A_1726, %get3A_1727] {strides = array<i32>} : memref<2x384xf32, #tpu.memory_space<vmem>>, vector<16xf32>,
    tpu.vector_store_idx %arg11[%add3A_1724], %get3A_1728 {add = true} : memref<32xf32, #tpu.memory_space<vmem>>[vector<16xi32>], vector<16xf32>,
    %add3A_1729 = arith.constant 16 : i32
    %add3A_1730 = vector.broadcast %add3A_1729 : i32 to vector<16xi32>
    %add3A_1731 = arith.addi %select_n3A_1719, %add3A_1730 : vector<16xi32>
    %get3A_1732 = arith.constant 1 : i32
    %get3A_1733 = arith.index_cast %get3A_1732 : i32 to index
    %get3A_1734 = arith.constant 304 : index
    %get3A_1735 = tpu.vector_load %arg9[%get3A_1733, %get3A_1734] {strides = array<i32>} : memref<2x384xf32, #tpu.memory_space<vmem>>, vector<16xf32>,
    tpu.vector_store_idx %arg11[%add3A_1731], %get3A_1735 {add = true} : memref<32xf32, #tpu.memory_space<vmem>>[vector<16xi32>], vector<16xf32>,
    %get3A_1736 = arith.constant 0 : i32
    %get3A_1737 = arith.index_cast %get3A_1736 : i32 to index
    %get3A_1738 = arith.constant 320 : index
    %get3A_1739 = tpu.vector_load %arg8[%get3A_1737, %get3A_1738] {strides = array<i32>} : memref<8x384xf32, #tpu.memory_space<vmem>>, vector<16xf32>,
    %broadcast_in_dim3A_1740 = arith.constant 0 : i32
    %broadcast_in_dim3A_1741 = vector.broadcast %broadcast_in_dim3A_1740 : i32 to vector<16xi32>
    %get3A_1742 = arith.constant 1 : i32
    %get3A_1743 = arith.index_cast %get3A_1742 : i32 to index
    %get3A_1744 = arith.constant 320 : index
    %get3A_1745 = tpu.vector_load %arg8[%get3A_1743, %get3A_1744] {strides = array<i32>} : memref<8x384xf32, #tpu.memory_space<vmem>>, vector<16xf32>,
    %gt3A_1746 = arith.cmpf ogt, %get3A_1745, %get3A_1739 : vector<16xf32>
    %select_n3A_1747 = arith.select %gt3A_1746, %get3A_1745, %get3A_1739 : vector<16xi1>, vector<16xf32>
    %broadcast_in_dim3A_1748 = arith.constant 1 : i32
    %broadcast_in_dim3A_1749 = vector.broadcast %broadcast_in_dim3A_1748 : i32 to vector<16xi32>
    %select_n3A_1750 = arith.select %gt3A_1746, %broadcast_in_dim3A_1749, %broadcast_in_dim3A_1741 : vector<16xi1>, vector<16xi32>
    %get3A_1751 = arith.constant 2 : i32
    %get3A_1752 = arith.index_cast %get3A_1751 : i32 to index
    %get3A_1753 = arith.constant 320 : index
    %get3A_1754 = tpu.vector_load %arg8[%get3A_1752, %get3A_1753] {strides = array<i32>} : memref<8x384xf32, #tpu.memory_space<vmem>>, vector<16xf32>,
    %gt3A_1755 = arith.cmpf ogt, %get3A_1754, %select_n3A_1747 : vector<16xf32>
    %select_n3A_1756 = arith.select %gt3A_1755, %get3A_1754, %select_n3A_1747 : vector<16xi1>, vector<16xf32>
    %broadcast_in_dim3A_1757 = arith.constant 2 : i32
    %broadcast_in_dim3A_1758 = vector.broadcast %broadcast_in_dim3A_1757 : i32 to vector<16xi32>
    %select_n3A_1759 = arith.select %gt3A_1755, %broadcast_in_dim3A_1758, %select_n3A_1750 : vector<16xi1>, vector<16xi32>
    %get3A_1760 = arith.constant 3 : i32
    %get3A_1761 = arith.index_cast %get3A_1760 : i32 to index
    %get3A_1762 = arith.constant 320 : index
    %get3A_1763 = tpu.vector_load %arg8[%get3A_1761, %get3A_1762] {strides = array<i32>} : memref<8x384xf32, #tpu.memory_space<vmem>>, vector<16xf32>,
    %gt3A_1764 = arith.cmpf ogt, %get3A_1763, %select_n3A_1756 : vector<16xf32>
    %select_n3A_1765 = arith.select %gt3A_1764, %get3A_1763, %select_n3A_1756 : vector<16xi1>, vector<16xf32>
    %broadcast_in_dim3A_1766 = arith.constant 3 : i32
    %broadcast_in_dim3A_1767 = vector.broadcast %broadcast_in_dim3A_1766 : i32 to vector<16xi32>
    %select_n3A_1768 = arith.select %gt3A_1764, %broadcast_in_dim3A_1767, %select_n3A_1759 : vector<16xi1>, vector<16xi32>
    %get3A_1769 = arith.constant 4 : i32
    %get3A_1770 = arith.index_cast %get3A_1769 : i32 to index
    %get3A_1771 = arith.constant 320 : index
    %get3A_1772 = tpu.vector_load %arg8[%get3A_1770, %get3A_1771] {strides = array<i32>} : memref<8x384xf32, #tpu.memory_space<vmem>>, vector<16xf32>,
    %gt3A_1773 = arith.cmpf ogt, %get3A_1772, %select_n3A_1765 : vector<16xf32>
    %select_n3A_1774 = arith.select %gt3A_1773, %get3A_1772, %select_n3A_1765 : vector<16xi1>, vector<16xf32>
    %broadcast_in_dim3A_1775 = arith.constant 4 : i32
    %broadcast_in_dim3A_1776 = vector.broadcast %broadcast_in_dim3A_1775 : i32 to vector<16xi32>
    %select_n3A_1777 = arith.select %gt3A_1773, %broadcast_in_dim3A_1776, %select_n3A_1768 : vector<16xi1>, vector<16xi32>
    %get3A_1778 = arith.constant 5 : i32
    %get3A_1779 = arith.index_cast %get3A_1778 : i32 to index
    %get3A_1780 = arith.constant 320 : index
    %get3A_1781 = tpu.vector_load %arg8[%get3A_1779, %get3A_1780] {strides = array<i32>} : memref<8x384xf32, #tpu.memory_space<vmem>>, vector<16xf32>,
    %gt3A_1782 = arith.cmpf ogt, %get3A_1781, %select_n3A_1774 : vector<16xf32>
    %select_n3A_1783 = arith.select %gt3A_1782, %get3A_1781, %select_n3A_1774 : vector<16xi1>, vector<16xf32>
    %broadcast_in_dim3A_1784 = arith.constant 5 : i32
    %broadcast_in_dim3A_1785 = vector.broadcast %broadcast_in_dim3A_1784 : i32 to vector<16xi32>
    %select_n3A_1786 = arith.select %gt3A_1782, %broadcast_in_dim3A_1785, %select_n3A_1777 : vector<16xi1>, vector<16xi32>
    %get3A_1787 = arith.constant 6 : i32
    %get3A_1788 = arith.index_cast %get3A_1787 : i32 to index
    %get3A_1789 = arith.constant 320 : index
    %get3A_1790 = tpu.vector_load %arg8[%get3A_1788, %get3A_1789] {strides = array<i32>} : memref<8x384xf32, #tpu.memory_space<vmem>>, vector<16xf32>,
    %gt3A_1791 = arith.cmpf ogt, %get3A_1790, %select_n3A_1783 : vector<16xf32>
    %select_n3A_1792 = arith.select %gt3A_1791, %get3A_1790, %select_n3A_1783 : vector<16xi1>, vector<16xf32>
    %broadcast_in_dim3A_1793 = arith.constant 6 : i32
    %broadcast_in_dim3A_1794 = vector.broadcast %broadcast_in_dim3A_1793 : i32 to vector<16xi32>
    %select_n3A_1795 = arith.select %gt3A_1791, %broadcast_in_dim3A_1794, %select_n3A_1786 : vector<16xi1>, vector<16xi32>
    %get3A_1796 = arith.constant 7 : i32
    %get3A_1797 = arith.index_cast %get3A_1796 : i32 to index
    %get3A_1798 = arith.constant 320 : index
    %get3A_1799 = tpu.vector_load %arg8[%get3A_1797, %get3A_1798] {strides = array<i32>} : memref<8x384xf32, #tpu.memory_space<vmem>>, vector<16xf32>,
    %gt3A_1800 = arith.cmpf ogt, %get3A_1799, %select_n3A_1792 : vector<16xf32>
    %select_n3A_1801 = arith.select %gt3A_1800, %get3A_1799, %select_n3A_1792 : vector<16xi1>, vector<16xf32>
    %broadcast_in_dim3A_1802 = arith.constant 7 : i32
    %broadcast_in_dim3A_1803 = vector.broadcast %broadcast_in_dim3A_1802 : i32 to vector<16xi32>
    %select_n3A_1804 = arith.select %gt3A_1800, %broadcast_in_dim3A_1803, %select_n3A_1795 : vector<16xi1>, vector<16xi32>
    %swap3A_1805 = arith.constant 320 : index
    %swap3A_1806 = tpu.vector_load %arg10[%swap3A_1805] {strides = array<i32>} : memref<384xi32, #tpu.memory_space<vmem>>, vector<16xi32>,
    tpu.vector_store %arg10[%swap3A_1805], %select_n3A_1804 {strides = array<i32>} : memref<384xi32, #tpu.memory_space<vmem>>, vector<16xi32>,
    tpu.vector_store_idx %arg11[%select_n3A_1804], %broadcast_in_dim3A_37 {add = true} : memref<32xf32, #tpu.memory_space<vmem>>[vector<16xi32>], vector<16xf32>,
    %add3A_1807 = arith.constant 8 : i32
    %add3A_1808 = vector.broadcast %add3A_1807 : i32 to vector<16xi32>
    %add3A_1809 = arith.addi %select_n3A_1804, %add3A_1808 : vector<16xi32>
    %get3A_1810 = arith.constant 0 : i32
    %get3A_1811 = arith.index_cast %get3A_1810 : i32 to index
    %get3A_1812 = arith.constant 320 : index
    %get3A_1813 = tpu.vector_load %arg9[%get3A_1811, %get3A_1812] {strides = array<i32>} : memref<2x384xf32, #tpu.memory_space<vmem>>, vector<16xf32>,
    tpu.vector_store_idx %arg11[%add3A_1809], %get3A_1813 {add = true} : memref<32xf32, #tpu.memory_space<vmem>>[vector<16xi32>], vector<16xf32>,
    %add3A_1814 = arith.constant 16 : i32
    %add3A_1815 = vector.broadcast %add3A_1814 : i32 to vector<16xi32>
    %add3A_1816 = arith.addi %select_n3A_1804, %add3A_1815 : vector<16xi32>
    %get3A_1817 = arith.constant 1 : i32
    %get3A_1818 = arith.index_cast %get3A_1817 : i32 to index
    %get3A_1819 = arith.constant 320 : index
    %get3A_1820 = tpu.vector_load %arg9[%get3A_1818, %get3A_1819] {strides = array<i32>} : memref<2x384xf32, #tpu.memory_space<vmem>>, vector<16xf32>,
    tpu.vector_store_idx %arg11[%add3A_1816], %get3A_1820 {add = true} : memref<32xf32, #tpu.memory_space<vmem>>[vector<16xi32>], vector<16xf32>,
    %get3A_1821 = arith.constant 0 : i32
    %get3A_1822 = arith.index_cast %get3A_1821 : i32 to index
    %get3A_1823 = arith.constant 336 : index
    %get3A_1824 = tpu.vector_load %arg8[%get3A_1822, %get3A_1823] {strides = array<i32>} : memref<8x384xf32, #tpu.memory_space<vmem>>, vector<16xf32>,
    %broadcast_in_dim3A_1825 = arith.constant 0 : i32
    %broadcast_in_dim3A_1826 = vector.broadcast %broadcast_in_dim3A_1825 : i32 to vector<16xi32>
    %get3A_1827 = arith.constant 1 : i32
    %get3A_1828 = arith.index_cast %get3A_1827 : i32 to index
    %get3A_1829 = arith.constant 336 : index
    %get3A_1830 = tpu.vector_load %arg8[%get3A_1828, %get3A_1829] {strides = array<i32>} : memref<8x384xf32, #tpu.memory_space<vmem>>, vector<16xf32>,
    %gt3A_1831 = arith.cmpf ogt, %get3A_1830, %get3A_1824 : vector<16xf32>
    %select_n3A_1832 = arith.select %gt3A_1831, %get3A_1830, %get3A_1824 : vector<16xi1>, vector<16xf32>
    %broadcast_in_dim3A_1833 = arith.constant 1 : i32
    %broadcast_in_dim3A_1834 = vector.broadcast %broadcast_in_dim3A_1833 : i32 to vector<16xi32>
    %select_n3A_1835 = arith.select %gt3A_1831, %broadcast_in_dim3A_1834, %broadcast_in_dim3A_1826 : vector<16xi1>, vector<16xi32>
    %get3A_1836 = arith.constant 2 : i32
    %get3A_1837 = arith.index_cast %get3A_1836 : i32 to index
    %get3A_1838 = arith.constant 336 : index
    %get3A_1839 = tpu.vector_load %arg8[%get3A_1837, %get3A_1838] {strides = array<i32>} : memref<8x384xf32, #tpu.memory_space<vmem>>, vector<16xf32>,
    %gt3A_1840 = arith.cmpf ogt, %get3A_1839, %select_n3A_1832 : vector<16xf32>
    %select_n3A_1841 = arith.select %gt3A_1840, %get3A_1839, %select_n3A_1832 : vector<16xi1>, vector<16xf32>
    %broadcast_in_dim3A_1842 = arith.constant 2 : i32
    %broadcast_in_dim3A_1843 = vector.broadcast %broadcast_in_dim3A_1842 : i32 to vector<16xi32>
    %select_n3A_1844 = arith.select %gt3A_1840, %broadcast_in_dim3A_1843, %select_n3A_1835 : vector<16xi1>, vector<16xi32>
    %get3A_1845 = arith.constant 3 : i32
    %get3A_1846 = arith.index_cast %get3A_1845 : i32 to index
    %get3A_1847 = arith.constant 336 : index
    %get3A_1848 = tpu.vector_load %arg8[%get3A_1846, %get3A_1847] {strides = array<i32>} : memref<8x384xf32, #tpu.memory_space<vmem>>, vector<16xf32>,
    %gt3A_1849 = arith.cmpf ogt, %get3A_1848, %select_n3A_1841 : vector<16xf32>
    %select_n3A_1850 = arith.select %gt3A_1849, %get3A_1848, %select_n3A_1841 : vector<16xi1>, vector<16xf32>
    %broadcast_in_dim3A_1851 = arith.constant 3 : i32
    %broadcast_in_dim3A_1852 = vector.broadcast %broadcast_in_dim3A_1851 : i32 to vector<16xi32>
    %select_n3A_1853 = arith.select %gt3A_1849, %broadcast_in_dim3A_1852, %select_n3A_1844 : vector<16xi1>, vector<16xi32>
    %get3A_1854 = arith.constant 4 : i32
    %get3A_1855 = arith.index_cast %get3A_1854 : i32 to index
    %get3A_1856 = arith.constant 336 : index
    %get3A_1857 = tpu.vector_load %arg8[%get3A_1855, %get3A_1856] {strides = array<i32>} : memref<8x384xf32, #tpu.memory_space<vmem>>, vector<16xf32>,
    %gt3A_1858 = arith.cmpf ogt, %get3A_1857, %select_n3A_1850 : vector<16xf32>
    %select_n3A_1859 = arith.select %gt3A_1858, %get3A_1857, %select_n3A_1850 : vector<16xi1>, vector<16xf32>
    %broadcast_in_dim3A_1860 = arith.constant 4 : i32
    %broadcast_in_dim3A_1861 = vector.broadcast %broadcast_in_dim3A_1860 : i32 to vector<16xi32>
    %select_n3A_1862 = arith.select %gt3A_1858, %broadcast_in_dim3A_1861, %select_n3A_1853 : vector<16xi1>, vector<16xi32>
    %get3A_1863 = arith.constant 5 : i32
    %get3A_1864 = arith.index_cast %get3A_1863 : i32 to index
    %get3A_1865 = arith.constant 336 : index
    %get3A_1866 = tpu.vector_load %arg8[%get3A_1864, %get3A_1865] {strides = array<i32>} : memref<8x384xf32, #tpu.memory_space<vmem>>, vector<16xf32>,
    %gt3A_1867 = arith.cmpf ogt, %get3A_1866, %select_n3A_1859 : vector<16xf32>
    %select_n3A_1868 = arith.select %gt3A_1867, %get3A_1866, %select_n3A_1859 : vector<16xi1>, vector<16xf32>
    %broadcast_in_dim3A_1869 = arith.constant 5 : i32
    %broadcast_in_dim3A_1870 = vector.broadcast %broadcast_in_dim3A_1869 : i32 to vector<16xi32>
    %select_n3A_1871 = arith.select %gt3A_1867, %broadcast_in_dim3A_1870, %select_n3A_1862 : vector<16xi1>, vector<16xi32>
    %get3A_1872 = arith.constant 6 : i32
    %get3A_1873 = arith.index_cast %get3A_1872 : i32 to index
    %get3A_1874 = arith.constant 336 : index
    %get3A_1875 = tpu.vector_load %arg8[%get3A_1873, %get3A_1874] {strides = array<i32>} : memref<8x384xf32, #tpu.memory_space<vmem>>, vector<16xf32>,
    %gt3A_1876 = arith.cmpf ogt, %get3A_1875, %select_n3A_1868 : vector<16xf32>
    %select_n3A_1877 = arith.select %gt3A_1876, %get3A_1875, %select_n3A_1868 : vector<16xi1>, vector<16xf32>
    %broadcast_in_dim3A_1878 = arith.constant 6 : i32
    %broadcast_in_dim3A_1879 = vector.broadcast %broadcast_in_dim3A_1878 : i32 to vector<16xi32>
    %select_n3A_1880 = arith.select %gt3A_1876, %broadcast_in_dim3A_1879, %select_n3A_1871 : vector<16xi1>, vector<16xi32>
    %get3A_1881 = arith.constant 7 : i32
    %get3A_1882 = arith.index_cast %get3A_1881 : i32 to index
    %get3A_1883 = arith.constant 336 : index
    %get3A_1884 = tpu.vector_load %arg8[%get3A_1882, %get3A_1883] {strides = array<i32>} : memref<8x384xf32, #tpu.memory_space<vmem>>, vector<16xf32>,
    %gt3A_1885 = arith.cmpf ogt, %get3A_1884, %select_n3A_1877 : vector<16xf32>
    %select_n3A_1886 = arith.select %gt3A_1885, %get3A_1884, %select_n3A_1877 : vector<16xi1>, vector<16xf32>
    %broadcast_in_dim3A_1887 = arith.constant 7 : i32
    %broadcast_in_dim3A_1888 = vector.broadcast %broadcast_in_dim3A_1887 : i32 to vector<16xi32>
    %select_n3A_1889 = arith.select %gt3A_1885, %broadcast_in_dim3A_1888, %select_n3A_1880 : vector<16xi1>, vector<16xi32>
    %swap3A_1890 = arith.constant 336 : index
    %swap3A_1891 = tpu.vector_load %arg10[%swap3A_1890] {strides = array<i32>} : memref<384xi32, #tpu.memory_space<vmem>>, vector<16xi32>,
    tpu.vector_store %arg10[%swap3A_1890], %select_n3A_1889 {strides = array<i32>} : memref<384xi32, #tpu.memory_space<vmem>>, vector<16xi32>,
    tpu.vector_store_idx %arg11[%select_n3A_1889], %broadcast_in_dim3A_37 {add = true} : memref<32xf32, #tpu.memory_space<vmem>>[vector<16xi32>], vector<16xf32>,
    %add3A_1892 = arith.constant 8 : i32
    %add3A_1893 = vector.broadcast %add3A_1892 : i32 to vector<16xi32>
    %add3A_1894 = arith.addi %select_n3A_1889, %add3A_1893 : vector<16xi32>
    %get3A_1895 = arith.constant 0 : i32
    %get3A_1896 = arith.index_cast %get3A_1895 : i32 to index
    %get3A_1897 = arith.constant 336 : index
    %get3A_1898 = tpu.vector_load %arg9[%get3A_1896, %get3A_1897] {strides = array<i32>} : memref<2x384xf32, #tpu.memory_space<vmem>>, vector<16xf32>,
    tpu.vector_store_idx %arg11[%add3A_1894], %get3A_1898 {add = true} : memref<32xf32, #tpu.memory_space<vmem>>[vector<16xi32>], vector<16xf32>,
    %add3A_1899 = arith.constant 16 : i32
    %add3A_1900 = vector.broadcast %add3A_1899 : i32 to vector<16xi32>
    %add3A_1901 = arith.addi %select_n3A_1889, %add3A_1900 : vector<16xi32>
    %get3A_1902 = arith.constant 1 : i32
    %get3A_1903 = arith.index_cast %get3A_1902 : i32 to index
    %get3A_1904 = arith.constant 336 : index
    %get3A_1905 = tpu.vector_load %arg9[%get3A_1903, %get3A_1904] {strides = array<i32>} : memref<2x384xf32, #tpu.memory_space<vmem>>, vector<16xf32>,
    tpu.vector_store_idx %arg11[%add3A_1901], %get3A_1905 {add = true} : memref<32xf32, #tpu.memory_space<vmem>>[vector<16xi32>], vector<16xf32>,
    %get3A_1906 = arith.constant 0 : i32
    %get3A_1907 = arith.index_cast %get3A_1906 : i32 to index
    %get3A_1908 = arith.constant 352 : index
    %get3A_1909 = tpu.vector_load %arg8[%get3A_1907, %get3A_1908] {strides = array<i32>} : memref<8x384xf32, #tpu.memory_space<vmem>>, vector<16xf32>,
    %broadcast_in_dim3A_1910 = arith.constant 0 : i32
    %broadcast_in_dim3A_1911 = vector.broadcast %broadcast_in_dim3A_1910 : i32 to vector<16xi32>
    %get3A_1912 = arith.constant 1 : i32
    %get3A_1913 = arith.index_cast %get3A_1912 : i32 to index
    %get3A_1914 = arith.constant 352 : index
    %get3A_1915 = tpu.vector_load %arg8[%get3A_1913, %get3A_1914] {strides = array<i32>} : memref<8x384xf32, #tpu.memory_space<vmem>>, vector<16xf32>,
    %gt3A_1916 = arith.cmpf ogt, %get3A_1915, %get3A_1909 : vector<16xf32>
    %select_n3A_1917 = arith.select %gt3A_1916, %get3A_1915, %get3A_1909 : vector<16xi1>, vector<16xf32>
    %broadcast_in_dim3A_1918 = arith.constant 1 : i32
    %broadcast_in_dim3A_1919 = vector.broadcast %broadcast_in_dim3A_1918 : i32 to vector<16xi32>
    %select_n3A_1920 = arith.select %gt3A_1916, %broadcast_in_dim3A_1919, %broadcast_in_dim3A_1911 : vector<16xi1>, vector<16xi32>
    %get3A_1921 = arith.constant 2 : i32
    %get3A_1922 = arith.index_cast %get3A_1921 : i32 to index
    %get3A_1923 = arith.constant 352 : index
    %get3A_1924 = tpu.vector_load %arg8[%get3A_1922, %get3A_1923] {strides = array<i32>} : memref<8x384xf32, #tpu.memory_space<vmem>>, vector<16xf32>,
    %gt3A_1925 = arith.cmpf ogt, %get3A_1924, %select_n3A_1917 : vector<16xf32>
    %select_n3A_1926 = arith.select %gt3A_1925, %get3A_1924, %select_n3A_1917 : vector<16xi1>, vector<16xf32>
    %broadcast_in_dim3A_1927 = arith.constant 2 : i32
    %broadcast_in_dim3A_1928 = vector.broadcast %broadcast_in_dim3A_1927 : i32 to vector<16xi32>
    %select_n3A_1929 = arith.select %gt3A_1925, %broadcast_in_dim3A_1928, %select_n3A_1920 : vector<16xi1>, vector<16xi32>
    %get3A_1930 = arith.constant 3 : i32
    %get3A_1931 = arith.index_cast %get3A_1930 : i32 to index
    %get3A_1932 = arith.constant 352 : index
    %get3A_1933 = tpu.vector_load %arg8[%get3A_1931, %get3A_1932] {strides = array<i32>} : memref<8x384xf32, #tpu.memory_space<vmem>>, vector<16xf32>,
    %gt3A_1934 = arith.cmpf ogt, %get3A_1933, %select_n3A_1926 : vector<16xf32>
    %select_n3A_1935 = arith.select %gt3A_1934, %get3A_1933, %select_n3A_1926 : vector<16xi1>, vector<16xf32>
    %broadcast_in_dim3A_1936 = arith.constant 3 : i32
    %broadcast_in_dim3A_1937 = vector.broadcast %broadcast_in_dim3A_1936 : i32 to vector<16xi32>
    %select_n3A_1938 = arith.select %gt3A_1934, %broadcast_in_dim3A_1937, %select_n3A_1929 : vector<16xi1>, vector<16xi32>
    %get3A_1939 = arith.constant 4 : i32
    %get3A_1940 = arith.index_cast %get3A_1939 : i32 to index
    %get3A_1941 = arith.constant 352 : index
    %get3A_1942 = tpu.vector_load %arg8[%get3A_1940, %get3A_1941] {strides = array<i32>} : memref<8x384xf32, #tpu.memory_space<vmem>>, vector<16xf32>,
    %gt3A_1943 = arith.cmpf ogt, %get3A_1942, %select_n3A_1935 : vector<16xf32>
    %select_n3A_1944 = arith.select %gt3A_1943, %get3A_1942, %select_n3A_1935 : vector<16xi1>, vector<16xf32>
    %broadcast_in_dim3A_1945 = arith.constant 4 : i32
    %broadcast_in_dim3A_1946 = vector.broadcast %broadcast_in_dim3A_1945 : i32 to vector<16xi32>
    %select_n3A_1947 = arith.select %gt3A_1943, %broadcast_in_dim3A_1946, %select_n3A_1938 : vector<16xi1>, vector<16xi32>
    %get3A_1948 = arith.constant 5 : i32
    %get3A_1949 = arith.index_cast %get3A_1948 : i32 to index
    %get3A_1950 = arith.constant 352 : index
    %get3A_1951 = tpu.vector_load %arg8[%get3A_1949, %get3A_1950] {strides = array<i32>} : memref<8x384xf32, #tpu.memory_space<vmem>>, vector<16xf32>,
    %gt3A_1952 = arith.cmpf ogt, %get3A_1951, %select_n3A_1944 : vector<16xf32>
    %select_n3A_1953 = arith.select %gt3A_1952, %get3A_1951, %select_n3A_1944 : vector<16xi1>, vector<16xf32>
    %broadcast_in_dim3A_1954 = arith.constant 5 : i32
    %broadcast_in_dim3A_1955 = vector.broadcast %broadcast_in_dim3A_1954 : i32 to vector<16xi32>
    %select_n3A_1956 = arith.select %gt3A_1952, %broadcast_in_dim3A_1955, %select_n3A_1947 : vector<16xi1>, vector<16xi32>
    %get3A_1957 = arith.constant 6 : i32
    %get3A_1958 = arith.index_cast %get3A_1957 : i32 to index
    %get3A_1959 = arith.constant 352 : index
    %get3A_1960 = tpu.vector_load %arg8[%get3A_1958, %get3A_1959] {strides = array<i32>} : memref<8x384xf32, #tpu.memory_space<vmem>>, vector<16xf32>,
    %gt3A_1961 = arith.cmpf ogt, %get3A_1960, %select_n3A_1953 : vector<16xf32>
    %select_n3A_1962 = arith.select %gt3A_1961, %get3A_1960, %select_n3A_1953 : vector<16xi1>, vector<16xf32>
    %broadcast_in_dim3A_1963 = arith.constant 6 : i32
    %broadcast_in_dim3A_1964 = vector.broadcast %broadcast_in_dim3A_1963 : i32 to vector<16xi32>
    %select_n3A_1965 = arith.select %gt3A_1961, %broadcast_in_dim3A_1964, %select_n3A_1956 : vector<16xi1>, vector<16xi32>
    %get3A_1966 = arith.constant 7 : i32
    %get3A_1967 = arith.index_cast %get3A_1966 : i32 to index
    %get3A_1968 = arith.constant 352 : index
    %get3A_1969 = tpu.vector_load %arg8[%get3A_1967, %get3A_1968] {strides = array<i32>} : memref<8x384xf32, #tpu.memory_space<vmem>>, vector<16xf32>,
    %gt3A_1970 = arith.cmpf ogt, %get3A_1969, %select_n3A_1962 : vector<16xf32>
    %select_n3A_1971 = arith.select %gt3A_1970, %get3A_1969, %select_n3A_1962 : vector<16xi1>, vector<16xf32>
    %broadcast_in_dim3A_1972 = arith.constant 7 : i32
    %broadcast_in_dim3A_1973 = vector.broadcast %broadcast_in_dim3A_1972 : i32 to vector<16xi32>
    %select_n3A_1974 = arith.select %gt3A_1970, %broadcast_in_dim3A_1973, %select_n3A_1965 : vector<16xi1>, vector<16xi32>
    %swap3A_1975 = arith.constant 352 : index
    %swap3A_1976 = tpu.vector_load %arg10[%swap3A_1975] {strides = array<i32>} : memref<384xi32, #tpu.memory_space<vmem>>, vector<16xi32>,
    tpu.vector_store %arg10[%swap3A_1975], %select_n3A_1974 {strides = array<i32>} : memref<384xi32, #tpu.memory_space<vmem>>, vector<16xi32>,
    tpu.vector_store_idx %arg11[%select_n3A_1974], %broadcast_in_dim3A_37 {add = true} : memref<32xf32, #tpu.memory_space<vmem>>[vector<16xi32>], vector<16xf32>,
    %add3A_1977 = arith.constant 8 : i32
    %add3A_1978 = vector.broadcast %add3A_1977 : i32 to vector<16xi32>
    %add3A_1979 = arith.addi %select_n3A_1974, %add3A_1978 : vector<16xi32>
    %get3A_1980 = arith.constant 0 : i32
    %get3A_1981 = arith.index_cast %get3A_1980 : i32 to index
    %get3A_1982 = arith.constant 352 : index
    %get3A_1983 = tpu.vector_load %arg9[%get3A_1981, %get3A_1982] {strides = array<i32>} : memref<2x384xf32, #tpu.memory_space<vmem>>, vector<16xf32>,
    tpu.vector_store_idx %arg11[%add3A_1979], %get3A_1983 {add = true} : memref<32xf32, #tpu.memory_space<vmem>>[vector<16xi32>], vector<16xf32>,
    %add3A_1984 = arith.constant 16 : i32
    %add3A_1985 = vector.broadcast %add3A_1984 : i32 to vector<16xi32>
    %add3A_1986 = arith.addi %select_n3A_1974, %add3A_1985 : vector<16xi32>
    %get3A_1987 = arith.constant 1 : i32
    %get3A_1988 = arith.index_cast %get3A_1987 : i32 to index
    %get3A_1989 = arith.constant 352 : index
    %get3A_1990 = tpu.vector_load %arg9[%get3A_1988, %get3A_1989] {strides = array<i32>} : memref<2x384xf32, #tpu.memory_space<vmem>>, vector<16xf32>,
    tpu.vector_store_idx %arg11[%add3A_1986], %get3A_1990 {add = true} : memref<32xf32, #tpu.memory_space<vmem>>[vector<16xi32>], vector<16xf32>,
    %get3A_1991 = arith.constant 0 : i32
    %get3A_1992 = arith.index_cast %get3A_1991 : i32 to index
    %get3A_1993 = arith.constant 368 : index
    %get3A_1994 = tpu.vector_load %arg8[%get3A_1992, %get3A_1993] {strides = array<i32>} : memref<8x384xf32, #tpu.memory_space<vmem>>, vector<16xf32>,
    %broadcast_in_dim3A_1995 = arith.constant 0 : i32
    %broadcast_in_dim3A_1996 = vector.broadcast %broadcast_in_dim3A_1995 : i32 to vector<16xi32>
    %get3A_1997 = arith.constant 1 : i32
    %get3A_1998 = arith.index_cast %get3A_1997 : i32 to index
    %get3A_1999 = arith.constant 368 : index
    %get3A_2000 = tpu.vector_load %arg8[%get3A_1998, %get3A_1999] {strides = array<i32>} : memref<8x384xf32, #tpu.memory_space<vmem>>, vector<16xf32>,
    %gt3A_2001 = arith.cmpf ogt, %get3A_2000, %get3A_1994 : vector<16xf32>
    %select_n3A_2002 = arith.select %gt3A_2001, %get3A_2000, %get3A_1994 : vector<16xi1>, vector<16xf32>
    %broadcast_in_dim3A_2003 = arith.constant 1 : i32
    %broadcast_in_dim3A_2004 = vector.broadcast %broadcast_in_dim3A_2003 : i32 to vector<16xi32>
    %select_n3A_2005 = arith.select %gt3A_2001, %broadcast_in_dim3A_2004, %broadcast_in_dim3A_1996 : vector<16xi1>, vector<16xi32>
    %get3A_2006 = arith.constant 2 : i32
    %get3A_2007 = arith.index_cast %get3A_2006 : i32 to index
    %get3A_2008 = arith.constant 368 : index
    %get3A_2009 = tpu.vector_load %arg8[%get3A_2007, %get3A_2008] {strides = array<i32>} : memref<8x384xf32, #tpu.memory_space<vmem>>, vector<16xf32>,
    %gt3A_2010 = arith.cmpf ogt, %get3A_2009, %select_n3A_2002 : vector<16xf32>
    %select_n3A_2011 = arith.select %gt3A_2010, %get3A_2009, %select_n3A_2002 : vector<16xi1>, vector<16xf32>
    %broadcast_in_dim3A_2012 = arith.constant 2 : i32
    %broadcast_in_dim3A_2013 = vector.broadcast %broadcast_in_dim3A_2012 : i32 to vector<16xi32>
    %select_n3A_2014 = arith.select %gt3A_2010, %broadcast_in_dim3A_2013, %select_n3A_2005 : vector<16xi1>, vector<16xi32>
    %get3A_2015 = arith.constant 3 : i32
    %get3A_2016 = arith.index_cast %get3A_2015 : i32 to index
    %get3A_2017 = arith.constant 368 : index
    %get3A_2018 = tpu.vector_load %arg8[%get3A_2016, %get3A_2017] {strides = array<i32>} : memref<8x384xf32, #tpu.memory_space<vmem>>, vector<16xf32>,
    %gt3A_2019 = arith.cmpf ogt, %get3A_2018, %select_n3A_2011 : vector<16xf32>
    %select_n3A_2020 = arith.select %gt3A_2019, %get3A_2018, %select_n3A_2011 : vector<16xi1>, vector<16xf32>
    %broadcast_in_dim3A_2021 = arith.constant 3 : i32
    %broadcast_in_dim3A_2022 = vector.broadcast %broadcast_in_dim3A_2021 : i32 to vector<16xi32>
    %select_n3A_2023 = arith.select %gt3A_2019, %broadcast_in_dim3A_2022, %select_n3A_2014 : vector<16xi1>, vector<16xi32>
    %get3A_2024 = arith.constant 4 : i32
    %get3A_2025 = arith.index_cast %get3A_2024 : i32 to index
    %get3A_2026 = arith.constant 368 : index
    %get3A_2027 = tpu.vector_load %arg8[%get3A_2025, %get3A_2026] {strides = array<i32>} : memref<8x384xf32, #tpu.memory_space<vmem>>, vector<16xf32>,
    %gt3A_2028 = arith.cmpf ogt, %get3A_2027, %select_n3A_2020 : vector<16xf32>
    %select_n3A_2029 = arith.select %gt3A_2028, %get3A_2027, %select_n3A_2020 : vector<16xi1>, vector<16xf32>
    %broadcast_in_dim3A_2030 = arith.constant 4 : i32
    %broadcast_in_dim3A_2031 = vector.broadcast %broadcast_in_dim3A_2030 : i32 to vector<16xi32>
    %select_n3A_2032 = arith.select %gt3A_2028, %broadcast_in_dim3A_2031, %select_n3A_2023 : vector<16xi1>, vector<16xi32>
    %get3A_2033 = arith.constant 5 : i32
    %get3A_2034 = arith.index_cast %get3A_2033 : i32 to index
    %get3A_2035 = arith.constant 368 : index
    %get3A_2036 = tpu.vector_load %arg8[%get3A_2034, %get3A_2035] {strides = array<i32>} : memref<8x384xf32, #tpu.memory_space<vmem>>, vector<16xf32>,
    %gt3A_2037 = arith.cmpf ogt, %get3A_2036, %select_n3A_2029 : vector<16xf32>
    %select_n3A_2038 = arith.select %gt3A_2037, %get3A_2036, %select_n3A_2029 : vector<16xi1>, vector<16xf32>
    %broadcast_in_dim3A_2039 = arith.constant 5 : i32
    %broadcast_in_dim3A_2040 = vector.broadcast %broadcast_in_dim3A_2039 : i32 to vector<16xi32>
    %select_n3A_2041 = arith.select %gt3A_2037, %broadcast_in_dim3A_2040, %select_n3A_2032 : vector<16xi1>, vector<16xi32>
    %get3A_2042 = arith.constant 6 : i32
    %get3A_2043 = arith.index_cast %get3A_2042 : i32 to index
    %get3A_2044 = arith.constant 368 : index
    %get3A_2045 = tpu.vector_load %arg8[%get3A_2043, %get3A_2044] {strides = array<i32>} : memref<8x384xf32, #tpu.memory_space<vmem>>, vector<16xf32>,
    %gt3A_2046 = arith.cmpf ogt, %get3A_2045, %select_n3A_2038 : vector<16xf32>
    %select_n3A_2047 = arith.select %gt3A_2046, %get3A_2045, %select_n3A_2038 : vector<16xi1>, vector<16xf32>
    %broadcast_in_dim3A_2048 = arith.constant 6 : i32
    %broadcast_in_dim3A_2049 = vector.broadcast %broadcast_in_dim3A_2048 : i32 to vector<16xi32>
    %select_n3A_2050 = arith.select %gt3A_2046, %broadcast_in_dim3A_2049, %select_n3A_2041 : vector<16xi1>, vector<16xi32>
    %get3A_2051 = arith.constant 7 : i32
    %get3A_2052 = arith.index_cast %get3A_2051 : i32 to index
    %get3A_2053 = arith.constant 368 : index
    %get3A_2054 = tpu.vector_load %arg8[%get3A_2052, %get3A_2053] {strides = array<i32>} : memref<8x384xf32, #tpu.memory_space<vmem>>, vector<16xf32>,
    %gt3A_2055 = arith.cmpf ogt, %get3A_2054, %select_n3A_2047 : vector<16xf32>
    %select_n3A_2056 = arith.select %gt3A_2055, %get3A_2054, %select_n3A_2047 : vector<16xi1>, vector<16xf32>
    %broadcast_in_dim3A_2057 = arith.constant 7 : i32
    %broadcast_in_dim3A_2058 = vector.broadcast %broadcast_in_dim3A_2057 : i32 to vector<16xi32>
    %select_n3A_2059 = arith.select %gt3A_2055, %broadcast_in_dim3A_2058, %select_n3A_2050 : vector<16xi1>, vector<16xi32>
    %swap3A_2060 = arith.constant 368 : index
    %swap3A_2061 = tpu.vector_load %arg10[%swap3A_2060] {strides = array<i32>} : memref<384xi32, #tpu.memory_space<vmem>>, vector<16xi32>,
    tpu.vector_store %arg10[%swap3A_2060], %select_n3A_2059 {strides = array<i32>} : memref<384xi32, #tpu.memory_space<vmem>>, vector<16xi32>,
    tpu.vector_store_idx %arg11[%select_n3A_2059], %broadcast_in_dim3A_37 {add = true} : memref<32xf32, #tpu.memory_space<vmem>>[vector<16xi32>], vector<16xf32>,
    %add3A_2062 = arith.constant 8 : i32
    %add3A_2063 = vector.broadcast %add3A_2062 : i32 to vector<16xi32>
    %add3A_2064 = arith.addi %select_n3A_2059, %add3A_2063 : vector<16xi32>
    %get3A_2065 = arith.constant 0 : i32
    %get3A_2066 = arith.index_cast %get3A_2065 : i32 to index
    %get3A_2067 = arith.constant 368 : index
    %get3A_2068 = tpu.vector_load %arg9[%get3A_2066, %get3A_2067] {strides = array<i32>} : memref<2x384xf32, #tpu.memory_space<vmem>>, vector<16xf32>,
    tpu.vector_store_idx %arg11[%add3A_2064], %get3A_2068 {add = true} : memref<32xf32, #tpu.memory_space<vmem>>[vector<16xi32>], vector<16xf32>,
    %add3A_2069 = arith.constant 16 : i32
    %add3A_2070 = vector.broadcast %add3A_2069 : i32 to vector<16xi32>
    %add3A_2071 = arith.addi %select_n3A_2059, %add3A_2070 : vector<16xi32>
    %get3A_2072 = arith.constant 1 : i32
    %get3A_2073 = arith.index_cast %get3A_2072 : i32 to index
    %get3A_2074 = arith.constant 368 : index
    %get3A_2075 = tpu.vector_load %arg9[%get3A_2073, %get3A_2074] {strides = array<i32>} : memref<2x384xf32, #tpu.memory_space<vmem>>, vector<16xf32>,
    tpu.vector_store_idx %arg11[%add3A_2071], %get3A_2075 {add = true} : memref<32xf32, #tpu.memory_space<vmem>>[vector<16xi32>], vector<16xf32>,
    "tpu.region"() ({
      %run_scoped3A = tpu.sem_alloc : memref<!tpu.dma_semaphore, #tpu.memory_space<semaphore_mem>>
      %dma_start3A = arith.constant 0 : i32
      %dma_start3A_2751 = tpu.memref_slice %arg16[%arg1, %dma_start3A] : memref<16x32xf32, #tpu.memory_space<vmem_shared>> -> memref<1x32xf32, #tpu.memory_space<vmem_shared>>
      %dma_start3A_2752 = tpu.memref_squeeze %dma_start3A_2751 : memref<1x32xf32, #tpu.memory_space<vmem_shared>> -> memref<32xf32, #tpu.memory_space<vmem_shared>>
      %dma_start3A_2753 = arith.constant 0 : i32
      %dma_start3A_2754 = tpu.memref_slice %arg16[%arg1, %dma_start3A_2753] : memref<16x32xf32, #tpu.memory_space<vmem_shared>> -> memref<1x32xf32, #tpu.memory_space<vmem_shared>>
      %dma_start3A_2755 = tpu.memref_squeeze %dma_start3A_2754 : memref<1x32xf32, #tpu.memory_space<vmem_shared>> -> memref<32xf32, #tpu.memory_space<vmem_shared>>
      tpu.enqueue_dma source(%arg11 : memref<32xf32, #tpu.memory_space<vmem>>) target(%dma_start3A_2755 : memref<32xf32, #tpu.memory_space<vmem_shared>>) target_semaphore(%run_scoped3A : memref<!tpu.dma_semaphore, #tpu.memory_space<semaphore_mem>>)
      %dma_wait3A = arith.constant 0 : i32
      %dma_wait3A_2756 = tpu.memref_slice %arg16[%arg1, %dma_wait3A] : memref<16x32xf32, #tpu.memory_space<vmem_shared>> -> memref<1x32xf32, #tpu.memory_space<vmem_shared>>
      %dma_wait3A_2757 = tpu.memref_squeeze %dma_wait3A_2756 : memref<1x32xf32, #tpu.memory_space<vmem_shared>> -> memref<32xf32, #tpu.memory_space<vmem_shared>>
      %dma_wait3A_2758 = arith.constant 0 : i32
      %dma_wait3A_2759 = tpu.memref_slice %arg16[%arg1, %dma_wait3A_2758] : memref<16x32xf32, #tpu.memory_space<vmem_shared>> -> memref<1x32xf32, #tpu.memory_space<vmem_shared>>
      %dma_wait3A_2760 = tpu.memref_squeeze %dma_wait3A_2759 : memref<1x32xf32, #tpu.memory_space<vmem_shared>> -> memref<32xf32, #tpu.memory_space<vmem_shared>>
      tpu.wait_dma2 semaphore(%run_scoped3A : memref<!tpu.dma_semaphore, #tpu.memory_space<semaphore_mem>>) src(%arg11 : memref<32xf32, #tpu.memory_space<vmem>>) dst(%dma_wait3A_2760 : memref<32xf32, #tpu.memory_space<vmem_shared>>)
      tpu.yield
    }) : () -> ()
    %barrier3A = arith.constant 0 : index
    tpu.barrier barrier_id(%barrier3A)
    "tpu.region"() ({
      %run_scoped3A = tpu.sem_alloc : memref<!tpu.dma_semaphore, #tpu.memory_space<semaphore_mem>>
      tpu.enqueue_dma source(%arg16 : memref<16x32xf32, #tpu.memory_space<vmem_shared>>) target(%arg12 : memref<16x32xf32, #tpu.memory_space<vmem>>) target_semaphore(%run_scoped3A : memref<!tpu.dma_semaphore, #tpu.memory_space<semaphore_mem>>)
      tpu.wait_dma2 semaphore(%run_scoped3A : memref<!tpu.dma_semaphore, #tpu.memory_space<semaphore_mem>>) src(%arg16 : memref<16x32xf32, #tpu.memory_space<vmem_shared>>) dst(%arg12 : memref<16x32xf32, #tpu.memory_space<vmem>>)
      tpu.yield
    }) : () -> ()
    %broadcast_in_dim3A_2076 = arith.constant 0.000000e+00 : f32
    %broadcast_in_dim3A_2077 = vector.broadcast %broadcast_in_dim3A_2076 : f32 to vector<16xf32>
    %broadcast_in_dim3A_2078 = arith.constant 0.000000e+00 : f32
    %broadcast_in_dim3A_2079 = vector.broadcast %broadcast_in_dim3A_2078 : f32 to vector<16xf32>
    %get3A_2080 = arith.constant 0 : i32
    %get3A_2081 = arith.index_cast %get3A_2080 : i32 to index
    %get3A_2082 = arith.constant 0 : index
    %get3A_2083 = tpu.vector_load %arg12[%get3A_2081, %get3A_2082] {strides = array<i32>} : memref<16x32xf32, #tpu.memory_space<vmem>>, vector<16xf32>,
    %add3A_2084 = arith.addf %broadcast_in_dim3A_2077, %get3A_2083 : vector<16xf32>
    %get3A_2085 = arith.constant 0 : i32
    %get3A_2086 = arith.index_cast %get3A_2085 : i32 to index
    %get3A_2087 = arith.constant 16 : index
    %get3A_2088 = tpu.vector_load %arg12[%get3A_2086, %get3A_2087] {strides = array<i32>} : memref<16x32xf32, #tpu.memory_space<vmem>>, vector<16xf32>,
    %add3A_2089 = arith.addf %broadcast_in_dim3A_2079, %get3A_2088 : vector<16xf32>
    %get3A_2090 = arith.constant 1 : i32
    %get3A_2091 = arith.index_cast %get3A_2090 : i32 to index
    %get3A_2092 = arith.constant 0 : index
    %get3A_2093 = tpu.vector_load %arg12[%get3A_2091, %get3A_2092] {strides = array<i32>} : memref<16x32xf32, #tpu.memory_space<vmem>>, vector<16xf32>,
    %add3A_2094 = arith.addf %add3A_2084, %get3A_2093 : vector<16xf32>
    %get3A_2095 = arith.constant 1 : i32
    %get3A_2096 = arith.index_cast %get3A_2095 : i32 to index
    %get3A_2097 = arith.constant 16 : index
    %get3A_2098 = tpu.vector_load %arg12[%get3A_2096, %get3A_2097] {strides = array<i32>} : memref<16x32xf32, #tpu.memory_space<vmem>>, vector<16xf32>,
    %add3A_2099 = arith.addf %add3A_2089, %get3A_2098 : vector<16xf32>
    %get3A_2100 = arith.constant 2 : i32
    %get3A_2101 = arith.index_cast %get3A_2100 : i32 to index
    %get3A_2102 = arith.constant 0 : index
    %get3A_2103 = tpu.vector_load %arg12[%get3A_2101, %get3A_2102] {strides = array<i32>} : memref<16x32xf32, #tpu.memory_space<vmem>>, vector<16xf32>,
    %add3A_2104 = arith.addf %add3A_2094, %get3A_2103 : vector<16xf32>
    %get3A_2105 = arith.constant 2 : i32
    %get3A_2106 = arith.index_cast %get3A_2105 : i32 to index
    %get3A_2107 = arith.constant 16 : index
    %get3A_2108 = tpu.vector_load %arg12[%get3A_2106, %get3A_2107] {strides = array<i32>} : memref<16x32xf32, #tpu.memory_space<vmem>>, vector<16xf32>,
    %add3A_2109 = arith.addf %add3A_2099, %get3A_2108 : vector<16xf32>
    %get3A_2110 = arith.constant 3 : i32
    %get3A_2111 = arith.index_cast %get3A_2110 : i32 to index
    %get3A_2112 = arith.constant 0 : index
    %get3A_2113 = tpu.vector_load %arg12[%get3A_2111, %get3A_2112] {strides = array<i32>} : memref<16x32xf32, #tpu.memory_space<vmem>>, vector<16xf32>,
    %add3A_2114 = arith.addf %add3A_2104, %get3A_2113 : vector<16xf32>
    %get3A_2115 = arith.constant 3 : i32
    %get3A_2116 = arith.index_cast %get3A_2115 : i32 to index
    %get3A_2117 = arith.constant 16 : index
    %get3A_2118 = tpu.vector_load %arg12[%get3A_2116, %get3A_2117] {strides = array<i32>} : memref<16x32xf32, #tpu.memory_space<vmem>>, vector<16xf32>,
    %add3A_2119 = arith.addf %add3A_2109, %get3A_2118 : vector<16xf32>
    %get3A_2120 = arith.constant 4 : i32
    %get3A_2121 = arith.index_cast %get3A_2120 : i32 to index
    %get3A_2122 = arith.constant 0 : index
    %get3A_2123 = tpu.vector_load %arg12[%get3A_2121, %get3A_2122] {strides = array<i32>} : memref<16x32xf32, #tpu.memory_space<vmem>>, vector<16xf32>,
    %add3A_2124 = arith.addf %add3A_2114, %get3A_2123 : vector<16xf32>
    %get3A_2125 = arith.constant 4 : i32
    %get3A_2126 = arith.index_cast %get3A_2125 : i32 to index
    %get3A_2127 = arith.constant 16 : index
    %get3A_2128 = tpu.vector_load %arg12[%get3A_2126, %get3A_2127] {strides = array<i32>} : memref<16x32xf32, #tpu.memory_space<vmem>>, vector<16xf32>,
    %add3A_2129 = arith.addf %add3A_2119, %get3A_2128 : vector<16xf32>
    %get3A_2130 = arith.constant 5 : i32
    %get3A_2131 = arith.index_cast %get3A_2130 : i32 to index
    %get3A_2132 = arith.constant 0 : index
    %get3A_2133 = tpu.vector_load %arg12[%get3A_2131, %get3A_2132] {strides = array<i32>} : memref<16x32xf32, #tpu.memory_space<vmem>>, vector<16xf32>,
    %add3A_2134 = arith.addf %add3A_2124, %get3A_2133 : vector<16xf32>
    %get3A_2135 = arith.constant 5 : i32
    %get3A_2136 = arith.index_cast %get3A_2135 : i32 to index
    %get3A_2137 = arith.constant 16 : index
    %get3A_2138 = tpu.vector_load %arg12[%get3A_2136, %get3A_2137] {strides = array<i32>} : memref<16x32xf32, #tpu.memory_space<vmem>>, vector<16xf32>,
    %add3A_2139 = arith.addf %add3A_2129, %get3A_2138 : vector<16xf32>
    %get3A_2140 = arith.constant 6 : i32
    %get3A_2141 = arith.index_cast %get3A_2140 : i32 to index
    %get3A_2142 = arith.constant 0 : index
    %get3A_2143 = tpu.vector_load %arg12[%get3A_2141, %get3A_2142] {strides = array<i32>} : memref<16x32xf32, #tpu.memory_space<vmem>>, vector<16xf32>,
    %add3A_2144 = arith.addf %add3A_2134, %get3A_2143 : vector<16xf32>
    %get3A_2145 = arith.constant 6 : i32
    %get3A_2146 = arith.index_cast %get3A_2145 : i32 to index
    %get3A_2147 = arith.constant 16 : index
    %get3A_2148 = tpu.vector_load %arg12[%get3A_2146, %get3A_2147] {strides = array<i32>} : memref<16x32xf32, #tpu.memory_space<vmem>>, vector<16xf32>,
    %add3A_2149 = arith.addf %add3A_2139, %get3A_2148 : vector<16xf32>
    %get3A_2150 = arith.constant 7 : i32
    %get3A_2151 = arith.index_cast %get3A_2150 : i32 to index
    %get3A_2152 = arith.constant 0 : index
    %get3A_2153 = tpu.vector_load %arg12[%get3A_2151, %get3A_2152] {strides = array<i32>} : memref<16x32xf32, #tpu.memory_space<vmem>>, vector<16xf32>,
    %add3A_2154 = arith.addf %add3A_2144, %get3A_2153 : vector<16xf32>
    %get3A_2155 = arith.constant 7 : i32
    %get3A_2156 = arith.index_cast %get3A_2155 : i32 to index
    %get3A_2157 = arith.constant 16 : index
    %get3A_2158 = tpu.vector_load %arg12[%get3A_2156, %get3A_2157] {strides = array<i32>} : memref<16x32xf32, #tpu.memory_space<vmem>>, vector<16xf32>,
    %add3A_2159 = arith.addf %add3A_2149, %get3A_2158 : vector<16xf32>
    %get3A_2160 = arith.constant 8 : i32
    %get3A_2161 = arith.index_cast %get3A_2160 : i32 to index
    %get3A_2162 = arith.constant 0 : index
    %get3A_2163 = tpu.vector_load %arg12[%get3A_2161, %get3A_2162] {strides = array<i32>} : memref<16x32xf32, #tpu.memory_space<vmem>>, vector<16xf32>,
    %add3A_2164 = arith.addf %add3A_2154, %get3A_2163 : vector<16xf32>
    %get3A_2165 = arith.constant 8 : i32
    %get3A_2166 = arith.index_cast %get3A_2165 : i32 to index
    %get3A_2167 = arith.constant 16 : index
    %get3A_2168 = tpu.vector_load %arg12[%get3A_2166, %get3A_2167] {strides = array<i32>} : memref<16x32xf32, #tpu.memory_space<vmem>>, vector<16xf32>,
    %add3A_2169 = arith.addf %add3A_2159, %get3A_2168 : vector<16xf32>
    %get3A_2170 = arith.constant 9 : i32
    %get3A_2171 = arith.index_cast %get3A_2170 : i32 to index
    %get3A_2172 = arith.constant 0 : index
    %get3A_2173 = tpu.vector_load %arg12[%get3A_2171, %get3A_2172] {strides = array<i32>} : memref<16x32xf32, #tpu.memory_space<vmem>>, vector<16xf32>,
    %add3A_2174 = arith.addf %add3A_2164, %get3A_2173 : vector<16xf32>
    %get3A_2175 = arith.constant 9 : i32
    %get3A_2176 = arith.index_cast %get3A_2175 : i32 to index
    %get3A_2177 = arith.constant 16 : index
    %get3A_2178 = tpu.vector_load %arg12[%get3A_2176, %get3A_2177] {strides = array<i32>} : memref<16x32xf32, #tpu.memory_space<vmem>>, vector<16xf32>,
    %add3A_2179 = arith.addf %add3A_2169, %get3A_2178 : vector<16xf32>
    %get3A_2180 = arith.constant 10 : i32
    %get3A_2181 = arith.index_cast %get3A_2180 : i32 to index
    %get3A_2182 = arith.constant 0 : index
    %get3A_2183 = tpu.vector_load %arg12[%get3A_2181, %get3A_2182] {strides = array<i32>} : memref<16x32xf32, #tpu.memory_space<vmem>>, vector<16xf32>,
    %add3A_2184 = arith.addf %add3A_2174, %get3A_2183 : vector<16xf32>
    %get3A_2185 = arith.constant 10 : i32
    %get3A_2186 = arith.index_cast %get3A_2185 : i32 to index
    %get3A_2187 = arith.constant 16 : index
    %get3A_2188 = tpu.vector_load %arg12[%get3A_2186, %get3A_2187] {strides = array<i32>} : memref<16x32xf32, #tpu.memory_space<vmem>>, vector<16xf32>,
    %add3A_2189 = arith.addf %add3A_2179, %get3A_2188 : vector<16xf32>
    %get3A_2190 = arith.constant 11 : i32
    %get3A_2191 = arith.index_cast %get3A_2190 : i32 to index
    %get3A_2192 = arith.constant 0 : index
    %get3A_2193 = tpu.vector_load %arg12[%get3A_2191, %get3A_2192] {strides = array<i32>} : memref<16x32xf32, #tpu.memory_space<vmem>>, vector<16xf32>,
    %add3A_2194 = arith.addf %add3A_2184, %get3A_2193 : vector<16xf32>
    %get3A_2195 = arith.constant 11 : i32
    %get3A_2196 = arith.index_cast %get3A_2195 : i32 to index
    %get3A_2197 = arith.constant 16 : index
    %get3A_2198 = tpu.vector_load %arg12[%get3A_2196, %get3A_2197] {strides = array<i32>} : memref<16x32xf32, #tpu.memory_space<vmem>>, vector<16xf32>,
    %add3A_2199 = arith.addf %add3A_2189, %get3A_2198 : vector<16xf32>
    %get3A_2200 = arith.constant 12 : i32
    %get3A_2201 = arith.index_cast %get3A_2200 : i32 to index
    %get3A_2202 = arith.constant 0 : index
    %get3A_2203 = tpu.vector_load %arg12[%get3A_2201, %get3A_2202] {strides = array<i32>} : memref<16x32xf32, #tpu.memory_space<vmem>>, vector<16xf32>,
    %add3A_2204 = arith.addf %add3A_2194, %get3A_2203 : vector<16xf32>
    %get3A_2205 = arith.constant 12 : i32
    %get3A_2206 = arith.index_cast %get3A_2205 : i32 to index
    %get3A_2207 = arith.constant 16 : index
    %get3A_2208 = tpu.vector_load %arg12[%get3A_2206, %get3A_2207] {strides = array<i32>} : memref<16x32xf32, #tpu.memory_space<vmem>>, vector<16xf32>,
    %add3A_2209 = arith.addf %add3A_2199, %get3A_2208 : vector<16xf32>
    %get3A_2210 = arith.constant 13 : i32
    %get3A_2211 = arith.index_cast %get3A_2210 : i32 to index
    %get3A_2212 = arith.constant 0 : index
    %get3A_2213 = tpu.vector_load %arg12[%get3A_2211, %get3A_2212] {strides = array<i32>} : memref<16x32xf32, #tpu.memory_space<vmem>>, vector<16xf32>,
    %add3A_2214 = arith.addf %add3A_2204, %get3A_2213 : vector<16xf32>
    %get3A_2215 = arith.constant 13 : i32
    %get3A_2216 = arith.index_cast %get3A_2215 : i32 to index
    %get3A_2217 = arith.constant 16 : index
    %get3A_2218 = tpu.vector_load %arg12[%get3A_2216, %get3A_2217] {strides = array<i32>} : memref<16x32xf32, #tpu.memory_space<vmem>>, vector<16xf32>,
    %add3A_2219 = arith.addf %add3A_2209, %get3A_2218 : vector<16xf32>
    %get3A_2220 = arith.constant 14 : i32
    %get3A_2221 = arith.index_cast %get3A_2220 : i32 to index
    %get3A_2222 = arith.constant 0 : index
    %get3A_2223 = tpu.vector_load %arg12[%get3A_2221, %get3A_2222] {strides = array<i32>} : memref<16x32xf32, #tpu.memory_space<vmem>>, vector<16xf32>,
    %add3A_2224 = arith.addf %add3A_2214, %get3A_2223 : vector<16xf32>
    %get3A_2225 = arith.constant 14 : i32
    %get3A_2226 = arith.index_cast %get3A_2225 : i32 to index
    %get3A_2227 = arith.constant 16 : index
    %get3A_2228 = tpu.vector_load %arg12[%get3A_2226, %get3A_2227] {strides = array<i32>} : memref<16x32xf32, #tpu.memory_space<vmem>>, vector<16xf32>,
    %add3A_2229 = arith.addf %add3A_2219, %get3A_2228 : vector<16xf32>
    %get3A_2230 = arith.constant 15 : i32
    %get3A_2231 = arith.index_cast %get3A_2230 : i32 to index
    %get3A_2232 = arith.constant 0 : index
    %get3A_2233 = tpu.vector_load %arg12[%get3A_2231, %get3A_2232] {strides = array<i32>} : memref<16x32xf32, #tpu.memory_space<vmem>>, vector<16xf32>,
    %add3A_2234 = arith.addf %add3A_2224, %get3A_2233 : vector<16xf32>
    %get3A_2235 = arith.constant 15 : i32
    %get3A_2236 = arith.index_cast %get3A_2235 : i32 to index
    %get3A_2237 = arith.constant 16 : index
    %get3A_2238 = tpu.vector_load %arg12[%get3A_2236, %get3A_2237] {strides = array<i32>} : memref<16x32xf32, #tpu.memory_space<vmem>>, vector<16xf32>,
    %add3A_2239 = arith.addf %add3A_2229, %get3A_2238 : vector<16xf32>
    %swap3A_2240 = arith.constant 0 : index
    %swap3A_2241 = tpu.vector_load %arg13[%swap3A_2240] {strides = array<i32>} : memref<32xf32, #tpu.memory_space<vmem>>, vector<16xf32>,
    tpu.vector_store %arg13[%swap3A_2240], %add3A_2234 {strides = array<i32>} : memref<32xf32, #tpu.memory_space<vmem>>, vector<16xf32>,
    %swap3A_2242 = arith.constant 16 : index
    %swap3A_2243 = tpu.vector_load %arg13[%swap3A_2242] {strides = array<i32>} : memref<32xf32, #tpu.memory_space<vmem>>, vector<16xf32>,
    tpu.vector_store %arg13[%swap3A_2242], %add3A_2239 {strides = array<i32>} : memref<32xf32, #tpu.memory_space<vmem>>, vector<16xf32>,
    %iota3A = tpu.iota {dimensions = array<i32: 0>} : vector<16xi32>
    %broadcast_in_dim3A_2244 = arith.constant 8 : i32
    %broadcast_in_dim3A_2245 = vector.broadcast %broadcast_in_dim3A_2244 : i32 to vector<16xi32>
    %rem3A_2246 = arith.remsi %iota3A, %broadcast_in_dim3A_2245 : vector<16xi32>
    %gather3A = tpu.vector_load_idx %arg13[%rem3A_2246] : memref<32xf32, #tpu.memory_space<vmem>>[vector<16xi32>], vector<16xf32>,
    %add3A_2247 = arith.constant 8 : i32
    %add3A_2248 = vector.broadcast %add3A_2247 : i32 to vector<16xi32>
    %add3A_2249 = arith.addi %rem3A_2246, %add3A_2248 : vector<16xi32>
    %gather3A_2250 = tpu.vector_load_idx %arg13[%add3A_2249] : memref<32xf32, #tpu.memory_space<vmem>>[vector<16xi32>], vector<16xf32>,
    %add3A_2251 = arith.constant 16 : i32
    %add3A_2252 = vector.broadcast %add3A_2251 : i32 to vector<16xi32>
    %add3A_2253 = arith.addi %rem3A_2246, %add3A_2252 : vector<16xi32>
    %gather3A_2254 = tpu.vector_load_idx %arg13[%add3A_2253] : memref<32xf32, #tpu.memory_space<vmem>>[vector<16xi32>], vector<16xf32>,
    %mul3A_2255 = arith.constant 1.024000e+03 : f32
    %mul3A_2256 = vector.broadcast %mul3A_2255 : f32 to vector<16xf32>
    %mul3A_2257 = arith.mulf %gather3A, %mul3A_2256 : vector<16xf32>
    %max3A = arith.constant 1.000000e+00 : f32
    %max3A_2258 = vector.broadcast %max3A : f32 to vector<16xf32>
    %max3A_2259 = arith.maximumf %mul3A_2257, %max3A_2258 : vector<16xf32>
    %div3A_2260 = arith.divf %gather3A_2250, %max3A_2259 : vector<16xf32>
    %mul3A_2261 = arith.mulf %gather3A_2250, %div3A_2260 : vector<16xf32>
    %sub3A_2262 = arith.subf %gather3A_2254, %mul3A_2261 : vector<16xf32>
    %sub3A_2263 = arith.constant 1.000000e+00 : f32
    %sub3A_2264 = vector.broadcast %sub3A_2263 : f32 to vector<16xf32>
    %sub3A_2265 = arith.subf %mul3A_2257, %sub3A_2264 : vector<16xf32>
    %max3A_2266 = arith.constant 1.000000e+00 : f32
    %max3A_2267 = vector.broadcast %max3A_2266 : f32 to vector<16xf32>
    %max3A_2268 = arith.maximumf %sub3A_2265, %max3A_2267 : vector<16xf32>
    %div3A_2269 = arith.divf %sub3A_2262, %max3A_2268 : vector<16xf32>
    %add3A_2270 = arith.constant 9.99999974E-6 : f32
    %add3A_2271 = vector.broadcast %add3A_2270 : f32 to vector<16xf32>
    %add3A_2272 = arith.addf %div3A_2269, %add3A_2271 : vector<16xf32>
    %broadcast_in_dim3A_2273 = arith.constant 1597463007 : i32
    %broadcast_in_dim3A_2274 = vector.broadcast %broadcast_in_dim3A_2273 : i32 to vector<16xi32>
    %bitcast3A = vector.bitcast %add3A_2272 : vector<16xf32> to vector<16xi32>
    %broadcast_in_dim3A_2275 = arith.constant 1 : i32
    %broadcast_in_dim3A_2276 = vector.broadcast %broadcast_in_dim3A_2275 : i32 to vector<16xi32>
    %shift_right_logical3A = arith.shrui %bitcast3A, %broadcast_in_dim3A_2276 : vector<16xi32>
    %sub3A_2277 = arith.subi %broadcast_in_dim3A_2274, %shift_right_logical3A : vector<16xi32>
    %bitcast3A_2278 = vector.bitcast %sub3A_2277 : vector<16xi32> to vector<16xf32>
    %mul3A_2279 = arith.constant 5.000000e-01 : f32
    %mul3A_2280 = vector.broadcast %mul3A_2279 : f32 to vector<16xf32>
    %mul3A_2281 = arith.mulf %mul3A_2280, %add3A_2272 : vector<16xf32>
    %mul3A_2282 = arith.mulf %mul3A_2281, %bitcast3A_2278 : vector<16xf32>
    %mul3A_2283 = arith.mulf %mul3A_2282, %bitcast3A_2278 : vector<16xf32>
    %sub3A_2284 = arith.constant 1.500000e+00 : f32
    %sub3A_2285 = vector.broadcast %sub3A_2284 : f32 to vector<16xf32>
    %sub3A_2286 = arith.subf %sub3A_2285, %mul3A_2283 : vector<16xf32>
    %mul3A_2287 = arith.mulf %bitcast3A_2278, %sub3A_2286 : vector<16xf32>
    %mul3A_2288 = arith.constant 5.000000e-01 : f32
    %mul3A_2289 = vector.broadcast %mul3A_2288 : f32 to vector<16xf32>
    %mul3A_2290 = arith.mulf %mul3A_2289, %add3A_2272 : vector<16xf32>
    %mul3A_2291 = arith.mulf %mul3A_2290, %mul3A_2287 : vector<16xf32>
    %mul3A_2292 = arith.mulf %mul3A_2291, %mul3A_2287 : vector<16xf32>
    %sub3A_2293 = arith.constant 1.500000e+00 : f32
    %sub3A_2294 = vector.broadcast %sub3A_2293 : f32 to vector<16xf32>
    %sub3A_2295 = arith.subf %sub3A_2294, %mul3A_2292 : vector<16xf32>
    %mul3A_2296 = arith.mulf %mul3A_2287, %sub3A_2295 : vector<16xf32>
    %mul3A_2297 = arith.constant 5.000000e-01 : f32
    %mul3A_2298 = vector.broadcast %mul3A_2297 : f32 to vector<16xf32>
    %mul3A_2299 = arith.mulf %mul3A_2298, %add3A_2272 : vector<16xf32>
    %mul3A_2300 = arith.mulf %mul3A_2299, %mul3A_2296 : vector<16xf32>
    %mul3A_2301 = arith.mulf %mul3A_2300, %mul3A_2296 : vector<16xf32>
    %sub3A_2302 = arith.constant 1.500000e+00 : f32
    %sub3A_2303 = vector.broadcast %sub3A_2302 : f32 to vector<16xf32>
    %sub3A_2304 = arith.subf %sub3A_2303, %mul3A_2301 : vector<16xf32>
    %mul3A_2305 = arith.mulf %mul3A_2296, %sub3A_2304 : vector<16xf32>
    %mul3A_2306 = arith.constant 5.000000e-01 : f32
    %mul3A_2307 = vector.broadcast %mul3A_2306 : f32 to vector<16xf32>
    %mul3A_2308 = arith.mulf %mul3A_2307, %add3A_2272 : vector<16xf32>
    %mul3A_2309 = arith.mulf %mul3A_2308, %mul3A_2305 : vector<16xf32>
    %mul3A_2310 = arith.mulf %mul3A_2309, %mul3A_2305 : vector<16xf32>
    %sub3A_2311 = arith.constant 1.500000e+00 : f32
    %sub3A_2312 = vector.broadcast %sub3A_2311 : f32 to vector<16xf32>
    %sub3A_2313 = arith.subf %sub3A_2312, %mul3A_2310 : vector<16xf32>
    %mul3A_2314 = arith.mulf %mul3A_2305, %sub3A_2313 : vector<16xf32>
    %swap3A_2315 = arith.constant 0 : index
    %swap3A_2316 = tpu.vector_load %arg13[%swap3A_2315] {strides = array<i32>} : memref<32xf32, #tpu.memory_space<vmem>>, vector<16xf32>,
    tpu.vector_store %arg13[%swap3A_2315], %div3A_2260 {strides = array<i32>} : memref<32xf32, #tpu.memory_space<vmem>>, vector<16xf32>,
    %swap3A_2317 = arith.constant 16 : index
    %swap3A_2318 = tpu.vector_load %arg13[%swap3A_2317] {strides = array<i32>} : memref<32xf32, #tpu.memory_space<vmem>>, vector<16xf32>,
    tpu.vector_store %arg13[%swap3A_2317], %mul3A_2314 {strides = array<i32>} : memref<32xf32, #tpu.memory_space<vmem>>, vector<16xf32>,
    "tpu.region"() ({
      %run_scoped3A = tpu.sem_alloc : memref<!tpu.dma_semaphore, #tpu.memory_space<semaphore_mem>>
      %dma_start3A = arith.constant 0 : i32
      %dma_start3A_2751 = tpu.memref_slice %arg14[%dma_start3A] : memref<768xf32, #tpu.memory_space<vmem>> -> memref<384xf32, #tpu.memory_space<vmem>>
      %dma_start3A_2752 = tpu.memref_slice %arg4[%mul3A_31] : memref<768xf32, #tpu.memory_space<hbm>> -> memref<384xf32, #tpu.memory_space<hbm>>
      %dma_start3A_2753 = arith.constant 0 : i32
      %dma_start3A_2754 = tpu.memref_slice %arg14[%dma_start3A_2753] : memref<768xf32, #tpu.memory_space<vmem>> -> memref<384xf32, #tpu.memory_space<vmem>>
      %dma_start3A_2755 = tpu.memref_slice %arg4[%mul3A_31] : memref<768xf32, #tpu.memory_space<hbm>> -> memref<384xf32, #tpu.memory_space<hbm>>
      tpu.enqueue_dma source(%dma_start3A_2755 : memref<384xf32, #tpu.memory_space<hbm>>) target(%dma_start3A_2754 : memref<384xf32, #tpu.memory_space<vmem>>) target_semaphore(%run_scoped3A : memref<!tpu.dma_semaphore, #tpu.memory_space<semaphore_mem>>)
      %dma_wait3A = arith.constant 0 : i32
      %dma_wait3A_2756 = tpu.memref_slice %arg14[%dma_wait3A] : memref<768xf32, #tpu.memory_space<vmem>> -> memref<384xf32, #tpu.memory_space<vmem>>
      %dma_wait3A_2757 = tpu.memref_slice %arg4[%mul3A_31] : memref<768xf32, #tpu.memory_space<hbm>> -> memref<384xf32, #tpu.memory_space<hbm>>
      %dma_wait3A_2758 = arith.constant 0 : i32
      %dma_wait3A_2759 = tpu.memref_slice %arg14[%dma_wait3A_2758] : memref<768xf32, #tpu.memory_space<vmem>> -> memref<384xf32, #tpu.memory_space<vmem>>
      %dma_wait3A_2760 = tpu.memref_slice %arg4[%mul3A_31] : memref<768xf32, #tpu.memory_space<hbm>> -> memref<384xf32, #tpu.memory_space<hbm>>
      tpu.wait_dma2 semaphore(%run_scoped3A : memref<!tpu.dma_semaphore, #tpu.memory_space<semaphore_mem>>) src(%dma_wait3A_2760 : memref<384xf32, #tpu.memory_space<hbm>>) dst(%dma_wait3A_2759 : memref<384xf32, #tpu.memory_space<vmem>>)
      tpu.yield
    }) : () -> ()
    "tpu.region"() ({
      %run_scoped3A = tpu.sem_alloc : memref<!tpu.dma_semaphore, #tpu.memory_space<semaphore_mem>>
      %dma_start3A = arith.constant 384 : i32
      %dma_start3A_2751 = tpu.memref_slice %arg14[%dma_start3A] : memref<768xf32, #tpu.memory_space<vmem>> -> memref<384xf32, #tpu.memory_space<vmem>>
      %dma_start3A_2752 = tpu.memref_slice %arg5[%mul3A_31] : memref<768xf32, #tpu.memory_space<hbm>> -> memref<384xf32, #tpu.memory_space<hbm>>
      %dma_start3A_2753 = arith.constant 384 : i32
      %dma_start3A_2754 = tpu.memref_slice %arg14[%dma_start3A_2753] : memref<768xf32, #tpu.memory_space<vmem>> -> memref<384xf32, #tpu.memory_space<vmem>>
      %dma_start3A_2755 = tpu.memref_slice %arg5[%mul3A_31] : memref<768xf32, #tpu.memory_space<hbm>> -> memref<384xf32, #tpu.memory_space<hbm>>
      tpu.enqueue_dma source(%dma_start3A_2755 : memref<384xf32, #tpu.memory_space<hbm>>) target(%dma_start3A_2754 : memref<384xf32, #tpu.memory_space<vmem>>) target_semaphore(%run_scoped3A : memref<!tpu.dma_semaphore, #tpu.memory_space<semaphore_mem>>)
      %dma_wait3A = arith.constant 384 : i32
      %dma_wait3A_2756 = tpu.memref_slice %arg14[%dma_wait3A] : memref<768xf32, #tpu.memory_space<vmem>> -> memref<384xf32, #tpu.memory_space<vmem>>
      %dma_wait3A_2757 = tpu.memref_slice %arg5[%mul3A_31] : memref<768xf32, #tpu.memory_space<hbm>> -> memref<384xf32, #tpu.memory_space<hbm>>
      %dma_wait3A_2758 = arith.constant 384 : i32
      %dma_wait3A_2759 = tpu.memref_slice %arg14[%dma_wait3A_2758] : memref<768xf32, #tpu.memory_space<vmem>> -> memref<384xf32, #tpu.memory_space<vmem>>
      %dma_wait3A_2760 = tpu.memref_slice %arg5[%mul3A_31] : memref<768xf32, #tpu.memory_space<hbm>> -> memref<384xf32, #tpu.memory_space<hbm>>
      tpu.wait_dma2 semaphore(%run_scoped3A : memref<!tpu.dma_semaphore, #tpu.memory_space<semaphore_mem>>) src(%dma_wait3A_2760 : memref<384xf32, #tpu.memory_space<hbm>>) dst(%dma_wait3A_2759 : memref<384xf32, #tpu.memory_space<vmem>>)
      tpu.yield
    }) : () -> ()
    %get3A_2319 = arith.constant 0 : index
    %get3A_2320 = tpu.vector_load %arg10[%get3A_2319] {strides = array<i32>} : memref<384xi32, #tpu.memory_space<vmem>>, vector<16xi32>,
    %gather3A_2321 = tpu.vector_load_idx %arg13[%get3A_2320] : memref<32xf32, #tpu.memory_space<vmem>>[vector<16xi32>], vector<16xf32>,
    %add3A_2322 = arith.constant 16 : i32
    %add3A_2323 = vector.broadcast %add3A_2322 : i32 to vector<16xi32>
    %add3A_2324 = arith.addi %get3A_2320, %add3A_2323 : vector<16xi32>
    %gather3A_2325 = tpu.vector_load_idx %arg13[%add3A_2324] : memref<32xf32, #tpu.memory_space<vmem>>[vector<16xi32>], vector<16xf32>,
    %get3A_2326 = arith.constant 0 : index
    %get3A_2327 = tpu.vector_load %arg14[%get3A_2326] {strides = array<i32>} : memref<768xf32, #tpu.memory_space<vmem>>, vector<16xf32>,
    %mul3A_2328 = arith.mulf %gather3A_2325, %get3A_2327 : vector<16xf32>
    %swap3A_2329 = arith.constant 0 : index
    %swap3A_2330 = tpu.vector_load %arg15[%swap3A_2329] {strides = array<i32>} : memref<768xf32, #tpu.memory_space<vmem>>, vector<16xf32>,
    tpu.vector_store %arg15[%swap3A_2329], %mul3A_2328 {strides = array<i32>} : memref<768xf32, #tpu.memory_space<vmem>>, vector<16xf32>,
    %get3A_2331 = arith.constant 384 : index
    %get3A_2332 = tpu.vector_load %arg14[%get3A_2331] {strides = array<i32>} : memref<768xf32, #tpu.memory_space<vmem>>, vector<16xf32>,
    %mul3A_2333 = arith.mulf %gather3A_2321, %mul3A_2328 : vector<16xf32>
    %sub3A_2334 = arith.subf %get3A_2332, %mul3A_2333 : vector<16xf32>
    %swap3A_2335 = arith.constant 384 : index
    %swap3A_2336 = tpu.vector_load %arg15[%swap3A_2335] {strides = array<i32>} : memref<768xf32, #tpu.memory_space<vmem>>, vector<16xf32>,
    tpu.vector_store %arg15[%swap3A_2335], %sub3A_2334 {strides = array<i32>} : memref<768xf32, #tpu.memory_space<vmem>>, vector<16xf32>,
    %get3A_2337 = arith.constant 16 : index
    %get3A_2338 = tpu.vector_load %arg10[%get3A_2337] {strides = array<i32>} : memref<384xi32, #tpu.memory_space<vmem>>, vector<16xi32>,
    %gather3A_2339 = tpu.vector_load_idx %arg13[%get3A_2338] : memref<32xf32, #tpu.memory_space<vmem>>[vector<16xi32>], vector<16xf32>,
    %add3A_2340 = arith.constant 16 : i32
    %add3A_2341 = vector.broadcast %add3A_2340 : i32 to vector<16xi32>
    %add3A_2342 = arith.addi %get3A_2338, %add3A_2341 : vector<16xi32>
    %gather3A_2343 = tpu.vector_load_idx %arg13[%add3A_2342] : memref<32xf32, #tpu.memory_space<vmem>>[vector<16xi32>], vector<16xf32>,
    %get3A_2344 = arith.constant 16 : index
    %get3A_2345 = tpu.vector_load %arg14[%get3A_2344] {strides = array<i32>} : memref<768xf32, #tpu.memory_space<vmem>>, vector<16xf32>,
    %mul3A_2346 = arith.mulf %gather3A_2343, %get3A_2345 : vector<16xf32>
    %swap3A_2347 = arith.constant 16 : index
    %swap3A_2348 = tpu.vector_load %arg15[%swap3A_2347] {strides = array<i32>} : memref<768xf32, #tpu.memory_space<vmem>>, vector<16xf32>,
    tpu.vector_store %arg15[%swap3A_2347], %mul3A_2346 {strides = array<i32>} : memref<768xf32, #tpu.memory_space<vmem>>, vector<16xf32>,
    %get3A_2349 = arith.constant 400 : index
    %get3A_2350 = tpu.vector_load %arg14[%get3A_2349] {strides = array<i32>} : memref<768xf32, #tpu.memory_space<vmem>>, vector<16xf32>,
    %mul3A_2351 = arith.mulf %gather3A_2339, %mul3A_2346 : vector<16xf32>
    %sub3A_2352 = arith.subf %get3A_2350, %mul3A_2351 : vector<16xf32>
    %swap3A_2353 = arith.constant 400 : index
    %swap3A_2354 = tpu.vector_load %arg15[%swap3A_2353] {strides = array<i32>} : memref<768xf32, #tpu.memory_space<vmem>>, vector<16xf32>,
    tpu.vector_store %arg15[%swap3A_2353], %sub3A_2352 {strides = array<i32>} : memref<768xf32, #tpu.memory_space<vmem>>, vector<16xf32>,
    %get3A_2355 = arith.constant 32 : index
    %get3A_2356 = tpu.vector_load %arg10[%get3A_2355] {strides = array<i32>} : memref<384xi32, #tpu.memory_space<vmem>>, vector<16xi32>,
    %gather3A_2357 = tpu.vector_load_idx %arg13[%get3A_2356] : memref<32xf32, #tpu.memory_space<vmem>>[vector<16xi32>], vector<16xf32>,
    %add3A_2358 = arith.constant 16 : i32
    %add3A_2359 = vector.broadcast %add3A_2358 : i32 to vector<16xi32>
    %add3A_2360 = arith.addi %get3A_2356, %add3A_2359 : vector<16xi32>
    %gather3A_2361 = tpu.vector_load_idx %arg13[%add3A_2360] : memref<32xf32, #tpu.memory_space<vmem>>[vector<16xi32>], vector<16xf32>,
    %get3A_2362 = arith.constant 32 : index
    %get3A_2363 = tpu.vector_load %arg14[%get3A_2362] {strides = array<i32>} : memref<768xf32, #tpu.memory_space<vmem>>, vector<16xf32>,
    %mul3A_2364 = arith.mulf %gather3A_2361, %get3A_2363 : vector<16xf32>
    %swap3A_2365 = arith.constant 32 : index
    %swap3A_2366 = tpu.vector_load %arg15[%swap3A_2365] {strides = array<i32>} : memref<768xf32, #tpu.memory_space<vmem>>, vector<16xf32>,
    tpu.vector_store %arg15[%swap3A_2365], %mul3A_2364 {strides = array<i32>} : memref<768xf32, #tpu.memory_space<vmem>>, vector<16xf32>,
    %get3A_2367 = arith.constant 416 : index
    %get3A_2368 = tpu.vector_load %arg14[%get3A_2367] {strides = array<i32>} : memref<768xf32, #tpu.memory_space<vmem>>, vector<16xf32>,
    %mul3A_2369 = arith.mulf %gather3A_2357, %mul3A_2364 : vector<16xf32>
    %sub3A_2370 = arith.subf %get3A_2368, %mul3A_2369 : vector<16xf32>
    %swap3A_2371 = arith.constant 416 : index
    %swap3A_2372 = tpu.vector_load %arg15[%swap3A_2371] {strides = array<i32>} : memref<768xf32, #tpu.memory_space<vmem>>, vector<16xf32>,
    tpu.vector_store %arg15[%swap3A_2371], %sub3A_2370 {strides = array<i32>} : memref<768xf32, #tpu.memory_space<vmem>>, vector<16xf32>,
    %get3A_2373 = arith.constant 48 : index
    %get3A_2374 = tpu.vector_load %arg10[%get3A_2373] {strides = array<i32>} : memref<384xi32, #tpu.memory_space<vmem>>, vector<16xi32>,
    %gather3A_2375 = tpu.vector_load_idx %arg13[%get3A_2374] : memref<32xf32, #tpu.memory_space<vmem>>[vector<16xi32>], vector<16xf32>,
    %add3A_2376 = arith.constant 16 : i32
    %add3A_2377 = vector.broadcast %add3A_2376 : i32 to vector<16xi32>
    %add3A_2378 = arith.addi %get3A_2374, %add3A_2377 : vector<16xi32>
    %gather3A_2379 = tpu.vector_load_idx %arg13[%add3A_2378] : memref<32xf32, #tpu.memory_space<vmem>>[vector<16xi32>], vector<16xf32>,
    %get3A_2380 = arith.constant 48 : index
    %get3A_2381 = tpu.vector_load %arg14[%get3A_2380] {strides = array<i32>} : memref<768xf32, #tpu.memory_space<vmem>>, vector<16xf32>,
    %mul3A_2382 = arith.mulf %gather3A_2379, %get3A_2381 : vector<16xf32>
    %swap3A_2383 = arith.constant 48 : index
    %swap3A_2384 = tpu.vector_load %arg15[%swap3A_2383] {strides = array<i32>} : memref<768xf32, #tpu.memory_space<vmem>>, vector<16xf32>,
    tpu.vector_store %arg15[%swap3A_2383], %mul3A_2382 {strides = array<i32>} : memref<768xf32, #tpu.memory_space<vmem>>, vector<16xf32>,
    %get3A_2385 = arith.constant 432 : index
    %get3A_2386 = tpu.vector_load %arg14[%get3A_2385] {strides = array<i32>} : memref<768xf32, #tpu.memory_space<vmem>>, vector<16xf32>,
    %mul3A_2387 = arith.mulf %gather3A_2375, %mul3A_2382 : vector<16xf32>
    %sub3A_2388 = arith.subf %get3A_2386, %mul3A_2387 : vector<16xf32>
    %swap3A_2389 = arith.constant 432 : index
    %swap3A_2390 = tpu.vector_load %arg15[%swap3A_2389] {strides = array<i32>} : memref<768xf32, #tpu.memory_space<vmem>>, vector<16xf32>,
    tpu.vector_store %arg15[%swap3A_2389], %sub3A_2388 {strides = array<i32>} : memref<768xf32, #tpu.memory_space<vmem>>, vector<16xf32>,
    %get3A_2391 = arith.constant 64 : index
    %get3A_2392 = tpu.vector_load %arg10[%get3A_2391] {strides = array<i32>} : memref<384xi32, #tpu.memory_space<vmem>>, vector<16xi32>,
    %gather3A_2393 = tpu.vector_load_idx %arg13[%get3A_2392] : memref<32xf32, #tpu.memory_space<vmem>>[vector<16xi32>], vector<16xf32>,
    %add3A_2394 = arith.constant 16 : i32
    %add3A_2395 = vector.broadcast %add3A_2394 : i32 to vector<16xi32>
    %add3A_2396 = arith.addi %get3A_2392, %add3A_2395 : vector<16xi32>
    %gather3A_2397 = tpu.vector_load_idx %arg13[%add3A_2396] : memref<32xf32, #tpu.memory_space<vmem>>[vector<16xi32>], vector<16xf32>,
    %get3A_2398 = arith.constant 64 : index
    %get3A_2399 = tpu.vector_load %arg14[%get3A_2398] {strides = array<i32>} : memref<768xf32, #tpu.memory_space<vmem>>, vector<16xf32>,
    %mul3A_2400 = arith.mulf %gather3A_2397, %get3A_2399 : vector<16xf32>
    %swap3A_2401 = arith.constant 64 : index
    %swap3A_2402 = tpu.vector_load %arg15[%swap3A_2401] {strides = array<i32>} : memref<768xf32, #tpu.memory_space<vmem>>, vector<16xf32>,
    tpu.vector_store %arg15[%swap3A_2401], %mul3A_2400 {strides = array<i32>} : memref<768xf32, #tpu.memory_space<vmem>>, vector<16xf32>,
    %get3A_2403 = arith.constant 448 : index
    %get3A_2404 = tpu.vector_load %arg14[%get3A_2403] {strides = array<i32>} : memref<768xf32, #tpu.memory_space<vmem>>, vector<16xf32>,
    %mul3A_2405 = arith.mulf %gather3A_2393, %mul3A_2400 : vector<16xf32>
    %sub3A_2406 = arith.subf %get3A_2404, %mul3A_2405 : vector<16xf32>
    %swap3A_2407 = arith.constant 448 : index
    %swap3A_2408 = tpu.vector_load %arg15[%swap3A_2407] {strides = array<i32>} : memref<768xf32, #tpu.memory_space<vmem>>, vector<16xf32>,
    tpu.vector_store %arg15[%swap3A_2407], %sub3A_2406 {strides = array<i32>} : memref<768xf32, #tpu.memory_space<vmem>>, vector<16xf32>,
    %get3A_2409 = arith.constant 80 : index
    %get3A_2410 = tpu.vector_load %arg10[%get3A_2409] {strides = array<i32>} : memref<384xi32, #tpu.memory_space<vmem>>, vector<16xi32>,
    %gather3A_2411 = tpu.vector_load_idx %arg13[%get3A_2410] : memref<32xf32, #tpu.memory_space<vmem>>[vector<16xi32>], vector<16xf32>,
    %add3A_2412 = arith.constant 16 : i32
    %add3A_2413 = vector.broadcast %add3A_2412 : i32 to vector<16xi32>
    %add3A_2414 = arith.addi %get3A_2410, %add3A_2413 : vector<16xi32>
    %gather3A_2415 = tpu.vector_load_idx %arg13[%add3A_2414] : memref<32xf32, #tpu.memory_space<vmem>>[vector<16xi32>], vector<16xf32>,
    %get3A_2416 = arith.constant 80 : index
    %get3A_2417 = tpu.vector_load %arg14[%get3A_2416] {strides = array<i32>} : memref<768xf32, #tpu.memory_space<vmem>>, vector<16xf32>,
    %mul3A_2418 = arith.mulf %gather3A_2415, %get3A_2417 : vector<16xf32>
    %swap3A_2419 = arith.constant 80 : index
    %swap3A_2420 = tpu.vector_load %arg15[%swap3A_2419] {strides = array<i32>} : memref<768xf32, #tpu.memory_space<vmem>>, vector<16xf32>,
    tpu.vector_store %arg15[%swap3A_2419], %mul3A_2418 {strides = array<i32>} : memref<768xf32, #tpu.memory_space<vmem>>, vector<16xf32>,
    %get3A_2421 = arith.constant 464 : index
    %get3A_2422 = tpu.vector_load %arg14[%get3A_2421] {strides = array<i32>} : memref<768xf32, #tpu.memory_space<vmem>>, vector<16xf32>,
    %mul3A_2423 = arith.mulf %gather3A_2411, %mul3A_2418 : vector<16xf32>
    %sub3A_2424 = arith.subf %get3A_2422, %mul3A_2423 : vector<16xf32>
    %swap3A_2425 = arith.constant 464 : index
    %swap3A_2426 = tpu.vector_load %arg15[%swap3A_2425] {strides = array<i32>} : memref<768xf32, #tpu.memory_space<vmem>>, vector<16xf32>,
    tpu.vector_store %arg15[%swap3A_2425], %sub3A_2424 {strides = array<i32>} : memref<768xf32, #tpu.memory_space<vmem>>, vector<16xf32>,
    %get3A_2427 = arith.constant 96 : index
    %get3A_2428 = tpu.vector_load %arg10[%get3A_2427] {strides = array<i32>} : memref<384xi32, #tpu.memory_space<vmem>>, vector<16xi32>,
    %gather3A_2429 = tpu.vector_load_idx %arg13[%get3A_2428] : memref<32xf32, #tpu.memory_space<vmem>>[vector<16xi32>], vector<16xf32>,
    %add3A_2430 = arith.constant 16 : i32
    %add3A_2431 = vector.broadcast %add3A_2430 : i32 to vector<16xi32>
    %add3A_2432 = arith.addi %get3A_2428, %add3A_2431 : vector<16xi32>
    %gather3A_2433 = tpu.vector_load_idx %arg13[%add3A_2432] : memref<32xf32, #tpu.memory_space<vmem>>[vector<16xi32>], vector<16xf32>,
    %get3A_2434 = arith.constant 96 : index
    %get3A_2435 = tpu.vector_load %arg14[%get3A_2434] {strides = array<i32>} : memref<768xf32, #tpu.memory_space<vmem>>, vector<16xf32>,
    %mul3A_2436 = arith.mulf %gather3A_2433, %get3A_2435 : vector<16xf32>
    %swap3A_2437 = arith.constant 96 : index
    %swap3A_2438 = tpu.vector_load %arg15[%swap3A_2437] {strides = array<i32>} : memref<768xf32, #tpu.memory_space<vmem>>, vector<16xf32>,
    tpu.vector_store %arg15[%swap3A_2437], %mul3A_2436 {strides = array<i32>} : memref<768xf32, #tpu.memory_space<vmem>>, vector<16xf32>,
    %get3A_2439 = arith.constant 480 : index
    %get3A_2440 = tpu.vector_load %arg14[%get3A_2439] {strides = array<i32>} : memref<768xf32, #tpu.memory_space<vmem>>, vector<16xf32>,
    %mul3A_2441 = arith.mulf %gather3A_2429, %mul3A_2436 : vector<16xf32>
    %sub3A_2442 = arith.subf %get3A_2440, %mul3A_2441 : vector<16xf32>
    %swap3A_2443 = arith.constant 480 : index
    %swap3A_2444 = tpu.vector_load %arg15[%swap3A_2443] {strides = array<i32>} : memref<768xf32, #tpu.memory_space<vmem>>, vector<16xf32>,
    tpu.vector_store %arg15[%swap3A_2443], %sub3A_2442 {strides = array<i32>} : memref<768xf32, #tpu.memory_space<vmem>>, vector<16xf32>,
    %get3A_2445 = arith.constant 112 : index
    %get3A_2446 = tpu.vector_load %arg10[%get3A_2445] {strides = array<i32>} : memref<384xi32, #tpu.memory_space<vmem>>, vector<16xi32>,
    %gather3A_2447 = tpu.vector_load_idx %arg13[%get3A_2446] : memref<32xf32, #tpu.memory_space<vmem>>[vector<16xi32>], vector<16xf32>,
    %add3A_2448 = arith.constant 16 : i32
    %add3A_2449 = vector.broadcast %add3A_2448 : i32 to vector<16xi32>
    %add3A_2450 = arith.addi %get3A_2446, %add3A_2449 : vector<16xi32>
    %gather3A_2451 = tpu.vector_load_idx %arg13[%add3A_2450] : memref<32xf32, #tpu.memory_space<vmem>>[vector<16xi32>], vector<16xf32>,
    %get3A_2452 = arith.constant 112 : index
    %get3A_2453 = tpu.vector_load %arg14[%get3A_2452] {strides = array<i32>} : memref<768xf32, #tpu.memory_space<vmem>>, vector<16xf32>,
    %mul3A_2454 = arith.mulf %gather3A_2451, %get3A_2453 : vector<16xf32>
    %swap3A_2455 = arith.constant 112 : index
    %swap3A_2456 = tpu.vector_load %arg15[%swap3A_2455] {strides = array<i32>} : memref<768xf32, #tpu.memory_space<vmem>>, vector<16xf32>,
    tpu.vector_store %arg15[%swap3A_2455], %mul3A_2454 {strides = array<i32>} : memref<768xf32, #tpu.memory_space<vmem>>, vector<16xf32>,
    %get3A_2457 = arith.constant 496 : index
    %get3A_2458 = tpu.vector_load %arg14[%get3A_2457] {strides = array<i32>} : memref<768xf32, #tpu.memory_space<vmem>>, vector<16xf32>,
    %mul3A_2459 = arith.mulf %gather3A_2447, %mul3A_2454 : vector<16xf32>
    %sub3A_2460 = arith.subf %get3A_2458, %mul3A_2459 : vector<16xf32>
    %swap3A_2461 = arith.constant 496 : index
    %swap3A_2462 = tpu.vector_load %arg15[%swap3A_2461] {strides = array<i32>} : memref<768xf32, #tpu.memory_space<vmem>>, vector<16xf32>,
    tpu.vector_store %arg15[%swap3A_2461], %sub3A_2460 {strides = array<i32>} : memref<768xf32, #tpu.memory_space<vmem>>, vector<16xf32>,
    %get3A_2463 = arith.constant 128 : index
    %get3A_2464 = tpu.vector_load %arg10[%get3A_2463] {strides = array<i32>} : memref<384xi32, #tpu.memory_space<vmem>>, vector<16xi32>,
    %gather3A_2465 = tpu.vector_load_idx %arg13[%get3A_2464] : memref<32xf32, #tpu.memory_space<vmem>>[vector<16xi32>], vector<16xf32>,
    %add3A_2466 = arith.constant 16 : i32
    %add3A_2467 = vector.broadcast %add3A_2466 : i32 to vector<16xi32>
    %add3A_2468 = arith.addi %get3A_2464, %add3A_2467 : vector<16xi32>
    %gather3A_2469 = tpu.vector_load_idx %arg13[%add3A_2468] : memref<32xf32, #tpu.memory_space<vmem>>[vector<16xi32>], vector<16xf32>,
    %get3A_2470 = arith.constant 128 : index
    %get3A_2471 = tpu.vector_load %arg14[%get3A_2470] {strides = array<i32>} : memref<768xf32, #tpu.memory_space<vmem>>, vector<16xf32>,
    %mul3A_2472 = arith.mulf %gather3A_2469, %get3A_2471 : vector<16xf32>
    %swap3A_2473 = arith.constant 128 : index
    %swap3A_2474 = tpu.vector_load %arg15[%swap3A_2473] {strides = array<i32>} : memref<768xf32, #tpu.memory_space<vmem>>, vector<16xf32>,
    tpu.vector_store %arg15[%swap3A_2473], %mul3A_2472 {strides = array<i32>} : memref<768xf32, #tpu.memory_space<vmem>>, vector<16xf32>,
    %get3A_2475 = arith.constant 512 : index
    %get3A_2476 = tpu.vector_load %arg14[%get3A_2475] {strides = array<i32>} : memref<768xf32, #tpu.memory_space<vmem>>, vector<16xf32>,
    %mul3A_2477 = arith.mulf %gather3A_2465, %mul3A_2472 : vector<16xf32>
    %sub3A_2478 = arith.subf %get3A_2476, %mul3A_2477 : vector<16xf32>
    %swap3A_2479 = arith.constant 512 : index
    %swap3A_2480 = tpu.vector_load %arg15[%swap3A_2479] {strides = array<i32>} : memref<768xf32, #tpu.memory_space<vmem>>, vector<16xf32>,
    tpu.vector_store %arg15[%swap3A_2479], %sub3A_2478 {strides = array<i32>} : memref<768xf32, #tpu.memory_space<vmem>>, vector<16xf32>,
    %get3A_2481 = arith.constant 144 : index
    %get3A_2482 = tpu.vector_load %arg10[%get3A_2481] {strides = array<i32>} : memref<384xi32, #tpu.memory_space<vmem>>, vector<16xi32>,
    %gather3A_2483 = tpu.vector_load_idx %arg13[%get3A_2482] : memref<32xf32, #tpu.memory_space<vmem>>[vector<16xi32>], vector<16xf32>,
    %add3A_2484 = arith.constant 16 : i32
    %add3A_2485 = vector.broadcast %add3A_2484 : i32 to vector<16xi32>
    %add3A_2486 = arith.addi %get3A_2482, %add3A_2485 : vector<16xi32>
    %gather3A_2487 = tpu.vector_load_idx %arg13[%add3A_2486] : memref<32xf32, #tpu.memory_space<vmem>>[vector<16xi32>], vector<16xf32>,
    %get3A_2488 = arith.constant 144 : index
    %get3A_2489 = tpu.vector_load %arg14[%get3A_2488] {strides = array<i32>} : memref<768xf32, #tpu.memory_space<vmem>>, vector<16xf32>,
    %mul3A_2490 = arith.mulf %gather3A_2487, %get3A_2489 : vector<16xf32>
    %swap3A_2491 = arith.constant 144 : index
    %swap3A_2492 = tpu.vector_load %arg15[%swap3A_2491] {strides = array<i32>} : memref<768xf32, #tpu.memory_space<vmem>>, vector<16xf32>,
    tpu.vector_store %arg15[%swap3A_2491], %mul3A_2490 {strides = array<i32>} : memref<768xf32, #tpu.memory_space<vmem>>, vector<16xf32>,
    %get3A_2493 = arith.constant 528 : index
    %get3A_2494 = tpu.vector_load %arg14[%get3A_2493] {strides = array<i32>} : memref<768xf32, #tpu.memory_space<vmem>>, vector<16xf32>,
    %mul3A_2495 = arith.mulf %gather3A_2483, %mul3A_2490 : vector<16xf32>
    %sub3A_2496 = arith.subf %get3A_2494, %mul3A_2495 : vector<16xf32>
    %swap3A_2497 = arith.constant 528 : index
    %swap3A_2498 = tpu.vector_load %arg15[%swap3A_2497] {strides = array<i32>} : memref<768xf32, #tpu.memory_space<vmem>>, vector<16xf32>,
    tpu.vector_store %arg15[%swap3A_2497], %sub3A_2496 {strides = array<i32>} : memref<768xf32, #tpu.memory_space<vmem>>, vector<16xf32>,
    %get3A_2499 = arith.constant 160 : index
    %get3A_2500 = tpu.vector_load %arg10[%get3A_2499] {strides = array<i32>} : memref<384xi32, #tpu.memory_space<vmem>>, vector<16xi32>,
    %gather3A_2501 = tpu.vector_load_idx %arg13[%get3A_2500] : memref<32xf32, #tpu.memory_space<vmem>>[vector<16xi32>], vector<16xf32>,
    %add3A_2502 = arith.constant 16 : i32
    %add3A_2503 = vector.broadcast %add3A_2502 : i32 to vector<16xi32>
    %add3A_2504 = arith.addi %get3A_2500, %add3A_2503 : vector<16xi32>
    %gather3A_2505 = tpu.vector_load_idx %arg13[%add3A_2504] : memref<32xf32, #tpu.memory_space<vmem>>[vector<16xi32>], vector<16xf32>,
    %get3A_2506 = arith.constant 160 : index
    %get3A_2507 = tpu.vector_load %arg14[%get3A_2506] {strides = array<i32>} : memref<768xf32, #tpu.memory_space<vmem>>, vector<16xf32>,
    %mul3A_2508 = arith.mulf %gather3A_2505, %get3A_2507 : vector<16xf32>
    %swap3A_2509 = arith.constant 160 : index
    %swap3A_2510 = tpu.vector_load %arg15[%swap3A_2509] {strides = array<i32>} : memref<768xf32, #tpu.memory_space<vmem>>, vector<16xf32>,
    tpu.vector_store %arg15[%swap3A_2509], %mul3A_2508 {strides = array<i32>} : memref<768xf32, #tpu.memory_space<vmem>>, vector<16xf32>,
    %get3A_2511 = arith.constant 544 : index
    %get3A_2512 = tpu.vector_load %arg14[%get3A_2511] {strides = array<i32>} : memref<768xf32, #tpu.memory_space<vmem>>, vector<16xf32>,
    %mul3A_2513 = arith.mulf %gather3A_2501, %mul3A_2508 : vector<16xf32>
    %sub3A_2514 = arith.subf %get3A_2512, %mul3A_2513 : vector<16xf32>
    %swap3A_2515 = arith.constant 544 : index
    %swap3A_2516 = tpu.vector_load %arg15[%swap3A_2515] {strides = array<i32>} : memref<768xf32, #tpu.memory_space<vmem>>, vector<16xf32>,
    tpu.vector_store %arg15[%swap3A_2515], %sub3A_2514 {strides = array<i32>} : memref<768xf32, #tpu.memory_space<vmem>>, vector<16xf32>,
    %get3A_2517 = arith.constant 176 : index
    %get3A_2518 = tpu.vector_load %arg10[%get3A_2517] {strides = array<i32>} : memref<384xi32, #tpu.memory_space<vmem>>, vector<16xi32>,
    %gather3A_2519 = tpu.vector_load_idx %arg13[%get3A_2518] : memref<32xf32, #tpu.memory_space<vmem>>[vector<16xi32>], vector<16xf32>,
    %add3A_2520 = arith.constant 16 : i32
    %add3A_2521 = vector.broadcast %add3A_2520 : i32 to vector<16xi32>
    %add3A_2522 = arith.addi %get3A_2518, %add3A_2521 : vector<16xi32>
    %gather3A_2523 = tpu.vector_load_idx %arg13[%add3A_2522] : memref<32xf32, #tpu.memory_space<vmem>>[vector<16xi32>], vector<16xf32>,
    %get3A_2524 = arith.constant 176 : index
    %get3A_2525 = tpu.vector_load %arg14[%get3A_2524] {strides = array<i32>} : memref<768xf32, #tpu.memory_space<vmem>>, vector<16xf32>,
    %mul3A_2526 = arith.mulf %gather3A_2523, %get3A_2525 : vector<16xf32>
    %swap3A_2527 = arith.constant 176 : index
    %swap3A_2528 = tpu.vector_load %arg15[%swap3A_2527] {strides = array<i32>} : memref<768xf32, #tpu.memory_space<vmem>>, vector<16xf32>,
    tpu.vector_store %arg15[%swap3A_2527], %mul3A_2526 {strides = array<i32>} : memref<768xf32, #tpu.memory_space<vmem>>, vector<16xf32>,
    %get3A_2529 = arith.constant 560 : index
    %get3A_2530 = tpu.vector_load %arg14[%get3A_2529] {strides = array<i32>} : memref<768xf32, #tpu.memory_space<vmem>>, vector<16xf32>,
    %mul3A_2531 = arith.mulf %gather3A_2519, %mul3A_2526 : vector<16xf32>
    %sub3A_2532 = arith.subf %get3A_2530, %mul3A_2531 : vector<16xf32>
    %swap3A_2533 = arith.constant 560 : index
    %swap3A_2534 = tpu.vector_load %arg15[%swap3A_2533] {strides = array<i32>} : memref<768xf32, #tpu.memory_space<vmem>>, vector<16xf32>,
    tpu.vector_store %arg15[%swap3A_2533], %sub3A_2532 {strides = array<i32>} : memref<768xf32, #tpu.memory_space<vmem>>, vector<16xf32>,
    %get3A_2535 = arith.constant 192 : index
    %get3A_2536 = tpu.vector_load %arg10[%get3A_2535] {strides = array<i32>} : memref<384xi32, #tpu.memory_space<vmem>>, vector<16xi32>,
    %gather3A_2537 = tpu.vector_load_idx %arg13[%get3A_2536] : memref<32xf32, #tpu.memory_space<vmem>>[vector<16xi32>], vector<16xf32>,
    %add3A_2538 = arith.constant 16 : i32
    %add3A_2539 = vector.broadcast %add3A_2538 : i32 to vector<16xi32>
    %add3A_2540 = arith.addi %get3A_2536, %add3A_2539 : vector<16xi32>
    %gather3A_2541 = tpu.vector_load_idx %arg13[%add3A_2540] : memref<32xf32, #tpu.memory_space<vmem>>[vector<16xi32>], vector<16xf32>,
    %get3A_2542 = arith.constant 192 : index
    %get3A_2543 = tpu.vector_load %arg14[%get3A_2542] {strides = array<i32>} : memref<768xf32, #tpu.memory_space<vmem>>, vector<16xf32>,
    %mul3A_2544 = arith.mulf %gather3A_2541, %get3A_2543 : vector<16xf32>
    %swap3A_2545 = arith.constant 192 : index
    %swap3A_2546 = tpu.vector_load %arg15[%swap3A_2545] {strides = array<i32>} : memref<768xf32, #tpu.memory_space<vmem>>, vector<16xf32>,
    tpu.vector_store %arg15[%swap3A_2545], %mul3A_2544 {strides = array<i32>} : memref<768xf32, #tpu.memory_space<vmem>>, vector<16xf32>,
    %get3A_2547 = arith.constant 576 : index
    %get3A_2548 = tpu.vector_load %arg14[%get3A_2547] {strides = array<i32>} : memref<768xf32, #tpu.memory_space<vmem>>, vector<16xf32>,
    %mul3A_2549 = arith.mulf %gather3A_2537, %mul3A_2544 : vector<16xf32>
    %sub3A_2550 = arith.subf %get3A_2548, %mul3A_2549 : vector<16xf32>
    %swap3A_2551 = arith.constant 576 : index
    %swap3A_2552 = tpu.vector_load %arg15[%swap3A_2551] {strides = array<i32>} : memref<768xf32, #tpu.memory_space<vmem>>, vector<16xf32>,
    tpu.vector_store %arg15[%swap3A_2551], %sub3A_2550 {strides = array<i32>} : memref<768xf32, #tpu.memory_space<vmem>>, vector<16xf32>,
    %get3A_2553 = arith.constant 208 : index
    %get3A_2554 = tpu.vector_load %arg10[%get3A_2553] {strides = array<i32>} : memref<384xi32, #tpu.memory_space<vmem>>, vector<16xi32>,
    %gather3A_2555 = tpu.vector_load_idx %arg13[%get3A_2554] : memref<32xf32, #tpu.memory_space<vmem>>[vector<16xi32>], vector<16xf32>,
    %add3A_2556 = arith.constant 16 : i32
    %add3A_2557 = vector.broadcast %add3A_2556 : i32 to vector<16xi32>
    %add3A_2558 = arith.addi %get3A_2554, %add3A_2557 : vector<16xi32>
    %gather3A_2559 = tpu.vector_load_idx %arg13[%add3A_2558] : memref<32xf32, #tpu.memory_space<vmem>>[vector<16xi32>], vector<16xf32>,
    %get3A_2560 = arith.constant 208 : index
    %get3A_2561 = tpu.vector_load %arg14[%get3A_2560] {strides = array<i32>} : memref<768xf32, #tpu.memory_space<vmem>>, vector<16xf32>,
    %mul3A_2562 = arith.mulf %gather3A_2559, %get3A_2561 : vector<16xf32>
    %swap3A_2563 = arith.constant 208 : index
    %swap3A_2564 = tpu.vector_load %arg15[%swap3A_2563] {strides = array<i32>} : memref<768xf32, #tpu.memory_space<vmem>>, vector<16xf32>,
    tpu.vector_store %arg15[%swap3A_2563], %mul3A_2562 {strides = array<i32>} : memref<768xf32, #tpu.memory_space<vmem>>, vector<16xf32>,
    %get3A_2565 = arith.constant 592 : index
    %get3A_2566 = tpu.vector_load %arg14[%get3A_2565] {strides = array<i32>} : memref<768xf32, #tpu.memory_space<vmem>>, vector<16xf32>,
    %mul3A_2567 = arith.mulf %gather3A_2555, %mul3A_2562 : vector<16xf32>
    %sub3A_2568 = arith.subf %get3A_2566, %mul3A_2567 : vector<16xf32>
    %swap3A_2569 = arith.constant 592 : index
    %swap3A_2570 = tpu.vector_load %arg15[%swap3A_2569] {strides = array<i32>} : memref<768xf32, #tpu.memory_space<vmem>>, vector<16xf32>,
    tpu.vector_store %arg15[%swap3A_2569], %sub3A_2568 {strides = array<i32>} : memref<768xf32, #tpu.memory_space<vmem>>, vector<16xf32>,
    %get3A_2571 = arith.constant 224 : index
    %get3A_2572 = tpu.vector_load %arg10[%get3A_2571] {strides = array<i32>} : memref<384xi32, #tpu.memory_space<vmem>>, vector<16xi32>,
    %gather3A_2573 = tpu.vector_load_idx %arg13[%get3A_2572] : memref<32xf32, #tpu.memory_space<vmem>>[vector<16xi32>], vector<16xf32>,
    %add3A_2574 = arith.constant 16 : i32
    %add3A_2575 = vector.broadcast %add3A_2574 : i32 to vector<16xi32>
    %add3A_2576 = arith.addi %get3A_2572, %add3A_2575 : vector<16xi32>
    %gather3A_2577 = tpu.vector_load_idx %arg13[%add3A_2576] : memref<32xf32, #tpu.memory_space<vmem>>[vector<16xi32>], vector<16xf32>,
    %get3A_2578 = arith.constant 224 : index
    %get3A_2579 = tpu.vector_load %arg14[%get3A_2578] {strides = array<i32>} : memref<768xf32, #tpu.memory_space<vmem>>, vector<16xf32>,
    %mul3A_2580 = arith.mulf %gather3A_2577, %get3A_2579 : vector<16xf32>
    %swap3A_2581 = arith.constant 224 : index
    %swap3A_2582 = tpu.vector_load %arg15[%swap3A_2581] {strides = array<i32>} : memref<768xf32, #tpu.memory_space<vmem>>, vector<16xf32>,
    tpu.vector_store %arg15[%swap3A_2581], %mul3A_2580 {strides = array<i32>} : memref<768xf32, #tpu.memory_space<vmem>>, vector<16xf32>,
    %get3A_2583 = arith.constant 608 : index
    %get3A_2584 = tpu.vector_load %arg14[%get3A_2583] {strides = array<i32>} : memref<768xf32, #tpu.memory_space<vmem>>, vector<16xf32>,
    %mul3A_2585 = arith.mulf %gather3A_2573, %mul3A_2580 : vector<16xf32>
    %sub3A_2586 = arith.subf %get3A_2584, %mul3A_2585 : vector<16xf32>
    %swap3A_2587 = arith.constant 608 : index
    %swap3A_2588 = tpu.vector_load %arg15[%swap3A_2587] {strides = array<i32>} : memref<768xf32, #tpu.memory_space<vmem>>, vector<16xf32>,
    tpu.vector_store %arg15[%swap3A_2587], %sub3A_2586 {strides = array<i32>} : memref<768xf32, #tpu.memory_space<vmem>>, vector<16xf32>,
    %get3A_2589 = arith.constant 240 : index
    %get3A_2590 = tpu.vector_load %arg10[%get3A_2589] {strides = array<i32>} : memref<384xi32, #tpu.memory_space<vmem>>, vector<16xi32>,
    %gather3A_2591 = tpu.vector_load_idx %arg13[%get3A_2590] : memref<32xf32, #tpu.memory_space<vmem>>[vector<16xi32>], vector<16xf32>,
    %add3A_2592 = arith.constant 16 : i32
    %add3A_2593 = vector.broadcast %add3A_2592 : i32 to vector<16xi32>
    %add3A_2594 = arith.addi %get3A_2590, %add3A_2593 : vector<16xi32>
    %gather3A_2595 = tpu.vector_load_idx %arg13[%add3A_2594] : memref<32xf32, #tpu.memory_space<vmem>>[vector<16xi32>], vector<16xf32>,
    %get3A_2596 = arith.constant 240 : index
    %get3A_2597 = tpu.vector_load %arg14[%get3A_2596] {strides = array<i32>} : memref<768xf32, #tpu.memory_space<vmem>>, vector<16xf32>,
    %mul3A_2598 = arith.mulf %gather3A_2595, %get3A_2597 : vector<16xf32>
    %swap3A_2599 = arith.constant 240 : index
    %swap3A_2600 = tpu.vector_load %arg15[%swap3A_2599] {strides = array<i32>} : memref<768xf32, #tpu.memory_space<vmem>>, vector<16xf32>,
    tpu.vector_store %arg15[%swap3A_2599], %mul3A_2598 {strides = array<i32>} : memref<768xf32, #tpu.memory_space<vmem>>, vector<16xf32>,
    %get3A_2601 = arith.constant 624 : index
    %get3A_2602 = tpu.vector_load %arg14[%get3A_2601] {strides = array<i32>} : memref<768xf32, #tpu.memory_space<vmem>>, vector<16xf32>,
    %mul3A_2603 = arith.mulf %gather3A_2591, %mul3A_2598 : vector<16xf32>
    %sub3A_2604 = arith.subf %get3A_2602, %mul3A_2603 : vector<16xf32>
    %swap3A_2605 = arith.constant 624 : index
    %swap3A_2606 = tpu.vector_load %arg15[%swap3A_2605] {strides = array<i32>} : memref<768xf32, #tpu.memory_space<vmem>>, vector<16xf32>,
    tpu.vector_store %arg15[%swap3A_2605], %sub3A_2604 {strides = array<i32>} : memref<768xf32, #tpu.memory_space<vmem>>, vector<16xf32>,
    %get3A_2607 = arith.constant 256 : index
    %get3A_2608 = tpu.vector_load %arg10[%get3A_2607] {strides = array<i32>} : memref<384xi32, #tpu.memory_space<vmem>>, vector<16xi32>,
    %gather3A_2609 = tpu.vector_load_idx %arg13[%get3A_2608] : memref<32xf32, #tpu.memory_space<vmem>>[vector<16xi32>], vector<16xf32>,
    %add3A_2610 = arith.constant 16 : i32
    %add3A_2611 = vector.broadcast %add3A_2610 : i32 to vector<16xi32>
    %add3A_2612 = arith.addi %get3A_2608, %add3A_2611 : vector<16xi32>
    %gather3A_2613 = tpu.vector_load_idx %arg13[%add3A_2612] : memref<32xf32, #tpu.memory_space<vmem>>[vector<16xi32>], vector<16xf32>,
    %get3A_2614 = arith.constant 256 : index
    %get3A_2615 = tpu.vector_load %arg14[%get3A_2614] {strides = array<i32>} : memref<768xf32, #tpu.memory_space<vmem>>, vector<16xf32>,
    %mul3A_2616 = arith.mulf %gather3A_2613, %get3A_2615 : vector<16xf32>
    %swap3A_2617 = arith.constant 256 : index
    %swap3A_2618 = tpu.vector_load %arg15[%swap3A_2617] {strides = array<i32>} : memref<768xf32, #tpu.memory_space<vmem>>, vector<16xf32>,
    tpu.vector_store %arg15[%swap3A_2617], %mul3A_2616 {strides = array<i32>} : memref<768xf32, #tpu.memory_space<vmem>>, vector<16xf32>,
    %get3A_2619 = arith.constant 640 : index
    %get3A_2620 = tpu.vector_load %arg14[%get3A_2619] {strides = array<i32>} : memref<768xf32, #tpu.memory_space<vmem>>, vector<16xf32>,
    %mul3A_2621 = arith.mulf %gather3A_2609, %mul3A_2616 : vector<16xf32>
    %sub3A_2622 = arith.subf %get3A_2620, %mul3A_2621 : vector<16xf32>
    %swap3A_2623 = arith.constant 640 : index
    %swap3A_2624 = tpu.vector_load %arg15[%swap3A_2623] {strides = array<i32>} : memref<768xf32, #tpu.memory_space<vmem>>, vector<16xf32>,
    tpu.vector_store %arg15[%swap3A_2623], %sub3A_2622 {strides = array<i32>} : memref<768xf32, #tpu.memory_space<vmem>>, vector<16xf32>,
    %get3A_2625 = arith.constant 272 : index
    %get3A_2626 = tpu.vector_load %arg10[%get3A_2625] {strides = array<i32>} : memref<384xi32, #tpu.memory_space<vmem>>, vector<16xi32>,
    %gather3A_2627 = tpu.vector_load_idx %arg13[%get3A_2626] : memref<32xf32, #tpu.memory_space<vmem>>[vector<16xi32>], vector<16xf32>,
    %add3A_2628 = arith.constant 16 : i32
    %add3A_2629 = vector.broadcast %add3A_2628 : i32 to vector<16xi32>
    %add3A_2630 = arith.addi %get3A_2626, %add3A_2629 : vector<16xi32>
    %gather3A_2631 = tpu.vector_load_idx %arg13[%add3A_2630] : memref<32xf32, #tpu.memory_space<vmem>>[vector<16xi32>], vector<16xf32>,
    %get3A_2632 = arith.constant 272 : index
    %get3A_2633 = tpu.vector_load %arg14[%get3A_2632] {strides = array<i32>} : memref<768xf32, #tpu.memory_space<vmem>>, vector<16xf32>,
    %mul3A_2634 = arith.mulf %gather3A_2631, %get3A_2633 : vector<16xf32>
    %swap3A_2635 = arith.constant 272 : index
    %swap3A_2636 = tpu.vector_load %arg15[%swap3A_2635] {strides = array<i32>} : memref<768xf32, #tpu.memory_space<vmem>>, vector<16xf32>,
    tpu.vector_store %arg15[%swap3A_2635], %mul3A_2634 {strides = array<i32>} : memref<768xf32, #tpu.memory_space<vmem>>, vector<16xf32>,
    %get3A_2637 = arith.constant 656 : index
    %get3A_2638 = tpu.vector_load %arg14[%get3A_2637] {strides = array<i32>} : memref<768xf32, #tpu.memory_space<vmem>>, vector<16xf32>,
    %mul3A_2639 = arith.mulf %gather3A_2627, %mul3A_2634 : vector<16xf32>
    %sub3A_2640 = arith.subf %get3A_2638, %mul3A_2639 : vector<16xf32>
    %swap3A_2641 = arith.constant 656 : index
    %swap3A_2642 = tpu.vector_load %arg15[%swap3A_2641] {strides = array<i32>} : memref<768xf32, #tpu.memory_space<vmem>>, vector<16xf32>,
    tpu.vector_store %arg15[%swap3A_2641], %sub3A_2640 {strides = array<i32>} : memref<768xf32, #tpu.memory_space<vmem>>, vector<16xf32>,
    %get3A_2643 = arith.constant 288 : index
    %get3A_2644 = tpu.vector_load %arg10[%get3A_2643] {strides = array<i32>} : memref<384xi32, #tpu.memory_space<vmem>>, vector<16xi32>,
    %gather3A_2645 = tpu.vector_load_idx %arg13[%get3A_2644] : memref<32xf32, #tpu.memory_space<vmem>>[vector<16xi32>], vector<16xf32>,
    %add3A_2646 = arith.constant 16 : i32
    %add3A_2647 = vector.broadcast %add3A_2646 : i32 to vector<16xi32>
    %add3A_2648 = arith.addi %get3A_2644, %add3A_2647 : vector<16xi32>
    %gather3A_2649 = tpu.vector_load_idx %arg13[%add3A_2648] : memref<32xf32, #tpu.memory_space<vmem>>[vector<16xi32>], vector<16xf32>,
    %get3A_2650 = arith.constant 288 : index
    %get3A_2651 = tpu.vector_load %arg14[%get3A_2650] {strides = array<i32>} : memref<768xf32, #tpu.memory_space<vmem>>, vector<16xf32>,
    %mul3A_2652 = arith.mulf %gather3A_2649, %get3A_2651 : vector<16xf32>
    %swap3A_2653 = arith.constant 288 : index
    %swap3A_2654 = tpu.vector_load %arg15[%swap3A_2653] {strides = array<i32>} : memref<768xf32, #tpu.memory_space<vmem>>, vector<16xf32>,
    tpu.vector_store %arg15[%swap3A_2653], %mul3A_2652 {strides = array<i32>} : memref<768xf32, #tpu.memory_space<vmem>>, vector<16xf32>,
    %get3A_2655 = arith.constant 672 : index
    %get3A_2656 = tpu.vector_load %arg14[%get3A_2655] {strides = array<i32>} : memref<768xf32, #tpu.memory_space<vmem>>, vector<16xf32>,
    %mul3A_2657 = arith.mulf %gather3A_2645, %mul3A_2652 : vector<16xf32>
    %sub3A_2658 = arith.subf %get3A_2656, %mul3A_2657 : vector<16xf32>
    %swap3A_2659 = arith.constant 672 : index
    %swap3A_2660 = tpu.vector_load %arg15[%swap3A_2659] {strides = array<i32>} : memref<768xf32, #tpu.memory_space<vmem>>, vector<16xf32>,
    tpu.vector_store %arg15[%swap3A_2659], %sub3A_2658 {strides = array<i32>} : memref<768xf32, #tpu.memory_space<vmem>>, vector<16xf32>,
    %get3A_2661 = arith.constant 304 : index
    %get3A_2662 = tpu.vector_load %arg10[%get3A_2661] {strides = array<i32>} : memref<384xi32, #tpu.memory_space<vmem>>, vector<16xi32>,
    %gather3A_2663 = tpu.vector_load_idx %arg13[%get3A_2662] : memref<32xf32, #tpu.memory_space<vmem>>[vector<16xi32>], vector<16xf32>,
    %add3A_2664 = arith.constant 16 : i32
    %add3A_2665 = vector.broadcast %add3A_2664 : i32 to vector<16xi32>
    %add3A_2666 = arith.addi %get3A_2662, %add3A_2665 : vector<16xi32>
    %gather3A_2667 = tpu.vector_load_idx %arg13[%add3A_2666] : memref<32xf32, #tpu.memory_space<vmem>>[vector<16xi32>], vector<16xf32>,
    %get3A_2668 = arith.constant 304 : index
    %get3A_2669 = tpu.vector_load %arg14[%get3A_2668] {strides = array<i32>} : memref<768xf32, #tpu.memory_space<vmem>>, vector<16xf32>,
    %mul3A_2670 = arith.mulf %gather3A_2667, %get3A_2669 : vector<16xf32>
    %swap3A_2671 = arith.constant 304 : index
    %swap3A_2672 = tpu.vector_load %arg15[%swap3A_2671] {strides = array<i32>} : memref<768xf32, #tpu.memory_space<vmem>>, vector<16xf32>,
    tpu.vector_store %arg15[%swap3A_2671], %mul3A_2670 {strides = array<i32>} : memref<768xf32, #tpu.memory_space<vmem>>, vector<16xf32>,
    %get3A_2673 = arith.constant 688 : index
    %get3A_2674 = tpu.vector_load %arg14[%get3A_2673] {strides = array<i32>} : memref<768xf32, #tpu.memory_space<vmem>>, vector<16xf32>,
    %mul3A_2675 = arith.mulf %gather3A_2663, %mul3A_2670 : vector<16xf32>
    %sub3A_2676 = arith.subf %get3A_2674, %mul3A_2675 : vector<16xf32>
    %swap3A_2677 = arith.constant 688 : index
    %swap3A_2678 = tpu.vector_load %arg15[%swap3A_2677] {strides = array<i32>} : memref<768xf32, #tpu.memory_space<vmem>>, vector<16xf32>,
    tpu.vector_store %arg15[%swap3A_2677], %sub3A_2676 {strides = array<i32>} : memref<768xf32, #tpu.memory_space<vmem>>, vector<16xf32>,
    %get3A_2679 = arith.constant 320 : index
    %get3A_2680 = tpu.vector_load %arg10[%get3A_2679] {strides = array<i32>} : memref<384xi32, #tpu.memory_space<vmem>>, vector<16xi32>,
    %gather3A_2681 = tpu.vector_load_idx %arg13[%get3A_2680] : memref<32xf32, #tpu.memory_space<vmem>>[vector<16xi32>], vector<16xf32>,
    %add3A_2682 = arith.constant 16 : i32
    %add3A_2683 = vector.broadcast %add3A_2682 : i32 to vector<16xi32>
    %add3A_2684 = arith.addi %get3A_2680, %add3A_2683 : vector<16xi32>
    %gather3A_2685 = tpu.vector_load_idx %arg13[%add3A_2684] : memref<32xf32, #tpu.memory_space<vmem>>[vector<16xi32>], vector<16xf32>,
    %get3A_2686 = arith.constant 320 : index
    %get3A_2687 = tpu.vector_load %arg14[%get3A_2686] {strides = array<i32>} : memref<768xf32, #tpu.memory_space<vmem>>, vector<16xf32>,
    %mul3A_2688 = arith.mulf %gather3A_2685, %get3A_2687 : vector<16xf32>
    %swap3A_2689 = arith.constant 320 : index
    %swap3A_2690 = tpu.vector_load %arg15[%swap3A_2689] {strides = array<i32>} : memref<768xf32, #tpu.memory_space<vmem>>, vector<16xf32>,
    tpu.vector_store %arg15[%swap3A_2689], %mul3A_2688 {strides = array<i32>} : memref<768xf32, #tpu.memory_space<vmem>>, vector<16xf32>,
    %get3A_2691 = arith.constant 704 : index
    %get3A_2692 = tpu.vector_load %arg14[%get3A_2691] {strides = array<i32>} : memref<768xf32, #tpu.memory_space<vmem>>, vector<16xf32>,
    %mul3A_2693 = arith.mulf %gather3A_2681, %mul3A_2688 : vector<16xf32>
    %sub3A_2694 = arith.subf %get3A_2692, %mul3A_2693 : vector<16xf32>
    %swap3A_2695 = arith.constant 704 : index
    %swap3A_2696 = tpu.vector_load %arg15[%swap3A_2695] {strides = array<i32>} : memref<768xf32, #tpu.memory_space<vmem>>, vector<16xf32>,
    tpu.vector_store %arg15[%swap3A_2695], %sub3A_2694 {strides = array<i32>} : memref<768xf32, #tpu.memory_space<vmem>>, vector<16xf32>,
    %get3A_2697 = arith.constant 336 : index
    %get3A_2698 = tpu.vector_load %arg10[%get3A_2697] {strides = array<i32>} : memref<384xi32, #tpu.memory_space<vmem>>, vector<16xi32>,
    %gather3A_2699 = tpu.vector_load_idx %arg13[%get3A_2698] : memref<32xf32, #tpu.memory_space<vmem>>[vector<16xi32>], vector<16xf32>,
    %add3A_2700 = arith.constant 16 : i32
    %add3A_2701 = vector.broadcast %add3A_2700 : i32 to vector<16xi32>
    %add3A_2702 = arith.addi %get3A_2698, %add3A_2701 : vector<16xi32>
    %gather3A_2703 = tpu.vector_load_idx %arg13[%add3A_2702] : memref<32xf32, #tpu.memory_space<vmem>>[vector<16xi32>], vector<16xf32>,
    %get3A_2704 = arith.constant 336 : index
    %get3A_2705 = tpu.vector_load %arg14[%get3A_2704] {strides = array<i32>} : memref<768xf32, #tpu.memory_space<vmem>>, vector<16xf32>,
    %mul3A_2706 = arith.mulf %gather3A_2703, %get3A_2705 : vector<16xf32>
    %swap3A_2707 = arith.constant 336 : index
    %swap3A_2708 = tpu.vector_load %arg15[%swap3A_2707] {strides = array<i32>} : memref<768xf32, #tpu.memory_space<vmem>>, vector<16xf32>,
    tpu.vector_store %arg15[%swap3A_2707], %mul3A_2706 {strides = array<i32>} : memref<768xf32, #tpu.memory_space<vmem>>, vector<16xf32>,
    %get3A_2709 = arith.constant 720 : index
    %get3A_2710 = tpu.vector_load %arg14[%get3A_2709] {strides = array<i32>} : memref<768xf32, #tpu.memory_space<vmem>>, vector<16xf32>,
    %mul3A_2711 = arith.mulf %gather3A_2699, %mul3A_2706 : vector<16xf32>
    %sub3A_2712 = arith.subf %get3A_2710, %mul3A_2711 : vector<16xf32>
    %swap3A_2713 = arith.constant 720 : index
    %swap3A_2714 = tpu.vector_load %arg15[%swap3A_2713] {strides = array<i32>} : memref<768xf32, #tpu.memory_space<vmem>>, vector<16xf32>,
    tpu.vector_store %arg15[%swap3A_2713], %sub3A_2712 {strides = array<i32>} : memref<768xf32, #tpu.memory_space<vmem>>, vector<16xf32>,
    %get3A_2715 = arith.constant 352 : index
    %get3A_2716 = tpu.vector_load %arg10[%get3A_2715] {strides = array<i32>} : memref<384xi32, #tpu.memory_space<vmem>>, vector<16xi32>,
    %gather3A_2717 = tpu.vector_load_idx %arg13[%get3A_2716] : memref<32xf32, #tpu.memory_space<vmem>>[vector<16xi32>], vector<16xf32>,
    %add3A_2718 = arith.constant 16 : i32
    %add3A_2719 = vector.broadcast %add3A_2718 : i32 to vector<16xi32>
    %add3A_2720 = arith.addi %get3A_2716, %add3A_2719 : vector<16xi32>
    %gather3A_2721 = tpu.vector_load_idx %arg13[%add3A_2720] : memref<32xf32, #tpu.memory_space<vmem>>[vector<16xi32>], vector<16xf32>,
    %get3A_2722 = arith.constant 352 : index
    %get3A_2723 = tpu.vector_load %arg14[%get3A_2722] {strides = array<i32>} : memref<768xf32, #tpu.memory_space<vmem>>, vector<16xf32>,
    %mul3A_2724 = arith.mulf %gather3A_2721, %get3A_2723 : vector<16xf32>
    %swap3A_2725 = arith.constant 352 : index
    %swap3A_2726 = tpu.vector_load %arg15[%swap3A_2725] {strides = array<i32>} : memref<768xf32, #tpu.memory_space<vmem>>, vector<16xf32>,
    tpu.vector_store %arg15[%swap3A_2725], %mul3A_2724 {strides = array<i32>} : memref<768xf32, #tpu.memory_space<vmem>>, vector<16xf32>,
    %get3A_2727 = arith.constant 736 : index
    %get3A_2728 = tpu.vector_load %arg14[%get3A_2727] {strides = array<i32>} : memref<768xf32, #tpu.memory_space<vmem>>, vector<16xf32>,
    %mul3A_2729 = arith.mulf %gather3A_2717, %mul3A_2724 : vector<16xf32>
    %sub3A_2730 = arith.subf %get3A_2728, %mul3A_2729 : vector<16xf32>
    %swap3A_2731 = arith.constant 736 : index
    %swap3A_2732 = tpu.vector_load %arg15[%swap3A_2731] {strides = array<i32>} : memref<768xf32, #tpu.memory_space<vmem>>, vector<16xf32>,
    tpu.vector_store %arg15[%swap3A_2731], %sub3A_2730 {strides = array<i32>} : memref<768xf32, #tpu.memory_space<vmem>>, vector<16xf32>,
    %get3A_2733 = arith.constant 368 : index
    %get3A_2734 = tpu.vector_load %arg10[%get3A_2733] {strides = array<i32>} : memref<384xi32, #tpu.memory_space<vmem>>, vector<16xi32>,
    %gather3A_2735 = tpu.vector_load_idx %arg13[%get3A_2734] : memref<32xf32, #tpu.memory_space<vmem>>[vector<16xi32>], vector<16xf32>,
    %add3A_2736 = arith.constant 16 : i32
    %add3A_2737 = vector.broadcast %add3A_2736 : i32 to vector<16xi32>
    %add3A_2738 = arith.addi %get3A_2734, %add3A_2737 : vector<16xi32>
    %gather3A_2739 = tpu.vector_load_idx %arg13[%add3A_2738] : memref<32xf32, #tpu.memory_space<vmem>>[vector<16xi32>], vector<16xf32>,
    %get3A_2740 = arith.constant 368 : index
    %get3A_2741 = tpu.vector_load %arg14[%get3A_2740] {strides = array<i32>} : memref<768xf32, #tpu.memory_space<vmem>>, vector<16xf32>,
    %mul3A_2742 = arith.mulf %gather3A_2739, %get3A_2741 : vector<16xf32>
    %swap3A_2743 = arith.constant 368 : index
    %swap3A_2744 = tpu.vector_load %arg15[%swap3A_2743] {strides = array<i32>} : memref<768xf32, #tpu.memory_space<vmem>>, vector<16xf32>,
    tpu.vector_store %arg15[%swap3A_2743], %mul3A_2742 {strides = array<i32>} : memref<768xf32, #tpu.memory_space<vmem>>, vector<16xf32>,
    %get3A_2745 = arith.constant 752 : index
    %get3A_2746 = tpu.vector_load %arg14[%get3A_2745] {strides = array<i32>} : memref<768xf32, #tpu.memory_space<vmem>>, vector<16xf32>,
    %mul3A_2747 = arith.mulf %gather3A_2735, %mul3A_2742 : vector<16xf32>
    %sub3A_2748 = arith.subf %get3A_2746, %mul3A_2747 : vector<16xf32>
    %swap3A_2749 = arith.constant 752 : index
    %swap3A_2750 = tpu.vector_load %arg15[%swap3A_2749] {strides = array<i32>} : memref<768xf32, #tpu.memory_space<vmem>>, vector<16xf32>,
    tpu.vector_store %arg15[%swap3A_2749], %sub3A_2748 {strides = array<i32>} : memref<768xf32, #tpu.memory_space<vmem>>, vector<16xf32>,
    "tpu.region"() ({
      %run_scoped3A = tpu.sem_alloc : memref<!tpu.dma_semaphore, #tpu.memory_space<semaphore_mem>>
      %dma_start3A = arith.constant 0 : i32
      %dma_start3A_2751 = tpu.memref_slice %arg15[%dma_start3A] : memref<768xf32, #tpu.memory_space<vmem>> -> memref<384xf32, #tpu.memory_space<vmem>>
      %dma_start3A_2752 = tpu.memref_slice %arg6[%select_n3A, %mul3A_31] : memref<8x768xf32, #tpu.memory_space<hbm>> -> memref<1x384xf32, #tpu.memory_space<hbm>>
      %dma_start3A_2753 = tpu.memref_squeeze %dma_start3A_2752 : memref<1x384xf32, #tpu.memory_space<hbm>> -> memref<384xf32, #tpu.memory_space<hbm>>
      %dma_start3A_2754 = tpu.memref_slice %arg6[%select_n3A, %mul3A_31] : memref<8x768xf32, #tpu.memory_space<hbm>> -> memref<1x384xf32, #tpu.memory_space<hbm>>
      %dma_start3A_2755 = tpu.memref_squeeze %dma_start3A_2754 : memref<1x384xf32, #tpu.memory_space<hbm>> -> memref<384xf32, #tpu.memory_space<hbm>>
      %dma_start3A_2756 = arith.constant 0 : i32
      %dma_start3A_2757 = tpu.memref_slice %arg15[%dma_start3A_2756] : memref<768xf32, #tpu.memory_space<vmem>> -> memref<384xf32, #tpu.memory_space<vmem>>
      tpu.enqueue_dma source(%dma_start3A_2757 : memref<384xf32, #tpu.memory_space<vmem>>) target(%dma_start3A_2755 : memref<384xf32, #tpu.memory_space<hbm>>) target_semaphore(%run_scoped3A : memref<!tpu.dma_semaphore, #tpu.memory_space<semaphore_mem>>)
      %dma_wait3A = arith.constant 0 : i32
      %dma_wait3A_2758 = tpu.memref_slice %arg15[%dma_wait3A] : memref<768xf32, #tpu.memory_space<vmem>> -> memref<384xf32, #tpu.memory_space<vmem>>
      %dma_wait3A_2759 = tpu.memref_slice %arg6[%select_n3A, %mul3A_31] : memref<8x768xf32, #tpu.memory_space<hbm>> -> memref<1x384xf32, #tpu.memory_space<hbm>>
      %dma_wait3A_2760 = tpu.memref_squeeze %dma_wait3A_2759 : memref<1x384xf32, #tpu.memory_space<hbm>> -> memref<384xf32, #tpu.memory_space<hbm>>
      %dma_wait3A_2761 = tpu.memref_slice %arg6[%select_n3A, %mul3A_31] : memref<8x768xf32, #tpu.memory_space<hbm>> -> memref<1x384xf32, #tpu.memory_space<hbm>>
      %dma_wait3A_2762 = tpu.memref_squeeze %dma_wait3A_2761 : memref<1x384xf32, #tpu.memory_space<hbm>> -> memref<384xf32, #tpu.memory_space<hbm>>
      %dma_wait3A_2763 = arith.constant 0 : i32
      %dma_wait3A_2764 = tpu.memref_slice %arg15[%dma_wait3A_2763] : memref<768xf32, #tpu.memory_space<vmem>> -> memref<384xf32, #tpu.memory_space<vmem>>
      tpu.wait_dma2 semaphore(%run_scoped3A : memref<!tpu.dma_semaphore, #tpu.memory_space<semaphore_mem>>) src(%dma_wait3A_2764 : memref<384xf32, #tpu.memory_space<vmem>>) dst(%dma_wait3A_2762 : memref<384xf32, #tpu.memory_space<hbm>>)
      tpu.yield
    }) : () -> ()
    "tpu.region"() ({
      %run_scoped3A = tpu.sem_alloc : memref<!tpu.dma_semaphore, #tpu.memory_space<semaphore_mem>>
      %dma_start3A = arith.constant 384 : i32
      %dma_start3A_2751 = tpu.memref_slice %arg15[%dma_start3A] : memref<768xf32, #tpu.memory_space<vmem>> -> memref<384xf32, #tpu.memory_space<vmem>>
      %dma_start3A_2752 = tpu.memref_slice %arg7[%select_n3A, %mul3A_31] : memref<8x768xf32, #tpu.memory_space<hbm>> -> memref<1x384xf32, #tpu.memory_space<hbm>>
      %dma_start3A_2753 = tpu.memref_squeeze %dma_start3A_2752 : memref<1x384xf32, #tpu.memory_space<hbm>> -> memref<384xf32, #tpu.memory_space<hbm>>
      %dma_start3A_2754 = tpu.memref_slice %arg7[%select_n3A, %mul3A_31] : memref<8x768xf32, #tpu.memory_space<hbm>> -> memref<1x384xf32, #tpu.memory_space<hbm>>
      %dma_start3A_2755 = tpu.memref_squeeze %dma_start3A_2754 : memref<1x384xf32, #tpu.memory_space<hbm>> -> memref<384xf32, #tpu.memory_space<hbm>>
      %dma_start3A_2756 = arith.constant 384 : i32
      %dma_start3A_2757 = tpu.memref_slice %arg15[%dma_start3A_2756] : memref<768xf32, #tpu.memory_space<vmem>> -> memref<384xf32, #tpu.memory_space<vmem>>
      tpu.enqueue_dma source(%dma_start3A_2757 : memref<384xf32, #tpu.memory_space<vmem>>) target(%dma_start3A_2755 : memref<384xf32, #tpu.memory_space<hbm>>) target_semaphore(%run_scoped3A : memref<!tpu.dma_semaphore, #tpu.memory_space<semaphore_mem>>)
      %dma_wait3A = arith.constant 384 : i32
      %dma_wait3A_2758 = tpu.memref_slice %arg15[%dma_wait3A] : memref<768xf32, #tpu.memory_space<vmem>> -> memref<384xf32, #tpu.memory_space<vmem>>
      %dma_wait3A_2759 = tpu.memref_slice %arg7[%select_n3A, %mul3A_31] : memref<8x768xf32, #tpu.memory_space<hbm>> -> memref<1x384xf32, #tpu.memory_space<hbm>>
      %dma_wait3A_2760 = tpu.memref_squeeze %dma_wait3A_2759 : memref<1x384xf32, #tpu.memory_space<hbm>> -> memref<384xf32, #tpu.memory_space<hbm>>
      %dma_wait3A_2761 = tpu.memref_slice %arg7[%select_n3A, %mul3A_31] : memref<8x768xf32, #tpu.memory_space<hbm>> -> memref<1x384xf32, #tpu.memory_space<hbm>>
      %dma_wait3A_2762 = tpu.memref_squeeze %dma_wait3A_2761 : memref<1x384xf32, #tpu.memory_space<hbm>> -> memref<384xf32, #tpu.memory_space<hbm>>
      %dma_wait3A_2763 = arith.constant 384 : i32
      %dma_wait3A_2764 = tpu.memref_slice %arg15[%dma_wait3A_2763] : memref<768xf32, #tpu.memory_space<vmem>> -> memref<384xf32, #tpu.memory_space<vmem>>
      tpu.wait_dma2 semaphore(%run_scoped3A : memref<!tpu.dma_semaphore, #tpu.memory_space<semaphore_mem>>) src(%dma_wait3A_2764 : memref<384xf32, #tpu.memory_space<vmem>>) dst(%dma_wait3A_2762 : memref<384xf32, #tpu.memory_space<hbm>>)
      tpu.yield
    }) : () -> ()
    return
  }
}

module attributes {stable_mosaic.version = 14 : i64} {
  func.func @_pass_c(%arg0: i32, %arg1: memref<1x1024x768xf32, #tpu.memory_space<vmem>>, %arg2: memref<8x768xf32, #tpu.memory_space<vmem>>, %arg3: memref<8x768xf32, #tpu.memory_space<vmem>>, %arg4: memref<1024x768xf32, #tpu.memory_space<vmem>>) attributes {dimension_semantics = [#tpu.dimension_semantics<arbitrary>], iteration_bounds = array<i64: 8>, scalar_prefetch = 0 : i64, scratch_operands = 0 : i64, tpu.core_type = #tpu.core_type<tc>, window_params = [{transform_indices = @transform_0, window_bounds = array<i64: 1, 1024, 768>}, {pipeline_mode = #tpu.pipeline_mode<synchronous>, transform_indices = @transform_1, window_bounds = array<i64: 8, 768>}, {pipeline_mode = #tpu.pipeline_mode<synchronous>, transform_indices = @transform_2, window_bounds = array<i64: 8, 768>}, {transform_indices = @transform_3, window_bounds = array<i64: 1024, 768>}]} {
    %get3A = arith.index_cast %arg0 : i32 to index
    %get3A_0 = arith.constant 0 : index
    %get3A_1 = vector.load %arg2[%get3A, %get3A_0] : memref<8x768xf32, #tpu.memory_space<vmem>>, vector<1x768xf32>
    %get3A_2 = arith.index_cast %arg0 : i32 to index
    %get3A_3 = arith.constant 0 : index
    %get3A_4 = vector.load %arg3[%get3A_2, %get3A_3] : memref<8x768xf32, #tpu.memory_space<vmem>>, vector<1x768xf32>
    %get3A_5 = arith.constant 0 : index
    %get3A_6 = arith.constant 0 : index
    %get3A_7 = arith.constant 0 : index
    %get3A_8 = vector.load %arg1[%get3A_5, %get3A_6, %get3A_7] : memref<1x1024x768xf32, #tpu.memory_space<vmem>>, vector<1x1024x768xf32>
    %get3A_9 = vector.shape_cast %get3A_8 : vector<1x1024x768xf32> to vector<1024x768xf32>
    %mul3A = vector.broadcast %get3A_1 : vector<1x768xf32> to vector<1024x768xf32>
    %mul3A_10 = arith.mulf %get3A_9, %mul3A : vector<1024x768xf32>
    %add3A = vector.broadcast %get3A_4 : vector<1x768xf32> to vector<1024x768xf32>
    %add3A_11 = arith.addf %mul3A_10, %add3A : vector<1024x768xf32>
    %swap3A = arith.constant 0 : index
    %swap3A_12 = arith.constant 0 : index
    %swap3A_13 = vector.load %arg4[%swap3A, %swap3A_12] : memref<1024x768xf32, #tpu.memory_space<vmem>>, vector<1024x768xf32>
    tpu.vector_store %arg4[%swap3A, %swap3A_12], %add3A_11 {strides = array<i32>} : memref<1024x768xf32, #tpu.memory_space<vmem>>, vector<1024x768xf32>,
    return
  }
  func.func @transform_0(%arg0: i32) -> (i32, i32, i32) {
    %c0_i32 = arith.constant 0 : i32
    %c0_i32_0 = arith.constant 0 : i32
    %c0_i32_1 = arith.constant 0 : i32
    return %arg0, %c0_i32, %c0_i32_0 : i32, i32, i32
  }
  func.func @transform_1(%arg0: i32) -> (i32, i32) {
    %c0_i32 = arith.constant 0 : i32
    %c0_i32_0 = arith.constant 0 : i32
    %c0_i32_1 = arith.constant 0 : i32
    return %c0_i32, %c0_i32_0 : i32, i32
  }
  func.func @transform_2(%arg0: i32) -> (i32, i32) {
    %c0_i32 = arith.constant 0 : i32
    %c0_i32_0 = arith.constant 0 : i32
    %c0_i32_1 = arith.constant 0 : i32
    return %c0_i32, %c0_i32_0 : i32, i32
  }
  func.func @transform_3(%arg0: i32) -> (i32, i32) {
    %c0_i32 = arith.constant 0 : i32
    %c0_i32_0 = arith.constant 0 : i32
    return %arg0, %c0_i32 : i32, i32
  }
}

module attributes {stable_mosaic.version = 14 : i64} {
  func.func @_pass_a(%arg0: i32, %arg1: memref<1x1024x768xf32, #tpu.memory_space<vmem>>, %arg2: memref<1024x1024xf32, #tpu.memory_space<vmem>>, %arg3: memref<1x1024xf32, #tpu.memory_space<vmem>>, %arg4: memref<8x1xf32, #tpu.memory_space<vmem>>, %arg5: memref<1024x8xf32, #tpu.memory_space<vmem>>, %arg6: memref<8x768xf32, #tpu.memory_space<vmem>>, %arg7: memref<2x768xf32, #tpu.memory_space<vmem>>, %arg8: memref<8x1024xf32, #tpu.memory_space<vmem>>) attributes {dimension_semantics = [#tpu.dimension_semantics<arbitrary>], iteration_bounds = array<i64: 8>, scalar_prefetch = 0 : i64, scratch_operands = 1 : i64, tpu.core_type = #tpu.core_type<tc>, window_params = [{transform_indices = @transform_0, window_bounds = array<i64: 1, 1024, 768>}, {pipeline_mode = #tpu.pipeline_mode<synchronous>, transform_indices = @transform_1, window_bounds = array<i64: 1024, 1024>}, {pipeline_mode = #tpu.pipeline_mode<synchronous>, transform_indices = @transform_2, window_bounds = array<i64: 1, 1024>}, {pipeline_mode = #tpu.pipeline_mode<synchronous>, transform_indices = @transform_3, window_bounds = array<i64: 8, 1>}, {pipeline_mode = #tpu.pipeline_mode<synchronous>, transform_indices = @transform_4, window_bounds = array<i64: 1024, 8>}, {transform_indices = @transform_5, window_bounds = array<i64: 8, 768>}, {transform_indices = @transform_6, window_bounds = array<i64: 2, 768>}]} {
    %eq3A = arith.constant 0 : i32
    %eq3A_0 = arith.cmpi eq, %arg0, %eq3A : i32
    %convert_element_type3A = arith.extui %eq3A_0 : i1 to i32
    %cond3A = arith.constant 0 : i32
    %cond3A_1 = arith.cmpi ne, %convert_element_type3A, %cond3A : i32
    scf.if %cond3A_1 {
      %get3A_35 = arith.constant 0 : index
      %get3A_36 = arith.constant 0 : index
      %get3A_37 = vector.load %arg5[%get3A_35, %get3A_36] : memref<1024x8xf32, #tpu.memory_space<vmem>>, vector<1024x8xf32>
      %get3A_38 = arith.constant 0 : index
      %get3A_39 = arith.constant 0 : index
      %get3A_40 = vector.load %arg2[%get3A_38, %get3A_39] : memref<1024x1024xf32, #tpu.memory_space<vmem>>, vector<1024x1024xf32>
      %dot_general3A_41 = arith.constant dense<0.000000e+00> : vector<8x1024xf32>
      %dot_general3A_42 = tpu.matmul %get3A_37, %get3A_40, %dot_general3A_41 {dimension_numbers = #tpu.dot_dimension_numbers<[0], [1], [1], [0], [0, 1, 1, 0], [], []>, transpose_lhs_hint = false} : vector<1024x8xf32>, vector<1024x1024xf32>, vector<8x1024xf32> -> vector<8x1024xf32>
      %swap3A_43 = arith.constant 0 : index
      %swap3A_44 = arith.constant 0 : index
      %swap3A_45 = vector.load %arg8[%swap3A_43, %swap3A_44] : memref<8x1024xf32, #tpu.memory_space<vmem>>, vector<8x1024xf32>
      tpu.vector_store %arg8[%swap3A_43, %swap3A_44], %dot_general3A_42 {strides = array<i32>} : memref<8x1024xf32, #tpu.memory_space<vmem>>, vector<8x1024xf32>,
    } else {
    }
    %get3A = arith.constant 0 : index
    %get3A_2 = arith.constant 0 : index
    %get3A_3 = arith.constant 0 : index
    %get3A_4 = vector.load %arg1[%get3A, %get3A_2, %get3A_3] : memref<1x1024x768xf32, #tpu.memory_space<vmem>>, vector<1x1024x768xf32>
    %get3A_5 = vector.shape_cast %get3A_4 : vector<1x1024x768xf32> to vector<1024x768xf32>
    %get3A_6 = arith.constant 0 : index
    %get3A_7 = arith.constant 0 : index
    %get3A_8 = vector.load %arg8[%get3A_6, %get3A_7] : memref<8x1024xf32, #tpu.memory_space<vmem>>, vector<8x1024xf32>
    %get3A_9 = arith.constant 0 : index
    %get3A_10 = arith.constant 0 : index
    %get3A_11 = vector.load %arg3[%get3A_9, %get3A_10] : memref<1x1024xf32, #tpu.memory_space<vmem>>, vector<1x1024xf32>
    %mul3A = vector.broadcast %get3A_11 : vector<1x1024xf32> to vector<8x1024xf32>
    %mul3A_12 = arith.mulf %get3A_8, %mul3A : vector<8x1024xf32>
    %reduce_sum3A = arith.constant dense<0.000000e+00> : vector<8xf32>
    %reduce_sum3A_13 = vector.multi_reduction <add>, %mul3A_12, %reduce_sum3A [1] : vector<8x1024xf32> to vector<8xf32>
    %broadcast_in_dim3A = vector.shape_cast %reduce_sum3A_13 : vector<8xf32> to vector<8x1xf32>
    %get3A_14 = arith.constant 0 : index
    %get3A_15 = arith.constant 0 : index
    %get3A_16 = vector.load %arg4[%get3A_14, %get3A_15] : memref<8x1xf32, #tpu.memory_space<vmem>>, vector<8x1xf32>
    %add3A = arith.addf %broadcast_in_dim3A, %get3A_16 : vector<8x1xf32>
    %get3A_17 = arith.constant 0 : index
    %get3A_18 = arith.constant 0 : index
    %get3A_19 = vector.load %arg8[%get3A_17, %get3A_18] : memref<8x1024xf32, #tpu.memory_space<vmem>>, vector<8x1024xf32>
    %dot_general3A = arith.constant dense<0.000000e+00> : vector<8x768xf32>
    %dot_general3A_20 = tpu.matmul %get3A_19, %get3A_5, %dot_general3A {dimension_numbers = #tpu.dot_dimension_numbers<[1], [0], [0], [1], [0, 0, 1, 1], [], []>, transpose_lhs_hint = false} : vector<8x1024xf32>, vector<1024x768xf32>, vector<8x768xf32> -> vector<8x768xf32>
    %add3A_21 = vector.broadcast %add3A : vector<8x1xf32> to vector<8x768xf32>
    %add3A_22 = arith.addf %dot_general3A_20, %add3A_21 : vector<8x768xf32>
    %swap3A = arith.constant 0 : index
    %swap3A_23 = arith.constant 0 : index
    %swap3A_24 = vector.load %arg6[%swap3A, %swap3A_23] : memref<8x768xf32, #tpu.memory_space<vmem>>, vector<8x768xf32>
    tpu.vector_store %arg6[%swap3A, %swap3A_23], %add3A_22 {strides = array<i32>} : memref<8x768xf32, #tpu.memory_space<vmem>>, vector<8x768xf32>,
    %reduce_sum3A_25 = arith.constant dense<0.000000e+00> : vector<768xf32>
    %reduce_sum3A_26 = vector.multi_reduction <add>, %get3A_5, %reduce_sum3A_25 [0] : vector<1024x768xf32> to vector<768xf32>
    %broadcast_in_dim3A_27 = vector.shape_cast %reduce_sum3A_26 : vector<768xf32> to vector<1x768xf32>
    %mul3A_28 = arith.mulf %get3A_5, %get3A_5 : vector<1024x768xf32>
    %reduce_sum3A_29 = arith.constant dense<0.000000e+00> : vector<768xf32>
    %reduce_sum3A_30 = vector.multi_reduction <add>, %mul3A_28, %reduce_sum3A_29 [0] : vector<1024x768xf32> to vector<768xf32>
    %broadcast_in_dim3A_31 = vector.shape_cast %reduce_sum3A_30 : vector<768xf32> to vector<1x768xf32>
    %concatenate3A = tpu.concatenate %broadcast_in_dim3A_27, %broadcast_in_dim3A_31 in 0 : vector<1x768xf32>, vector<1x768xf32> -> vector<2x768xf32>
    %swap3A_32 = arith.constant 0 : index
    %swap3A_33 = arith.constant 0 : index
    %swap3A_34 = vector.load %arg7[%swap3A_32, %swap3A_33] : memref<2x768xf32, #tpu.memory_space<vmem>>, vector<2x768xf32>
    tpu.vector_store %arg7[%swap3A_32, %swap3A_33], %concatenate3A {strides = array<i32>} : memref<2x768xf32, #tpu.memory_space<vmem>>, vector<2x768xf32>,
    return
  }
  func.func @transform_0(%arg0: i32) -> (i32, i32, i32) {
    %c0_i32 = arith.constant 0 : i32
    %c0_i32_0 = arith.constant 0 : i32
    %c0_i32_1 = arith.constant 0 : i32
    return %arg0, %c0_i32, %c0_i32_0 : i32, i32, i32
  }
  func.func @transform_1(%arg0: i32) -> (i32, i32) {
    %c0_i32 = arith.constant 0 : i32
    %c0_i32_0 = arith.constant 0 : i32
    %c0_i32_1 = arith.constant 0 : i32
    return %c0_i32, %c0_i32_0 : i32, i32
  }
  func.func @transform_2(%arg0: i32) -> (i32, i32) {
    %c0_i32 = arith.constant 0 : i32
    %c0_i32_0 = arith.constant 0 : i32
    %c0_i32_1 = arith.constant 0 : i32
    return %c0_i32, %c0_i32_0 : i32, i32
  }
  func.func @transform_3(%arg0: i32) -> (i32, i32) {
    %c0_i32 = arith.constant 0 : i32
    %c0_i32_0 = arith.constant 0 : i32
    %c0_i32_1 = arith.constant 0 : i32
    return %c0_i32, %c0_i32_0 : i32, i32
  }
  func.func @transform_4(%arg0: i32) -> (i32, i32) {
    %c0_i32 = arith.constant 0 : i32
    %c0_i32_0 = arith.constant 0 : i32
    %c0_i32_1 = arith.constant 0 : i32
    return %c0_i32, %c0_i32_0 : i32, i32
  }
  func.func @transform_5(%arg0: i32) -> (i32, i32) {
    %c0_i32 = arith.constant 0 : i32
    %c0_i32_0 = arith.constant 0 : i32
    return %c0_i32, %arg0 : i32, i32
  }
  func.func @transform_6(%arg0: i32) -> (i32, i32) {
    %c0_i32 = arith.constant 0 : i32
    %c0_i32_0 = arith.constant 0 : i32
    return %c0_i32, %arg0 : i32, i32
  }
}

</mosaic_0001>

<sc_bundles>
// kernel: kernel.5.cloned.1.call-start
scs
__scs_entry_jumppad:
0x0: {  	(pc) =	sbr.rel $0x88, $3  }
0x1: {  	(tag) =	ssettag $0x0;
	lr =	simm.s32 $0x1  }
0x2: {  	[smem:$0x3F9A] =	sst lr;
	_ =	strace $0xD0000000  }
0x3: {  	_ = 	snop  }
0x4: {  	_ = 	snop  }
0x5: {  	_ = 	snop  }
0x6: {  	_ = 	snop  }
0x7: {  	_ = 	snop  }
__scs_overlays_trampoline_lowered:
0x8: {  	[smem:$0x3FA9] =	sst s0  }
0x9: {  	[smem:$0x3FAA] =	sst s1  }
0xa: {  	[smem:$0x3FAB] =	sst s2  }
0xb: {  	[smem:$0x3FAC] =	sst s3  }
0xc: {  	[smem:$0x3FAD] =	sst s4  }
0xd: {  	[smem:$0x3FAE] =	sst s5  }
0xe: {  	[smem:$0x3FAF] =	sst s6  }
0xf: {  	[smem:$0x3FB0] =	sst s7  }
0x10: {  	[smem:$0x3FB1] =	sst s8  }
0x11: {  	[smem:$0x3FB2] =	sst s9;
	s0 =	simm.s32 @!p0 $0x0  }
0x12: {  	s1 =	sld [smem:$0x3F98];
	s0 =	simm.s32 @p0 $0x1  }
0x13: {  	[smem:$0x3FB3] =	sst s0;
	s0 =	simm.s32 @!p1 $0x0  }
0x14: {  	s2 =	sld [smem:$0x3F97];
	s0 =	simm.s32 @p1 $0x1  }
0x15: {  	[smem:$0x3FB4] =	sst s0;
	s0 =	simm.s32 @!p2 $0x0  }
0x16: {  	s3 =	sld [smem:$0x3FDB];
	s0 =	simm.s32 @p2 $0x1  }
0x17: {  	s4 =	simm.s32 $0x1BF5;
	[smem:$0x3FB6] =	sst s0  }
0x18: {  	s0 =	sld [smem:$0x3F99];
	_ =	swait.ge [sflag:s4], $0x0  }
0x19: {  	s7 =	sld [smem:$0x3F9A]  }
0x1a: {  	s8 =	sadd.s32 $0xFFFFE003, lr  }
0x1b: {  	s9 =	sadd.s32 $0xFFFFFEF7, lr;
	s5 =	simm.s32 $0xFFFFFFFF;
	p2 =	slt.u32 s8, $0xFFFFF086  }
0x1c: {  	p1 =	slt.u32 s9, $0xF7A;
	s5 =	simm.s32 @!p2 $0x0  }
0x1d: {  	s5 =	simm.s32 @p1 $0x1;
	p0 =	seq.s32 s7, s2  }
0x1e: {  	s7 =	smul.u32 @!p0 $0xF7A, s2;
	p2 =	seq.s32 @!p0 s5, $0x0  }
0x1f: {  	s9 =	smul.u32 $0xF7A, s1;
	s8 =	simm.s32 @!p0 $0x1BF5;
	p2 =	por !p2, p0  }
0x20: {  	[sflag:s8] =	ssyncset.s32 @!p0 $0xFFFFF086;
	s6 =	sadd.s32 @!p0 s3, s7;
	s7 =	simm.s32 @!p0 $0x108  }
0x21: {  	s3 =	sadd.s32 s3, s9;
	s6 =	sadd.s32 @!p0 $0x88, s6;
	s7 =	simm.s32 @p2 $0x1082  }
0x22: {  	[simem:s7], [sflag:s8] =	dma.local @!p0 [hbm:s6], $0xF7A  }
0x23: {  	s9 =	sor.u32 $0xD0000000, s2;
	s6 =	simm.s32 $0x108;
	_ =	swait.ge @!p0 [sflag:s8], $0x0  }
0x24: {  	s3 =	sadd.s32 $0x88, s3;
	s6 =	simm.s32 @!p1 $0x1082;
	[sflag:s4] =	ssyncset.s32 $0xFFFFF086  }
0x25: {  	[simem:s6], [sflag:s4] =	dma.local [hbm:s3], $0xF7A  }
0x26: {  	[smem:$0x3F9A] =	sst s1;
	(tag) =	ssettag s2;
	_ =	strace s9  }
0x27: {  	s1 =	sld [smem:$0x3FAA]  }
0x28: {  	s2 =	sld [smem:$0x3FAB]  }
0x29: {  	s4 =	sld [smem:$0x3FAD]  }
0x2a: {  	p0 =	seq.s32 s5, $0x0;
	s5 =	sld [smem:$0x3FAE]  }
0x2b: {  	s6 =	sld [smem:$0x3FAF]  }
0x2c: {  	s7 =	sld [smem:$0x3FB0]  }
0x2d: {  	s3 =	simm.s32 $0x108;
	s8 =	sld [smem:$0x3FB1]  }
0x2e: {  	s3 =	simm.s32 @!p0 $0x1082;
	s9 =	sld [smem:$0x3FB2]  }
0x2f: {  	lr =	sadd.s32 s0, s3;
	s0 =	sld [smem:$0x3FA9]  }
0x30: {  	s3 =	sld [smem:$0x3FAC]  }
0x31: {  	[smem:$0x3FB5] =	sst s10  }
0x32: {  	s10 =	sld [smem:$0x3FB3];
	_ =	sdelay $0x3  }
0x33: {  	p0 =	seq.s32 s10, $0x1;
	s10 =	sld [smem:$0x3FB5];
	_ =	sdelay $0x3  }
0x34: {  	[smem:$0x3FB5] =	sst s10  }
0x35: {  	s10 =	sld [smem:$0x3FB4];
	_ =	sdelay $0x3  }
0x36: {  	p1 =	seq.s32 s10, $0x1;
	s10 =	sld [smem:$0x3FB5];
	_ =	sdelay $0x3  }
0x37: {  	[smem:$0x3FB5] =	sst s10  }
0x38: {  	s10 =	sld [smem:$0x3FB6]  }
0x39: {  	_ = 	snop;
	(pc) =	sbr.ind lr, $3  }
0x3a: {  	_ = 	snop  }
0x3b: {  	_ = 	snop  }
0x3c: {  	p2 =	seq.s32 s10, $0x1;
	s10 =	sld [smem:$0x3FB5]  }
0x3d: {  	_ =	shalt  }
0x3e: {  	_ =	shalt  }
0x3f: {  	_ =	shalt  }
0x40: {  	_ =	shalt  }
0x41: {  	_ =	shalt  }
0x42: {  	_ =	shalt  }
0x43: {  	_ =	shalt  }
0x44: {  	_ =	shalt  }
0x45: {  	_ =	shalt  }
0x46: {  	_ =	shalt  }
0x47: {  	_ =	shalt  }
0x48: {  	_ =	shalt  }
0x49: {  	_ =	shalt  }
0x4a: {  	_ =	shalt  }
0x4b: {  	_ =	shalt  }
0x4c: {  	_ =	shalt  }
0x4d: {  	_ =	shalt  }
0x4e: {  	_ =	shalt  }
0x4f: {  	_ =	shalt  }
0x50: {  	_ =	shalt  }
0x51: {  	_ =	shalt  }
0x52: {  	_ =	shalt  }
0x53: {  	_ =	shalt  }
0x54: {  	_ =	shalt  }
0x55: {  	_ =	shalt  }
0x56: {  	_ =	shalt  }
0x57: {  	_ =	shalt  }
0x58: {  	_ =	shalt  }
0x59: {  	_ =	shalt  }
0x5a: {  	_ =	shalt  }
0x5b: {  	_ =	shalt  }
0x5c: {  	_ =	shalt  }
0x5d: {  	_ =	shalt  }
0x5e: {  	_ =	shalt  }
0x5f: {  	_ =	shalt  }
0x60: {  	_ =	shalt  }
0x61: {  	_ =	shalt  }
0x62: {  	_ =	shalt  }
0x63: {  	_ =	shalt  }
0x64: {  	_ =	shalt  }
0x65: {  	_ =	shalt  }
0x66: {  	_ =	shalt  }
0x67: {  	_ =	shalt  }
0x68: {  	_ =	shalt  }
0x69: {  	_ =	shalt  }
0x6a: {  	_ =	shalt  }
0x6b: {  	_ =	shalt  }
0x6c: {  	_ =	shalt  }
0x6d: {  	_ =	shalt  }
0x6e: {  	_ =	shalt  }
0x6f: {  	_ =	shalt  }
0x70: {  	_ =	shalt  }
0x71: {  	_ =	shalt  }
0x72: {  	_ =	shalt  }
0x73: {  	_ =	shalt  }
0x74: {  	_ =	shalt  }
0x75: {  	_ =	shalt  }
0x76: {  	_ =	shalt  }
0x77: {  	_ =	shalt  }
0x78: {  	_ =	shalt  }
0x79: {  	_ =	shalt  }
0x7a: {  	_ =	shalt  }
0x7b: {  	_ =	shalt  }
0x7c: {  	_ =	shalt  }
0x7d: {  	_ =	shalt  }
0x7e: {  	_ =	shalt  }
0x7f: {  	_ =	shalt  }
0x80: {  	_ =	shalt  }
0x81: {  	_ =	shalt  }
0x82: {  	_ =	shalt  }
0x83: {  	_ =	shalt  }
0x84: {  	_ =	shalt  }
0x85: {  	_ =	shalt  }
0x86: {  	_ =	shalt  }
0x87: {  	_ =	shalt  }
.Lfunc_end0:
.L_simem_size_0:
called_computation_lowered:
.L_overlay_start_0:
0x88: {  	s2 =	sld [smem:$0x3FD9]  }
0x89: {  	s3 =	sld [smem:$0x3FFE];
	_ =	sdelay $0x1  }
0x8a: {  	s1 =	srdreg.scid  }
0x8b: {  	s0 =	sand.u32 $0x1, s1  }
0x8c: {  	s17 =	sshll.u32 s0, $0xA;
	s2 =	sadd.s32 s3, s2  }
0x8d: {  	s2 =	sadd.s32 s2, s17  }
0x8e: {  	[smem:$0x3FC1] =	sst s2  }
0x8f: {  	_ = 	snop  }
0x90: {  	s2 =	sld [smem:$0x3FD0];
	(tm) =	ssettm $0x1  }
0x91: {  	s18 =	sld [smem:$0x3FFB];
	_ =	sdelay $0x3  }
0x92: {  	_ =	strace s18  }
0x93: {  	s3 =	sld [smem:$0x3FFC];
	_ =	sdelay $0x3  }
0x94: {  	_ =	strace s3  }
0x95: {  	s3 =	sld [smem:$0x3FFD];
	_ =	sdelay $0x3  }
0x96: {  	_ =	strace s3  }
0x97: {  	_ =	strace $0x8FFFFFFF  }
0x98: {  	s19 =	sld [smem:$0x3FDB];
	_ =	sdelay $0x1  }
0x99: {  	s4 =	simm.s32 $_scs_section_size  }
0x9a: {  	s5 =	simm.s32 $_size__tile_overlayer_lowered;
	s6 =	simm.s32 $_tile_overlayer_lowered  }
0x9b: {  	s22 =	simm.s32 $0x1BFF;
	s21 =	sshll.u32 s6, $0x1;
	s3 =	sadd.s32 s4, s19  }
0x9c: {  	s7 =	simm.s32 $0x0;
	s20 =	sshll.u32 s5, $0x1;
	s5 =	sadd.s32 s21, s3  }
0x9d: {  	[timem:s7], [sflag:s22] =	dma.local [hbm:s5], s20  }
0x9e: {  	_ =	swait.ge [sflag:s22], s20  }
0x9f: {  	s4 =	ssub.s32 $0x0, s20;
	[sflag:s22] =	ssyncset.done $0x0  }
0xa0: {  	[sflag:s22] =	ssyncadd.s32 s4;
	_ =	sdelay $0x1  }
0xa1: {  	s23 =	simm.s32 $0x1B8B  }
0xa2: {  	_ =	swait.ge [sflag:s23], $0x1  }
0xa3: {  	[sflag:s23] =	ssyncset.done $0x0  }
0xa4: {  	s25 =	simm.s32 $0x1B8E;
	s24 =	sld [smem:$0x3FFE];
	[sflag:s23] =	ssyncadd.s32 $0xFFFFFFFF  }
0xa5: {  	s26 =	simm.s32 $execute0_lowered;
	[smem:$0x3FD2] =	sst s25  }
0xa6: {  	s5 =	sshll.u32 s26, $0x1;
	_ =	strace $0x80000046;
	[dreg:$0x1] =	wrdreg $0xFFFFFFFF  }
0xa7: {  	s28 =	simm.s32 $_size_execute0_lowered;
	s3 =	sadd.s32 s3, s5;
	[dreg:$0x0] =	wrdreg $0x0  }
0xa8: {  	s5 =	sshll.u32 s28, $0x1;
	[dreg:$0x2] =	wrdreg s3  }
0xa9: {  	[dreg:$0x3] =	wrdreg s5  }
0xaa: {  	[dreg:$0x4] =	wrdreg $0xC0  }
0xab: {  	_ =	task [dreg:s7], $0x5FFFF  }
0xac: {  	[dreg:$0x1] =	wrdreg $0xFFFFFFFF  }
0xad: {  	[dreg:$0x0] =	wrdreg $0x60  }
0xae: {  	[dreg:$0x2] =	wrdreg s2  }
0xaf: {  	[dreg:$0x3] =	wrdreg s24  }
0xb0: {  	[dreg:$0x4] =	wrdreg $0x1F800  }
0xb1: {  	[dreg:$0x5] =	wrdreg $0x9  }
0xb2: {  	_ =	task.clear_ibuf [dreg:s7], $0x6FFFF;
	_ =	strace $0x90000046  }
0xb3: {  	s29 =	simm.s32 $0x9;
	_ =	strace $0x80000048  }
0xb4: {  	_ =	swait.ge [sflag:s29], $0x1  }
0xb5: {  	[sflag:s29] =	ssyncadd.s32 $0xFFFFFFFF  }
0xb6: {  	_ =	strace $0x90000048  }
0xb7: {  	_ =	sfence  }
0xb8: {  	s30 =	sld [smem:$0x0];
	_ =	sdelay $0x2  }
0xb9: {  	s31 =	sshll.u32 s1, $0xD;
	s1 =	sshrl.u32 s1, $0x2  }
0xba: {  	s3 =	sand.u32 $0x4000, s31;
	s1 =	sadd.s32 s1, s30  }
0xbb: {  	s0 =	sor.u32 s3, s0;
	s1 =	sshll.u32 s1, $0x11  }
0xbc: {  	s0 =	sor.u32 s1, s0  }
0xbd: {  	s0 =	sadd.s32 $0x8F2B, s0  }
0xbe: {  	[sflag:s0] =	ssyncadd.remote.s32 $0x1  }
0xbf: {  	_ =	sfence.sel $0xFFFF  }
0xc0: {  	[dreg:$0x0] =	wrdreg $0xFFFFFFFF;
	(pc) =	sbr.abs _section_cstart, $3  }
0xc1: {  	[dreg:$0x1] =	wrdreg $0xFFFFFFFF  }
0xc2: {  	_ =	task.clear_ibuf [dreg:s7], $0x2FFFF;
	_ =	strace $0x9FFFFFFF  }
0xc3: {  	(tm) =	ssettm $0x7FFFFFFF  }
tec
execute0_lowered:
.L_overlay_start_1:
0x0: {  	(tag) =	ssettag $0x1  }
0x1: {  	s4 =	rddreg [dreg:$0x0]  }
0x2: {  	s5 =	rddreg [dreg:$0x1]  }
0x3: {  	s2 =	rddreg [dreg:$0x2]  }
0x4: {  	s0 =	rddreg [dreg:$0x3];
	s1 =	stileid.u32  }
0x5: {  	s3 =	simm.s32 $0x0;
	s10 =	srdreg.scid;
	s13 =	simm.s32 $0xC00  }
0x6: {  	s14 =	simm.s32 $0x1080;
	s15 =	simm.s32 $0x1100;
	s16 =	simm.s32 $0x1900  }
0x7: {  	s17 =	simm.s32 $0x1980;
	s18 =	simm.s32 $0x1B00;
	s19 =	simm.s32 $0x80  }
0x8: {  	s20 =	simm.s32 $0x400;
	s21 =	simm.s32 $0x1C80;
	s22 =	simm.s32 $0x1E00  }
0x9: {  	s6 =	smul.u32 $0x60, s1;
	s7 =	sand.u32 $0x1, s1;
	[smem:$0x7FF] =	sst s3  }
0xa: {  	s9 =	sshll.u32 s1, $0x3;
	s10 =	sand.u32 $0x1, s10;
	s29 =	smul.u32 $0x180, s1  }
0xb: {  	s31 =	sshll.u32 s1, $0x7;
	p0 =	seq.s32 s7, $0x1;
	s7 =	simm.s32 $0x3  }
0xc: {  	_ =	strace $0x80000047;
	s9 =	sand.u32 $0x70, s9;
	s28 =	ssub.s32 $0x2, s10  }
0xd: {  	s6 =	sadd.s32 s6, s5;
	s7 =	simm.s32 @!p0 $0x0;
	s30 =	sshrl.u32 s28, $0x1  }
0xe: {  	s4 =	sadd.s32 s4, s29;
	s8 =	sshll.u32 s7, $0x4;
	s7 =	sshll.u32 s7, $0x7  }
0xf: {  	s12 =	ssub.s32 s28, s30;
	s7 =	sor.u32 s9, s7;
	s8 =	sadd.s32 s8, s5  }
0x10: {  	v2 =	vlaneseq.u32;
	s11 =	sadd.s32 s7, s5;
	s5 =	sadd.s32 $0x1000, s6;
	s6 =	sadd.s32 s31, s2  }
0x11: {  	v0 =	vimm.f32 $0.0e+00;
	v1 =	vimm.s32 $0x0;
	v2 =	vand.u32 $0x7, v2;
	s7 =	sadd.s32 $0xC00, s8;
	s8 =	sadd.s32 $0xE00, s8;
	s9 =	sadd.s32 $0x1600, s11  }
0x12: {  	v3 =	vimm.f32 $1.000000000e+00;
	v4 =	vor.u32 $0x8, v2;
	v5 =	vor.u32 $0x10, v2;
	s10 =	sadd.s32 $0x1A00, s11;
	s11 =	smax.u32 s12, $0x1;
	s12 =	simm.s32 $0x1  }
.LBB2_1:
0x13: {  	[tilespmem:s3], [sflag:$0x1] =	stream.linear.gather [hbm4b:s4+s3], $0xC00, $0x38;
	[tilespmem:$0x1FA0] =	vst v63  }
0x14: {  	_ =	swait.ge [sflag:s12], $0xC00  }
0x15: {  	[sflag:s12] =	ssyncset.done $0x0  }
0x16: {  	[sflag:s12] =	ssyncadd.s32 $0xFFFFF400  }
0x17: {  	[tilespmem:s13], [sflag:$0x1] =	stream.linear.gather [hbm4b:s5+s3], $0x300, $0x38;
	[tilespmem:$0x1FA0] =	vst v63  }
0x18: {  	_ =	swait.ge [sflag:s12], $0x300  }
0x19: {  	[sflag:s12] =	ssyncset.done $0x0  }
0x1a: {  	[sflag:s12] =	ssyncadd.s32 $0xFFFFFD00  }
0x1b: {  	v6 =	vld [tilespmem:$0x0]  }
0x1c: {  	v7 =	vld [tilespmem:$0x80];
	_ =	sdelay $0x1  }
0x1d: {  	v8 =	vld [tilespmem:$0x100];
	_ =	sdelay $0x1  }
0x1e: {  	v9 =	vld [tilespmem:$0x180]  }
0x1f: {  	vm0 =	vgt.f32 v7, v6  }
0x20: {  	v6 =	vsel vm0, v7, v6;
	v7 =	vld [tilespmem:$0x200]  }
0x21: {  	vm1 =	vgt.f32 v8, v6  }
0x22: {  	v52 =	vld [tilespmem:$0x280];
	v6 =	vsel vm1, v8, v6  }
0x23: {  	vm2 =	vgt.f32 v9, v6  }
0x24: {  	v53 =	vld [tilespmem:$0x300];
	v6 =	vsel vm2, v9, v6  }
0x25: {  	vm3 =	vgt.f32 v7, v6  }
0x26: {  	v10 =	vsel vm0, $0x1, v1;
	v6 =	vsel vm3, v7, v6;
	v7 =	vld [tilespmem:$0x380]  }
0x27: {  	v10 =	vsel vm1, $0x2, v10;
	vm9 =	vgt.f32 v52, v6  }
0x28: {  	v10 =	vsel vm2, $0x3, v10;
	v6 =	vsel vm9, v52, v6  }
0x29: {  	v54 =	vsel vm3, $0x4, v10;
	vm10 =	vgt.f32 v53, v6  }
0x2a: {  	v8 =	vsel vm9, $0x5, v54;
	v6 =	vsel vm10, v53, v6  }
0x2b: {  	v8 =	vsel vm10, $0x6, v8;
	vm11 =	vgt.f32 v7, v6  }
0x2c: {  	v6 =	vsel vm11, $0x7, v8;
	_ =	sdelay $0x1  }
0x2d: {  	[tilespmem:$0x1080] =	vst v0  }
0x2e: {  	[tilespmem:$0x1090] =	vst v0  }
0x2f: {  	[tilespmem:$0xF00] =	vst v6  }
0x30: {  	[tilespmem:v6+s14+$0x0] =	vst.idx.add.f32.msk $0xffff, v3  }
0x31: {  	v7 =	vadd.s32 $0x8, v6;
	v55 =	vld [tilespmem:$0xC00];
	_ =	sdelay $0x4  }
0x32: {  	[tilespmem:v7+s14+$0x0] =	vst.idx.add.f32.msk $0xffff, v55  }
0x33: {  	v6 =	vadd.s32 $0x10, v6;
	v7 =	vld [tilespmem:$0xC80];
	_ =	sdelay $0x4  }
0x34: {  	[tilespmem:v6+s14+$0x0] =	vst.idx.add.f32.msk $0xffff, v7  }
0x35: {  	v6 =	vld [tilespmem:$0x10]  }
0x36: {  	v7 =	vld [tilespmem:$0x90];
	_ =	sdelay $0x1  }
0x37: {  	v8 =	vld [tilespmem:$0x110];
	_ =	sdelay $0x1  }
0x38: {  	v56 =	vld [tilespmem:$0x190]  }
0x39: {  	vm12 =	vgt.f32 v7, v6  }
0x3a: {  	v6 =	vsel vm12, v7, v6;
	v7 =	vld [tilespmem:$0x210]  }
0x3b: {  	vm13 =	vgt.f32 v8, v6  }
0x3c: {  	v57 =	vld [tilespmem:$0x290];
	v6 =	vsel vm13, v8, v6  }
0x3d: {  	vm14 =	vgt.f32 v56, v6  }
0x3e: {  	v58 =	vld [tilespmem:$0x310];
	v6 =	vsel vm14, v56, v6  }
0x3f: {  	vm15 =	vgt.f32 v7, v6  }
0x40: {  	v59 =	vsel vm12, $0x1, v1;
	v6 =	vsel vm15, v7, v6;
	v7 =	vld [tilespmem:$0x390]  }
0x41: {  	v10 =	vsel vm13, $0x2, v59;
	vm5 =	vgt.f32 v57, v6  }
0x42: {  	v10 =	vsel vm14, $0x3, v10;
	v6 =	vsel vm5, v57, v6  }
0x43: {  	v60 =	vsel vm15, $0x4, v10;
	vm6 =	vgt.f32 v58, v6  }
0x44: {  	v8 =	vsel vm5, $0x5, v60;
	v6 =	vsel vm6, v58, v6  }
0x45: {  	v8 =	vsel vm6, $0x6, v8;
	vm7 =	vgt.f32 v7, v6  }
0x46: {  	v6 =	vsel vm7, $0x7, v8;
	_ =	sdelay $0x3  }
0x47: {  	[tilespmem:$0xF10] =	vst v6  }
0x48: {  	[tilespmem:v6+s14+$0x0] =	vst.idx.add.f32.msk $0xffff, v3  }
0x49: {  	v7 =	vadd.s32 $0x8, v6;
	v61 =	vld [tilespmem:$0xC10];
	_ =	sdelay $0x4  }
0x4a: {  	[tilespmem:v7+s14+$0x0] =	vst.idx.add.f32.msk $0xffff, v61  }
0x4b: {  	v6 =	vadd.s32 $0x10, v6;
	v7 =	vld [tilespmem:$0xC90];
	_ =	sdelay $0x4  }
0x4c: {  	[tilespmem:v6+s14+$0x0] =	vst.idx.add.f32.msk $0xffff, v7  }
0x4d: {  	v6 =	vld [tilespmem:$0x20]  }
0x4e: {  	v7 =	vld [tilespmem:$0xA0];
	_ =	sdelay $0x1  }
0x4f: {  	v8 =	vld [tilespmem:$0x120];
	_ =	sdelay $0x1  }
0x50: {  	v62 =	vld [tilespmem:$0x1A0]  }
0x51: {  	vm8 =	vgt.f32 v7, v6  }
0x52: {  	v6 =	vsel vm8, v7, v6;
	v7 =	vld [tilespmem:$0x220]  }
0x53: {  	vm9 =	vgt.f32 v8, v6  }
0x54: {  	v63 =	vld [tilespmem:$0x2A0];
	v6 =	vsel vm9, v8, v6  }
0x55: {  	vm10 =	vgt.f32 v62, v6  }
0x56: {  	v12 =	vld [tilespmem:$0x320];
	v6 =	vsel vm10, v62, v6  }
0x57: {  	vm11 =	vgt.f32 v7, v6  }
0x58: {  	v13 =	vsel vm8, $0x1, v1;
	v6 =	vsel vm11, v7, v6;
	v7 =	vld [tilespmem:$0x3A0]  }
0x59: {  	v10 =	vsel vm9, $0x2, v13;
	vm12 =	vgt.f32 v63, v6  }
0x5a: {  	v10 =	vsel vm10, $0x3, v10;
	v6 =	vsel vm12, v63, v6  }
0x5b: {  	v14 =	vsel vm11, $0x4, v10;
	vm13 =	vgt.f32 v12, v6  }
0x5c: {  	v8 =	vsel vm12, $0x5, v14;
	v6 =	vsel vm13, v12, v6  }
0x5d: {  	v8 =	vsel vm13, $0x6, v8;
	vm14 =	vgt.f32 v7, v6  }
0x5e: {  	v6 =	vsel vm14, $0x7, v8;
	_ =	sdelay $0x3  }
0x5f: {  	[tilespmem:$0xF20] =	vst v6  }
0x60: {  	[tilespmem:v6+s14+$0x0] =	vst.idx.add.f32.msk $0xffff, v3  }
0x61: {  	v7 =	vadd.s32 $0x8, v6;
	v15 =	vld [tilespmem:$0xC20];
	_ =	sdelay $0x4  }
0x62: {  	[tilespmem:v7+s14+$0x0] =	vst.idx.add.f32.msk $0xffff, v15  }
0x63: {  	v6 =	vadd.s32 $0x10, v6;
	v7 =	vld [tilespmem:$0xCA0];
	_ =	sdelay $0x4  }
0x64: {  	[tilespmem:v6+s14+$0x0] =	vst.idx.add.f32.msk $0xffff, v7  }
0x65: {  	v6 =	vld [tilespmem:$0x30]  }
0x66: {  	v7 =	vld [tilespmem:$0xB0];
	_ =	sdelay $0x1  }
0x67: {  	v8 =	vld [tilespmem:$0x130];
	_ =	sdelay $0x1  }
0x68: {  	v16 =	vld [tilespmem:$0x1B0]  }
0x69: {  	vm15 =	vgt.f32 v7, v6  }
0x6a: {  	v6 =	vsel vm15, v7, v6;
	v7 =	vld [tilespmem:$0x230]  }
0x6b: {  	vm6 =	vgt.f32 v8, v6  }
0x6c: {  	v17 =	vld [tilespmem:$0x2B0];
	v6 =	vsel vm6, v8, v6  }
0x6d: {  	vm7 =	vgt.f32 v16, v6  }
0x6e: {  	v18 =	vld [tilespmem:$0x330];
	v6 =	vsel vm7, v16, v6  }
0x6f: {  	vm8 =	vgt.f32 v7, v6  }
0x70: {  	v19 =	vsel vm15, $0x1, v1;
	v6 =	vsel vm8, v7, v6;
	v7 =	vld [tilespmem:$0x3B0]  }
0x71: {  	v10 =	vsel vm6, $0x2, v19;
	vm9 =	vgt.f32 v17, v6  }
0x72: {  	v10 =	vsel vm7, $0x3, v10;
	v6 =	vsel vm9, v17, v6  }
0x73: {  	v20 =	vsel vm8, $0x4, v10;
	vm10 =	vgt.f32 v18, v6  }
0x74: {  	v8 =	vsel vm9, $0x5, v20;
	v6 =	vsel vm10, v18, v6  }
0x75: {  	v8 =	vsel vm10, $0x6, v8;
	vm11 =	vgt.f32 v7, v6  }
0x76: {  	v6 =	vsel vm11, $0x7, v8;
	_ =	sdelay $0x3  }
0x77: {  	[tilespmem:$0xF30] =	vst v6  }
0x78: {  	[tilespmem:v6+s14+$0x0] =	vst.idx.add.f32.msk $0xffff, v3  }
0x79: {  	v7 =	vadd.s32 $0x8, v6;
	v21 =	vld [tilespmem:$0xC30];
	_ =	sdelay $0x4  }
0x7a: {  	[tilespmem:v7+s14+$0x0] =	vst.idx.add.f32.msk $0xffff, v21  }
0x7b: {  	v6 =	vadd.s32 $0x10, v6;
	v7 =	vld [tilespmem:$0xCB0];
	_ =	sdelay $0x4  }
0x7c: {  	[tilespmem:v6+s14+$0x0] =	vst.idx.add.f32.msk $0xffff, v7  }
0x7d: {  	v6 =	vld [tilespmem:$0x40]  }
0x7e: {  	v7 =	vld [tilespmem:$0xC0];
	_ =	sdelay $0x1  }
0x7f: {  	v8 =	vld [tilespmem:$0x140];
	_ =	sdelay $0x1  }
0x80: {  	v22 =	vld [tilespmem:$0x1C0]  }
0x81: {  	vm12 =	vgt.f32 v7, v6  }
0x82: {  	v6 =	vsel vm12, v7, v6;
	v7 =	vld [tilespmem:$0x240]  }
0x83: {  	vm13 =	vgt.f32 v8, v6  }
0x84: {  	v23 =	vld [tilespmem:$0x2C0];
	v6 =	vsel vm13, v8, v6  }
0x85: {  	vm14 =	vgt.f32 v22, v6  }
0x86: {  	v24 =	vld [tilespmem:$0x340];
	v6 =	vsel vm14, v22, v6  }
0x87: {  	vm15 =	vgt.f32 v7, v6  }
0x88: {  	v25 =	vsel vm12, $0x1, v1;
	v6 =	vsel vm15, v7, v6;
	v7 =	vld [tilespmem:$0x3C0]  }
0x89: {  	v10 =	vsel vm13, $0x2, v25;
	vm5 =	vgt.f32 v23, v6  }
0x8a: {  	v10 =	vsel vm14, $0x3, v10;
	v6 =	vsel vm5, v23, v6  }
0x8b: {  	v26 =	vsel vm15, $0x4, v10;
	vm6 =	vgt.f32 v24, v6  }
0x8c: {  	v8 =	vsel vm5, $0x5, v26;
	v6 =	vsel vm6, v24, v6  }
0x8d: {  	v8 =	vsel vm6, $0x6, v8;
	vm7 =	vgt.f32 v7, v6  }
0x8e: {  	v6 =	vsel vm7, $0x7, v8;
	_ =	sdelay $0x3  }
0x8f: {  	[tilespmem:$0xF40] =	vst v6  }
0x90: {  	[tilespmem:v6+s14+$0x0] =	vst.idx.add.f32.msk $0xffff, v3  }
0x91: {  	v7 =	vadd.s32 $0x8, v6;
	v27 =	vld [tilespmem:$0xC40];
	_ =	sdelay $0x4  }
0x92: {  	[tilespmem:v7+s14+$0x0] =	vst.idx.add.f32.msk $0xffff, v27  }
0x93: {  	v6 =	vadd.s32 $0x10, v6;
	v7 =	vld [tilespmem:$0xCC0];
	_ =	sdelay $0x4  }
0x94: {  	[tilespmem:v6+s14+$0x0] =	vst.idx.add.f32.msk $0xffff, v7  }
0x95: {  	v6 =	vld [tilespmem:$0x50]  }
0x96: {  	v7 =	vld [tilespmem:$0xD0];
	_ =	sdelay $0x1  }
0x97: {  	v8 =	vld [tilespmem:$0x150];
	_ =	sdelay $0x1  }
0x98: {  	v28 =	vld [tilespmem:$0x1D0]  }
0x99: {  	vm8 =	vgt.f32 v7, v6  }
0x9a: {  	v6 =	vsel vm8, v7, v6;
	v7 =	vld [tilespmem:$0x250]  }
0x9b: {  	vm9 =	vgt.f32 v8, v6  }
0x9c: {  	v29 =	vld [tilespmem:$0x2D0];
	v6 =	vsel vm9, v8, v6  }
0x9d: {  	vm10 =	vgt.f32 v28, v6  }
0x9e: {  	v30 =	vld [tilespmem:$0x350];
	v6 =	vsel vm10, v28, v6  }
0x9f: {  	vm11 =	vgt.f32 v7, v6  }
0xa0: {  	v31 =	vsel vm8, $0x1, v1;
	v6 =	vsel vm11, v7, v6;
	v7 =	vld [tilespmem:$0x3D0]  }
0xa1: {  	v10 =	vsel vm9, $0x2, v31;
	vm12 =	vgt.f32 v29, v6  }
0xa2: {  	v10 =	vsel vm10, $0x3, v10;
	v6 =	vsel vm12, v29, v6  }
0xa3: {  	v32 =	vsel vm11, $0x4, v10;
	vm13 =	vgt.f32 v30, v6  }
0xa4: {  	v8 =	vsel vm12, $0x5, v32;
	v6 =	vsel vm13, v30, v6  }
0xa5: {  	v8 =	vsel vm13, $0x6, v8;
	vm14 =	vgt.f32 v7, v6  }
0xa6: {  	v6 =	vsel vm14, $0x7, v8;
	_ =	sdelay $0x3  }
0xa7: {  	[tilespmem:$0xF50] =	vst v6  }
0xa8: {  	[tilespmem:v6+s14+$0x0] =	vst.idx.add.f32.msk $0xffff, v3  }
0xa9: {  	v7 =	vadd.s32 $0x8, v6;
	v33 =	vld [tilespmem:$0xC50];
	_ =	sdelay $0x4  }
0xaa: {  	[tilespmem:v7+s14+$0x0] =	vst.idx.add.f32.msk $0xffff, v33  }
0xab: {  	v6 =	vadd.s32 $0x10, v6;
	v7 =	vld [tilespmem:$0xCD0];
	_ =	sdelay $0x4  }
0xac: {  	[tilespmem:v6+s14+$0x0] =	vst.idx.add.f32.msk $0xffff, v7  }
0xad: {  	v6 =	vld [tilespmem:$0x60]  }
0xae: {  	v7 =	vld [tilespmem:$0xE0];
	_ =	sdelay $0x1  }
0xaf: {  	v8 =	vld [tilespmem:$0x160];
	_ =	sdelay $0x1  }
0xb0: {  	v34 =	vld [tilespmem:$0x1E0]  }
0xb1: {  	vm15 =	vgt.f32 v7, v6  }
0xb2: {  	v6 =	vsel vm15, v7, v6;
	v7 =	vld [tilespmem:$0x260]  }
0xb3: {  	vm6 =	vgt.f32 v8, v6  }
0xb4: {  	v35 =	vld [tilespmem:$0x2E0];
	v6 =	vsel vm6, v8, v6  }
0xb5: {  	vm7 =	vgt.f32 v34, v6  }
0xb6: {  	v36 =	vld [tilespmem:$0x360];
	v6 =	vsel vm7, v34, v6  }
0xb7: {  	vm8 =	vgt.f32 v7, v6  }
0xb8: {  	v37 =	vsel vm15, $0x1, v1;
	v6 =	vsel vm8, v7, v6;
	v7 =	vld [tilespmem:$0x3E0]  }
0xb9: {  	v10 =	vsel vm6, $0x2, v37;
	vm9 =	vgt.f32 v35, v6  }
0xba: {  	v10 =	vsel vm7, $0x3, v10;
	v6 =	vsel vm9, v35, v6  }
0xbb: {  	v38 =	vsel vm8, $0x4, v10;
	vm10 =	vgt.f32 v36, v6  }
0xbc: {  	v8 =	vsel vm9, $0x5, v38;
	v6 =	vsel vm10, v36, v6  }
0xbd: {  	v8 =	vsel vm10, $0x6, v8;
	vm11 =	vgt.f32 v7, v6  }
0xbe: {  	v6 =	vsel vm11, $0x7, v8;
	_ =	sdelay $0x3  }
0xbf: {  	[tilespmem:$0xF60] =	vst v6  }
0xc0: {  	[tilespmem:v6+s14+$0x0] =	vst.idx.add.f32.msk $0xffff, v3  }
0xc1: {  	v7 =	vadd.s32 $0x8, v6;
	v39 =	vld [tilespmem:$0xC60];
	_ =	sdelay $0x4  }
0xc2: {  	[tilespmem:v7+s14+$0x0] =	vst.idx.add.f32.msk $0xffff, v39  }
0xc3: {  	v6 =	vadd.s32 $0x10, v6;
	v7 =	vld [tilespmem:$0xCE0];
	_ =	sdelay $0x4  }
0xc4: {  	[tilespmem:v6+s14+$0x0] =	vst.idx.add.f32.msk $0xffff, v7  }
0xc5: {  	v6 =	vld [tilespmem:$0x70]  }
0xc6: {  	v7 =	vld [tilespmem:$0xF0];
	_ =	sdelay $0x1  }
0xc7: {  	v8 =	vld [tilespmem:$0x170];
	_ =	sdelay $0x1  }
0xc8: {  	v40 =	vld [tilespmem:$0x1F0]  }
0xc9: {  	vm12 =	vgt.f32 v7, v6  }
0xca: {  	v6 =	vsel vm12, v7, v6;
	v7 =	vld [tilespmem:$0x270]  }
0xcb: {  	vm13 =	vgt.f32 v8, v6  }
0xcc: {  	v41 =	vld [tilespmem:$0x2F0];
	v6 =	vsel vm13, v8, v6  }
0xcd: {  	vm14 =	vgt.f32 v40, v6  }
0xce: {  	v42 =	vld [tilespmem:$0x370];
	v6 =	vsel vm14, v40, v6  }
0xcf: {  	vm15 =	vgt.f32 v7, v6  }
0xd0: {  	v43 =	vsel vm12, $0x1, v1;
	v6 =	vsel vm15, v7, v6;
	v7 =	vld [tilespmem:$0x3F0]  }
0xd1: {  	v10 =	vsel vm13, $0x2, v43;
	vm5 =	vgt.f32 v41, v6  }
0xd2: {  	v10 =	vsel vm14, $0x3, v10;
	v6 =	vsel vm5, v41, v6  }
0xd3: {  	v44 =	vsel vm15, $0x4, v10;
	vm6 =	vgt.f32 v42, v6  }
0xd4: {  	v8 =	vsel vm5, $0x5, v44;
	v6 =	vsel vm6, v42, v6  }
0xd5: {  	v8 =	vsel vm6, $0x6, v8;
	vm7 =	vgt.f32 v7, v6  }
0xd6: {  	v6 =	vsel vm7, $0x7, v8;
	_ =	sdelay $0x3  }
0xd7: {  	[tilespmem:$0xF70] =	vst v6  }
0xd8: {  	[tilespmem:v6+s14+$0x0] =	vst.idx.add.f32.msk $0xffff, v3  }
0xd9: {  	v7 =	vadd.s32 $0x8, v6;
	v45 =	vld [tilespmem:$0xC70];
	_ =	sdelay $0x4  }
0xda: {  	[tilespmem:v7+s14+$0x0] =	vst.idx.add.f32.msk $0xffff, v45  }
0xdb: {  	v6 =	vadd.s32 $0x10, v6;
	v7 =	vld [tilespmem:$0xCF0];
	_ =	sdelay $0x4  }
0xdc: {  	[tilespmem:v6+s14+$0x0] =	vst.idx.add.f32.msk $0xffff, v7  }
0xdd: {  	v6 =	vld [tilespmem:$0x400]  }
0xde: {  	v7 =	vld [tilespmem:$0x480];
	_ =	sdelay $0x1  }
0xdf: {  	v8 =	vld [tilespmem:$0x500];
	_ =	sdelay $0x1  }
0xe0: {  	v46 =	vld [tilespmem:$0x580]  }
0xe1: {  	vm8 =	vgt.f32 v7, v6  }
0xe2: {  	v6 =	vsel vm8, v7, v6;
	v7 =	vld [tilespmem:$0x600]  }
0xe3: {  	vm9 =	vgt.f32 v8, v6  }
0xe4: {  	v47 =	vld [tilespmem:$0x680];
	v6 =	vsel vm9, v8, v6  }
0xe5: {  	vm10 =	vgt.f32 v46, v6  }
0xe6: {  	v48 =	vld [tilespmem:$0x700];
	v6 =	vsel vm10, v46, v6  }
0xe7: {  	vm11 =	vgt.f32 v7, v6  }
0xe8: {  	v49 =	vsel vm8, $0x1, v1;
	v6 =	vsel vm11, v7, v6;
	v7 =	vld [tilespmem:$0x780]  }
0xe9: {  	v10 =	vsel vm9, $0x2, v49;
	vm12 =	vgt.f32 v47, v6  }
0xea: {  	v10 =	vsel vm10, $0x3, v10;
	v6 =	vsel vm12, v47, v6  }
0xeb: {  	v50 =	vsel vm11, $0x4, v10;
	vm13 =	vgt.f32 v48, v6  }
0xec: {  	v8 =	vsel vm12, $0x5, v50;
	v6 =	vsel vm13, v48, v6  }
0xed: {  	v8 =	vsel vm13, $0x6, v8;
	vm14 =	vgt.f32 v7, v6  }
0xee: {  	v6 =	vsel vm14, $0x7, v8;
	_ =	sdelay $0x3  }
0xef: {  	[tilespmem:$0xF80] =	vst v6  }
0xf0: {  	[tilespmem:v6+s14+$0x0] =	vst.idx.add.f32.msk $0xffff, v3  }
0xf1: {  	v7 =	vadd.s32 $0x8, v6;
	v51 =	vld [tilespmem:$0xD00];
	_ =	sdelay $0x4  }
0xf2: {  	[tilespmem:v7+s14+$0x0] =	vst.idx.add.f32.msk $0xffff, v51  }
0xf3: {  	v6 =	vadd.s32 $0x10, v6;
	v7 =	vld [tilespmem:$0xD80];
	_ =	sdelay $0x4  }
0xf4: {  	[tilespmem:v6+s14+$0x0] =	vst.idx.add.f32.msk $0xffff, v7  }
0xf5: {  	v6 =	vld [tilespmem:$0x410]  }
0xf6: {  	v7 =	vld [tilespmem:$0x490];
	_ =	sdelay $0x1  }
0xf7: {  	v8 =	vld [tilespmem:$0x510];
	_ =	sdelay $0x1  }
0xf8: {  	v52 =	vld [tilespmem:$0x590]  }
0xf9: {  	vm15 =	vgt.f32 v7, v6  }
0xfa: {  	v6 =	vsel vm15, v7, v6;
	v7 =	vld [tilespmem:$0x610]  }
0xfb: {  	vm6 =	vgt.f32 v8, v6  }
0xfc: {  	v53 =	vld [tilespmem:$0x690];
	v6 =	vsel vm6, v8, v6  }
0xfd: {  	vm7 =	vgt.f32 v52, v6  }
0xfe: {  	v54 =	vld [tilespmem:$0x710];
	v6 =	vsel vm7, v52, v6  }
0xff: {  	vm8 =	vgt.f32 v7, v6  }
0x100: {  	v55 =	vsel vm15, $0x1, v1;
	v6 =	vsel vm8, v7, v6;
	v7 =	vld [tilespmem:$0x790]  }
0x101: {  	v10 =	vsel vm6, $0x2, v55;
	vm9 =	vgt.f32 v53, v6  }
0x102: {  	v10 =	vsel vm7, $0x3, v10;
	v6 =	vsel vm9, v53, v6  }
0x103: {  	v56 =	vsel vm8, $0x4, v10;
	vm10 =	vgt.f32 v54, v6  }
0x104: {  	v8 =	vsel vm9, $0x5, v56;
	v6 =	vsel vm10, v54, v6  }
0x105: {  	v8 =	vsel vm10, $0x6, v8;
	vm11 =	vgt.f32 v7, v6  }
0x106: {  	v6 =	vsel vm11, $0x7, v8;
	_ =	sdelay $0x3  }
0x107: {  	[tilespmem:$0xF90] =	vst v6  }
0x108: {  	[tilespmem:v6+s14+$0x0] =	vst.idx.add.f32.msk $0xffff, v3  }
0x109: {  	v7 =	vadd.s32 $0x8, v6;
	v57 =	vld [tilespmem:$0xD10];
	_ =	sdelay $0x4  }
0x10a: {  	[tilespmem:v7+s14+$0x0] =	vst.idx.add.f32.msk $0xffff, v57  }
0x10b: {  	v6 =	vadd.s32 $0x10, v6;
	v7 =	vld [tilespmem:$0xD90];
	_ =	sdelay $0x4  }
0x10c: {  	[tilespmem:v6+s14+$0x0] =	vst.idx.add.f32.msk $0xffff, v7  }
0x10d: {  	v6 =	vld [tilespmem:$0x420]  }
0x10e: {  	v7 =	vld [tilespmem:$0x4A0];
	_ =	sdelay $0x1  }
0x10f: {  	v8 =	vld [tilespmem:$0x520];
	_ =	sdelay $0x1  }
0x110: {  	v58 =	vld [tilespmem:$0x5A0]  }
0x111: {  	vm12 =	vgt.f32 v7, v6  }
0x112: {  	v6 =	vsel vm12, v7, v6;
	v7 =	vld [tilespmem:$0x620]  }
0x113: {  	vm13 =	vgt.f32 v8, v6  }
0x114: {  	v59 =	vld [tilespmem:$0x6A0];
	v6 =	vsel vm13, v8, v6  }
0x115: {  	vm14 =	vgt.f32 v58, v6  }
0x116: {  	v60 =	vld [tilespmem:$0x720];
	v6 =	vsel vm14, v58, v6  }
0x117: {  	vm15 =	vgt.f32 v7, v6  }
0x118: {  	v61 =	vsel vm12, $0x1, v1;
	v6 =	vsel vm15, v7, v6;
	v7 =	vld [tilespmem:$0x7A0]  }
0x119: {  	v10 =	vsel vm13, $0x2, v61;
	vm5 =	vgt.f32 v59, v6  }
0x11a: {  	v10 =	vsel vm14, $0x3, v10;
	v6 =	vsel vm5, v59, v6  }
0x11b: {  	v62 =	vsel vm15, $0x4, v10;
	vm6 =	vgt.f32 v60, v6  }
0x11c: {  	v8 =	vsel vm5, $0x5, v62;
	v6 =	vsel vm6, v60, v6  }
0x11d: {  	v8 =	vsel vm6, $0x6, v8;
	vm7 =	vgt.f32 v7, v6  }
0x11e: {  	v6 =	vsel vm7, $0x7, v8;
	_ =	sdelay $0x3  }
0x11f: {  	[tilespmem:$0xFA0] =	vst v6  }
0x120: {  	[tilespmem:v6+s14+$0x0] =	vst.idx.add.f32.msk $0xffff, v3  }
0x121: {  	v7 =	vadd.s32 $0x8, v6;
	v63 =	vld [tilespmem:$0xD20];
	_ =	sdelay $0x4  }
0x122: {  	[tilespmem:v7+s14+$0x0] =	vst.idx.add.f32.msk $0xffff, v63  }
0x123: {  	v6 =	vadd.s32 $0x10, v6;
	v7 =	vld [tilespmem:$0xDA0];
	_ =	sdelay $0x4  }
0x124: {  	[tilespmem:v6+s14+$0x0] =	vst.idx.add.f32.msk $0xffff, v7  }
0x125: {  	v6 =	vld [tilespmem:$0x430]  }
0x126: {  	v7 =	vld [tilespmem:$0x4B0];
	_ =	sdelay $0x1  }
0x127: {  	v8 =	vld [tilespmem:$0x530];
	_ =	sdelay $0x1  }
0x128: {  	v12 =	vld [tilespmem:$0x5B0]  }
0x129: {  	vm8 =	vgt.f32 v7, v6  }
0x12a: {  	v6 =	vsel vm8, v7, v6;
	v7 =	vld [tilespmem:$0x630]  }
0x12b: {  	vm9 =	vgt.f32 v8, v6  }
0x12c: {  	v13 =	vld [tilespmem:$0x6B0];
	v6 =	vsel vm9, v8, v6  }
0x12d: {  	vm10 =	vgt.f32 v12, v6  }
0x12e: {  	v14 =	vld [tilespmem:$0x730];
	v6 =	vsel vm10, v12, v6  }
0x12f: {  	vm11 =	vgt.f32 v7, v6  }
0x130: {  	v15 =	vsel vm8, $0x1, v1;
	v6 =	vsel vm11, v7, v6;
	v7 =	vld [tilespmem:$0x7B0]  }
0x131: {  	v10 =	vsel vm9, $0x2, v15;
	vm12 =	vgt.f32 v13, v6  }
0x132: {  	v10 =	vsel vm10, $0x3, v10;
	v6 =	vsel vm12, v13, v6  }
0x133: {  	v16 =	vsel vm11, $0x4, v10;
	vm13 =	vgt.f32 v14, v6  }
0x134: {  	v8 =	vsel vm12, $0x5, v16;
	v6 =	vsel vm13, v14, v6  }
0x135: {  	v8 =	vsel vm13, $0x6, v8;
	vm14 =	vgt.f32 v7, v6  }
0x136: {  	v6 =	vsel vm14, $0x7, v8;
	_ =	sdelay $0x3  }
0x137: {  	[tilespmem:$0xFB0] =	vst v6  }
0x138: {  	[tilespmem:v6+s14+$0x0] =	vst.idx.add.f32.msk $0xffff, v3  }
0x139: {  	v7 =	vadd.s32 $0x8, v6;
	v17 =	vld [tilespmem:$0xD30];
	_ =	sdelay $0x4  }
0x13a: {  	[tilespmem:v7+s14+$0x0] =	vst.idx.add.f32.msk $0xffff, v17  }
0x13b: {  	v6 =	vadd.s32 $0x10, v6;
	v7 =	vld [tilespmem:$0xDB0];
	_ =	sdelay $0x4  }
0x13c: {  	[tilespmem:v6+s14+$0x0] =	vst.idx.add.f32.msk $0xffff, v7  }
0x13d: {  	v6 =	vld [tilespmem:$0x440]  }
0x13e: {  	v7 =	vld [tilespmem:$0x4C0];
	_ =	sdelay $0x1  }
0x13f: {  	v8 =	vld [tilespmem:$0x540];
	_ =	sdelay $0x1  }
0x140: {  	v18 =	vld [tilespmem:$0x5C0]  }
0x141: {  	vm15 =	vgt.f32 v7, v6  }
0x142: {  	v6 =	vsel vm15, v7, v6;
	v7 =	vld [tilespmem:$0x640]  }
0x143: {  	vm6 =	vgt.f32 v8, v6  }
0x144: {  	v19 =	vld [tilespmem:$0x6C0];
	v6 =	vsel vm6, v8, v6  }
0x145: {  	vm7 =	vgt.f32 v18, v6  }
0x146: {  	v20 =	vld [tilespmem:$0x740];
	v6 =	vsel vm7, v18, v6  }
0x147: {  	vm8 =	vgt.f32 v7, v6  }
0x148: {  	v21 =	vsel vm15, $0x1, v1;
	v6 =	vsel vm8, v7, v6;
	v7 =	vld [tilespmem:$0x7C0]  }
0x149: {  	v10 =	vsel vm6, $0x2, v21;
	vm9 =	vgt.f32 v19, v6  }
0x14a: {  	v10 =	vsel vm7, $0x3, v10;
	v6 =	vsel vm9, v19, v6  }
0x14b: {  	v22 =	vsel vm8, $0x4, v10;
	vm10 =	vgt.f32 v20, v6  }
0x14c: {  	v8 =	vsel vm9, $0x5, v22;
	v6 =	vsel vm10, v20, v6  }
0x14d: {  	v8 =	vsel vm10, $0x6, v8;
	vm11 =	vgt.f32 v7, v6  }
0x14e: {  	v6 =	vsel vm11, $0x7, v8;
	_ =	sdelay $0x3  }
0x14f: {  	[tilespmem:$0xFC0] =	vst v6  }
0x150: {  	[tilespmem:v6+s14+$0x0] =	vst.idx.add.f32.msk $0xffff, v3  }
0x151: {  	v7 =	vadd.s32 $0x8, v6;
	v23 =	vld [tilespmem:$0xD40];
	_ =	sdelay $0x4  }
0x152: {  	[tilespmem:v7+s14+$0x0] =	vst.idx.add.f32.msk $0xffff, v23  }
0x153: {  	v6 =	vadd.s32 $0x10, v6;
	v7 =	vld [tilespmem:$0xDC0];
	_ =	sdelay $0x4  }
0x154: {  	[tilespmem:v6+s14+$0x0] =	vst.idx.add.f32.msk $0xffff, v7  }
0x155: {  	v6 =	vld [tilespmem:$0x450]  }
0x156: {  	v7 =	vld [tilespmem:$0x4D0];
	_ =	sdelay $0x1  }
0x157: {  	v8 =	vld [tilespmem:$0x550];
	_ =	sdelay $0x1  }
0x158: {  	v24 =	vld [tilespmem:$0x5D0]  }
0x159: {  	vm12 =	vgt.f32 v7, v6  }
0x15a: {  	v6 =	vsel vm12, v7, v6;
	v7 =	vld [tilespmem:$0x650]  }
0x15b: {  	vm13 =	vgt.f32 v8, v6  }
0x15c: {  	v25 =	vld [tilespmem:$0x6D0];
	v6 =	vsel vm13, v8, v6  }
0x15d: {  	vm14 =	vgt.f32 v24, v6  }
0x15e: {  	v26 =	vld [tilespmem:$0x750];
	v6 =	vsel vm14, v24, v6  }
0x15f: {  	vm15 =	vgt.f32 v7, v6  }
0x160: {  	v27 =	vsel vm12, $0x1, v1;
	v6 =	vsel vm15, v7, v6;
	v7 =	vld [tilespmem:$0x7D0]  }
0x161: {  	v10 =	vsel vm13, $0x2, v27;
	vm5 =	vgt.f32 v25, v6  }
0x162: {  	v10 =	vsel vm14, $0x3, v10;
	v6 =	vsel vm5, v25, v6  }
0x163: {  	v28 =	vsel vm15, $0x4, v10;
	vm6 =	vgt.f32 v26, v6  }
0x164: {  	v8 =	vsel vm5, $0x5, v28;
	v6 =	vsel vm6, v26, v6  }
0x165: {  	v8 =	vsel vm6, $0x6, v8;
	vm7 =	vgt.f32 v7, v6  }
0x166: {  	v6 =	vsel vm7, $0x7, v8;
	_ =	sdelay $0x3  }
0x167: {  	[tilespmem:$0xFD0] =	vst v6  }
0x168: {  	[tilespmem:v6+s14+$0x0] =	vst.idx.add.f32.msk $0xffff, v3  }
0x169: {  	v7 =	vadd.s32 $0x8, v6;
	v29 =	vld [tilespmem:$0xD50];
	_ =	sdelay $0x4  }
0x16a: {  	[tilespmem:v7+s14+$0x0] =	vst.idx.add.f32.msk $0xffff, v29  }
0x16b: {  	v6 =	vadd.s32 $0x10, v6;
	v7 =	vld [tilespmem:$0xDD0];
	_ =	sdelay $0x4  }
0x16c: {  	[tilespmem:v6+s14+$0x0] =	vst.idx.add.f32.msk $0xffff, v7  }
0x16d: {  	v6 =	vld [tilespmem:$0x460]  }
0x16e: {  	v7 =	vld [tilespmem:$0x4E0];
	_ =	sdelay $0x1  }
0x16f: {  	v8 =	vld [tilespmem:$0x560];
	_ =	sdelay $0x1  }
0x170: {  	v30 =	vld [tilespmem:$0x5E0]  }
0x171: {  	vm8 =	vgt.f32 v7, v6  }
0x172: {  	v6 =	vsel vm8, v7, v6;
	v7 =	vld [tilespmem:$0x660]  }
0x173: {  	vm9 =	vgt.f32 v8, v6  }
0x174: {  	v31 =	vld [tilespmem:$0x6E0];
	v6 =	vsel vm9, v8, v6  }
0x175: {  	vm10 =	vgt.f32 v30, v6  }
0x176: {  	v32 =	vld [tilespmem:$0x760];
	v6 =	vsel vm10, v30, v6  }
0x177: {  	vm11 =	vgt.f32 v7, v6  }
0x178: {  	v33 =	vsel vm8, $0x1, v1;
	v6 =	vsel vm11, v7, v6;
	v7 =	vld [tilespmem:$0x7E0]  }
0x179: {  	v10 =	vsel vm9, $0x2, v33;
	vm12 =	vgt.f32 v31, v6  }
0x17a: {  	v10 =	vsel vm10, $0x3, v10;
	v6 =	vsel vm12, v31, v6  }
0x17b: {  	v34 =	vsel vm11, $0x4, v10;
	vm13 =	vgt.f32 v32, v6  }
0x17c: {  	v8 =	vsel vm12, $0x5, v34;
	v6 =	vsel vm13, v32, v6  }
0x17d: {  	v8 =	vsel vm13, $0x6, v8;
	vm14 =	vgt.f32 v7, v6  }
0x17e: {  	v6 =	vsel vm14, $0x7, v8;
	_ =	sdelay $0x3  }
0x17f: {  	[tilespmem:$0xFE0] =	vst v6  }
0x180: {  	[tilespmem:v6+s14+$0x0] =	vst.idx.add.f32.msk $0xffff, v3  }
0x181: {  	v7 =	vadd.s32 $0x8, v6;
	v35 =	vld [tilespmem:$0xD60];
	_ =	sdelay $0x4  }
0x182: {  	[tilespmem:v7+s14+$0x0] =	vst.idx.add.f32.msk $0xffff, v35  }
0x183: {  	v6 =	vadd.s32 $0x10, v6;
	v7 =	vld [tilespmem:$0xDE0];
	_ =	sdelay $0x4  }
0x184: {  	[tilespmem:v6+s14+$0x0] =	vst.idx.add.f32.msk $0xffff, v7  }
0x185: {  	v6 =	vld [tilespmem:$0x470]  }
0x186: {  	v7 =	vld [tilespmem:$0x4F0];
	_ =	sdelay $0x1  }
0x187: {  	v8 =	vld [tilespmem:$0x570];
	_ =	sdelay $0x1  }
0x188: {  	v36 =	vld [tilespmem:$0x5F0]  }
0x189: {  	vm15 =	vgt.f32 v7, v6  }
0x18a: {  	v6 =	vsel vm15, v7, v6;
	v7 =	vld [tilespmem:$0x670]  }
0x18b: {  	vm6 =	vgt.f32 v8, v6  }
0x18c: {  	v37 =	vld [tilespmem:$0x6F0];
	v6 =	vsel vm6, v8, v6  }
0x18d: {  	vm7 =	vgt.f32 v36, v6  }
0x18e: {  	v38 =	vld [tilespmem:$0x770];
	v6 =	vsel vm7, v36, v6  }
0x18f: {  	vm8 =	vgt.f32 v7, v6  }
0x190: {  	v39 =	vsel vm15, $0x1, v1;
	v6 =	vsel vm8, v7, v6;
	v7 =	vld [tilespmem:$0x7F0]  }
0x191: {  	v10 =	vsel vm6, $0x2, v39;
	vm9 =	vgt.f32 v37, v6  }
0x192: {  	v10 =	vsel vm7, $0x3, v10;
	v6 =	vsel vm9, v37, v6  }
0x193: {  	v40 =	vsel vm8, $0x4, v10;
	vm10 =	vgt.f32 v38, v6  }
0x194: {  	v8 =	vsel vm9, $0x5, v40;
	v6 =	vsel vm10, v38, v6  }
0x195: {  	v8 =	vsel vm10, $0x6, v8;
	vm11 =	vgt.f32 v7, v6  }
0x196: {  	v6 =	vsel vm11, $0x7, v8;
	_ =	sdelay $0x3  }
0x197: {  	[tilespmem:$0xFF0] =	vst v6  }
0x198: {  	[tilespmem:v6+s14+$0x0] =	vst.idx.add.f32.msk $0xffff, v3  }
0x199: {  	v7 =	vadd.s32 $0x8, v6;
	v41 =	vld [tilespmem:$0xD70];
	_ =	sdelay $0x4  }
0x19a: {  	[tilespmem:v7+s14+$0x0] =	vst.idx.add.f32.msk $0xffff, v41  }
0x19b: {  	v6 =	vadd.s32 $0x10, v6;
	v7 =	vld [tilespmem:$0xDF0];
	_ =	sdelay $0x4  }
0x19c: {  	[tilespmem:v6+s14+$0x0] =	vst.idx.add.f32.msk $0xffff, v7  }
0x19d: {  	v6 =	vld [tilespmem:$0x800]  }
0x19e: {  	v7 =	vld [tilespmem:$0x880];
	_ =	sdelay $0x1  }
0x19f: {  	v8 =	vld [tilespmem:$0x900];
	_ =	sdelay $0x1  }
0x1a0: {  	v42 =	vld [tilespmem:$0x980]  }
0x1a1: {  	vm12 =	vgt.f32 v7, v6  }
0x1a2: {  	v6 =	vsel vm12, v7, v6;
	v7 =	vld [tilespmem:$0xA00]  }
0x1a3: {  	vm13 =	vgt.f32 v8, v6  }
0x1a4: {  	v43 =	vld [tilespmem:$0xA80];
	v6 =	vsel vm13, v8, v6  }
0x1a5: {  	vm14 =	vgt.f32 v42, v6  }
0x1a6: {  	v44 =	vld [tilespmem:$0xB00];
	v6 =	vsel vm14, v42, v6  }
0x1a7: {  	vm15 =	vgt.f32 v7, v6  }
0x1a8: {  	v45 =	vsel vm12, $0x1, v1;
	v6 =	vsel vm15, v7, v6;
	v7 =	vld [tilespmem:$0xB80]  }
0x1a9: {  	v10 =	vsel vm13, $0x2, v45;
	vm5 =	vgt.f32 v43, v6  }
0x1aa: {  	v10 =	vsel vm14, $0x3, v10;
	v6 =	vsel vm5, v43, v6  }
0x1ab: {  	v46 =	vsel vm15, $0x4, v10;
	vm6 =	vgt.f32 v44, v6  }
0x1ac: {  	v8 =	vsel vm5, $0x5, v46;
	v6 =	vsel vm6, v44, v6  }
0x1ad: {  	v8 =	vsel vm6, $0x6, v8;
	vm7 =	vgt.f32 v7, v6  }
0x1ae: {  	v6 =	vsel vm7, $0x7, v8;
	_ =	sdelay $0x3  }
0x1af: {  	[tilespmem:$0x1000] =	vst v6  }
0x1b0: {  	[tilespmem:v6+s14+$0x0] =	vst.idx.add.f32.msk $0xffff, v3  }
0x1b1: {  	v7 =	vadd.s32 $0x8, v6;
	v47 =	vld [tilespmem:$0xE00];
	_ =	sdelay $0x4  }
0x1b2: {  	[tilespmem:v7+s14+$0x0] =	vst.idx.add.f32.msk $0xffff, v47  }
0x1b3: {  	v6 =	vadd.s32 $0x10, v6;
	v7 =	vld [tilespmem:$0xE80];
	_ =	sdelay $0x4  }
0x1b4: {  	[tilespmem:v6+s14+$0x0] =	vst.idx.add.f32.msk $0xffff, v7  }
0x1b5: {  	v6 =	vld [tilespmem:$0x810]  }
0x1b6: {  	v7 =	vld [tilespmem:$0x890];
	_ =	sdelay $0x1  }
0x1b7: {  	v8 =	vld [tilespmem:$0x910];
	_ =	sdelay $0x1  }
0x1b8: {  	v48 =	vld [tilespmem:$0x990]  }
0x1b9: {  	vm8 =	vgt.f32 v7, v6  }
0x1ba: {  	v6 =	vsel vm8, v7, v6;
	v7 =	vld [tilespmem:$0xA10]  }
0x1bb: {  	vm9 =	vgt.f32 v8, v6  }
0x1bc: {  	v49 =	vld [tilespmem:$0xA90];
	v6 =	vsel vm9, v8, v6  }
0x1bd: {  	vm10 =	vgt.f32 v48, v6  }
0x1be: {  	v50 =	vld [tilespmem:$0xB10];
	v6 =	vsel vm10, v48, v6  }
0x1bf: {  	vm11 =	vgt.f32 v7, v6  }
0x1c0: {  	v51 =	vsel vm8, $0x1, v1;
	v6 =	vsel vm11, v7, v6;
	v7 =	vld [tilespmem:$0xB90]  }
0x1c1: {  	v10 =	vsel vm9, $0x2, v51;
	vm12 =	vgt.f32 v49, v6  }
0x1c2: {  	v10 =	vsel vm10, $0x3, v10;
	v6 =	vsel vm12, v49, v6  }
0x1c3: {  	v52 =	vsel vm11, $0x4, v10;
	vm13 =	vgt.f32 v50, v6  }
0x1c4: {  	v8 =	vsel vm12, $0x5, v52;
	v6 =	vsel vm13, v50, v6  }
0x1c5: {  	v8 =	vsel vm13, $0x6, v8;
	vm14 =	vgt.f32 v7, v6  }
0x1c6: {  	v6 =	vsel vm14, $0x7, v8;
	_ =	sdelay $0x3  }
0x1c7: {  	[tilespmem:$0x1010] =	vst v6  }
0x1c8: {  	[tilespmem:v6+s14+$0x0] =	vst.idx.add.f32.msk $0xffff, v3  }
0x1c9: {  	v7 =	vadd.s32 $0x8, v6;
	v53 =	vld [tilespmem:$0xE10];
	_ =	sdelay $0x4  }
0x1ca: {  	[tilespmem:v7+s14+$0x0] =	vst.idx.add.f32.msk $0xffff, v53  }
0x1cb: {  	v6 =	vadd.s32 $0x10, v6;
	v7 =	vld [tilespmem:$0xE90];
	_ =	sdelay $0x4  }
0x1cc: {  	[tilespmem:v6+s14+$0x0] =	vst.idx.add.f32.msk $0xffff, v7  }
0x1cd: {  	v6 =	vld [tilespmem:$0x820]  }
0x1ce: {  	v7 =	vld [tilespmem:$0x8A0];
	_ =	sdelay $0x1  }
0x1cf: {  	v8 =	vld [tilespmem:$0x920];
	_ =	sdelay $0x1  }
0x1d0: {  	v54 =	vld [tilespmem:$0x9A0]  }
0x1d1: {  	vm15 =	vgt.f32 v7, v6  }
0x1d2: {  	v6 =	vsel vm15, v7, v6;
	v7 =	vld [tilespmem:$0xA20]  }
0x1d3: {  	vm6 =	vgt.f32 v8, v6  }
0x1d4: {  	v55 =	vld [tilespmem:$0xAA0];
	v6 =	vsel vm6, v8, v6  }
0x1d5: {  	vm7 =	vgt.f32 v54, v6  }
0x1d6: {  	v56 =	vld [tilespmem:$0xB20];
	v6 =	vsel vm7, v54, v6  }
0x1d7: {  	vm8 =	vgt.f32 v7, v6  }
0x1d8: {  	v57 =	vsel vm15, $0x1, v1;
	v6 =	vsel vm8, v7, v6;
	v7 =	vld [tilespmem:$0xBA0]  }
0x1d9: {  	v10 =	vsel vm6, $0x2, v57;
	vm9 =	vgt.f32 v55, v6  }
0x1da: {  	v10 =	vsel vm7, $0x3, v10;
	v6 =	vsel vm9, v55, v6  }
0x1db: {  	v58 =	vsel vm8, $0x4, v10;
	vm10 =	vgt.f32 v56, v6  }
0x1dc: {  	v8 =	vsel vm9, $0x5, v58;
	v6 =	vsel vm10, v56, v6  }
0x1dd: {  	v8 =	vsel vm10, $0x6, v8;
	vm11 =	vgt.f32 v7, v6  }
0x1de: {  	v6 =	vsel vm11, $0x7, v8;
	_ =	sdelay $0x3  }
0x1df: {  	[tilespmem:$0x1020] =	vst v6  }
0x1e0: {  	[tilespmem:v6+s14+$0x0] =	vst.idx.add.f32.msk $0xffff, v3  }
0x1e1: {  	v7 =	vadd.s32 $0x8, v6;
	v59 =	vld [tilespmem:$0xE20];
	_ =	sdelay $0x4  }
0x1e2: {  	[tilespmem:v7+s14+$0x0] =	vst.idx.add.f32.msk $0xffff, v59  }
0x1e3: {  	v6 =	vadd.s32 $0x10, v6;
	v7 =	vld [tilespmem:$0xEA0];
	_ =	sdelay $0x4  }
0x1e4: {  	[tilespmem:v6+s14+$0x0] =	vst.idx.add.f32.msk $0xffff, v7  }
0x1e5: {  	v6 =	vld [tilespmem:$0x830]  }
0x1e6: {  	v7 =	vld [tilespmem:$0x8B0];
	_ =	sdelay $0x1  }
0x1e7: {  	v8 =	vld [tilespmem:$0x930];
	_ =	sdelay $0x1  }
0x1e8: {  	v60 =	vld [tilespmem:$0x9B0]  }
0x1e9: {  	vm12 =	vgt.f32 v7, v6  }
0x1ea: {  	v6 =	vsel vm12, v7, v6;
	v7 =	vld [tilespmem:$0xA30]  }
0x1eb: {  	vm13 =	vgt.f32 v8, v6  }
0x1ec: {  	v61 =	vld [tilespmem:$0xAB0];
	v6 =	vsel vm13, v8, v6  }
0x1ed: {  	vm14 =	vgt.f32 v60, v6  }
0x1ee: {  	v62 =	vld [tilespmem:$0xB30];
	v6 =	vsel vm14, v60, v6  }
0x1ef: {  	vm15 =	vgt.f32 v7, v6  }
0x1f0: {  	v63 =	vsel vm12, $0x1, v1;
	v6 =	vsel vm15, v7, v6;
	v7 =	vld [tilespmem:$0xBB0]  }
0x1f1: {  	v10 =	vsel vm13, $0x2, v63;
	vm5 =	vgt.f32 v61, v6  }
0x1f2: {  	v10 =	vsel vm14, $0x3, v10;
	v6 =	vsel vm5, v61, v6  }
0x1f3: {  	v12 =	vsel vm15, $0x4, v10;
	vm6 =	vgt.f32 v62, v6  }
0x1f4: {  	v8 =	vsel vm5, $0x5, v12;
	v6 =	vsel vm6, v62, v6  }
0x1f5: {  	v8 =	vsel vm6, $0x6, v8;
	vm7 =	vgt.f32 v7, v6  }
0x1f6: {  	v6 =	vsel vm7, $0x7, v8;
	_ =	sdelay $0x3  }
0x1f7: {  	[tilespmem:$0x1030] =	vst v6  }
0x1f8: {  	[tilespmem:v6+s14+$0x0] =	vst.idx.add.f32.msk $0xffff, v3  }
0x1f9: {  	v7 =	vadd.s32 $0x8, v6;
	v13 =	vld [tilespmem:$0xE30];
	_ =	sdelay $0x4  }
0x1fa: {  	[tilespmem:v7+s14+$0x0] =	vst.idx.add.f32.msk $0xffff, v13  }
0x1fb: {  	v6 =	vadd.s32 $0x10, v6;
	v7 =	vld [tilespmem:$0xEB0];
	_ =	sdelay $0x4  }
0x1fc: {  	[tilespmem:v6+s14+$0x0] =	vst.idx.add.f32.msk $0xffff, v7  }
0x1fd: {  	v6 =	vld [tilespmem:$0x840]  }
0x1fe: {  	v7 =	vld [tilespmem:$0x8C0];
	_ =	sdelay $0x1  }
0x1ff: {  	v8 =	vld [tilespmem:$0x940];
	_ =	sdelay $0x1  }
0x200: {  	v14 =	vld [tilespmem:$0x9C0]  }
0x201: {  	vm8 =	vgt.f32 v7, v6  }
0x202: {  	v6 =	vsel vm8, v7, v6;
	v7 =	vld [tilespmem:$0xA40]  }
0x203: {  	vm9 =	vgt.f32 v8, v6  }
0x204: {  	v15 =	vld [tilespmem:$0xAC0];
	v6 =	vsel vm9, v8, v6  }
0x205: {  	vm10 =	vgt.f32 v14, v6  }
0x206: {  	v16 =	vld [tilespmem:$0xB40];
	v6 =	vsel vm10, v14, v6  }
0x207: {  	vm11 =	vgt.f32 v7, v6  }
0x208: {  	v17 =	vsel vm8, $0x1, v1;
	v6 =	vsel vm11, v7, v6;
	v7 =	vld [tilespmem:$0xBC0]  }
0x209: {  	v10 =	vsel vm9, $0x2, v17;
	vm12 =	vgt.f32 v15, v6  }
0x20a: {  	v10 =	vsel vm10, $0x3, v10;
	v6 =	vsel vm12, v15, v6  }
0x20b: {  	v18 =	vsel vm11, $0x4, v10;
	vm13 =	vgt.f32 v16, v6  }
0x20c: {  	v8 =	vsel vm12, $0x5, v18;
	v6 =	vsel vm13, v16, v6  }
0x20d: {  	v8 =	vsel vm13, $0x6, v8;
	vm14 =	vgt.f32 v7, v6  }
0x20e: {  	v6 =	vsel vm14, $0x7, v8;
	_ =	sdelay $0x3  }
0x20f: {  	[tilespmem:$0x1040] =	vst v6  }
0x210: {  	[tilespmem:v6+s14+$0x0] =	vst.idx.add.f32.msk $0xffff, v3  }
0x211: {  	v7 =	vadd.s32 $0x8, v6;
	v19 =	vld [tilespmem:$0xE40];
	_ =	sdelay $0x4  }
0x212: {  	[tilespmem:v7+s14+$0x0] =	vst.idx.add.f32.msk $0xffff, v19  }
0x213: {  	v6 =	vadd.s32 $0x10, v6;
	v7 =	vld [tilespmem:$0xEC0];
	_ =	sdelay $0x4  }
0x214: {  	[tilespmem:v6+s14+$0x0] =	vst.idx.add.f32.msk $0xffff, v7  }
0x215: {  	v6 =	vld [tilespmem:$0x850]  }
0x216: {  	v7 =	vld [tilespmem:$0x8D0];
	_ =	sdelay $0x1  }
0x217: {  	v8 =	vld [tilespmem:$0x950];
	_ =	sdelay $0x1  }
0x218: {  	v20 =	vld [tilespmem:$0x9D0]  }
0x219: {  	vm15 =	vgt.f32 v7, v6  }
0x21a: {  	v6 =	vsel vm15, v7, v6;
	v7 =	vld [tilespmem:$0xA50]  }
0x21b: {  	vm6 =	vgt.f32 v8, v6  }
0x21c: {  	v21 =	vld [tilespmem:$0xAD0];
	v6 =	vsel vm6, v8, v6  }
0x21d: {  	vm7 =	vgt.f32 v20, v6  }
0x21e: {  	v22 =	vld [tilespmem:$0xB50];
	v6 =	vsel vm7, v20, v6  }
0x21f: {  	vm8 =	vgt.f32 v7, v6  }
0x220: {  	v23 =	vsel vm15, $0x1, v1;
	v6 =	vsel vm8, v7, v6;
	v7 =	vld [tilespmem:$0xBD0]  }
0x221: {  	v10 =	vsel vm6, $0x2, v23;
	vm9 =	vgt.f32 v21, v6  }
0x222: {  	v10 =	vsel vm7, $0x3, v10;
	v6 =	vsel vm9, v21, v6  }
0x223: {  	v24 =	vsel vm8, $0x4, v10;
	vm10 =	vgt.f32 v22, v6  }
0x224: {  	v8 =	vsel vm9, $0x5, v24;
	v6 =	vsel vm10, v22, v6  }
0x225: {  	v8 =	vsel vm10, $0x6, v8;
	vm11 =	vgt.f32 v7, v6  }
0x226: {  	v6 =	vsel vm11, $0x7, v8;
	_ =	sdelay $0x3  }
0x227: {  	[tilespmem:$0x1050] =	vst v6  }
0x228: {  	[tilespmem:v6+s14+$0x0] =	vst.idx.add.f32.msk $0xffff, v3  }
0x229: {  	v7 =	vadd.s32 $0x8, v6;
	v25 =	vld [tilespmem:$0xE50];
	_ =	sdelay $0x4  }
0x22a: {  	[tilespmem:v7+s14+$0x0] =	vst.idx.add.f32.msk $0xffff, v25  }
0x22b: {  	v6 =	vadd.s32 $0x10, v6;
	v7 =	vld [tilespmem:$0xED0];
	_ =	sdelay $0x4  }
0x22c: {  	[tilespmem:v6+s14+$0x0] =	vst.idx.add.f32.msk $0xffff, v7  }
0x22d: {  	v6 =	vld [tilespmem:$0x860]  }
0x22e: {  	v7 =	vld [tilespmem:$0x8E0];
	_ =	sdelay $0x1  }
0x22f: {  	v8 =	vld [tilespmem:$0x960];
	_ =	sdelay $0x1  }
0x230: {  	v26 =	vld [tilespmem:$0x9E0]  }
0x231: {  	vm12 =	vgt.f32 v7, v6  }
0x232: {  	v6 =	vsel vm12, v7, v6;
	v7 =	vld [tilespmem:$0xA60]  }
0x233: {  	vm13 =	vgt.f32 v8, v6  }
0x234: {  	v27 =	vld [tilespmem:$0xAE0];
	v6 =	vsel vm13, v8, v6  }
0x235: {  	vm14 =	vgt.f32 v26, v6  }
0x236: {  	v28 =	vld [tilespmem:$0xB60];
	v6 =	vsel vm14, v26, v6  }
0x237: {  	vm15 =	vgt.f32 v7, v6  }
0x238: {  	v29 =	vsel vm12, $0x1, v1;
	v6 =	vsel vm15, v7, v6;
	v7 =	vld [tilespmem:$0xBE0]  }
0x239: {  	v10 =	vsel vm13, $0x2, v29;
	vm6 =	vgt.f32 v27, v6  }
0x23a: {  	v10 =	vsel vm14, $0x3, v10;
	v6 =	vsel vm6, v27, v6  }
0x23b: {  	v30 =	vsel vm15, $0x4, v10;
	vm7 =	vgt.f32 v28, v6  }
0x23c: {  	v8 =	vsel vm6, $0x5, v30;
	v6 =	vsel vm7, v28, v6  }
0x23d: {  	v8 =	vsel vm7, $0x6, v8;
	vm8 =	vgt.f32 v7, v6  }
0x23e: {  	v6 =	vsel vm8, $0x7, v8;
	_ =	sdelay $0x3  }
0x23f: {  	[tilespmem:$0x1060] =	vst v6  }
0x240: {  	[tilespmem:v6+s14+$0x0] =	vst.idx.add.f32.msk $0xffff, v3  }
0x241: {  	v7 =	vadd.s32 $0x8, v6;
	v31 =	vld [tilespmem:$0xE60];
	_ =	sdelay $0x4  }
0x242: {  	[tilespmem:v7+s14+$0x0] =	vst.idx.add.f32.msk $0xffff, v31  }
0x243: {  	v6 =	vadd.s32 $0x10, v6;
	v7 =	vld [tilespmem:$0xEE0];
	_ =	sdelay $0x4  }
0x244: {  	[tilespmem:v6+s14+$0x0] =	vst.idx.add.f32.msk $0xffff, v7  }
0x245: {  	v6 =	vld [tilespmem:$0x870]  }
0x246: {  	v7 =	vld [tilespmem:$0x8F0];
	_ =	sdelay $0x1  }
0x247: {  	v8 =	vld [tilespmem:$0x970];
	_ =	sdelay $0x1  }
0x248: {  	v32 =	vld [tilespmem:$0x9F0]  }
0x249: {  	vm9 =	vgt.f32 v7, v6  }
0x24a: {  	v6 =	vsel vm9, v7, v6;
	v7 =	vld [tilespmem:$0xA70]  }
0x24b: {  	vm10 =	vgt.f32 v8, v6  }
0x24c: {  	v33 =	vld [tilespmem:$0xAF0];
	v6 =	vsel vm10, v8, v6  }
0x24d: {  	vm11 =	vgt.f32 v32, v6  }
0x24e: {  	v34 =	vld [tilespmem:$0xB70];
	v6 =	vsel vm11, v32, v6  }
0x24f: {  	vm12 =	vgt.f32 v7, v6  }
0x250: {  	v35 =	vsel vm9, $0x1, v1;
	v6 =	vsel vm12, v7, v6;
	v7 =	vld [tilespmem:$0xBF0]  }
0x251: {  	v10 =	vsel vm10, $0x2, v35;
	vm13 =	vgt.f32 v33, v6  }
0x252: {  	v10 =	vsel vm11, $0x3, v10;
	v6 =	vsel vm13, v33, v6  }
0x253: {  	v36 =	vsel vm12, $0x4, v10;
	vm14 =	vgt.f32 v34, v6  }
0x254: {  	v8 =	vsel vm13, $0x5, v36;
	v6 =	vsel vm14, v34, v6  }
0x255: {  	v8 =	vsel vm14, $0x6, v8;
	vm15 =	vgt.f32 v7, v6  }
0x256: {  	v6 =	vsel vm15, $0x7, v8;
	_ =	sdelay $0x3  }
0x257: {  	[tilespmem:$0x1070] =	vst v6  }
0x258: {  	[tilespmem:v6+s14+$0x0] =	vst.idx.add.f32.msk $0xffff, v3  }
0x259: {  	v7 =	vadd.s32 $0x8, v6;
	v37 =	vld [tilespmem:$0xE70];
	_ =	sdelay $0x4  }
0x25a: {  	[tilespmem:v7+s14+$0x0] =	vst.idx.add.f32.msk $0xffff, v37  }
0x25b: {  	v6 =	vadd.s32 $0x10, v6;
	v7 =	vld [tilespmem:$0xEF0];
	_ =	sdelay $0x4  }
0x25c: {  	[tilespmem:v6+s14+$0x0] =	vst.idx.add.f32.msk $0xffff, v7  }
0x25d: {  	[spmem:s6] =	stream.linear.scatter [tilespmem:s14], [sflag:$0x1], $0x80, $0x38;
	[tilespmem:$0x1FA0] =	vst v63  }
0x25e: {  	_ =	swait.ge [sflag:s12], $0x80  }
0x25f: {  	[sflag:s12] =	ssyncset.done $0x0  }
0x260: {  	[sflag:s12] =	ssyncadd.s32 $0xFFFFFF80  }
0x261: {  	[bflag:$0x0] =	sbarrier.arrive $0xFFFF  }
0x262: {  	[tilespmem:s15], [sflag:$0x1] =	stream.linear.gather [spmem:s2], $0x800, $0x38;
	[tilespmem:$0x1FA0] =	vst v63  }
0x263: {  	_ =	swait.ge [sflag:s12], $0x800  }
0x264: {  	[sflag:s12] =	ssyncset.done $0x0  }
0x265: {  	[sflag:s12] =	ssyncadd.s32 $0xFFFFF800  }
0x266: {  	v6 =	vld [tilespmem:$0x1100]  }
0x267: {  	v7 =	vld [tilespmem:$0x1110]  }
0x268: {  	v38 =	vld [tilespmem:$0x1180]  }
0x269: {  	v39 =	vld [tilespmem:$0x1190]  }
0x26a: {  	v40 =	vld [tilespmem:$0x1200]  }
0x26b: {  	v11 =	vld [tilespmem:$0x1210];
	v6 =	vadd.f32 $0.0e+00, v6  }
0x26c: {  	v12 =	vld [tilespmem:$0x1280];
	v7 =	vadd.f32 $0.0e+00, v7  }
0x26d: {  	v41 =	vld [tilespmem:$0x1290];
	v6 =	vadd.f32 v38, v6  }
0x26e: {  	v42 =	vld [tilespmem:$0x1300];
	v7 =	vadd.f32 v39, v7  }
0x26f: {  	v43 =	vld [tilespmem:$0x1310];
	v6 =	vadd.f32 v40, v6  }
0x270: {  	v44 =	vld [tilespmem:$0x1380];
	v7 =	vadd.f32 v11, v7  }
0x271: {  	v45 =	vld [tilespmem:$0x1390];
	v6 =	vadd.f32 v12, v6  }
0x272: {  	v46 =	vld [tilespmem:$0x1400];
	v7 =	vadd.f32 v41, v7  }
0x273: {  	v47 =	vld [tilespmem:$0x1410];
	v6 =	vadd.f32 v42, v6  }
0x274: {  	v48 =	vld [tilespmem:$0x1480];
	v7 =	vadd.f32 v43, v7  }
0x275: {  	v49 =	vld [tilespmem:$0x1490];
	v6 =	vadd.f32 v44, v6  }
0x276: {  	v50 =	vld [tilespmem:$0x1500];
	v7 =	vadd.f32 v45, v7  }
0x277: {  	v51 =	vld [tilespmem:$0x1510];
	v6 =	vadd.f32 v46, v6  }
0x278: {  	v52 =	vld [tilespmem:$0x1580];
	v7 =	vadd.f32 v47, v7  }
0x279: {  	v53 =	vld [tilespmem:$0x1590];
	v6 =	vadd.f32 v48, v6  }
0x27a: {  	v54 =	vld [tilespmem:$0x1600];
	v7 =	vadd.f32 v49, v7  }
0x27b: {  	v55 =	vld [tilespmem:$0x1610];
	v6 =	vadd.f32 v50, v6  }
0x27c: {  	v56 =	vld [tilespmem:$0x1680];
	v7 =	vadd.f32 v51, v7  }
0x27d: {  	v57 =	vld [tilespmem:$0x1690];
	v6 =	vadd.f32 v52, v6  }
0x27e: {  	v58 =	vld [tilespmem:$0x1700];
	v7 =	vadd.f32 v53, v7  }
0x27f: {  	v59 =	vld [tilespmem:$0x1710];
	v6 =	vadd.f32 v54, v6  }
0x280: {  	v60 =	vld [tilespmem:$0x1780];
	v7 =	vadd.f32 v55, v7  }
0x281: {  	v61 =	vld [tilespmem:$0x1790];
	v6 =	vadd.f32 v56, v6  }
0x282: {  	v62 =	vld [tilespmem:$0x1800];
	v7 =	vadd.f32 v57, v7  }
0x283: {  	v63 =	vld [tilespmem:$0x1810];
	v6 =	vadd.f32 v58, v6  }
0x284: {  	v16 =	vld [tilespmem:$0x1880];
	v7 =	vadd.f32 v59, v7  }
0x285: {  	v17 =	vld [tilespmem:$0x1890];
	v6 =	vadd.f32 v60, v6  }
0x286: {  	v7 =	vadd.f32 v61, v7  }
0x287: {  	v6 =	vadd.f32 v62, v6  }
0x288: {  	v7 =	vadd.f32 v63, v7  }
0x289: {  	v6 =	vadd.f32 v16, v6  }
0x28a: {  	v7 =	vadd.f32 v17, v7  }
0x28b: {  	[tilespmem:$0x1900] =	vst v6  }
0x28c: {  	[tilespmem:$0x1910] =	vst v7  }
0x28d: {  	v6 =	vld.idx.msk [tilespmem:v2+s16+$0x0], $0xffff;
	_ =	sdelay $0x4  }
0x28e: {  	v6 =	vmul.f32 $1.024000000e+03, v6;
	_ =	sdelay $0x1  }
0x28f: {  	v7 =	vmax.f32 v6, $1.000000000e+00  }
0x290: {  	(erf) = vrcp.f32 v7;
	_ =	sdelay $0x2  }
0x291: {  	v6 =	vadd.f32 $-1.000000000e+00, v6;
	_ =	sdelay $0x1  }
0x292: {  	v7 =	vld.idx.msk [tilespmem:v4+s16+$0x0], $0xffff;
	v6 =	vmax.f32 v6, $1.000000000e+00  }
0x293: {  	(erf) = vrcp.f32 v6;
	_ =	sdelay $0x2  }
0x294: {  	v18 =	vld.idx.msk [tilespmem:v5+s16+$0x0], $0xffff;
	v6 =	vpop (erf)  }
0x295: {  	v6 =	vmul.f32 v6, v7;
	_ =	sdelay $0x1  }
0x296: {  	v7 =	vmul.f32 v6, v7;
	_ =	sdelay $0x1  }
0x297: {  	v7 =	vsub.f32 v18, v7  }
0x298: {  	v19 =	vpop (erf)  }
0x299: {  	v7 =	vmul.f32 v7, v19;
	_ =	sdelay $0x1  }
0x29a: {  	v7 =	vadd.f32 $9.999999740e-06, v7;
	_ =	sdelay $0x1  }
0x29b: {  	v20 =	vshrl.u32 v7, $0x1;
	v7 =	vmul.f32 $5.000000000e-01, v7  }
0x29c: {  	v8 =	vsub.s32 $0x5F3759DF, v20  }
0x29d: {  	v21 =	vmul.f32 v8, v7;
	_ =	sdelay $0x1  }
0x29e: {  	v9 =	vmul.f32 v8, v21;
	_ =	sdelay $0x1  }
0x29f: {  	v9 =	vsub.f32 $1.500000000e+00, v9;
	_ =	sdelay $0x1  }
0x2a0: {  	v8 =	vmul.f32 v8, v9;
	_ =	sdelay $0x1  }
0x2a1: {  	v9 =	vmul.f32 v8, v7;
	_ =	sdelay $0x1  }
0x2a2: {  	v9 =	vmul.f32 v9, v8;
	_ =	sdelay $0x1  }
0x2a3: {  	v9 =	vsub.f32 $1.500000000e+00, v9;
	_ =	sdelay $0x1  }
0x2a4: {  	v8 =	vmul.f32 v9, v8;
	_ =	sdelay $0x1  }
0x2a5: {  	v9 =	vmul.f32 v8, v7;
	_ =	sdelay $0x1  }
0x2a6: {  	v9 =	vmul.f32 v9, v8;
	_ =	sdelay $0x1  }
0x2a7: {  	v9 =	vsub.f32 $1.500000000e+00, v9;
	_ =	sdelay $0x1  }
0x2a8: {  	v8 =	vmul.f32 v9, v8;
	_ =	sdelay $0x1  }
0x2a9: {  	v7 =	vmul.f32 v8, v7;
	_ =	sdelay $0x1  }
0x2aa: {  	v7 =	vmul.f32 v7, v8;
	_ =	sdelay $0x1  }
0x2ab: {  	v7 =	vsub.f32 $1.500000000e+00, v7;
	_ =	sdelay $0x1  }
0x2ac: {  	v7 =	vmul.f32 v7, v8  }
0x2ad: {  	[tilespmem:$0x1900] =	vst v6  }
0x2ae: {  	[tilespmem:$0x1910] =	vst v7  }
0x2af: {  	[tilespmem:s17], [sflag:$0x1] =	stream.linear.gather [hbm4b:s7+s3], $0x180, $0x38;
	[tilespmem:$0x1FA0] =	vst v63  }
0x2b0: {  	_ =	swait.ge [sflag:s12], $0x180  }
0x2b1: {  	[sflag:s12] =	ssyncset.done $0x0  }
0x2b2: {  	[sflag:s12] =	ssyncadd.s32 $0xFFFFFE80  }
0x2b3: {  	[tilespmem:s18], [sflag:$0x1] =	stream.linear.gather [hbm4b:s8+s3], $0x180, $0x38;
	[tilespmem:$0x1FA0] =	vst v63  }
0x2b4: {  	_ =	swait.ge [sflag:s12], $0x180  }
0x2b5: {  	[sflag:s12] =	ssyncset.done $0x0  }
0x2b6: {  	[sflag:s12] =	ssyncadd.s32 $0xFFFFFE80  }
0x2b7: {  	v6 =	vld [tilespmem:$0xF00];
	_ =	sdelay $0x4  }
0x2b8: {  	v7 =	vadd.s32 $0x10, v6;
	_ =	sdelay $0x3  }
0x2b9: {  	v22 =	vld [tilespmem:$0x1980]  }
0x2ba: {  	v7 =	vld.idx.msk [tilespmem:v7+s16+$0x0], $0xffff  }
0x2bb: {  	v23 =	vld [tilespmem:$0xF10]  }
0x2bc: {  	v6 =	vld.idx.msk [tilespmem:v6+s16+$0x0], $0xffff;
	_ =	sdelay $0x1  }
0x2bd: {  	v24 =	vld [tilespmem:$0x1B00]  }
0x2be: {  	v7 =	vmul.f32 v22, v7;
	_ =	sdelay $0x1  }
0x2bf: {  	v25 =	vadd.s32 $0x10, v23;
	v6 =	vmul.f32 v7, v6;
	_ =	sdelay $0x1  }
0x2c0: {  	v6 =	vsub.f32 v24, v6  }
0x2c1: {  	[tilespmem:$0x1C80] =	vst v7  }
0x2c2: {  	v7 =	vld [tilespmem:$0x1990];
	[tilespmem:$0x1E00] =	vst v6  }
0x2c3: {  	v6 =	vld.idx.msk [tilespmem:v25+s16+$0x0], $0xffff  }
0x2c4: {  	v27 =	vld [tilespmem:$0xF20]  }
0x2c5: {  	v26 =	vld.idx.msk [tilespmem:v23+s16+$0x0], $0xffff;
	_ =	sdelay $0x1  }
0x2c6: {  	v28 =	vld [tilespmem:$0x1B10]  }
0x2c7: {  	v6 =	vmul.f32 v7, v6;
	_ =	sdelay $0x1  }
0x2c8: {  	v29 =	vadd.s32 $0x10, v27;
	v7 =	vmul.f32 v6, v26;
	_ =	sdelay $0x1  }
0x2c9: {  	v7 =	vsub.f32 v28, v7  }
0x2ca: {  	[tilespmem:$0x1C90] =	vst v6  }
0x2cb: {  	[tilespmem:$0x1E10] =	vst v7;
	v7 =	vld [tilespmem:$0x19A0]  }
0x2cc: {  	v6 =	vld.idx.msk [tilespmem:v29+s16+$0x0], $0xffff  }
0x2cd: {  	v31 =	vld [tilespmem:$0xF30]  }
0x2ce: {  	v30 =	vld.idx.msk [tilespmem:v27+s16+$0x0], $0xffff;
	_ =	sdelay $0x1  }
0x2cf: {  	v32 =	vld [tilespmem:$0x1B20]  }
0x2d0: {  	v6 =	vmul.f32 v7, v6;
	_ =	sdelay $0x1  }
0x2d1: {  	v33 =	vadd.s32 $0x10, v31;
	v7 =	vmul.f32 v6, v30;
	_ =	sdelay $0x1  }
0x2d2: {  	v7 =	vsub.f32 v32, v7  }
0x2d3: {  	[tilespmem:$0x1CA0] =	vst v6  }
0x2d4: {  	[tilespmem:$0x1E20] =	vst v7;
	v7 =	vld [tilespmem:$0x19B0]  }
0x2d5: {  	v6 =	vld.idx.msk [tilespmem:v33+s16+$0x0], $0xffff  }
0x2d6: {  	v35 =	vld [tilespmem:$0xF40]  }
0x2d7: {  	v34 =	vld.idx.msk [tilespmem:v31+s16+$0x0], $0xffff;
	_ =	sdelay $0x1  }
0x2d8: {  	v36 =	vld [tilespmem:$0x1B30]  }
0x2d9: {  	v6 =	vmul.f32 v7, v6;
	_ =	sdelay $0x1  }
0x2da: {  	v37 =	vadd.s32 $0x10, v35;
	v7 =	vmul.f32 v6, v34;
	_ =	sdelay $0x1  }
0x2db: {  	v7 =	vsub.f32 v36, v7  }
0x2dc: {  	[tilespmem:$0x1CB0] =	vst v6  }
0x2dd: {  	[tilespmem:$0x1E30] =	vst v7;
	v7 =	vld [tilespmem:$0x19C0]  }
0x2de: {  	v6 =	vld.idx.msk [tilespmem:v37+s16+$0x0], $0xffff  }
0x2df: {  	v39 =	vld [tilespmem:$0xF50]  }
0x2e0: {  	v38 =	vld.idx.msk [tilespmem:v35+s16+$0x0], $0xffff;
	_ =	sdelay $0x1  }
0x2e1: {  	v40 =	vld [tilespmem:$0x1B40]  }
0x2e2: {  	v6 =	vmul.f32 v7, v6;
	_ =	sdelay $0x1  }
0x2e3: {  	v41 =	vadd.s32 $0x10, v39;
	v7 =	vmul.f32 v6, v38;
	_ =	sdelay $0x1  }
0x2e4: {  	v7 =	vsub.f32 v40, v7  }
0x2e5: {  	[tilespmem:$0x1CC0] =	vst v6  }
0x2e6: {  	[tilespmem:$0x1E40] =	vst v7;
	v7 =	vld [tilespmem:$0x19D0]  }
0x2e7: {  	v6 =	vld.idx.msk [tilespmem:v41+s16+$0x0], $0xffff  }
0x2e8: {  	v43 =	vld [tilespmem:$0xF60]  }
0x2e9: {  	v42 =	vld.idx.msk [tilespmem:v39+s16+$0x0], $0xffff;
	_ =	sdelay $0x1  }
0x2ea: {  	v44 =	vld [tilespmem:$0x1B50]  }
0x2eb: {  	v6 =	vmul.f32 v7, v6;
	_ =	sdelay $0x1  }
0x2ec: {  	v45 =	vadd.s32 $0x10, v43;
	v7 =	vmul.f32 v6, v42;
	_ =	sdelay $0x1  }
0x2ed: {  	v7 =	vsub.f32 v44, v7  }
0x2ee: {  	[tilespmem:$0x1CD0] =	vst v6  }
0x2ef: {  	[tilespmem:$0x1E50] =	vst v7;
	v7 =	vld [tilespmem:$0x19E0]  }
0x2f0: {  	v6 =	vld.idx.msk [tilespmem:v45+s16+$0x0], $0xffff  }
0x2f1: {  	v47 =	vld [tilespmem:$0xF70]  }
0x2f2: {  	v46 =	vld.idx.msk [tilespmem:v43+s16+$0x0], $0xffff;
	_ =	sdelay $0x1  }
0x2f3: {  	v48 =	vld [tilespmem:$0x1B60]  }
0x2f4: {  	v6 =	vmul.f32 v7, v6;
	_ =	sdelay $0x1  }
0x2f5: {  	v49 =	vadd.s32 $0x10, v47;
	v7 =	vmul.f32 v6, v46;
	_ =	sdelay $0x1  }
0x2f6: {  	v7 =	vsub.f32 v48, v7  }
0x2f7: {  	[tilespmem:$0x1CE0] =	vst v6  }
0x2f8: {  	[tilespmem:$0x1E60] =	vst v7;
	v7 =	vld [tilespmem:$0x19F0]  }
0x2f9: {  	v6 =	vld.idx.msk [tilespmem:v49+s16+$0x0], $0xffff  }
0x2fa: {  	v51 =	vld [tilespmem:$0xF80]  }
0x2fb: {  	v50 =	vld.idx.msk [tilespmem:v47+s16+$0x0], $0xffff;
	_ =	sdelay $0x1  }
0x2fc: {  	v52 =	vld [tilespmem:$0x1B70]  }
0x2fd: {  	v6 =	vmul.f32 v7, v6;
	_ =	sdelay $0x1  }
0x2fe: {  	v53 =	vadd.s32 $0x10, v51;
	v7 =	vmul.f32 v6, v50;
	_ =	sdelay $0x1  }
0x2ff: {  	v7 =	vsub.f32 v52, v7  }
0x300: {  	[tilespmem:$0x1CF0] =	vst v6  }
0x301: {  	[tilespmem:$0x1E70] =	vst v7;
	v7 =	vld [tilespmem:$0x1A00]  }
0x302: {  	v6 =	vld.idx.msk [tilespmem:v53+s16+$0x0], $0xffff  }
0x303: {  	v55 =	vld [tilespmem:$0xF90]  }
0x304: {  	v54 =	vld.idx.msk [tilespmem:v51+s16+$0x0], $0xffff;
	_ =	sdelay $0x1  }
0x305: {  	v56 =	vld [tilespmem:$0x1B80]  }
0x306: {  	v6 =	vmul.f32 v7, v6;
	_ =	sdelay $0x1  }
0x307: {  	v57 =	vadd.s32 $0x10, v55;
	v7 =	vmul.f32 v6, v54;
	_ =	sdelay $0x1  }
0x308: {  	v7 =	vsub.f32 v56, v7  }
0x309: {  	[tilespmem:$0x1D00] =	vst v6  }
0x30a: {  	[tilespmem:$0x1E80] =	vst v7;
	v7 =	vld [tilespmem:$0x1A10]  }
0x30b: {  	v6 =	vld.idx.msk [tilespmem:v57+s16+$0x0], $0xffff  }
0x30c: {  	v59 =	vld [tilespmem:$0xFA0]  }
0x30d: {  	v58 =	vld.idx.msk [tilespmem:v55+s16+$0x0], $0xffff;
	_ =	sdelay $0x1  }
0x30e: {  	v60 =	vld [tilespmem:$0x1B90]  }
0x30f: {  	v6 =	vmul.f32 v7, v6;
	_ =	sdelay $0x1  }
0x310: {  	v61 =	vadd.s32 $0x10, v59;
	v7 =	vmul.f32 v6, v58;
	_ =	sdelay $0x1  }
0x311: {  	v7 =	vsub.f32 v60, v7  }
0x312: {  	[tilespmem:$0x1D10] =	vst v6  }
0x313: {  	[tilespmem:$0x1E90] =	vst v7;
	v7 =	vld [tilespmem:$0x1A20]  }
0x314: {  	v6 =	vld.idx.msk [tilespmem:v61+s16+$0x0], $0xffff  }
0x315: {  	v63 =	vld [tilespmem:$0xFB0]  }
0x316: {  	v62 =	vld.idx.msk [tilespmem:v59+s16+$0x0], $0xffff;
	_ =	sdelay $0x1  }
0x317: {  	v12 =	vld [tilespmem:$0x1BA0]  }
0x318: {  	v6 =	vmul.f32 v7, v6;
	_ =	sdelay $0x1  }
0x319: {  	v13 =	vadd.s32 $0x10, v63;
	v7 =	vmul.f32 v6, v62;
	_ =	sdelay $0x1  }
0x31a: {  	v7 =	vsub.f32 v12, v7  }
0x31b: {  	[tilespmem:$0x1D20] =	vst v6  }
0x31c: {  	[tilespmem:$0x1EA0] =	vst v7;
	v7 =	vld [tilespmem:$0x1A30]  }
0x31d: {  	v6 =	vld.idx.msk [tilespmem:v13+s16+$0x0], $0xffff  }
0x31e: {  	v15 =	vld [tilespmem:$0xFC0]  }
0x31f: {  	v14 =	vld.idx.msk [tilespmem:v63+s16+$0x0], $0xffff;
	_ =	sdelay $0x1  }
0x320: {  	v16 =	vld [tilespmem:$0x1BB0]  }
0x321: {  	v6 =	vmul.f32 v7, v6;
	_ =	sdelay $0x1  }
0x322: {  	v17 =	vadd.s32 $0x10, v15;
	v7 =	vmul.f32 v6, v14;
	_ =	sdelay $0x1  }
0x323: {  	v7 =	vsub.f32 v16, v7  }
0x324: {  	[tilespmem:$0x1D30] =	vst v6  }
0x325: {  	[tilespmem:$0x1EB0] =	vst v7;
	v7 =	vld [tilespmem:$0x1A40]  }
0x326: {  	v6 =	vld.idx.msk [tilespmem:v17+s16+$0x0], $0xffff  }
0x327: {  	v19 =	vld [tilespmem:$0xFD0]  }
0x328: {  	v18 =	vld.idx.msk [tilespmem:v15+s16+$0x0], $0xffff;
	_ =	sdelay $0x1  }
0x329: {  	v20 =	vld [tilespmem:$0x1BC0]  }
0x32a: {  	v6 =	vmul.f32 v7, v6;
	_ =	sdelay $0x1  }
0x32b: {  	v21 =	vadd.s32 $0x10, v19;
	v7 =	vmul.f32 v6, v18;
	_ =	sdelay $0x1  }
0x32c: {  	v7 =	vsub.f32 v20, v7  }
0x32d: {  	[tilespmem:$0x1D40] =	vst v6  }
0x32e: {  	[tilespmem:$0x1EC0] =	vst v7;
	v7 =	vld [tilespmem:$0x1A50]  }
0x32f: {  	v6 =	vld.idx.msk [tilespmem:v21+s16+$0x0], $0xffff  }
0x330: {  	v23 =	vld [tilespmem:$0xFE0]  }
0x331: {  	v22 =	vld.idx.msk [tilespmem:v19+s16+$0x0], $0xffff;
	_ =	sdelay $0x1  }
0x332: {  	v24 =	vld [tilespmem:$0x1BD0]  }
0x333: {  	v6 =	vmul.f32 v7, v6;
	_ =	sdelay $0x1  }
0x334: {  	v25 =	vadd.s32 $0x10, v23;
	v7 =	vmul.f32 v6, v22;
	_ =	sdelay $0x1  }
0x335: {  	v7 =	vsub.f32 v24, v7  }
0x336: {  	[tilespmem:$0x1D50] =	vst v6  }
0x337: {  	[tilespmem:$0x1ED0] =	vst v7;
	v7 =	vld [tilespmem:$0x1A60]  }
0x338: {  	v6 =	vld.idx.msk [tilespmem:v25+s16+$0x0], $0xffff  }
0x339: {  	v27 =	vld [tilespmem:$0xFF0]  }
0x33a: {  	v26 =	vld.idx.msk [tilespmem:v23+s16+$0x0], $0xffff;
	_ =	sdelay $0x1  }
0x33b: {  	v28 =	vld [tilespmem:$0x1BE0]  }
0x33c: {  	v6 =	vmul.f32 v7, v6;
	_ =	sdelay $0x1  }
0x33d: {  	v29 =	vadd.s32 $0x10, v27;
	v7 =	vmul.f32 v6, v26;
	_ =	sdelay $0x1  }
0x33e: {  	v7 =	vsub.f32 v28, v7  }
0x33f: {  	[tilespmem:$0x1D60] =	vst v6  }
0x340: {  	[tilespmem:$0x1EE0] =	vst v7;
	v7 =	vld [tilespmem:$0x1A70]  }
0x341: {  	v6 =	vld.idx.msk [tilespmem:v29+s16+$0x0], $0xffff  }
0x342: {  	v31 =	vld [tilespmem:$0x1000]  }
0x343: {  	v30 =	vld.idx.msk [tilespmem:v27+s16+$0x0], $0xffff;
	_ =	sdelay $0x1  }
0x344: {  	v32 =	vld [tilespmem:$0x1BF0]  }
0x345: {  	v6 =	vmul.f32 v7, v6;
	_ =	sdelay $0x1  }
0x346: {  	v33 =	vadd.s32 $0x10, v31;
	v7 =	vmul.f32 v6, v30;
	_ =	sdelay $0x1  }
0x347: {  	v7 =	vsub.f32 v32, v7  }
0x348: {  	[tilespmem:$0x1D70] =	vst v6  }
0x349: {  	[tilespmem:$0x1EF0] =	vst v7;
	v7 =	vld [tilespmem:$0x1A80]  }
0x34a: {  	v6 =	vld.idx.msk [tilespmem:v33+s16+$0x0], $0xffff  }
0x34b: {  	v35 =	vld [tilespmem:$0x1010]  }
0x34c: {  	v34 =	vld.idx.msk [tilespmem:v31+s16+$0x0], $0xffff;
	_ =	sdelay $0x1  }
0x34d: {  	v36 =	vld [tilespmem:$0x1C00]  }
0x34e: {  	v6 =	vmul.f32 v7, v6;
	_ =	sdelay $0x1  }
0x34f: {  	v37 =	vadd.s32 $0x10, v35;
	v7 =	vmul.f32 v6, v34;
	_ =	sdelay $0x1  }
0x350: {  	v7 =	vsub.f32 v36, v7  }
0x351: {  	[tilespmem:$0x1D80] =	vst v6  }
0x352: {  	[tilespmem:$0x1F00] =	vst v7;
	v7 =	vld [tilespmem:$0x1A90]  }
0x353: {  	v6 =	vld.idx.msk [tilespmem:v37+s16+$0x0], $0xffff  }
0x354: {  	v39 =	vld [tilespmem:$0x1020]  }
0x355: {  	v38 =	vld.idx.msk [tilespmem:v35+s16+$0x0], $0xffff;
	_ =	sdelay $0x1  }
0x356: {  	v40 =	vld [tilespmem:$0x1C10]  }
0x357: {  	v6 =	vmul.f32 v7, v6;
	_ =	sdelay $0x1  }
0x358: {  	v41 =	vadd.s32 $0x10, v39;
	v7 =	vmul.f32 v6, v38;
	_ =	sdelay $0x1  }
0x359: {  	v7 =	vsub.f32 v40, v7  }
0x35a: {  	[tilespmem:$0x1D90] =	vst v6  }
0x35b: {  	[tilespmem:$0x1F10] =	vst v7;
	v7 =	vld [tilespmem:$0x1AA0]  }
0x35c: {  	v6 =	vld.idx.msk [tilespmem:v41+s16+$0x0], $0xffff  }
0x35d: {  	v43 =	vld [tilespmem:$0x1030]  }
0x35e: {  	v42 =	vld.idx.msk [tilespmem:v39+s16+$0x0], $0xffff;
	_ =	sdelay $0x1  }
0x35f: {  	v44 =	vld [tilespmem:$0x1C20]  }
0x360: {  	v6 =	vmul.f32 v7, v6;
	_ =	sdelay $0x1  }
0x361: {  	v45 =	vadd.s32 $0x10, v43;
	v7 =	vmul.f32 v6, v42;
	_ =	sdelay $0x1  }
0x362: {  	v7 =	vsub.f32 v44, v7  }
0x363: {  	[tilespmem:$0x1DA0] =	vst v6  }
0x364: {  	[tilespmem:$0x1F20] =	vst v7;
	v7 =	vld [tilespmem:$0x1AB0]  }
0x365: {  	v6 =	vld.idx.msk [tilespmem:v45+s16+$0x0], $0xffff  }
0x366: {  	v47 =	vld [tilespmem:$0x1040]  }
0x367: {  	v46 =	vld.idx.msk [tilespmem:v43+s16+$0x0], $0xffff;
	_ =	sdelay $0x1  }
0x368: {  	v48 =	vld [tilespmem:$0x1C30]  }
0x369: {  	v6 =	vmul.f32 v7, v6;
	_ =	sdelay $0x1  }
0x36a: {  	v49 =	vadd.s32 $0x10, v47;
	v7 =	vmul.f32 v6, v46;
	_ =	sdelay $0x1  }
0x36b: {  	v7 =	vsub.f32 v48, v7  }
0x36c: {  	[tilespmem:$0x1DB0] =	vst v6  }
0x36d: {  	[tilespmem:$0x1F30] =	vst v7;
	v7 =	vld [tilespmem:$0x1AC0]  }
0x36e: {  	v6 =	vld.idx.msk [tilespmem:v49+s16+$0x0], $0xffff  }
0x36f: {  	v51 =	vld [tilespmem:$0x1050]  }
0x370: {  	v50 =	vld.idx.msk [tilespmem:v47+s16+$0x0], $0xffff;
	_ =	sdelay $0x1  }
0x371: {  	v52 =	vld [tilespmem:$0x1C40]  }
0x372: {  	v6 =	vmul.f32 v7, v6;
	_ =	sdelay $0x1  }
0x373: {  	v53 =	vadd.s32 $0x10, v51;
	v7 =	vmul.f32 v6, v50;
	_ =	sdelay $0x1  }
0x374: {  	v7 =	vsub.f32 v52, v7  }
0x375: {  	[tilespmem:$0x1DC0] =	vst v6  }
0x376: {  	[tilespmem:$0x1F40] =	vst v7;
	v7 =	vld [tilespmem:$0x1AD0]  }
0x377: {  	v6 =	vld.idx.msk [tilespmem:v53+s16+$0x0], $0xffff  }
0x378: {  	v55 =	vld [tilespmem:$0x1060]  }
0x379: {  	v54 =	vld.idx.msk [tilespmem:v51+s16+$0x0], $0xffff;
	_ =	sdelay $0x1  }
0x37a: {  	v56 =	vld [tilespmem:$0x1C50]  }
0x37b: {  	v6 =	vmul.f32 v7, v6;
	_ =	sdelay $0x1  }
0x37c: {  	v57 =	vadd.s32 $0x10, v55;
	v7 =	vmul.f32 v6, v54;
	_ =	sdelay $0x1  }
0x37d: {  	v7 =	vsub.f32 v56, v7  }
0x37e: {  	[tilespmem:$0x1DD0] =	vst v6  }
0x37f: {  	[tilespmem:$0x1F50] =	vst v7;
	v7 =	vld [tilespmem:$0x1AE0]  }
0x380: {  	v6 =	vld.idx.msk [tilespmem:v57+s16+$0x0], $0xffff  }
0x381: {  	v59 =	vld [tilespmem:$0x1070]  }
0x382: {  	v58 =	vld.idx.msk [tilespmem:v55+s16+$0x0], $0xffff;
	_ =	sdelay $0x1  }
0x383: {  	v60 =	vld [tilespmem:$0x1C60]  }
0x384: {  	v6 =	vmul.f32 v7, v6;
	_ =	sdelay $0x1  }
0x385: {  	v61 =	vadd.s32 $0x10, v59;
	v7 =	vmul.f32 v6, v58;
	_ =	sdelay $0x1  }
0x386: {  	v7 =	vsub.f32 v60, v7  }
0x387: {  	[tilespmem:$0x1DE0] =	vst v6  }
0x388: {  	[tilespmem:$0x1F60] =	vst v7;
	v7 =	vld [tilespmem:$0x1AF0]  }
0x389: {  	v6 =	vld.idx.msk [tilespmem:v61+s16+$0x0], $0xffff;
	_ =	sdelay $0x1  }
0x38a: {  	v62 =	vld.idx.msk [tilespmem:v59+s16+$0x0], $0xffff;
	_ =	sdelay $0x1  }
0x38b: {  	v63 =	vld [tilespmem:$0x1C70]  }
0x38c: {  	v6 =	vmul.f32 v7, v6;
	_ =	sdelay $0x1  }
0x38d: {  	v7 =	vmul.f32 v6, v62;
	_ =	sdelay $0x1  }
0x38e: {  	v7 =	vsub.f32 v63, v7  }
0x38f: {  	[tilespmem:$0x1DF0] =	vst v6  }
0x390: {  	[tilespmem:$0x1F70] =	vst v7  }
0x391: {  	[hbm4b:s9+s19] =	stream.strided.scatter [tilespmem:s21], [sflag:$0x1], $0x180, s20, s19, $0x38;
	[tilespmem:$0x1FA0] =	vst v63  }
0x392: {  	_ =	swait.ge [sflag:s12], $0x180  }
0x393: {  	p0 =	sne.s32 s11, $0x1;
	[sflag:s12] =	ssyncset.done $0x0  }
.Ltmp0:
0x394: {  	[sflag:s12] =	ssyncadd.s32 $0xFFFFFE80;
	(pc) =	sbr.rel @p0 .LBB2_1-.Ltmp0, $4  }
0x395: {  	[hbm4b:s10+s19] =	stream.strided.scatter [tilespmem:s22], [sflag:$0x1], $0x180, s20, s19, $0x38;
	[tilespmem:$0x1FA0] =	vst v63  }
0x396: {  	_ =	swait.ge [sflag:s12], $0x180  }
0x397: {  	[sflag:s12] =	ssyncset.done $0x0  }
0x398: {  	s11 =	sadd.s32 $0xFFFFFFFF, s11;
	[sflag:s12] =	ssyncadd.s32 $0xFFFFFE80  }
0x399: {  	_ =	sfence.sel $0x180000  }
0x39a: {  	[bflag:$0x0] =	sbarrier.arrive $0xFFFF  }
0x39b: {  	p0 =	sne.s32 s1, $0x0;
	_ =	strace $0x90000047  }
0x39c: {  	s0 =	sadd.s32 @!p0 $0x100000, s0;
	[bflag:$0x2] =	sbarrier.arrive $0xFFFF  }
0x39d: {  	[sflag:s0] =	ssyncadd.tile.s32 @!p0 $0x1;
	_ =	shalt  }
.Lfunc_end2:
_tile_overlayer_lowered:
.L_overlay_start_2:
0x39e: {  	(tag) =	ssettag $0x2  }
0x39f: {  	s0 =	rddreg [dreg:$0x0];
	s2 =	stileid.u32  }
0x3a0: {  	s1 =	rddreg [dreg:$0x1];
	p0 =	sne.s32 s2, $0x0  }
0x3a1: {  	s3 =	rddreg [dreg:$0x2];
	[bflag:$0x3] =	sbarrier.arrive $0xFFFF;
	s2 =	simm.s32 @!p0 $0x1C01  }
0x3a2: {  	[timem:s3], [sflag:s2] =	dma.local @!p0 [hbm:s0], s1  }
0x3a3: {  	s0 =	simm.s32 @!p0 $0x1  }
0x3a4: {  	_ =	swait.ge @!p0 [sflag:s0], s1  }
0x3a5: {  	s1 =	ssub.s32 @!p0 $0x0, s1;
	[sflag:s0] =	ssyncset.done @!p0 $0x0  }
0x3a6: {  	[sflag:s0] =	ssyncadd.s32 @!p0 s1  }
0x3a7: {  	[bflag:$0x3] =	sbarrier.arrive $0xFFFF  }
0x3a8: {  	_ =	shalt  }

</sc_bundles>
